<compile_context>
chip_gen: v7x
topology: tpu7x:2x2x1
jax: 0.10.2.dev20260603
libtpu: 0.0.44.dev20260713+nightly
codegen_flags: <defaults>
</compile_context>

<pallas_src>
import functools

import jax
import jax.numpy as jnp
from jax import lax
from jax.experimental import pallas as pl
from jax.experimental.pallas import tpu as pltpu
from jax.experimental.pallas import tpu_sc as plsc

_N = 100000
_H = 32
_B = 1024
_SS = 20

_NC = 2
_NS = 16
_NW = _NC * _NS
_BT = 2 * _B + 2 * _B * _SS
_SPP = _BT // (_NW // 2)
_L = 16

_mesh = plsc.VectorSubcoreMesh(core_axis_name="c", subcore_axis_name="s")



def _dots_body(w_ref, embt_ref, s0_ref, s1_ref):
    W = w_ref[...]
    wsym = 0.5 * (W[:, :_H] + W[:, _H:])
    S2 = lax.dot_general(
        wsym, embt_ref[...], (((1,), (0,)), ((), ())),
        preferred_element_type=jnp.float32,
    )
    s0_ref[...] = S2[0]
    s1_ref[...] = S2[1]


_dots_tc = pl.pallas_call(
    _dots_body,
    out_shape=(
        jax.ShapeDtypeStruct((_N,), jnp.float32),
        jax.ShapeDtypeStruct((_N,), jnp.float32),
    ),
    in_specs=[
        pl.BlockSpec(memory_space=pltpu.VMEM),
        pl.BlockSpec(memory_space=pltpu.VMEM),
    ],
)



_NH = _N // 2
_NHP = _NH + _L
_SPT = _BT // 8


@functools.partial(
    pl.kernel,
    mesh=_mesh,
    out_type=tuple(
        jax.ShapeDtypeStruct((_BT,), jnp.float32) for _ in range(4)
    ),
    scratch_types=[
        pltpu.VMEM((_NHP,), jnp.float32),
        pltpu.VMEM((_SPT,), jnp.int32),
        pltpu.VMEM((_SPT,), jnp.float32),
    ],
    compiler_params=pltpu.CompilerParams(
        use_tc_tiling_on_sc=False, needs_layout_passes=False
    ),
)
def _gather_sc(s0_hbm, s1_hbm, idx_hbm, g00, g01, g10, g11,
               s_v, idx_v, out_v):
    wid = lax.axis_index("s") * _NC + lax.axis_index("c")
    kk = wid % 2
    half = (wid // 2) % 2
    base = (wid // 4) * _SPT
    pltpu.sync_copy(idx_hbm.at[half, pl.ds(base, _SPT)], idx_v)

    @pl.when(kk == 0)
    def _():
        pltpu.sync_copy(s0_hbm.at[pl.ds(half * _NH, _NH)],
                        s_v.at[pl.ds(0, _NH)])

    @pl.when(kk == 1)
    def _():
        pltpu.sync_copy(s1_hbm.at[pl.ds(half * _NH, _NH)],
                        s_v.at[pl.ds(0, _NH)])

    s_v[pl.ds(_NH, _L)] = jnp.zeros((_L,), jnp.float32)

    for c in range(_SPT // _L):
        iv = idx_v[pl.ds(c * _L, _L)]
        out_v[pl.ds(c * _L, _L)] = plsc.load_gather(s_v, [iv])

    outs = [[g00, g01], [g10, g11]]
    for kx in (0, 1):
        for hx in (0, 1):
            @pl.when((kk == kx) & (half == hx))
            def _(o=outs[kx][hx]):
                pltpu.sync_copy(out_v, o.at[pl.ds(base, _SPT)])



def _softplus(g, p):
    r = jnp.clip(g / p, -75.0, 75.0)
    return p * jnp.log1p(jnp.exp(r))


def _final_body(b_ref, psi_ref, k_ref, g00_ref, g01_ref,
                g10_ref, g11_ref, lam_ref, ls_ref):
    s0 = g00_ref[...] + g01_ref[...]
    s1 = g10_ref[...] + g11_ref[...]
    b0 = b_ref[0]
    b1 = b_ref[1]
    p0 = psi_ref[0]
    p1 = psi_ref[1]

    su0 = lax.slice(s0, (0,), (_B,))
    su1 = lax.slice(s1, (0,), (_B,))
    sv0 = lax.slice(s0, (_B,), (2 * _B,))
    sv1 = lax.slice(s1, (_B,), (2 * _B,))

    kk = k_ref[...]
    lam0 = _softplus(su0 + sv0 + b0, p0)
    lam1 = _softplus(su1 + sv1 + b1, p1)
    lam_ref[...] = jnp.where(kk == 0, lam0, lam1)

    ovo = 2 * _B
    ouo = ovo + _SS * _B
    for s in range(_SS):
        cv = ovo + s * _B
        cu = ouo + s * _B
        acc = (
            _softplus(su0 + lax.slice(s0, (cv,), (cv + _B,)) + b0, p0)
            + _softplus(su1 + lax.slice(s1, (cv,), (cv + _B,)) + b1, p1)
            + _softplus(sv0 + lax.slice(s0, (cu,), (cu + _B,)) + b0, p0)
            + _softplus(sv1 + lax.slice(s1, (cu,), (cu + _B,)) + b1, p1)
        )
        ls_ref[0, s] = jnp.sum(acc) * (1.0 / _SS)


_final_tc = pl.pallas_call(
    _final_body,
    out_shape=(
        jax.ShapeDtypeStruct((_B,), jnp.float32),
        jax.ShapeDtypeStruct((1, _SS), jnp.float32),
    ),
    in_specs=[pl.BlockSpec(memory_space=pltpu.SMEM)] * 2
    + [pl.BlockSpec(memory_space=pltpu.VMEM)] * 5,
    out_specs=(
        pl.BlockSpec(memory_space=pltpu.VMEM),
        pl.BlockSpec(memory_space=pltpu.SMEM),
    ),
)


def kernel(embeddings, W_omega, b_omega, psi, t, u, v, k, u_others, v_others):
    del t
    s0, s1 = _dots_tc(W_omega, embeddings.T)

    idx = jnp.concatenate([
        u.astype(jnp.int32),
        v.astype(jnp.int32),
        v_others.astype(jnp.int32).T.reshape(-1),
        u_others.astype(jnp.int32).T.reshape(-1),
    ])
    h = idx // _NH
    local = idx - h * _NH
    idx2 = jnp.where(h[None, :] == jnp.arange(2, dtype=jnp.int32)[:, None],
                     local[None, :], _NH)
    gs = _gather_sc(s0, s1, idx2)
    lam, ls = _final_tc(b_omega, psi, k.astype(jnp.int32), *gs)
    return (lam, ls.reshape(_SS))

# --- scband reference (transcript-rebuilt; emitter-appended) ---
"""Pipeline reference for scband-dy-rep-49100066127993 (READ-ONLY COPY).

The authoritative reference and input builder live on the scoring server;
editing this copy changes nothing except your own understanding.
"""

import jax, jax.numpy as jnp
import numpy as np

N_NODES = 100000
N_HIDDEN = 32
B = 1024
SS = 20


def _intensity(emb, W_omega, b_omega, psi, u, v, k):
    # gather node embeddings (memory-bound)
    z_u = jnp.take(emb, u, axis=0)
    z_v = jnp.take(emb, v, axis=0)
    z_cat_uv = jnp.concatenate([z_u, z_v], axis=-1)
    z_cat_vu = jnp.concatenate([z_v, z_u], axis=-1)
    Wk = W_omega[k]  # per-event-type omega linear weight [..., 2h]
    bk = b_omega[k]
    g_uv = jnp.sum(z_cat_uv * Wk, axis=-1) + bk
    g_vu = jnp.sum(z_cat_vu * Wk, axis=-1) + bk
    g = 0.5 * (g_uv + g_vu)
    p = psi[k]
    r = jnp.clip(g / p, -75.0, 75.0)
    return p * jnp.log1p(jnp.exp(r))


def setup_inputs(seed: int = 0) -> dict:
    key = jax.random.key(seed)
    ks = jax.random.split(key, 10)
    u = jax.random.randint(ks[0], (B,), 0, N_NODES)
    v = jax.random.randint(ks[1], (B,), 0, N_NODES)
    t = jax.random.uniform(ks[2], (B,), dtype=jnp.float32)
    k = jax.random.randint(ks[3], (B,), 0, 2)
    u_others = jax.random.randint(ks[4], (B, SS), 0, N_NODES)
    v_others = jax.random.randint(ks[5], (B, SS), 0, N_NODES)
    embeddings = jax.random.uniform(ks[6], (N_NODES, N_HIDDEN), dtype=jnp.float32)
    W_omega = jax.random.normal(ks[7], (2, 2 * N_HIDDEN), dtype=jnp.float32) * 0.1
    b_omega = jnp.zeros((2,), dtype=jnp.float32)
    psi = 0.5 * jnp.ones((2,), dtype=jnp.float32)
    return {"embeddings": embeddings, "W_omega": W_omega, "b_omega": b_omega,
            "psi": psi, "t": t, "u": u, "v": v, "k": k,
            "u_others": u_others, "v_others": v_others}


def reference(embeddings, W_omega, b_omega, psi, t, u, v, k, u_others, v_others):
    # lambda_uvk = calculate_intensity_rates(u, v, k)
    lambda_uvk = _intensity(embeddings, W_omega, b_omega, psi, u, v, k)
    # survival_loss: vectorized over the per-event python loop of the original.
    Bn, Sn = u_others.shape
    ub = jnp.broadcast_to(u[:, None], (Bn, Sn))
    vb = jnp.broadcast_to(v[:, None], (Bn, Sn))
    acc = jnp.zeros((Bn, Sn), dtype=embeddings.dtype)
    for kk in (0, 1):
        acc = acc + _intensity(embeddings, W_omega, b_omega, psi, ub, v_others, kk)
        acc = acc + _intensity(embeddings, W_omega, b_omega, psi, vb, u_others, kk)
    L_surv = jnp.sum(acc, axis=0) / Sn  # vector of length sample_size, as in torch code
    return (lambda_uvk, L_surv)

if __name__ == "__main__":
    import jax
    _d = setup_inputs()
    print(jax.jit(kernel)(*tuple(_d.values())))

</pallas_src>

<mosaic_0001>
#map = affine_map<(d0, d1) -> (0)>
#map1 = affine_map<(d0, d1) -> (0, 0)>
module attributes {stable_mosaic.version = 14 : i64} {
  func.func @_gather_sc(%arg0: i32, %arg1: i32, %arg2: memref<100000xf32, #tpu.memory_space<hbm>>, %arg3: memref<100000xf32, #tpu.memory_space<hbm>>, %arg4: memref<2x43008xi32, #tpu.memory_space<hbm>>, %arg5: memref<43008xf32, #tpu.memory_space<hbm>>, %arg6: memref<43008xf32, #tpu.memory_space<hbm>>, %arg7: memref<43008xf32, #tpu.memory_space<hbm>>, %arg8: memref<43008xf32, #tpu.memory_space<hbm>>, %arg9: memref<50016xf32, #tpu.memory_space<vmem>>, %arg10: memref<5376xi32, #tpu.memory_space<vmem>>, %arg11: memref<5376xf32, #tpu.memory_space<vmem>>) attributes {dimension_semantics = [#tpu.dimension_semantics<core_parallel>, #tpu.dimension_semantics<subcore_parallel>], iteration_bounds = array<i64: 2, 16>, scalar_prefetch = 0 : i64, scratch_operands = 3 : i64, tpu.core_type = #tpu.core_type<sc_vector_subcore>, window_params = [{transform_indices = #map}, {transform_indices = #map}, {transform_indices = #map1}, {transform_indices = #map}, {transform_indices = #map}, {transform_indices = #map}, {transform_indices = #map}]} {
    %mul3A = arith.constant 2 : i32
    %mul3A_0 = arith.muli %arg1, %mul3A : i32
    %add3A = arith.addi %mul3A_0, %arg0 : i32
    %jit3A = arith.constant 2 : i32
    %eq3A = arith.constant 0 : i32
    %eq3A_1 = arith.cmpi eq, %jit3A, %eq3A : i32
    %jit3A_2 = arith.constant 1 : i32
    %select_n3A = arith.select %eq3A_1, %jit3A_2, %jit3A : i32
    %rem3A = arith.remsi %add3A, %select_n3A : i32
    %ne3A = arith.constant 0 : i32
    %ne3A_3 = arith.cmpi ne, %rem3A, %ne3A : i32
    %lt3A = arith.constant 0 : i32
    %lt3A_4 = arith.cmpi slt, %rem3A, %lt3A : i32
    %lt3A_5 = arith.constant 0 : i32
    %lt3A_6 = arith.cmpi slt, %select_n3A, %lt3A_5 : i32
    %ne3A_7 = arith.xori %lt3A_4, %lt3A_6 : i1
    %and3A = arith.andi %ne3A_7, %ne3A_3 : i1
    %add3A_8 = arith.addi %rem3A, %select_n3A : i32
    %select_n3A_9 = arith.select %and3A, %add3A_8, %rem3A : i32
    %jit3A_10 = arith.constant 2 : i32
    %div3A = arith.divsi %add3A, %jit3A_10 : i32
    %sign3A = arith.constant 0 : i32
    %sign3A_11 = arith.cmpi sgt, %add3A, %sign3A : i32
    %sign3A_12 = arith.extui %sign3A_11 : i1 to i32
    %sign3A_13 = arith.constant 0 : i32
    %sign3A_14 = arith.cmpi slt, %add3A, %sign3A_13 : i32
    %sign3A_15 = arith.extui %sign3A_14 : i1 to i32
    %sign3A_16 = arith.subi %sign3A_12, %sign3A_15 : i32
    %sign3A_17 = arith.constant 0 : i32
    %sign3A_18 = arith.cmpi sgt, %jit3A_10, %sign3A_17 : i32
    %sign3A_19 = arith.extui %sign3A_18 : i1 to i32
    %sign3A_20 = arith.constant 0 : i32
    %sign3A_21 = arith.cmpi slt, %jit3A_10, %sign3A_20 : i32
    %sign3A_22 = arith.extui %sign3A_21 : i1 to i32
    %sign3A_23 = arith.subi %sign3A_19, %sign3A_22 : i32
    %ne3A_24 = arith.cmpi ne, %sign3A_16, %sign3A_23 : i32
    %rem3A_25 = arith.remsi %add3A, %jit3A_10 : i32
    %ne3A_26 = arith.constant 0 : i32
    %ne3A_27 = arith.cmpi ne, %rem3A_25, %ne3A_26 : i32
    %and3A_28 = arith.andi %ne3A_24, %ne3A_27 : i1
    %sub3A = arith.constant 1 : i32
    %sub3A_29 = arith.subi %div3A, %sub3A : i32
    %select_n3A_30 = arith.select %and3A_28, %sub3A_29, %div3A : i32
    %jit3A_31 = arith.constant 2 : i32
    %eq3A_32 = arith.constant 0 : i32
    %eq3A_33 = arith.cmpi eq, %jit3A_31, %eq3A_32 : i32
    %jit3A_34 = arith.constant 1 : i32
    %select_n3A_35 = arith.select %eq3A_33, %jit3A_34, %jit3A_31 : i32
    %rem3A_36 = arith.remsi %select_n3A_30, %select_n3A_35 : i32
    %ne3A_37 = arith.constant 0 : i32
    %ne3A_38 = arith.cmpi ne, %rem3A_36, %ne3A_37 : i32
    %lt3A_39 = arith.constant 0 : i32
    %lt3A_40 = arith.cmpi slt, %rem3A_36, %lt3A_39 : i32
    %lt3A_41 = arith.constant 0 : i32
    %lt3A_42 = arith.cmpi slt, %select_n3A_35, %lt3A_41 : i32
    %ne3A_43 = arith.xori %lt3A_40, %lt3A_42 : i1
    %and3A_44 = arith.andi %ne3A_43, %ne3A_38 : i1
    %add3A_45 = arith.addi %rem3A_36, %select_n3A_35 : i32
    %select_n3A_46 = arith.select %and3A_44, %add3A_45, %rem3A_36 : i32
    %jit3A_47 = arith.constant 4 : i32
    %div3A_48 = arith.divsi %add3A, %jit3A_47 : i32
    %sign3A_49 = arith.constant 0 : i32
    %sign3A_50 = arith.cmpi sgt, %add3A, %sign3A_49 : i32
    %sign3A_51 = arith.extui %sign3A_50 : i1 to i32
    %sign3A_52 = arith.constant 0 : i32
    %sign3A_53 = arith.cmpi slt, %add3A, %sign3A_52 : i32
    %sign3A_54 = arith.extui %sign3A_53 : i1 to i32
    %sign3A_55 = arith.subi %sign3A_51, %sign3A_54 : i32
    %sign3A_56 = arith.constant 0 : i32
    %sign3A_57 = arith.cmpi sgt, %jit3A_47, %sign3A_56 : i32
    %sign3A_58 = arith.extui %sign3A_57 : i1 to i32
    %sign3A_59 = arith.constant 0 : i32
    %sign3A_60 = arith.cmpi slt, %jit3A_47, %sign3A_59 : i32
    %sign3A_61 = arith.extui %sign3A_60 : i1 to i32
    %sign3A_62 = arith.subi %sign3A_58, %sign3A_61 : i32
    %ne3A_63 = arith.cmpi ne, %sign3A_55, %sign3A_62 : i32
    %rem3A_64 = arith.remsi %add3A, %jit3A_47 : i32
    %ne3A_65 = arith.constant 0 : i32
    %ne3A_66 = arith.cmpi ne, %rem3A_64, %ne3A_65 : i32
    %and3A_67 = arith.andi %ne3A_63, %ne3A_66 : i1
    %sub3A_68 = arith.constant 1 : i32
    %sub3A_69 = arith.subi %div3A_48, %sub3A_68 : i32
    %select_n3A_70 = arith.select %and3A_67, %sub3A_69, %div3A_48 : i32
    %mul3A_71 = arith.constant 5376 : i32
    %mul3A_72 = arith.muli %select_n3A_70, %mul3A_71 : i32
    "tpu.region"() ({
      %run_scoped3A = tpu.sem_alloc : memref<!tpu.dma_semaphore, #tpu.memory_space<semaphore_mem>>
      %dma_start3A = tpu.memref_slice %arg4[%select_n3A_46, %mul3A_72] : memref<2x43008xi32, #tpu.memory_space<hbm>> -> memref<1x5376xi32, #tpu.memory_space<hbm>>
      %dma_start3A_1793 = tpu.memref_squeeze %dma_start3A : memref<1x5376xi32, #tpu.memory_space<hbm>> -> memref<5376xi32, #tpu.memory_space<hbm>>
      %dma_start3A_1794 = tpu.memref_slice %arg4[%select_n3A_46, %mul3A_72] : memref<2x43008xi32, #tpu.memory_space<hbm>> -> memref<1x5376xi32, #tpu.memory_space<hbm>>
      %dma_start3A_1795 = tpu.memref_squeeze %dma_start3A_1794 : memref<1x5376xi32, #tpu.memory_space<hbm>> -> memref<5376xi32, #tpu.memory_space<hbm>>
      tpu.enqueue_dma source(%dma_start3A_1795 : memref<5376xi32, #tpu.memory_space<hbm>>) target(%arg10 : memref<5376xi32, #tpu.memory_space<vmem>>) target_semaphore(%run_scoped3A : memref<!tpu.dma_semaphore, #tpu.memory_space<semaphore_mem>>)
      %dma_wait3A = tpu.memref_slice %arg4[%select_n3A_46, %mul3A_72] : memref<2x43008xi32, #tpu.memory_space<hbm>> -> memref<1x5376xi32, #tpu.memory_space<hbm>>
      %dma_wait3A_1796 = tpu.memref_squeeze %dma_wait3A : memref<1x5376xi32, #tpu.memory_space<hbm>> -> memref<5376xi32, #tpu.memory_space<hbm>>
      %dma_wait3A_1797 = tpu.memref_slice %arg4[%select_n3A_46, %mul3A_72] : memref<2x43008xi32, #tpu.memory_space<hbm>> -> memref<1x5376xi32, #tpu.memory_space<hbm>>
      %dma_wait3A_1798 = tpu.memref_squeeze %dma_wait3A_1797 : memref<1x5376xi32, #tpu.memory_space<hbm>> -> memref<5376xi32, #tpu.memory_space<hbm>>
      tpu.wait_dma2 semaphore(%run_scoped3A : memref<!tpu.dma_semaphore, #tpu.memory_space<semaphore_mem>>) src(%dma_wait3A_1798 : memref<5376xi32, #tpu.memory_space<hbm>>) dst(%arg10 : memref<5376xi32, #tpu.memory_space<vmem>>)
      tpu.yield
    }) : () -> ()
    %eq3A_73 = arith.constant 0 : i32
    %eq3A_74 = arith.cmpi eq, %select_n3A_9, %eq3A_73 : i32
    %convert_element_type3A = arith.extui %eq3A_74 : i1 to i32
    %cond3A = arith.constant 0 : i32
    %cond3A_75 = arith.cmpi ne, %convert_element_type3A, %cond3A : i32
    scf.if %cond3A_75 {
      %mul3A_1793 = arith.constant 50000 : i32
      %mul3A_1794 = arith.muli %select_n3A_46, %mul3A_1793 : i32
      "tpu.region"() ({
        %run_scoped3A = tpu.sem_alloc : memref<!tpu.dma_semaphore, #tpu.memory_space<semaphore_mem>>
        %dma_start3A = arith.constant 0 : i32
        %dma_start3A_1795 = tpu.memref_slice %arg9[%dma_start3A] : memref<50016xf32, #tpu.memory_space<vmem>> -> memref<50000xf32, #tpu.memory_space<vmem>>
        %dma_start3A_1796 = tpu.memref_slice %arg2[%mul3A_1794] : memref<100000xf32, #tpu.memory_space<hbm>> -> memref<50000xf32, #tpu.memory_space<hbm>>
        %dma_start3A_1797 = arith.constant 0 : i32
        %dma_start3A_1798 = tpu.memref_slice %arg9[%dma_start3A_1797] : memref<50016xf32, #tpu.memory_space<vmem>> -> memref<50000xf32, #tpu.memory_space<vmem>>
        %dma_start3A_1799 = tpu.memref_slice %arg2[%mul3A_1794] : memref<100000xf32, #tpu.memory_space<hbm>> -> memref<50000xf32, #tpu.memory_space<hbm>>
        tpu.enqueue_dma source(%dma_start3A_1799 : memref<50000xf32, #tpu.memory_space<hbm>>) target(%dma_start3A_1798 : memref<50000xf32, #tpu.memory_space<vmem>>) target_semaphore(%run_scoped3A : memref<!tpu.dma_semaphore, #tpu.memory_space<semaphore_mem>>)
        %dma_wait3A = arith.constant 0 : i32
        %dma_wait3A_1800 = tpu.memref_slice %arg9[%dma_wait3A] : memref<50016xf32, #tpu.memory_space<vmem>> -> memref<50000xf32, #tpu.memory_space<vmem>>
        %dma_wait3A_1801 = tpu.memref_slice %arg2[%mul3A_1794] : memref<100000xf32, #tpu.memory_space<hbm>> -> memref<50000xf32, #tpu.memory_space<hbm>>
        %dma_wait3A_1802 = arith.constant 0 : i32
        %dma_wait3A_1803 = tpu.memref_slice %arg9[%dma_wait3A_1802] : memref<50016xf32, #tpu.memory_space<vmem>> -> memref<50000xf32, #tpu.memory_space<vmem>>
        %dma_wait3A_1804 = tpu.memref_slice %arg2[%mul3A_1794] : memref<100000xf32, #tpu.memory_space<hbm>> -> memref<50000xf32, #tpu.memory_space<hbm>>
        tpu.wait_dma2 semaphore(%run_scoped3A : memref<!tpu.dma_semaphore, #tpu.memory_space<semaphore_mem>>) src(%dma_wait3A_1804 : memref<50000xf32, #tpu.memory_space<hbm>>) dst(%dma_wait3A_1803 : memref<50000xf32, #tpu.memory_space<vmem>>)
        tpu.yield
      }) : () -> ()
    } else {
    }
    %eq3A_76 = arith.constant 1 : i32
    %eq3A_77 = arith.cmpi eq, %select_n3A_9, %eq3A_76 : i32
    %convert_element_type3A_78 = arith.extui %eq3A_77 : i1 to i32
    %cond3A_79 = arith.constant 0 : i32
    %cond3A_80 = arith.cmpi ne, %convert_element_type3A_78, %cond3A_79 : i32
    scf.if %cond3A_80 {
      %mul3A_1793 = arith.constant 50000 : i32
      %mul3A_1794 = arith.muli %select_n3A_46, %mul3A_1793 : i32
      "tpu.region"() ({
        %run_scoped3A = tpu.sem_alloc : memref<!tpu.dma_semaphore, #tpu.memory_space<semaphore_mem>>
        %dma_start3A = arith.constant 0 : i32
        %dma_start3A_1795 = tpu.memref_slice %arg9[%dma_start3A] : memref<50016xf32, #tpu.memory_space<vmem>> -> memref<50000xf32, #tpu.memory_space<vmem>>
        %dma_start3A_1796 = tpu.memref_slice %arg3[%mul3A_1794] : memref<100000xf32, #tpu.memory_space<hbm>> -> memref<50000xf32, #tpu.memory_space<hbm>>
        %dma_start3A_1797 = arith.constant 0 : i32
        %dma_start3A_1798 = tpu.memref_slice %arg9[%dma_start3A_1797] : memref<50016xf32, #tpu.memory_space<vmem>> -> memref<50000xf32, #tpu.memory_space<vmem>>
        %dma_start3A_1799 = tpu.memref_slice %arg3[%mul3A_1794] : memref<100000xf32, #tpu.memory_space<hbm>> -> memref<50000xf32, #tpu.memory_space<hbm>>
        tpu.enqueue_dma source(%dma_start3A_1799 : memref<50000xf32, #tpu.memory_space<hbm>>) target(%dma_start3A_1798 : memref<50000xf32, #tpu.memory_space<vmem>>) target_semaphore(%run_scoped3A : memref<!tpu.dma_semaphore, #tpu.memory_space<semaphore_mem>>)
        %dma_wait3A = arith.constant 0 : i32
        %dma_wait3A_1800 = tpu.memref_slice %arg9[%dma_wait3A] : memref<50016xf32, #tpu.memory_space<vmem>> -> memref<50000xf32, #tpu.memory_space<vmem>>
        %dma_wait3A_1801 = tpu.memref_slice %arg3[%mul3A_1794] : memref<100000xf32, #tpu.memory_space<hbm>> -> memref<50000xf32, #tpu.memory_space<hbm>>
        %dma_wait3A_1802 = arith.constant 0 : i32
        %dma_wait3A_1803 = tpu.memref_slice %arg9[%dma_wait3A_1802] : memref<50016xf32, #tpu.memory_space<vmem>> -> memref<50000xf32, #tpu.memory_space<vmem>>
        %dma_wait3A_1804 = tpu.memref_slice %arg3[%mul3A_1794] : memref<100000xf32, #tpu.memory_space<hbm>> -> memref<50000xf32, #tpu.memory_space<hbm>>
        tpu.wait_dma2 semaphore(%run_scoped3A : memref<!tpu.dma_semaphore, #tpu.memory_space<semaphore_mem>>) src(%dma_wait3A_1804 : memref<50000xf32, #tpu.memory_space<hbm>>) dst(%dma_wait3A_1803 : memref<50000xf32, #tpu.memory_space<vmem>>)
        tpu.yield
      }) : () -> ()
    } else {
    }
    %broadcast_in_dim3A = arith.constant 0.000000e+00 : f32
    %broadcast_in_dim3A_81 = vector.broadcast %broadcast_in_dim3A : f32 to vector<16xf32>
    %swap3A = arith.constant 50000 : index
    %swap3A_82 = tpu.vector_load %arg9[%swap3A] {strides = array<i32>} : memref<50016xf32, #tpu.memory_space<vmem>>, vector<16xf32>,
    tpu.vector_store %arg9[%swap3A], %broadcast_in_dim3A_81 {strides = array<i32>} : memref<50016xf32, #tpu.memory_space<vmem>>, vector<16xf32>,
    %get3A = arith.constant 0 : index
    %get3A_83 = tpu.vector_load %arg10[%get3A] {strides = array<i32>} : memref<5376xi32, #tpu.memory_space<vmem>>, vector<16xi32>,
    %gather3A = tpu.vector_load_idx %arg9[%get3A_83] : memref<50016xf32, #tpu.memory_space<vmem>>[vector<16xi32>], vector<16xf32>,
    %swap3A_84 = arith.constant 0 : index
    %swap3A_85 = tpu.vector_load %arg11[%swap3A_84] {strides = array<i32>} : memref<5376xf32, #tpu.memory_space<vmem>>, vector<16xf32>,
    tpu.vector_store %arg11[%swap3A_84], %gather3A {strides = array<i32>} : memref<5376xf32, #tpu.memory_space<vmem>>, vector<16xf32>,
    %get3A_86 = arith.constant 16 : index
    %get3A_87 = tpu.vector_load %arg10[%get3A_86] {strides = array<i32>} : memref<5376xi32, #tpu.memory_space<vmem>>, vector<16xi32>,
    %gather3A_88 = tpu.vector_load_idx %arg9[%get3A_87] : memref<50016xf32, #tpu.memory_space<vmem>>[vector<16xi32>], vector<16xf32>,
    %swap3A_89 = arith.constant 16 : index
    %swap3A_90 = tpu.vector_load %arg11[%swap3A_89] {strides = array<i32>} : memref<5376xf32, #tpu.memory_space<vmem>>, vector<16xf32>,
    tpu.vector_store %arg11[%swap3A_89], %gather3A_88 {strides = array<i32>} : memref<5376xf32, #tpu.memory_space<vmem>>, vector<16xf32>,
    %get3A_91 = arith.constant 32 : index
    %get3A_92 = tpu.vector_load %arg10[%get3A_91] {strides = array<i32>} : memref<5376xi32, #tpu.memory_space<vmem>>, vector<16xi32>,
    %gather3A_93 = tpu.vector_load_idx %arg9[%get3A_92] : memref<50016xf32, #tpu.memory_space<vmem>>[vector<16xi32>], vector<16xf32>,
    %swap3A_94 = arith.constant 32 : index
    %swap3A_95 = tpu.vector_load %arg11[%swap3A_94] {strides = array<i32>} : memref<5376xf32, #tpu.memory_space<vmem>>, vector<16xf32>,
    tpu.vector_store %arg11[%swap3A_94], %gather3A_93 {strides = array<i32>} : memref<5376xf32, #tpu.memory_space<vmem>>, vector<16xf32>,
    %get3A_96 = arith.constant 48 : index
    %get3A_97 = tpu.vector_load %arg10[%get3A_96] {strides = array<i32>} : memref<5376xi32, #tpu.memory_space<vmem>>, vector<16xi32>,
    %gather3A_98 = tpu.vector_load_idx %arg9[%get3A_97] : memref<50016xf32, #tpu.memory_space<vmem>>[vector<16xi32>], vector<16xf32>,
    %swap3A_99 = arith.constant 48 : index
    %swap3A_100 = tpu.vector_load %arg11[%swap3A_99] {strides = array<i32>} : memref<5376xf32, #tpu.memory_space<vmem>>, vector<16xf32>,
    tpu.vector_store %arg11[%swap3A_99], %gather3A_98 {strides = array<i32>} : memref<5376xf32, #tpu.memory_space<vmem>>, vector<16xf32>,
    %get3A_101 = arith.constant 64 : index
    %get3A_102 = tpu.vector_load %arg10[%get3A_101] {strides = array<i32>} : memref<5376xi32, #tpu.memory_space<vmem>>, vector<16xi32>,
    %gather3A_103 = tpu.vector_load_idx %arg9[%get3A_102] : memref<50016xf32, #tpu.memory_space<vmem>>[vector<16xi32>], vector<16xf32>,
    %swap3A_104 = arith.constant 64 : index
    %swap3A_105 = tpu.vector_load %arg11[%swap3A_104] {strides = array<i32>} : memref<5376xf32, #tpu.memory_space<vmem>>, vector<16xf32>,
    tpu.vector_store %arg11[%swap3A_104], %gather3A_103 {strides = array<i32>} : memref<5376xf32, #tpu.memory_space<vmem>>, vector<16xf32>,
    %get3A_106 = arith.constant 80 : index
    %get3A_107 = tpu.vector_load %arg10[%get3A_106] {strides = array<i32>} : memref<5376xi32, #tpu.memory_space<vmem>>, vector<16xi32>,
    %gather3A_108 = tpu.vector_load_idx %arg9[%get3A_107] : memref<50016xf32, #tpu.memory_space<vmem>>[vector<16xi32>], vector<16xf32>,
    %swap3A_109 = arith.constant 80 : index
    %swap3A_110 = tpu.vector_load %arg11[%swap3A_109] {strides = array<i32>} : memref<5376xf32, #tpu.memory_space<vmem>>, vector<16xf32>,
    tpu.vector_store %arg11[%swap3A_109], %gather3A_108 {strides = array<i32>} : memref<5376xf32, #tpu.memory_space<vmem>>, vector<16xf32>,
    %get3A_111 = arith.constant 96 : index
    %get3A_112 = tpu.vector_load %arg10[%get3A_111] {strides = array<i32>} : memref<5376xi32, #tpu.memory_space<vmem>>, vector<16xi32>,
    %gather3A_113 = tpu.vector_load_idx %arg9[%get3A_112] : memref<50016xf32, #tpu.memory_space<vmem>>[vector<16xi32>], vector<16xf32>,
    %swap3A_114 = arith.constant 96 : index
    %swap3A_115 = tpu.vector_load %arg11[%swap3A_114] {strides = array<i32>} : memref<5376xf32, #tpu.memory_space<vmem>>, vector<16xf32>,
    tpu.vector_store %arg11[%swap3A_114], %gather3A_113 {strides = array<i32>} : memref<5376xf32, #tpu.memory_space<vmem>>, vector<16xf32>,
    %get3A_116 = arith.constant 112 : index
    %get3A_117 = tpu.vector_load %arg10[%get3A_116] {strides = array<i32>} : memref<5376xi32, #tpu.memory_space<vmem>>, vector<16xi32>,
    %gather3A_118 = tpu.vector_load_idx %arg9[%get3A_117] : memref<50016xf32, #tpu.memory_space<vmem>>[vector<16xi32>], vector<16xf32>,
    %swap3A_119 = arith.constant 112 : index
    %swap3A_120 = tpu.vector_load %arg11[%swap3A_119] {strides = array<i32>} : memref<5376xf32, #tpu.memory_space<vmem>>, vector<16xf32>,
    tpu.vector_store %arg11[%swap3A_119], %gather3A_118 {strides = array<i32>} : memref<5376xf32, #tpu.memory_space<vmem>>, vector<16xf32>,
    %get3A_121 = arith.constant 128 : index
    %get3A_122 = tpu.vector_load %arg10[%get3A_121] {strides = array<i32>} : memref<5376xi32, #tpu.memory_space<vmem>>, vector<16xi32>,
    %gather3A_123 = tpu.vector_load_idx %arg9[%get3A_122] : memref<50016xf32, #tpu.memory_space<vmem>>[vector<16xi32>], vector<16xf32>,
    %swap3A_124 = arith.constant 128 : index
    %swap3A_125 = tpu.vector_load %arg11[%swap3A_124] {strides = array<i32>} : memref<5376xf32, #tpu.memory_space<vmem>>, vector<16xf32>,
    tpu.vector_store %arg11[%swap3A_124], %gather3A_123 {strides = array<i32>} : memref<5376xf32, #tpu.memory_space<vmem>>, vector<16xf32>,
    %get3A_126 = arith.constant 144 : index
    %get3A_127 = tpu.vector_load %arg10[%get3A_126] {strides = array<i32>} : memref<5376xi32, #tpu.memory_space<vmem>>, vector<16xi32>,
    %gather3A_128 = tpu.vector_load_idx %arg9[%get3A_127] : memref<50016xf32, #tpu.memory_space<vmem>>[vector<16xi32>], vector<16xf32>,
    %swap3A_129 = arith.constant 144 : index
    %swap3A_130 = tpu.vector_load %arg11[%swap3A_129] {strides = array<i32>} : memref<5376xf32, #tpu.memory_space<vmem>>, vector<16xf32>,
    tpu.vector_store %arg11[%swap3A_129], %gather3A_128 {strides = array<i32>} : memref<5376xf32, #tpu.memory_space<vmem>>, vector<16xf32>,
    %get3A_131 = arith.constant 160 : index
    %get3A_132 = tpu.vector_load %arg10[%get3A_131] {strides = array<i32>} : memref<5376xi32, #tpu.memory_space<vmem>>, vector<16xi32>,
    %gather3A_133 = tpu.vector_load_idx %arg9[%get3A_132] : memref<50016xf32, #tpu.memory_space<vmem>>[vector<16xi32>], vector<16xf32>,
    %swap3A_134 = arith.constant 160 : index
    %swap3A_135 = tpu.vector_load %arg11[%swap3A_134] {strides = array<i32>} : memref<5376xf32, #tpu.memory_space<vmem>>, vector<16xf32>,
    tpu.vector_store %arg11[%swap3A_134], %gather3A_133 {strides = array<i32>} : memref<5376xf32, #tpu.memory_space<vmem>>, vector<16xf32>,
    %get3A_136 = arith.constant 176 : index
    %get3A_137 = tpu.vector_load %arg10[%get3A_136] {strides = array<i32>} : memref<5376xi32, #tpu.memory_space<vmem>>, vector<16xi32>,
    %gather3A_138 = tpu.vector_load_idx %arg9[%get3A_137] : memref<50016xf32, #tpu.memory_space<vmem>>[vector<16xi32>], vector<16xf32>,
    %swap3A_139 = arith.constant 176 : index
    %swap3A_140 = tpu.vector_load %arg11[%swap3A_139] {strides = array<i32>} : memref<5376xf32, #tpu.memory_space<vmem>>, vector<16xf32>,
    tpu.vector_store %arg11[%swap3A_139], %gather3A_138 {strides = array<i32>} : memref<5376xf32, #tpu.memory_space<vmem>>, vector<16xf32>,
    %get3A_141 = arith.constant 192 : index
    %get3A_142 = tpu.vector_load %arg10[%get3A_141] {strides = array<i32>} : memref<5376xi32, #tpu.memory_space<vmem>>, vector<16xi32>,
    %gather3A_143 = tpu.vector_load_idx %arg9[%get3A_142] : memref<50016xf32, #tpu.memory_space<vmem>>[vector<16xi32>], vector<16xf32>,
    %swap3A_144 = arith.constant 192 : index
    %swap3A_145 = tpu.vector_load %arg11[%swap3A_144] {strides = array<i32>} : memref<5376xf32, #tpu.memory_space<vmem>>, vector<16xf32>,
    tpu.vector_store %arg11[%swap3A_144], %gather3A_143 {strides = array<i32>} : memref<5376xf32, #tpu.memory_space<vmem>>, vector<16xf32>,
    %get3A_146 = arith.constant 208 : index
    %get3A_147 = tpu.vector_load %arg10[%get3A_146] {strides = array<i32>} : memref<5376xi32, #tpu.memory_space<vmem>>, vector<16xi32>,
    %gather3A_148 = tpu.vector_load_idx %arg9[%get3A_147] : memref<50016xf32, #tpu.memory_space<vmem>>[vector<16xi32>], vector<16xf32>,
    %swap3A_149 = arith.constant 208 : index
    %swap3A_150 = tpu.vector_load %arg11[%swap3A_149] {strides = array<i32>} : memref<5376xf32, #tpu.memory_space<vmem>>, vector<16xf32>,
    tpu.vector_store %arg11[%swap3A_149], %gather3A_148 {strides = array<i32>} : memref<5376xf32, #tpu.memory_space<vmem>>, vector<16xf32>,
    %get3A_151 = arith.constant 224 : index
    %get3A_152 = tpu.vector_load %arg10[%get3A_151] {strides = array<i32>} : memref<5376xi32, #tpu.memory_space<vmem>>, vector<16xi32>,
    %gather3A_153 = tpu.vector_load_idx %arg9[%get3A_152] : memref<50016xf32, #tpu.memory_space<vmem>>[vector<16xi32>], vector<16xf32>,
    %swap3A_154 = arith.constant 224 : index
    %swap3A_155 = tpu.vector_load %arg11[%swap3A_154] {strides = array<i32>} : memref<5376xf32, #tpu.memory_space<vmem>>, vector<16xf32>,
    tpu.vector_store %arg11[%swap3A_154], %gather3A_153 {strides = array<i32>} : memref<5376xf32, #tpu.memory_space<vmem>>, vector<16xf32>,
    %get3A_156 = arith.constant 240 : index
    %get3A_157 = tpu.vector_load %arg10[%get3A_156] {strides = array<i32>} : memref<5376xi32, #tpu.memory_space<vmem>>, vector<16xi32>,
    %gather3A_158 = tpu.vector_load_idx %arg9[%get3A_157] : memref<50016xf32, #tpu.memory_space<vmem>>[vector<16xi32>], vector<16xf32>,
    %swap3A_159 = arith.constant 240 : index
    %swap3A_160 = tpu.vector_load %arg11[%swap3A_159] {strides = array<i32>} : memref<5376xf32, #tpu.memory_space<vmem>>, vector<16xf32>,
    tpu.vector_store %arg11[%swap3A_159], %gather3A_158 {strides = array<i32>} : memref<5376xf32, #tpu.memory_space<vmem>>, vector<16xf32>,
    %get3A_161 = arith.constant 256 : index
    %get3A_162 = tpu.vector_load %arg10[%get3A_161] {strides = array<i32>} : memref<5376xi32, #tpu.memory_space<vmem>>, vector<16xi32>,
    %gather3A_163 = tpu.vector_load_idx %arg9[%get3A_162] : memref<50016xf32, #tpu.memory_space<vmem>>[vector<16xi32>], vector<16xf32>,
    %swap3A_164 = arith.constant 256 : index
    %swap3A_165 = tpu.vector_load %arg11[%swap3A_164] {strides = array<i32>} : memref<5376xf32, #tpu.memory_space<vmem>>, vector<16xf32>,
    tpu.vector_store %arg11[%swap3A_164], %gather3A_163 {strides = array<i32>} : memref<5376xf32, #tpu.memory_space<vmem>>, vector<16xf32>,
    %get3A_166 = arith.constant 272 : index
    %get3A_167 = tpu.vector_load %arg10[%get3A_166] {strides = array<i32>} : memref<5376xi32, #tpu.memory_space<vmem>>, vector<16xi32>,
    %gather3A_168 = tpu.vector_load_idx %arg9[%get3A_167] : memref<50016xf32, #tpu.memory_space<vmem>>[vector<16xi32>], vector<16xf32>,
    %swap3A_169 = arith.constant 272 : index
    %swap3A_170 = tpu.vector_load %arg11[%swap3A_169] {strides = array<i32>} : memref<5376xf32, #tpu.memory_space<vmem>>, vector<16xf32>,
    tpu.vector_store %arg11[%swap3A_169], %gather3A_168 {strides = array<i32>} : memref<5376xf32, #tpu.memory_space<vmem>>, vector<16xf32>,
    %get3A_171 = arith.constant 288 : index
    %get3A_172 = tpu.vector_load %arg10[%get3A_171] {strides = array<i32>} : memref<5376xi32, #tpu.memory_space<vmem>>, vector<16xi32>,
    %gather3A_173 = tpu.vector_load_idx %arg9[%get3A_172] : memref<50016xf32, #tpu.memory_space<vmem>>[vector<16xi32>], vector<16xf32>,
    %swap3A_174 = arith.constant 288 : index
    %swap3A_175 = tpu.vector_load %arg11[%swap3A_174] {strides = array<i32>} : memref<5376xf32, #tpu.memory_space<vmem>>, vector<16xf32>,
    tpu.vector_store %arg11[%swap3A_174], %gather3A_173 {strides = array<i32>} : memref<5376xf32, #tpu.memory_space<vmem>>, vector<16xf32>,
    %get3A_176 = arith.constant 304 : index
    %get3A_177 = tpu.vector_load %arg10[%get3A_176] {strides = array<i32>} : memref<5376xi32, #tpu.memory_space<vmem>>, vector<16xi32>,
    %gather3A_178 = tpu.vector_load_idx %arg9[%get3A_177] : memref<50016xf32, #tpu.memory_space<vmem>>[vector<16xi32>], vector<16xf32>,
    %swap3A_179 = arith.constant 304 : index
    %swap3A_180 = tpu.vector_load %arg11[%swap3A_179] {strides = array<i32>} : memref<5376xf32, #tpu.memory_space<vmem>>, vector<16xf32>,
    tpu.vector_store %arg11[%swap3A_179], %gather3A_178 {strides = array<i32>} : memref<5376xf32, #tpu.memory_space<vmem>>, vector<16xf32>,
    %get3A_181 = arith.constant 320 : index
    %get3A_182 = tpu.vector_load %arg10[%get3A_181] {strides = array<i32>} : memref<5376xi32, #tpu.memory_space<vmem>>, vector<16xi32>,
    %gather3A_183 = tpu.vector_load_idx %arg9[%get3A_182] : memref<50016xf32, #tpu.memory_space<vmem>>[vector<16xi32>], vector<16xf32>,
    %swap3A_184 = arith.constant 320 : index
    %swap3A_185 = tpu.vector_load %arg11[%swap3A_184] {strides = array<i32>} : memref<5376xf32, #tpu.memory_space<vmem>>, vector<16xf32>,
    tpu.vector_store %arg11[%swap3A_184], %gather3A_183 {strides = array<i32>} : memref<5376xf32, #tpu.memory_space<vmem>>, vector<16xf32>,
    %get3A_186 = arith.constant 336 : index
    %get3A_187 = tpu.vector_load %arg10[%get3A_186] {strides = array<i32>} : memref<5376xi32, #tpu.memory_space<vmem>>, vector<16xi32>,
    %gather3A_188 = tpu.vector_load_idx %arg9[%get3A_187] : memref<50016xf32, #tpu.memory_space<vmem>>[vector<16xi32>], vector<16xf32>,
    %swap3A_189 = arith.constant 336 : index
    %swap3A_190 = tpu.vector_load %arg11[%swap3A_189] {strides = array<i32>} : memref<5376xf32, #tpu.memory_space<vmem>>, vector<16xf32>,
    tpu.vector_store %arg11[%swap3A_189], %gather3A_188 {strides = array<i32>} : memref<5376xf32, #tpu.memory_space<vmem>>, vector<16xf32>,
    %get3A_191 = arith.constant 352 : index
    %get3A_192 = tpu.vector_load %arg10[%get3A_191] {strides = array<i32>} : memref<5376xi32, #tpu.memory_space<vmem>>, vector<16xi32>,
    %gather3A_193 = tpu.vector_load_idx %arg9[%get3A_192] : memref<50016xf32, #tpu.memory_space<vmem>>[vector<16xi32>], vector<16xf32>,
    %swap3A_194 = arith.constant 352 : index
    %swap3A_195 = tpu.vector_load %arg11[%swap3A_194] {strides = array<i32>} : memref<5376xf32, #tpu.memory_space<vmem>>, vector<16xf32>,
    tpu.vector_store %arg11[%swap3A_194], %gather3A_193 {strides = array<i32>} : memref<5376xf32, #tpu.memory_space<vmem>>, vector<16xf32>,
    %get3A_196 = arith.constant 368 : index
    %get3A_197 = tpu.vector_load %arg10[%get3A_196] {strides = array<i32>} : memref<5376xi32, #tpu.memory_space<vmem>>, vector<16xi32>,
    %gather3A_198 = tpu.vector_load_idx %arg9[%get3A_197] : memref<50016xf32, #tpu.memory_space<vmem>>[vector<16xi32>], vector<16xf32>,
    %swap3A_199 = arith.constant 368 : index
    %swap3A_200 = tpu.vector_load %arg11[%swap3A_199] {strides = array<i32>} : memref<5376xf32, #tpu.memory_space<vmem>>, vector<16xf32>,
    tpu.vector_store %arg11[%swap3A_199], %gather3A_198 {strides = array<i32>} : memref<5376xf32, #tpu.memory_space<vmem>>, vector<16xf32>,
    %get3A_201 = arith.constant 384 : index
    %get3A_202 = tpu.vector_load %arg10[%get3A_201] {strides = array<i32>} : memref<5376xi32, #tpu.memory_space<vmem>>, vector<16xi32>,
    %gather3A_203 = tpu.vector_load_idx %arg9[%get3A_202] : memref<50016xf32, #tpu.memory_space<vmem>>[vector<16xi32>], vector<16xf32>,
    %swap3A_204 = arith.constant 384 : index
    %swap3A_205 = tpu.vector_load %arg11[%swap3A_204] {strides = array<i32>} : memref<5376xf32, #tpu.memory_space<vmem>>, vector<16xf32>,
    tpu.vector_store %arg11[%swap3A_204], %gather3A_203 {strides = array<i32>} : memref<5376xf32, #tpu.memory_space<vmem>>, vector<16xf32>,
    %get3A_206 = arith.constant 400 : index
    %get3A_207 = tpu.vector_load %arg10[%get3A_206] {strides = array<i32>} : memref<5376xi32, #tpu.memory_space<vmem>>, vector<16xi32>,
    %gather3A_208 = tpu.vector_load_idx %arg9[%get3A_207] : memref<50016xf32, #tpu.memory_space<vmem>>[vector<16xi32>], vector<16xf32>,
    %swap3A_209 = arith.constant 400 : index
    %swap3A_210 = tpu.vector_load %arg11[%swap3A_209] {strides = array<i32>} : memref<5376xf32, #tpu.memory_space<vmem>>, vector<16xf32>,
    tpu.vector_store %arg11[%swap3A_209], %gather3A_208 {strides = array<i32>} : memref<5376xf32, #tpu.memory_space<vmem>>, vector<16xf32>,
    %get3A_211 = arith.constant 416 : index
    %get3A_212 = tpu.vector_load %arg10[%get3A_211] {strides = array<i32>} : memref<5376xi32, #tpu.memory_space<vmem>>, vector<16xi32>,
    %gather3A_213 = tpu.vector_load_idx %arg9[%get3A_212] : memref<50016xf32, #tpu.memory_space<vmem>>[vector<16xi32>], vector<16xf32>,
    %swap3A_214 = arith.constant 416 : index
    %swap3A_215 = tpu.vector_load %arg11[%swap3A_214] {strides = array<i32>} : memref<5376xf32, #tpu.memory_space<vmem>>, vector<16xf32>,
    tpu.vector_store %arg11[%swap3A_214], %gather3A_213 {strides = array<i32>} : memref<5376xf32, #tpu.memory_space<vmem>>, vector<16xf32>,
    %get3A_216 = arith.constant 432 : index
    %get3A_217 = tpu.vector_load %arg10[%get3A_216] {strides = array<i32>} : memref<5376xi32, #tpu.memory_space<vmem>>, vector<16xi32>,
    %gather3A_218 = tpu.vector_load_idx %arg9[%get3A_217] : memref<50016xf32, #tpu.memory_space<vmem>>[vector<16xi32>], vector<16xf32>,
    %swap3A_219 = arith.constant 432 : index
    %swap3A_220 = tpu.vector_load %arg11[%swap3A_219] {strides = array<i32>} : memref<5376xf32, #tpu.memory_space<vmem>>, vector<16xf32>,
    tpu.vector_store %arg11[%swap3A_219], %gather3A_218 {strides = array<i32>} : memref<5376xf32, #tpu.memory_space<vmem>>, vector<16xf32>,
    %get3A_221 = arith.constant 448 : index
    %get3A_222 = tpu.vector_load %arg10[%get3A_221] {strides = array<i32>} : memref<5376xi32, #tpu.memory_space<vmem>>, vector<16xi32>,
    %gather3A_223 = tpu.vector_load_idx %arg9[%get3A_222] : memref<50016xf32, #tpu.memory_space<vmem>>[vector<16xi32>], vector<16xf32>,
    %swap3A_224 = arith.constant 448 : index
    %swap3A_225 = tpu.vector_load %arg11[%swap3A_224] {strides = array<i32>} : memref<5376xf32, #tpu.memory_space<vmem>>, vector<16xf32>,
    tpu.vector_store %arg11[%swap3A_224], %gather3A_223 {strides = array<i32>} : memref<5376xf32, #tpu.memory_space<vmem>>, vector<16xf32>,
    %get3A_226 = arith.constant 464 : index
    %get3A_227 = tpu.vector_load %arg10[%get3A_226] {strides = array<i32>} : memref<5376xi32, #tpu.memory_space<vmem>>, vector<16xi32>,
    %gather3A_228 = tpu.vector_load_idx %arg9[%get3A_227] : memref<50016xf32, #tpu.memory_space<vmem>>[vector<16xi32>], vector<16xf32>,
    %swap3A_229 = arith.constant 464 : index
    %swap3A_230 = tpu.vector_load %arg11[%swap3A_229] {strides = array<i32>} : memref<5376xf32, #tpu.memory_space<vmem>>, vector<16xf32>,
    tpu.vector_store %arg11[%swap3A_229], %gather3A_228 {strides = array<i32>} : memref<5376xf32, #tpu.memory_space<vmem>>, vector<16xf32>,
    %get3A_231 = arith.constant 480 : index
    %get3A_232 = tpu.vector_load %arg10[%get3A_231] {strides = array<i32>} : memref<5376xi32, #tpu.memory_space<vmem>>, vector<16xi32>,
    %gather3A_233 = tpu.vector_load_idx %arg9[%get3A_232] : memref<50016xf32, #tpu.memory_space<vmem>>[vector<16xi32>], vector<16xf32>,
    %swap3A_234 = arith.constant 480 : index
    %swap3A_235 = tpu.vector_load %arg11[%swap3A_234] {strides = array<i32>} : memref<5376xf32, #tpu.memory_space<vmem>>, vector<16xf32>,
    tpu.vector_store %arg11[%swap3A_234], %gather3A_233 {strides = array<i32>} : memref<5376xf32, #tpu.memory_space<vmem>>, vector<16xf32>,
    %get3A_236 = arith.constant 496 : index
    %get3A_237 = tpu.vector_load %arg10[%get3A_236] {strides = array<i32>} : memref<5376xi32, #tpu.memory_space<vmem>>, vector<16xi32>,
    %gather3A_238 = tpu.vector_load_idx %arg9[%get3A_237] : memref<50016xf32, #tpu.memory_space<vmem>>[vector<16xi32>], vector<16xf32>,
    %swap3A_239 = arith.constant 496 : index
    %swap3A_240 = tpu.vector_load %arg11[%swap3A_239] {strides = array<i32>} : memref<5376xf32, #tpu.memory_space<vmem>>, vector<16xf32>,
    tpu.vector_store %arg11[%swap3A_239], %gather3A_238 {strides = array<i32>} : memref<5376xf32, #tpu.memory_space<vmem>>, vector<16xf32>,
    %get3A_241 = arith.constant 512 : index
    %get3A_242 = tpu.vector_load %arg10[%get3A_241] {strides = array<i32>} : memref<5376xi32, #tpu.memory_space<vmem>>, vector<16xi32>,
    %gather3A_243 = tpu.vector_load_idx %arg9[%get3A_242] : memref<50016xf32, #tpu.memory_space<vmem>>[vector<16xi32>], vector<16xf32>,
    %swap3A_244 = arith.constant 512 : index
    %swap3A_245 = tpu.vector_load %arg11[%swap3A_244] {strides = array<i32>} : memref<5376xf32, #tpu.memory_space<vmem>>, vector<16xf32>,
    tpu.vector_store %arg11[%swap3A_244], %gather3A_243 {strides = array<i32>} : memref<5376xf32, #tpu.memory_space<vmem>>, vector<16xf32>,
    %get3A_246 = arith.constant 528 : index
    %get3A_247 = tpu.vector_load %arg10[%get3A_246] {strides = array<i32>} : memref<5376xi32, #tpu.memory_space<vmem>>, vector<16xi32>,
    %gather3A_248 = tpu.vector_load_idx %arg9[%get3A_247] : memref<50016xf32, #tpu.memory_space<vmem>>[vector<16xi32>], vector<16xf32>,
    %swap3A_249 = arith.constant 528 : index
    %swap3A_250 = tpu.vector_load %arg11[%swap3A_249] {strides = array<i32>} : memref<5376xf32, #tpu.memory_space<vmem>>, vector<16xf32>,
    tpu.vector_store %arg11[%swap3A_249], %gather3A_248 {strides = array<i32>} : memref<5376xf32, #tpu.memory_space<vmem>>, vector<16xf32>,
    %get3A_251 = arith.constant 544 : index
    %get3A_252 = tpu.vector_load %arg10[%get3A_251] {strides = array<i32>} : memref<5376xi32, #tpu.memory_space<vmem>>, vector<16xi32>,
    %gather3A_253 = tpu.vector_load_idx %arg9[%get3A_252] : memref<50016xf32, #tpu.memory_space<vmem>>[vector<16xi32>], vector<16xf32>,
    %swap3A_254 = arith.constant 544 : index
    %swap3A_255 = tpu.vector_load %arg11[%swap3A_254] {strides = array<i32>} : memref<5376xf32, #tpu.memory_space<vmem>>, vector<16xf32>,
    tpu.vector_store %arg11[%swap3A_254], %gather3A_253 {strides = array<i32>} : memref<5376xf32, #tpu.memory_space<vmem>>, vector<16xf32>,
    %get3A_256 = arith.constant 560 : index
    %get3A_257 = tpu.vector_load %arg10[%get3A_256] {strides = array<i32>} : memref<5376xi32, #tpu.memory_space<vmem>>, vector<16xi32>,
    %gather3A_258 = tpu.vector_load_idx %arg9[%get3A_257] : memref<50016xf32, #tpu.memory_space<vmem>>[vector<16xi32>], vector<16xf32>,
    %swap3A_259 = arith.constant 560 : index
    %swap3A_260 = tpu.vector_load %arg11[%swap3A_259] {strides = array<i32>} : memref<5376xf32, #tpu.memory_space<vmem>>, vector<16xf32>,
    tpu.vector_store %arg11[%swap3A_259], %gather3A_258 {strides = array<i32>} : memref<5376xf32, #tpu.memory_space<vmem>>, vector<16xf32>,
    %get3A_261 = arith.constant 576 : index
    %get3A_262 = tpu.vector_load %arg10[%get3A_261] {strides = array<i32>} : memref<5376xi32, #tpu.memory_space<vmem>>, vector<16xi32>,
    %gather3A_263 = tpu.vector_load_idx %arg9[%get3A_262] : memref<50016xf32, #tpu.memory_space<vmem>>[vector<16xi32>], vector<16xf32>,
    %swap3A_264 = arith.constant 576 : index
    %swap3A_265 = tpu.vector_load %arg11[%swap3A_264] {strides = array<i32>} : memref<5376xf32, #tpu.memory_space<vmem>>, vector<16xf32>,
    tpu.vector_store %arg11[%swap3A_264], %gather3A_263 {strides = array<i32>} : memref<5376xf32, #tpu.memory_space<vmem>>, vector<16xf32>,
    %get3A_266 = arith.constant 592 : index
    %get3A_267 = tpu.vector_load %arg10[%get3A_266] {strides = array<i32>} : memref<5376xi32, #tpu.memory_space<vmem>>, vector<16xi32>,
    %gather3A_268 = tpu.vector_load_idx %arg9[%get3A_267] : memref<50016xf32, #tpu.memory_space<vmem>>[vector<16xi32>], vector<16xf32>,
    %swap3A_269 = arith.constant 592 : index
    %swap3A_270 = tpu.vector_load %arg11[%swap3A_269] {strides = array<i32>} : memref<5376xf32, #tpu.memory_space<vmem>>, vector<16xf32>,
    tpu.vector_store %arg11[%swap3A_269], %gather3A_268 {strides = array<i32>} : memref<5376xf32, #tpu.memory_space<vmem>>, vector<16xf32>,
    %get3A_271 = arith.constant 608 : index
    %get3A_272 = tpu.vector_load %arg10[%get3A_271] {strides = array<i32>} : memref<5376xi32, #tpu.memory_space<vmem>>, vector<16xi32>,
    %gather3A_273 = tpu.vector_load_idx %arg9[%get3A_272] : memref<50016xf32, #tpu.memory_space<vmem>>[vector<16xi32>], vector<16xf32>,
    %swap3A_274 = arith.constant 608 : index
    %swap3A_275 = tpu.vector_load %arg11[%swap3A_274] {strides = array<i32>} : memref<5376xf32, #tpu.memory_space<vmem>>, vector<16xf32>,
    tpu.vector_store %arg11[%swap3A_274], %gather3A_273 {strides = array<i32>} : memref<5376xf32, #tpu.memory_space<vmem>>, vector<16xf32>,
    %get3A_276 = arith.constant 624 : index
    %get3A_277 = tpu.vector_load %arg10[%get3A_276] {strides = array<i32>} : memref<5376xi32, #tpu.memory_space<vmem>>, vector<16xi32>,
    %gather3A_278 = tpu.vector_load_idx %arg9[%get3A_277] : memref<50016xf32, #tpu.memory_space<vmem>>[vector<16xi32>], vector<16xf32>,
    %swap3A_279 = arith.constant 624 : index
    %swap3A_280 = tpu.vector_load %arg11[%swap3A_279] {strides = array<i32>} : memref<5376xf32, #tpu.memory_space<vmem>>, vector<16xf32>,
    tpu.vector_store %arg11[%swap3A_279], %gather3A_278 {strides = array<i32>} : memref<5376xf32, #tpu.memory_space<vmem>>, vector<16xf32>,
    %get3A_281 = arith.constant 640 : index
    %get3A_282 = tpu.vector_load %arg10[%get3A_281] {strides = array<i32>} : memref<5376xi32, #tpu.memory_space<vmem>>, vector<16xi32>,
    %gather3A_283 = tpu.vector_load_idx %arg9[%get3A_282] : memref<50016xf32, #tpu.memory_space<vmem>>[vector<16xi32>], vector<16xf32>,
    %swap3A_284 = arith.constant 640 : index
    %swap3A_285 = tpu.vector_load %arg11[%swap3A_284] {strides = array<i32>} : memref<5376xf32, #tpu.memory_space<vmem>>, vector<16xf32>,
    tpu.vector_store %arg11[%swap3A_284], %gather3A_283 {strides = array<i32>} : memref<5376xf32, #tpu.memory_space<vmem>>, vector<16xf32>,
    %get3A_286 = arith.constant 656 : index
    %get3A_287 = tpu.vector_load %arg10[%get3A_286] {strides = array<i32>} : memref<5376xi32, #tpu.memory_space<vmem>>, vector<16xi32>,
    %gather3A_288 = tpu.vector_load_idx %arg9[%get3A_287] : memref<50016xf32, #tpu.memory_space<vmem>>[vector<16xi32>], vector<16xf32>,
    %swap3A_289 = arith.constant 656 : index
    %swap3A_290 = tpu.vector_load %arg11[%swap3A_289] {strides = array<i32>} : memref<5376xf32, #tpu.memory_space<vmem>>, vector<16xf32>,
    tpu.vector_store %arg11[%swap3A_289], %gather3A_288 {strides = array<i32>} : memref<5376xf32, #tpu.memory_space<vmem>>, vector<16xf32>,
    %get3A_291 = arith.constant 672 : index
    %get3A_292 = tpu.vector_load %arg10[%get3A_291] {strides = array<i32>} : memref<5376xi32, #tpu.memory_space<vmem>>, vector<16xi32>,
    %gather3A_293 = tpu.vector_load_idx %arg9[%get3A_292] : memref<50016xf32, #tpu.memory_space<vmem>>[vector<16xi32>], vector<16xf32>,
    %swap3A_294 = arith.constant 672 : index
    %swap3A_295 = tpu.vector_load %arg11[%swap3A_294] {strides = array<i32>} : memref<5376xf32, #tpu.memory_space<vmem>>, vector<16xf32>,
    tpu.vector_store %arg11[%swap3A_294], %gather3A_293 {strides = array<i32>} : memref<5376xf32, #tpu.memory_space<vmem>>, vector<16xf32>,
    %get3A_296 = arith.constant 688 : index
    %get3A_297 = tpu.vector_load %arg10[%get3A_296] {strides = array<i32>} : memref<5376xi32, #tpu.memory_space<vmem>>, vector<16xi32>,
    %gather3A_298 = tpu.vector_load_idx %arg9[%get3A_297] : memref<50016xf32, #tpu.memory_space<vmem>>[vector<16xi32>], vector<16xf32>,
    %swap3A_299 = arith.constant 688 : index
    %swap3A_300 = tpu.vector_load %arg11[%swap3A_299] {strides = array<i32>} : memref<5376xf32, #tpu.memory_space<vmem>>, vector<16xf32>,
    tpu.vector_store %arg11[%swap3A_299], %gather3A_298 {strides = array<i32>} : memref<5376xf32, #tpu.memory_space<vmem>>, vector<16xf32>,
    %get3A_301 = arith.constant 704 : index
    %get3A_302 = tpu.vector_load %arg10[%get3A_301] {strides = array<i32>} : memref<5376xi32, #tpu.memory_space<vmem>>, vector<16xi32>,
    %gather3A_303 = tpu.vector_load_idx %arg9[%get3A_302] : memref<50016xf32, #tpu.memory_space<vmem>>[vector<16xi32>], vector<16xf32>,
    %swap3A_304 = arith.constant 704 : index
    %swap3A_305 = tpu.vector_load %arg11[%swap3A_304] {strides = array<i32>} : memref<5376xf32, #tpu.memory_space<vmem>>, vector<16xf32>,
    tpu.vector_store %arg11[%swap3A_304], %gather3A_303 {strides = array<i32>} : memref<5376xf32, #tpu.memory_space<vmem>>, vector<16xf32>,
    %get3A_306 = arith.constant 720 : index
    %get3A_307 = tpu.vector_load %arg10[%get3A_306] {strides = array<i32>} : memref<5376xi32, #tpu.memory_space<vmem>>, vector<16xi32>,
    %gather3A_308 = tpu.vector_load_idx %arg9[%get3A_307] : memref<50016xf32, #tpu.memory_space<vmem>>[vector<16xi32>], vector<16xf32>,
    %swap3A_309 = arith.constant 720 : index
    %swap3A_310 = tpu.vector_load %arg11[%swap3A_309] {strides = array<i32>} : memref<5376xf32, #tpu.memory_space<vmem>>, vector<16xf32>,
    tpu.vector_store %arg11[%swap3A_309], %gather3A_308 {strides = array<i32>} : memref<5376xf32, #tpu.memory_space<vmem>>, vector<16xf32>,
    %get3A_311 = arith.constant 736 : index
    %get3A_312 = tpu.vector_load %arg10[%get3A_311] {strides = array<i32>} : memref<5376xi32, #tpu.memory_space<vmem>>, vector<16xi32>,
    %gather3A_313 = tpu.vector_load_idx %arg9[%get3A_312] : memref<50016xf32, #tpu.memory_space<vmem>>[vector<16xi32>], vector<16xf32>,
    %swap3A_314 = arith.constant 736 : index
    %swap3A_315 = tpu.vector_load %arg11[%swap3A_314] {strides = array<i32>} : memref<5376xf32, #tpu.memory_space<vmem>>, vector<16xf32>,
    tpu.vector_store %arg11[%swap3A_314], %gather3A_313 {strides = array<i32>} : memref<5376xf32, #tpu.memory_space<vmem>>, vector<16xf32>,
    %get3A_316 = arith.constant 752 : index
    %get3A_317 = tpu.vector_load %arg10[%get3A_316] {strides = array<i32>} : memref<5376xi32, #tpu.memory_space<vmem>>, vector<16xi32>,
    %gather3A_318 = tpu.vector_load_idx %arg9[%get3A_317] : memref<50016xf32, #tpu.memory_space<vmem>>[vector<16xi32>], vector<16xf32>,
    %swap3A_319 = arith.constant 752 : index
    %swap3A_320 = tpu.vector_load %arg11[%swap3A_319] {strides = array<i32>} : memref<5376xf32, #tpu.memory_space<vmem>>, vector<16xf32>,
    tpu.vector_store %arg11[%swap3A_319], %gather3A_318 {strides = array<i32>} : memref<5376xf32, #tpu.memory_space<vmem>>, vector<16xf32>,
    %get3A_321 = arith.constant 768 : index
    %get3A_322 = tpu.vector_load %arg10[%get3A_321] {strides = array<i32>} : memref<5376xi32, #tpu.memory_space<vmem>>, vector<16xi32>,
    %gather3A_323 = tpu.vector_load_idx %arg9[%get3A_322] : memref<50016xf32, #tpu.memory_space<vmem>>[vector<16xi32>], vector<16xf32>,
    %swap3A_324 = arith.constant 768 : index
    %swap3A_325 = tpu.vector_load %arg11[%swap3A_324] {strides = array<i32>} : memref<5376xf32, #tpu.memory_space<vmem>>, vector<16xf32>,
    tpu.vector_store %arg11[%swap3A_324], %gather3A_323 {strides = array<i32>} : memref<5376xf32, #tpu.memory_space<vmem>>, vector<16xf32>,
    %get3A_326 = arith.constant 784 : index
    %get3A_327 = tpu.vector_load %arg10[%get3A_326] {strides = array<i32>} : memref<5376xi32, #tpu.memory_space<vmem>>, vector<16xi32>,
    %gather3A_328 = tpu.vector_load_idx %arg9[%get3A_327] : memref<50016xf32, #tpu.memory_space<vmem>>[vector<16xi32>], vector<16xf32>,
    %swap3A_329 = arith.constant 784 : index
    %swap3A_330 = tpu.vector_load %arg11[%swap3A_329] {strides = array<i32>} : memref<5376xf32, #tpu.memory_space<vmem>>, vector<16xf32>,
    tpu.vector_store %arg11[%swap3A_329], %gather3A_328 {strides = array<i32>} : memref<5376xf32, #tpu.memory_space<vmem>>, vector<16xf32>,
    %get3A_331 = arith.constant 800 : index
    %get3A_332 = tpu.vector_load %arg10[%get3A_331] {strides = array<i32>} : memref<5376xi32, #tpu.memory_space<vmem>>, vector<16xi32>,
    %gather3A_333 = tpu.vector_load_idx %arg9[%get3A_332] : memref<50016xf32, #tpu.memory_space<vmem>>[vector<16xi32>], vector<16xf32>,
    %swap3A_334 = arith.constant 800 : index
    %swap3A_335 = tpu.vector_load %arg11[%swap3A_334] {strides = array<i32>} : memref<5376xf32, #tpu.memory_space<vmem>>, vector<16xf32>,
    tpu.vector_store %arg11[%swap3A_334], %gather3A_333 {strides = array<i32>} : memref<5376xf32, #tpu.memory_space<vmem>>, vector<16xf32>,
    %get3A_336 = arith.constant 816 : index
    %get3A_337 = tpu.vector_load %arg10[%get3A_336] {strides = array<i32>} : memref<5376xi32, #tpu.memory_space<vmem>>, vector<16xi32>,
    %gather3A_338 = tpu.vector_load_idx %arg9[%get3A_337] : memref<50016xf32, #tpu.memory_space<vmem>>[vector<16xi32>], vector<16xf32>,
    %swap3A_339 = arith.constant 816 : index
    %swap3A_340 = tpu.vector_load %arg11[%swap3A_339] {strides = array<i32>} : memref<5376xf32, #tpu.memory_space<vmem>>, vector<16xf32>,
    tpu.vector_store %arg11[%swap3A_339], %gather3A_338 {strides = array<i32>} : memref<5376xf32, #tpu.memory_space<vmem>>, vector<16xf32>,
    %get3A_341 = arith.constant 832 : index
    %get3A_342 = tpu.vector_load %arg10[%get3A_341] {strides = array<i32>} : memref<5376xi32, #tpu.memory_space<vmem>>, vector<16xi32>,
    %gather3A_343 = tpu.vector_load_idx %arg9[%get3A_342] : memref<50016xf32, #tpu.memory_space<vmem>>[vector<16xi32>], vector<16xf32>,
    %swap3A_344 = arith.constant 832 : index
    %swap3A_345 = tpu.vector_load %arg11[%swap3A_344] {strides = array<i32>} : memref<5376xf32, #tpu.memory_space<vmem>>, vector<16xf32>,
    tpu.vector_store %arg11[%swap3A_344], %gather3A_343 {strides = array<i32>} : memref<5376xf32, #tpu.memory_space<vmem>>, vector<16xf32>,
    %get3A_346 = arith.constant 848 : index
    %get3A_347 = tpu.vector_load %arg10[%get3A_346] {strides = array<i32>} : memref<5376xi32, #tpu.memory_space<vmem>>, vector<16xi32>,
    %gather3A_348 = tpu.vector_load_idx %arg9[%get3A_347] : memref<50016xf32, #tpu.memory_space<vmem>>[vector<16xi32>], vector<16xf32>,
    %swap3A_349 = arith.constant 848 : index
    %swap3A_350 = tpu.vector_load %arg11[%swap3A_349] {strides = array<i32>} : memref<5376xf32, #tpu.memory_space<vmem>>, vector<16xf32>,
    tpu.vector_store %arg11[%swap3A_349], %gather3A_348 {strides = array<i32>} : memref<5376xf32, #tpu.memory_space<vmem>>, vector<16xf32>,
    %get3A_351 = arith.constant 864 : index
    %get3A_352 = tpu.vector_load %arg10[%get3A_351] {strides = array<i32>} : memref<5376xi32, #tpu.memory_space<vmem>>, vector<16xi32>,
    %gather3A_353 = tpu.vector_load_idx %arg9[%get3A_352] : memref<50016xf32, #tpu.memory_space<vmem>>[vector<16xi32>], vector<16xf32>,
    %swap3A_354 = arith.constant 864 : index
    %swap3A_355 = tpu.vector_load %arg11[%swap3A_354] {strides = array<i32>} : memref<5376xf32, #tpu.memory_space<vmem>>, vector<16xf32>,
    tpu.vector_store %arg11[%swap3A_354], %gather3A_353 {strides = array<i32>} : memref<5376xf32, #tpu.memory_space<vmem>>, vector<16xf32>,
    %get3A_356 = arith.constant 880 : index
    %get3A_357 = tpu.vector_load %arg10[%get3A_356] {strides = array<i32>} : memref<5376xi32, #tpu.memory_space<vmem>>, vector<16xi32>,
    %gather3A_358 = tpu.vector_load_idx %arg9[%get3A_357] : memref<50016xf32, #tpu.memory_space<vmem>>[vector<16xi32>], vector<16xf32>,
    %swap3A_359 = arith.constant 880 : index
    %swap3A_360 = tpu.vector_load %arg11[%swap3A_359] {strides = array<i32>} : memref<5376xf32, #tpu.memory_space<vmem>>, vector<16xf32>,
    tpu.vector_store %arg11[%swap3A_359], %gather3A_358 {strides = array<i32>} : memref<5376xf32, #tpu.memory_space<vmem>>, vector<16xf32>,
    %get3A_361 = arith.constant 896 : index
    %get3A_362 = tpu.vector_load %arg10[%get3A_361] {strides = array<i32>} : memref<5376xi32, #tpu.memory_space<vmem>>, vector<16xi32>,
    %gather3A_363 = tpu.vector_load_idx %arg9[%get3A_362] : memref<50016xf32, #tpu.memory_space<vmem>>[vector<16xi32>], vector<16xf32>,
    %swap3A_364 = arith.constant 896 : index
    %swap3A_365 = tpu.vector_load %arg11[%swap3A_364] {strides = array<i32>} : memref<5376xf32, #tpu.memory_space<vmem>>, vector<16xf32>,
    tpu.vector_store %arg11[%swap3A_364], %gather3A_363 {strides = array<i32>} : memref<5376xf32, #tpu.memory_space<vmem>>, vector<16xf32>,
    %get3A_366 = arith.constant 912 : index
    %get3A_367 = tpu.vector_load %arg10[%get3A_366] {strides = array<i32>} : memref<5376xi32, #tpu.memory_space<vmem>>, vector<16xi32>,
    %gather3A_368 = tpu.vector_load_idx %arg9[%get3A_367] : memref<50016xf32, #tpu.memory_space<vmem>>[vector<16xi32>], vector<16xf32>,
    %swap3A_369 = arith.constant 912 : index
    %swap3A_370 = tpu.vector_load %arg11[%swap3A_369] {strides = array<i32>} : memref<5376xf32, #tpu.memory_space<vmem>>, vector<16xf32>,
    tpu.vector_store %arg11[%swap3A_369], %gather3A_368 {strides = array<i32>} : memref<5376xf32, #tpu.memory_space<vmem>>, vector<16xf32>,
    %get3A_371 = arith.constant 928 : index
    %get3A_372 = tpu.vector_load %arg10[%get3A_371] {strides = array<i32>} : memref<5376xi32, #tpu.memory_space<vmem>>, vector<16xi32>,
    %gather3A_373 = tpu.vector_load_idx %arg9[%get3A_372] : memref<50016xf32, #tpu.memory_space<vmem>>[vector<16xi32>], vector<16xf32>,
    %swap3A_374 = arith.constant 928 : index
    %swap3A_375 = tpu.vector_load %arg11[%swap3A_374] {strides = array<i32>} : memref<5376xf32, #tpu.memory_space<vmem>>, vector<16xf32>,
    tpu.vector_store %arg11[%swap3A_374], %gather3A_373 {strides = array<i32>} : memref<5376xf32, #tpu.memory_space<vmem>>, vector<16xf32>,
    %get3A_376 = arith.constant 944 : index
    %get3A_377 = tpu.vector_load %arg10[%get3A_376] {strides = array<i32>} : memref<5376xi32, #tpu.memory_space<vmem>>, vector<16xi32>,
    %gather3A_378 = tpu.vector_load_idx %arg9[%get3A_377] : memref<50016xf32, #tpu.memory_space<vmem>>[vector<16xi32>], vector<16xf32>,
    %swap3A_379 = arith.constant 944 : index
    %swap3A_380 = tpu.vector_load %arg11[%swap3A_379] {strides = array<i32>} : memref<5376xf32, #tpu.memory_space<vmem>>, vector<16xf32>,
    tpu.vector_store %arg11[%swap3A_379], %gather3A_378 {strides = array<i32>} : memref<5376xf32, #tpu.memory_space<vmem>>, vector<16xf32>,
    %get3A_381 = arith.constant 960 : index
    %get3A_382 = tpu.vector_load %arg10[%get3A_381] {strides = array<i32>} : memref<5376xi32, #tpu.memory_space<vmem>>, vector<16xi32>,
    %gather3A_383 = tpu.vector_load_idx %arg9[%get3A_382] : memref<50016xf32, #tpu.memory_space<vmem>>[vector<16xi32>], vector<16xf32>,
    %swap3A_384 = arith.constant 960 : index
    %swap3A_385 = tpu.vector_load %arg11[%swap3A_384] {strides = array<i32>} : memref<5376xf32, #tpu.memory_space<vmem>>, vector<16xf32>,
    tpu.vector_store %arg11[%swap3A_384], %gather3A_383 {strides = array<i32>} : memref<5376xf32, #tpu.memory_space<vmem>>, vector<16xf32>,
    %get3A_386 = arith.constant 976 : index
    %get3A_387 = tpu.vector_load %arg10[%get3A_386] {strides = array<i32>} : memref<5376xi32, #tpu.memory_space<vmem>>, vector<16xi32>,
    %gather3A_388 = tpu.vector_load_idx %arg9[%get3A_387] : memref<50016xf32, #tpu.memory_space<vmem>>[vector<16xi32>], vector<16xf32>,
    %swap3A_389 = arith.constant 976 : index
    %swap3A_390 = tpu.vector_load %arg11[%swap3A_389] {strides = array<i32>} : memref<5376xf32, #tpu.memory_space<vmem>>, vector<16xf32>,
    tpu.vector_store %arg11[%swap3A_389], %gather3A_388 {strides = array<i32>} : memref<5376xf32, #tpu.memory_space<vmem>>, vector<16xf32>,
    %get3A_391 = arith.constant 992 : index
    %get3A_392 = tpu.vector_load %arg10[%get3A_391] {strides = array<i32>} : memref<5376xi32, #tpu.memory_space<vmem>>, vector<16xi32>,
    %gather3A_393 = tpu.vector_load_idx %arg9[%get3A_392] : memref<50016xf32, #tpu.memory_space<vmem>>[vector<16xi32>], vector<16xf32>,
    %swap3A_394 = arith.constant 992 : index
    %swap3A_395 = tpu.vector_load %arg11[%swap3A_394] {strides = array<i32>} : memref<5376xf32, #tpu.memory_space<vmem>>, vector<16xf32>,
    tpu.vector_store %arg11[%swap3A_394], %gather3A_393 {strides = array<i32>} : memref<5376xf32, #tpu.memory_space<vmem>>, vector<16xf32>,
    %get3A_396 = arith.constant 1008 : index
    %get3A_397 = tpu.vector_load %arg10[%get3A_396] {strides = array<i32>} : memref<5376xi32, #tpu.memory_space<vmem>>, vector<16xi32>,
    %gather3A_398 = tpu.vector_load_idx %arg9[%get3A_397] : memref<50016xf32, #tpu.memory_space<vmem>>[vector<16xi32>], vector<16xf32>,
    %swap3A_399 = arith.constant 1008 : index
    %swap3A_400 = tpu.vector_load %arg11[%swap3A_399] {strides = array<i32>} : memref<5376xf32, #tpu.memory_space<vmem>>, vector<16xf32>,
    tpu.vector_store %arg11[%swap3A_399], %gather3A_398 {strides = array<i32>} : memref<5376xf32, #tpu.memory_space<vmem>>, vector<16xf32>,
    %get3A_401 = arith.constant 1024 : index
    %get3A_402 = tpu.vector_load %arg10[%get3A_401] {strides = array<i32>} : memref<5376xi32, #tpu.memory_space<vmem>>, vector<16xi32>,
    %gather3A_403 = tpu.vector_load_idx %arg9[%get3A_402] : memref<50016xf32, #tpu.memory_space<vmem>>[vector<16xi32>], vector<16xf32>,
    %swap3A_404 = arith.constant 1024 : index
    %swap3A_405 = tpu.vector_load %arg11[%swap3A_404] {strides = array<i32>} : memref<5376xf32, #tpu.memory_space<vmem>>, vector<16xf32>,
    tpu.vector_store %arg11[%swap3A_404], %gather3A_403 {strides = array<i32>} : memref<5376xf32, #tpu.memory_space<vmem>>, vector<16xf32>,
    %get3A_406 = arith.constant 1040 : index
    %get3A_407 = tpu.vector_load %arg10[%get3A_406] {strides = array<i32>} : memref<5376xi32, #tpu.memory_space<vmem>>, vector<16xi32>,
    %gather3A_408 = tpu.vector_load_idx %arg9[%get3A_407] : memref<50016xf32, #tpu.memory_space<vmem>>[vector<16xi32>], vector<16xf32>,
    %swap3A_409 = arith.constant 1040 : index
    %swap3A_410 = tpu.vector_load %arg11[%swap3A_409] {strides = array<i32>} : memref<5376xf32, #tpu.memory_space<vmem>>, vector<16xf32>,
    tpu.vector_store %arg11[%swap3A_409], %gather3A_408 {strides = array<i32>} : memref<5376xf32, #tpu.memory_space<vmem>>, vector<16xf32>,
    %get3A_411 = arith.constant 1056 : index
    %get3A_412 = tpu.vector_load %arg10[%get3A_411] {strides = array<i32>} : memref<5376xi32, #tpu.memory_space<vmem>>, vector<16xi32>,
    %gather3A_413 = tpu.vector_load_idx %arg9[%get3A_412] : memref<50016xf32, #tpu.memory_space<vmem>>[vector<16xi32>], vector<16xf32>,
    %swap3A_414 = arith.constant 1056 : index
    %swap3A_415 = tpu.vector_load %arg11[%swap3A_414] {strides = array<i32>} : memref<5376xf32, #tpu.memory_space<vmem>>, vector<16xf32>,
    tpu.vector_store %arg11[%swap3A_414], %gather3A_413 {strides = array<i32>} : memref<5376xf32, #tpu.memory_space<vmem>>, vector<16xf32>,
    %get3A_416 = arith.constant 1072 : index
    %get3A_417 = tpu.vector_load %arg10[%get3A_416] {strides = array<i32>} : memref<5376xi32, #tpu.memory_space<vmem>>, vector<16xi32>,
    %gather3A_418 = tpu.vector_load_idx %arg9[%get3A_417] : memref<50016xf32, #tpu.memory_space<vmem>>[vector<16xi32>], vector<16xf32>,
    %swap3A_419 = arith.constant 1072 : index
    %swap3A_420 = tpu.vector_load %arg11[%swap3A_419] {strides = array<i32>} : memref<5376xf32, #tpu.memory_space<vmem>>, vector<16xf32>,
    tpu.vector_store %arg11[%swap3A_419], %gather3A_418 {strides = array<i32>} : memref<5376xf32, #tpu.memory_space<vmem>>, vector<16xf32>,
    %get3A_421 = arith.constant 1088 : index
    %get3A_422 = tpu.vector_load %arg10[%get3A_421] {strides = array<i32>} : memref<5376xi32, #tpu.memory_space<vmem>>, vector<16xi32>,
    %gather3A_423 = tpu.vector_load_idx %arg9[%get3A_422] : memref<50016xf32, #tpu.memory_space<vmem>>[vector<16xi32>], vector<16xf32>,
    %swap3A_424 = arith.constant 1088 : index
    %swap3A_425 = tpu.vector_load %arg11[%swap3A_424] {strides = array<i32>} : memref<5376xf32, #tpu.memory_space<vmem>>, vector<16xf32>,
    tpu.vector_store %arg11[%swap3A_424], %gather3A_423 {strides = array<i32>} : memref<5376xf32, #tpu.memory_space<vmem>>, vector<16xf32>,
    %get3A_426 = arith.constant 1104 : index
    %get3A_427 = tpu.vector_load %arg10[%get3A_426] {strides = array<i32>} : memref<5376xi32, #tpu.memory_space<vmem>>, vector<16xi32>,
    %gather3A_428 = tpu.vector_load_idx %arg9[%get3A_427] : memref<50016xf32, #tpu.memory_space<vmem>>[vector<16xi32>], vector<16xf32>,
    %swap3A_429 = arith.constant 1104 : index
    %swap3A_430 = tpu.vector_load %arg11[%swap3A_429] {strides = array<i32>} : memref<5376xf32, #tpu.memory_space<vmem>>, vector<16xf32>,
    tpu.vector_store %arg11[%swap3A_429], %gather3A_428 {strides = array<i32>} : memref<5376xf32, #tpu.memory_space<vmem>>, vector<16xf32>,
    %get3A_431 = arith.constant 1120 : index
    %get3A_432 = tpu.vector_load %arg10[%get3A_431] {strides = array<i32>} : memref<5376xi32, #tpu.memory_space<vmem>>, vector<16xi32>,
    %gather3A_433 = tpu.vector_load_idx %arg9[%get3A_432] : memref<50016xf32, #tpu.memory_space<vmem>>[vector<16xi32>], vector<16xf32>,
    %swap3A_434 = arith.constant 1120 : index
    %swap3A_435 = tpu.vector_load %arg11[%swap3A_434] {strides = array<i32>} : memref<5376xf32, #tpu.memory_space<vmem>>, vector<16xf32>,
    tpu.vector_store %arg11[%swap3A_434], %gather3A_433 {strides = array<i32>} : memref<5376xf32, #tpu.memory_space<vmem>>, vector<16xf32>,
    %get3A_436 = arith.constant 1136 : index
    %get3A_437 = tpu.vector_load %arg10[%get3A_436] {strides = array<i32>} : memref<5376xi32, #tpu.memory_space<vmem>>, vector<16xi32>,
    %gather3A_438 = tpu.vector_load_idx %arg9[%get3A_437] : memref<50016xf32, #tpu.memory_space<vmem>>[vector<16xi32>], vector<16xf32>,
    %swap3A_439 = arith.constant 1136 : index
    %swap3A_440 = tpu.vector_load %arg11[%swap3A_439] {strides = array<i32>} : memref<5376xf32, #tpu.memory_space<vmem>>, vector<16xf32>,
    tpu.vector_store %arg11[%swap3A_439], %gather3A_438 {strides = array<i32>} : memref<5376xf32, #tpu.memory_space<vmem>>, vector<16xf32>,
    %get3A_441 = arith.constant 1152 : index
    %get3A_442 = tpu.vector_load %arg10[%get3A_441] {strides = array<i32>} : memref<5376xi32, #tpu.memory_space<vmem>>, vector<16xi32>,
    %gather3A_443 = tpu.vector_load_idx %arg9[%get3A_442] : memref<50016xf32, #tpu.memory_space<vmem>>[vector<16xi32>], vector<16xf32>,
    %swap3A_444 = arith.constant 1152 : index
    %swap3A_445 = tpu.vector_load %arg11[%swap3A_444] {strides = array<i32>} : memref<5376xf32, #tpu.memory_space<vmem>>, vector<16xf32>,
    tpu.vector_store %arg11[%swap3A_444], %gather3A_443 {strides = array<i32>} : memref<5376xf32, #tpu.memory_space<vmem>>, vector<16xf32>,
    %get3A_446 = arith.constant 1168 : index
    %get3A_447 = tpu.vector_load %arg10[%get3A_446] {strides = array<i32>} : memref<5376xi32, #tpu.memory_space<vmem>>, vector<16xi32>,
    %gather3A_448 = tpu.vector_load_idx %arg9[%get3A_447] : memref<50016xf32, #tpu.memory_space<vmem>>[vector<16xi32>], vector<16xf32>,
    %swap3A_449 = arith.constant 1168 : index
    %swap3A_450 = tpu.vector_load %arg11[%swap3A_449] {strides = array<i32>} : memref<5376xf32, #tpu.memory_space<vmem>>, vector<16xf32>,
    tpu.vector_store %arg11[%swap3A_449], %gather3A_448 {strides = array<i32>} : memref<5376xf32, #tpu.memory_space<vmem>>, vector<16xf32>,
    %get3A_451 = arith.constant 1184 : index
    %get3A_452 = tpu.vector_load %arg10[%get3A_451] {strides = array<i32>} : memref<5376xi32, #tpu.memory_space<vmem>>, vector<16xi32>,
    %gather3A_453 = tpu.vector_load_idx %arg9[%get3A_452] : memref<50016xf32, #tpu.memory_space<vmem>>[vector<16xi32>], vector<16xf32>,
    %swap3A_454 = arith.constant 1184 : index
    %swap3A_455 = tpu.vector_load %arg11[%swap3A_454] {strides = array<i32>} : memref<5376xf32, #tpu.memory_space<vmem>>, vector<16xf32>,
    tpu.vector_store %arg11[%swap3A_454], %gather3A_453 {strides = array<i32>} : memref<5376xf32, #tpu.memory_space<vmem>>, vector<16xf32>,
    %get3A_456 = arith.constant 1200 : index
    %get3A_457 = tpu.vector_load %arg10[%get3A_456] {strides = array<i32>} : memref<5376xi32, #tpu.memory_space<vmem>>, vector<16xi32>,
    %gather3A_458 = tpu.vector_load_idx %arg9[%get3A_457] : memref<50016xf32, #tpu.memory_space<vmem>>[vector<16xi32>], vector<16xf32>,
    %swap3A_459 = arith.constant 1200 : index
    %swap3A_460 = tpu.vector_load %arg11[%swap3A_459] {strides = array<i32>} : memref<5376xf32, #tpu.memory_space<vmem>>, vector<16xf32>,
    tpu.vector_store %arg11[%swap3A_459], %gather3A_458 {strides = array<i32>} : memref<5376xf32, #tpu.memory_space<vmem>>, vector<16xf32>,
    %get3A_461 = arith.constant 1216 : index
    %get3A_462 = tpu.vector_load %arg10[%get3A_461] {strides = array<i32>} : memref<5376xi32, #tpu.memory_space<vmem>>, vector<16xi32>,
    %gather3A_463 = tpu.vector_load_idx %arg9[%get3A_462] : memref<50016xf32, #tpu.memory_space<vmem>>[vector<16xi32>], vector<16xf32>,
    %swap3A_464 = arith.constant 1216 : index
    %swap3A_465 = tpu.vector_load %arg11[%swap3A_464] {strides = array<i32>} : memref<5376xf32, #tpu.memory_space<vmem>>, vector<16xf32>,
    tpu.vector_store %arg11[%swap3A_464], %gather3A_463 {strides = array<i32>} : memref<5376xf32, #tpu.memory_space<vmem>>, vector<16xf32>,
    %get3A_466 = arith.constant 1232 : index
    %get3A_467 = tpu.vector_load %arg10[%get3A_466] {strides = array<i32>} : memref<5376xi32, #tpu.memory_space<vmem>>, vector<16xi32>,
    %gather3A_468 = tpu.vector_load_idx %arg9[%get3A_467] : memref<50016xf32, #tpu.memory_space<vmem>>[vector<16xi32>], vector<16xf32>,
    %swap3A_469 = arith.constant 1232 : index
    %swap3A_470 = tpu.vector_load %arg11[%swap3A_469] {strides = array<i32>} : memref<5376xf32, #tpu.memory_space<vmem>>, vector<16xf32>,
    tpu.vector_store %arg11[%swap3A_469], %gather3A_468 {strides = array<i32>} : memref<5376xf32, #tpu.memory_space<vmem>>, vector<16xf32>,
    %get3A_471 = arith.constant 1248 : index
    %get3A_472 = tpu.vector_load %arg10[%get3A_471] {strides = array<i32>} : memref<5376xi32, #tpu.memory_space<vmem>>, vector<16xi32>,
    %gather3A_473 = tpu.vector_load_idx %arg9[%get3A_472] : memref<50016xf32, #tpu.memory_space<vmem>>[vector<16xi32>], vector<16xf32>,
    %swap3A_474 = arith.constant 1248 : index
    %swap3A_475 = tpu.vector_load %arg11[%swap3A_474] {strides = array<i32>} : memref<5376xf32, #tpu.memory_space<vmem>>, vector<16xf32>,
    tpu.vector_store %arg11[%swap3A_474], %gather3A_473 {strides = array<i32>} : memref<5376xf32, #tpu.memory_space<vmem>>, vector<16xf32>,
    %get3A_476 = arith.constant 1264 : index
    %get3A_477 = tpu.vector_load %arg10[%get3A_476] {strides = array<i32>} : memref<5376xi32, #tpu.memory_space<vmem>>, vector<16xi32>,
    %gather3A_478 = tpu.vector_load_idx %arg9[%get3A_477] : memref<50016xf32, #tpu.memory_space<vmem>>[vector<16xi32>], vector<16xf32>,
    %swap3A_479 = arith.constant 1264 : index
    %swap3A_480 = tpu.vector_load %arg11[%swap3A_479] {strides = array<i32>} : memref<5376xf32, #tpu.memory_space<vmem>>, vector<16xf32>,
    tpu.vector_store %arg11[%swap3A_479], %gather3A_478 {strides = array<i32>} : memref<5376xf32, #tpu.memory_space<vmem>>, vector<16xf32>,
    %get3A_481 = arith.constant 1280 : index
    %get3A_482 = tpu.vector_load %arg10[%get3A_481] {strides = array<i32>} : memref<5376xi32, #tpu.memory_space<vmem>>, vector<16xi32>,
    %gather3A_483 = tpu.vector_load_idx %arg9[%get3A_482] : memref<50016xf32, #tpu.memory_space<vmem>>[vector<16xi32>], vector<16xf32>,
    %swap3A_484 = arith.constant 1280 : index
    %swap3A_485 = tpu.vector_load %arg11[%swap3A_484] {strides = array<i32>} : memref<5376xf32, #tpu.memory_space<vmem>>, vector<16xf32>,
    tpu.vector_store %arg11[%swap3A_484], %gather3A_483 {strides = array<i32>} : memref<5376xf32, #tpu.memory_space<vmem>>, vector<16xf32>,
    %get3A_486 = arith.constant 1296 : index
    %get3A_487 = tpu.vector_load %arg10[%get3A_486] {strides = array<i32>} : memref<5376xi32, #tpu.memory_space<vmem>>, vector<16xi32>,
    %gather3A_488 = tpu.vector_load_idx %arg9[%get3A_487] : memref<50016xf32, #tpu.memory_space<vmem>>[vector<16xi32>], vector<16xf32>,
    %swap3A_489 = arith.constant 1296 : index
    %swap3A_490 = tpu.vector_load %arg11[%swap3A_489] {strides = array<i32>} : memref<5376xf32, #tpu.memory_space<vmem>>, vector<16xf32>,
    tpu.vector_store %arg11[%swap3A_489], %gather3A_488 {strides = array<i32>} : memref<5376xf32, #tpu.memory_space<vmem>>, vector<16xf32>,
    %get3A_491 = arith.constant 1312 : index
    %get3A_492 = tpu.vector_load %arg10[%get3A_491] {strides = array<i32>} : memref<5376xi32, #tpu.memory_space<vmem>>, vector<16xi32>,
    %gather3A_493 = tpu.vector_load_idx %arg9[%get3A_492] : memref<50016xf32, #tpu.memory_space<vmem>>[vector<16xi32>], vector<16xf32>,
    %swap3A_494 = arith.constant 1312 : index
    %swap3A_495 = tpu.vector_load %arg11[%swap3A_494] {strides = array<i32>} : memref<5376xf32, #tpu.memory_space<vmem>>, vector<16xf32>,
    tpu.vector_store %arg11[%swap3A_494], %gather3A_493 {strides = array<i32>} : memref<5376xf32, #tpu.memory_space<vmem>>, vector<16xf32>,
    %get3A_496 = arith.constant 1328 : index
    %get3A_497 = tpu.vector_load %arg10[%get3A_496] {strides = array<i32>} : memref<5376xi32, #tpu.memory_space<vmem>>, vector<16xi32>,
    %gather3A_498 = tpu.vector_load_idx %arg9[%get3A_497] : memref<50016xf32, #tpu.memory_space<vmem>>[vector<16xi32>], vector<16xf32>,
    %swap3A_499 = arith.constant 1328 : index
    %swap3A_500 = tpu.vector_load %arg11[%swap3A_499] {strides = array<i32>} : memref<5376xf32, #tpu.memory_space<vmem>>, vector<16xf32>,
    tpu.vector_store %arg11[%swap3A_499], %gather3A_498 {strides = array<i32>} : memref<5376xf32, #tpu.memory_space<vmem>>, vector<16xf32>,
    %get3A_501 = arith.constant 1344 : index
    %get3A_502 = tpu.vector_load %arg10[%get3A_501] {strides = array<i32>} : memref<5376xi32, #tpu.memory_space<vmem>>, vector<16xi32>,
    %gather3A_503 = tpu.vector_load_idx %arg9[%get3A_502] : memref<50016xf32, #tpu.memory_space<vmem>>[vector<16xi32>], vector<16xf32>,
    %swap3A_504 = arith.constant 1344 : index
    %swap3A_505 = tpu.vector_load %arg11[%swap3A_504] {strides = array<i32>} : memref<5376xf32, #tpu.memory_space<vmem>>, vector<16xf32>,
    tpu.vector_store %arg11[%swap3A_504], %gather3A_503 {strides = array<i32>} : memref<5376xf32, #tpu.memory_space<vmem>>, vector<16xf32>,
    %get3A_506 = arith.constant 1360 : index
    %get3A_507 = tpu.vector_load %arg10[%get3A_506] {strides = array<i32>} : memref<5376xi32, #tpu.memory_space<vmem>>, vector<16xi32>,
    %gather3A_508 = tpu.vector_load_idx %arg9[%get3A_507] : memref<50016xf32, #tpu.memory_space<vmem>>[vector<16xi32>], vector<16xf32>,
    %swap3A_509 = arith.constant 1360 : index
    %swap3A_510 = tpu.vector_load %arg11[%swap3A_509] {strides = array<i32>} : memref<5376xf32, #tpu.memory_space<vmem>>, vector<16xf32>,
    tpu.vector_store %arg11[%swap3A_509], %gather3A_508 {strides = array<i32>} : memref<5376xf32, #tpu.memory_space<vmem>>, vector<16xf32>,
    %get3A_511 = arith.constant 1376 : index
    %get3A_512 = tpu.vector_load %arg10[%get3A_511] {strides = array<i32>} : memref<5376xi32, #tpu.memory_space<vmem>>, vector<16xi32>,
    %gather3A_513 = tpu.vector_load_idx %arg9[%get3A_512] : memref<50016xf32, #tpu.memory_space<vmem>>[vector<16xi32>], vector<16xf32>,
    %swap3A_514 = arith.constant 1376 : index
    %swap3A_515 = tpu.vector_load %arg11[%swap3A_514] {strides = array<i32>} : memref<5376xf32, #tpu.memory_space<vmem>>, vector<16xf32>,
    tpu.vector_store %arg11[%swap3A_514], %gather3A_513 {strides = array<i32>} : memref<5376xf32, #tpu.memory_space<vmem>>, vector<16xf32>,
    %get3A_516 = arith.constant 1392 : index
    %get3A_517 = tpu.vector_load %arg10[%get3A_516] {strides = array<i32>} : memref<5376xi32, #tpu.memory_space<vmem>>, vector<16xi32>,
    %gather3A_518 = tpu.vector_load_idx %arg9[%get3A_517] : memref<50016xf32, #tpu.memory_space<vmem>>[vector<16xi32>], vector<16xf32>,
    %swap3A_519 = arith.constant 1392 : index
    %swap3A_520 = tpu.vector_load %arg11[%swap3A_519] {strides = array<i32>} : memref<5376xf32, #tpu.memory_space<vmem>>, vector<16xf32>,
    tpu.vector_store %arg11[%swap3A_519], %gather3A_518 {strides = array<i32>} : memref<5376xf32, #tpu.memory_space<vmem>>, vector<16xf32>,
    %get3A_521 = arith.constant 1408 : index
    %get3A_522 = tpu.vector_load %arg10[%get3A_521] {strides = array<i32>} : memref<5376xi32, #tpu.memory_space<vmem>>, vector<16xi32>,
    %gather3A_523 = tpu.vector_load_idx %arg9[%get3A_522] : memref<50016xf32, #tpu.memory_space<vmem>>[vector<16xi32>], vector<16xf32>,
    %swap3A_524 = arith.constant 1408 : index
    %swap3A_525 = tpu.vector_load %arg11[%swap3A_524] {strides = array<i32>} : memref<5376xf32, #tpu.memory_space<vmem>>, vector<16xf32>,
    tpu.vector_store %arg11[%swap3A_524], %gather3A_523 {strides = array<i32>} : memref<5376xf32, #tpu.memory_space<vmem>>, vector<16xf32>,
    %get3A_526 = arith.constant 1424 : index
    %get3A_527 = tpu.vector_load %arg10[%get3A_526] {strides = array<i32>} : memref<5376xi32, #tpu.memory_space<vmem>>, vector<16xi32>,
    %gather3A_528 = tpu.vector_load_idx %arg9[%get3A_527] : memref<50016xf32, #tpu.memory_space<vmem>>[vector<16xi32>], vector<16xf32>,
    %swap3A_529 = arith.constant 1424 : index
    %swap3A_530 = tpu.vector_load %arg11[%swap3A_529] {strides = array<i32>} : memref<5376xf32, #tpu.memory_space<vmem>>, vector<16xf32>,
    tpu.vector_store %arg11[%swap3A_529], %gather3A_528 {strides = array<i32>} : memref<5376xf32, #tpu.memory_space<vmem>>, vector<16xf32>,
    %get3A_531 = arith.constant 1440 : index
    %get3A_532 = tpu.vector_load %arg10[%get3A_531] {strides = array<i32>} : memref<5376xi32, #tpu.memory_space<vmem>>, vector<16xi32>,
    %gather3A_533 = tpu.vector_load_idx %arg9[%get3A_532] : memref<50016xf32, #tpu.memory_space<vmem>>[vector<16xi32>], vector<16xf32>,
    %swap3A_534 = arith.constant 1440 : index
    %swap3A_535 = tpu.vector_load %arg11[%swap3A_534] {strides = array<i32>} : memref<5376xf32, #tpu.memory_space<vmem>>, vector<16xf32>,
    tpu.vector_store %arg11[%swap3A_534], %gather3A_533 {strides = array<i32>} : memref<5376xf32, #tpu.memory_space<vmem>>, vector<16xf32>,
    %get3A_536 = arith.constant 1456 : index
    %get3A_537 = tpu.vector_load %arg10[%get3A_536] {strides = array<i32>} : memref<5376xi32, #tpu.memory_space<vmem>>, vector<16xi32>,
    %gather3A_538 = tpu.vector_load_idx %arg9[%get3A_537] : memref<50016xf32, #tpu.memory_space<vmem>>[vector<16xi32>], vector<16xf32>,
    %swap3A_539 = arith.constant 1456 : index
    %swap3A_540 = tpu.vector_load %arg11[%swap3A_539] {strides = array<i32>} : memref<5376xf32, #tpu.memory_space<vmem>>, vector<16xf32>,
    tpu.vector_store %arg11[%swap3A_539], %gather3A_538 {strides = array<i32>} : memref<5376xf32, #tpu.memory_space<vmem>>, vector<16xf32>,
    %get3A_541 = arith.constant 1472 : index
    %get3A_542 = tpu.vector_load %arg10[%get3A_541] {strides = array<i32>} : memref<5376xi32, #tpu.memory_space<vmem>>, vector<16xi32>,
    %gather3A_543 = tpu.vector_load_idx %arg9[%get3A_542] : memref<50016xf32, #tpu.memory_space<vmem>>[vector<16xi32>], vector<16xf32>,
    %swap3A_544 = arith.constant 1472 : index
    %swap3A_545 = tpu.vector_load %arg11[%swap3A_544] {strides = array<i32>} : memref<5376xf32, #tpu.memory_space<vmem>>, vector<16xf32>,
    tpu.vector_store %arg11[%swap3A_544], %gather3A_543 {strides = array<i32>} : memref<5376xf32, #tpu.memory_space<vmem>>, vector<16xf32>,
    %get3A_546 = arith.constant 1488 : index
    %get3A_547 = tpu.vector_load %arg10[%get3A_546] {strides = array<i32>} : memref<5376xi32, #tpu.memory_space<vmem>>, vector<16xi32>,
    %gather3A_548 = tpu.vector_load_idx %arg9[%get3A_547] : memref<50016xf32, #tpu.memory_space<vmem>>[vector<16xi32>], vector<16xf32>,
    %swap3A_549 = arith.constant 1488 : index
    %swap3A_550 = tpu.vector_load %arg11[%swap3A_549] {strides = array<i32>} : memref<5376xf32, #tpu.memory_space<vmem>>, vector<16xf32>,
    tpu.vector_store %arg11[%swap3A_549], %gather3A_548 {strides = array<i32>} : memref<5376xf32, #tpu.memory_space<vmem>>, vector<16xf32>,
    %get3A_551 = arith.constant 1504 : index
    %get3A_552 = tpu.vector_load %arg10[%get3A_551] {strides = array<i32>} : memref<5376xi32, #tpu.memory_space<vmem>>, vector<16xi32>,
    %gather3A_553 = tpu.vector_load_idx %arg9[%get3A_552] : memref<50016xf32, #tpu.memory_space<vmem>>[vector<16xi32>], vector<16xf32>,
    %swap3A_554 = arith.constant 1504 : index
    %swap3A_555 = tpu.vector_load %arg11[%swap3A_554] {strides = array<i32>} : memref<5376xf32, #tpu.memory_space<vmem>>, vector<16xf32>,
    tpu.vector_store %arg11[%swap3A_554], %gather3A_553 {strides = array<i32>} : memref<5376xf32, #tpu.memory_space<vmem>>, vector<16xf32>,
    %get3A_556 = arith.constant 1520 : index
    %get3A_557 = tpu.vector_load %arg10[%get3A_556] {strides = array<i32>} : memref<5376xi32, #tpu.memory_space<vmem>>, vector<16xi32>,
    %gather3A_558 = tpu.vector_load_idx %arg9[%get3A_557] : memref<50016xf32, #tpu.memory_space<vmem>>[vector<16xi32>], vector<16xf32>,
    %swap3A_559 = arith.constant 1520 : index
    %swap3A_560 = tpu.vector_load %arg11[%swap3A_559] {strides = array<i32>} : memref<5376xf32, #tpu.memory_space<vmem>>, vector<16xf32>,
    tpu.vector_store %arg11[%swap3A_559], %gather3A_558 {strides = array<i32>} : memref<5376xf32, #tpu.memory_space<vmem>>, vector<16xf32>,
    %get3A_561 = arith.constant 1536 : index
    %get3A_562 = tpu.vector_load %arg10[%get3A_561] {strides = array<i32>} : memref<5376xi32, #tpu.memory_space<vmem>>, vector<16xi32>,
    %gather3A_563 = tpu.vector_load_idx %arg9[%get3A_562] : memref<50016xf32, #tpu.memory_space<vmem>>[vector<16xi32>], vector<16xf32>,
    %swap3A_564 = arith.constant 1536 : index
    %swap3A_565 = tpu.vector_load %arg11[%swap3A_564] {strides = array<i32>} : memref<5376xf32, #tpu.memory_space<vmem>>, vector<16xf32>,
    tpu.vector_store %arg11[%swap3A_564], %gather3A_563 {strides = array<i32>} : memref<5376xf32, #tpu.memory_space<vmem>>, vector<16xf32>,
    %get3A_566 = arith.constant 1552 : index
    %get3A_567 = tpu.vector_load %arg10[%get3A_566] {strides = array<i32>} : memref<5376xi32, #tpu.memory_space<vmem>>, vector<16xi32>,
    %gather3A_568 = tpu.vector_load_idx %arg9[%get3A_567] : memref<50016xf32, #tpu.memory_space<vmem>>[vector<16xi32>], vector<16xf32>,
    %swap3A_569 = arith.constant 1552 : index
    %swap3A_570 = tpu.vector_load %arg11[%swap3A_569] {strides = array<i32>} : memref<5376xf32, #tpu.memory_space<vmem>>, vector<16xf32>,
    tpu.vector_store %arg11[%swap3A_569], %gather3A_568 {strides = array<i32>} : memref<5376xf32, #tpu.memory_space<vmem>>, vector<16xf32>,
    %get3A_571 = arith.constant 1568 : index
    %get3A_572 = tpu.vector_load %arg10[%get3A_571] {strides = array<i32>} : memref<5376xi32, #tpu.memory_space<vmem>>, vector<16xi32>,
    %gather3A_573 = tpu.vector_load_idx %arg9[%get3A_572] : memref<50016xf32, #tpu.memory_space<vmem>>[vector<16xi32>], vector<16xf32>,
    %swap3A_574 = arith.constant 1568 : index
    %swap3A_575 = tpu.vector_load %arg11[%swap3A_574] {strides = array<i32>} : memref<5376xf32, #tpu.memory_space<vmem>>, vector<16xf32>,
    tpu.vector_store %arg11[%swap3A_574], %gather3A_573 {strides = array<i32>} : memref<5376xf32, #tpu.memory_space<vmem>>, vector<16xf32>,
    %get3A_576 = arith.constant 1584 : index
    %get3A_577 = tpu.vector_load %arg10[%get3A_576] {strides = array<i32>} : memref<5376xi32, #tpu.memory_space<vmem>>, vector<16xi32>,
    %gather3A_578 = tpu.vector_load_idx %arg9[%get3A_577] : memref<50016xf32, #tpu.memory_space<vmem>>[vector<16xi32>], vector<16xf32>,
    %swap3A_579 = arith.constant 1584 : index
    %swap3A_580 = tpu.vector_load %arg11[%swap3A_579] {strides = array<i32>} : memref<5376xf32, #tpu.memory_space<vmem>>, vector<16xf32>,
    tpu.vector_store %arg11[%swap3A_579], %gather3A_578 {strides = array<i32>} : memref<5376xf32, #tpu.memory_space<vmem>>, vector<16xf32>,
    %get3A_581 = arith.constant 1600 : index
    %get3A_582 = tpu.vector_load %arg10[%get3A_581] {strides = array<i32>} : memref<5376xi32, #tpu.memory_space<vmem>>, vector<16xi32>,
    %gather3A_583 = tpu.vector_load_idx %arg9[%get3A_582] : memref<50016xf32, #tpu.memory_space<vmem>>[vector<16xi32>], vector<16xf32>,
    %swap3A_584 = arith.constant 1600 : index
    %swap3A_585 = tpu.vector_load %arg11[%swap3A_584] {strides = array<i32>} : memref<5376xf32, #tpu.memory_space<vmem>>, vector<16xf32>,
    tpu.vector_store %arg11[%swap3A_584], %gather3A_583 {strides = array<i32>} : memref<5376xf32, #tpu.memory_space<vmem>>, vector<16xf32>,
    %get3A_586 = arith.constant 1616 : index
    %get3A_587 = tpu.vector_load %arg10[%get3A_586] {strides = array<i32>} : memref<5376xi32, #tpu.memory_space<vmem>>, vector<16xi32>,
    %gather3A_588 = tpu.vector_load_idx %arg9[%get3A_587] : memref<50016xf32, #tpu.memory_space<vmem>>[vector<16xi32>], vector<16xf32>,
    %swap3A_589 = arith.constant 1616 : index
    %swap3A_590 = tpu.vector_load %arg11[%swap3A_589] {strides = array<i32>} : memref<5376xf32, #tpu.memory_space<vmem>>, vector<16xf32>,
    tpu.vector_store %arg11[%swap3A_589], %gather3A_588 {strides = array<i32>} : memref<5376xf32, #tpu.memory_space<vmem>>, vector<16xf32>,
    %get3A_591 = arith.constant 1632 : index
    %get3A_592 = tpu.vector_load %arg10[%get3A_591] {strides = array<i32>} : memref<5376xi32, #tpu.memory_space<vmem>>, vector<16xi32>,
    %gather3A_593 = tpu.vector_load_idx %arg9[%get3A_592] : memref<50016xf32, #tpu.memory_space<vmem>>[vector<16xi32>], vector<16xf32>,
    %swap3A_594 = arith.constant 1632 : index
    %swap3A_595 = tpu.vector_load %arg11[%swap3A_594] {strides = array<i32>} : memref<5376xf32, #tpu.memory_space<vmem>>, vector<16xf32>,
    tpu.vector_store %arg11[%swap3A_594], %gather3A_593 {strides = array<i32>} : memref<5376xf32, #tpu.memory_space<vmem>>, vector<16xf32>,
    %get3A_596 = arith.constant 1648 : index
    %get3A_597 = tpu.vector_load %arg10[%get3A_596] {strides = array<i32>} : memref<5376xi32, #tpu.memory_space<vmem>>, vector<16xi32>,
    %gather3A_598 = tpu.vector_load_idx %arg9[%get3A_597] : memref<50016xf32, #tpu.memory_space<vmem>>[vector<16xi32>], vector<16xf32>,
    %swap3A_599 = arith.constant 1648 : index
    %swap3A_600 = tpu.vector_load %arg11[%swap3A_599] {strides = array<i32>} : memref<5376xf32, #tpu.memory_space<vmem>>, vector<16xf32>,
    tpu.vector_store %arg11[%swap3A_599], %gather3A_598 {strides = array<i32>} : memref<5376xf32, #tpu.memory_space<vmem>>, vector<16xf32>,
    %get3A_601 = arith.constant 1664 : index
    %get3A_602 = tpu.vector_load %arg10[%get3A_601] {strides = array<i32>} : memref<5376xi32, #tpu.memory_space<vmem>>, vector<16xi32>,
    %gather3A_603 = tpu.vector_load_idx %arg9[%get3A_602] : memref<50016xf32, #tpu.memory_space<vmem>>[vector<16xi32>], vector<16xf32>,
    %swap3A_604 = arith.constant 1664 : index
    %swap3A_605 = tpu.vector_load %arg11[%swap3A_604] {strides = array<i32>} : memref<5376xf32, #tpu.memory_space<vmem>>, vector<16xf32>,
    tpu.vector_store %arg11[%swap3A_604], %gather3A_603 {strides = array<i32>} : memref<5376xf32, #tpu.memory_space<vmem>>, vector<16xf32>,
    %get3A_606 = arith.constant 1680 : index
    %get3A_607 = tpu.vector_load %arg10[%get3A_606] {strides = array<i32>} : memref<5376xi32, #tpu.memory_space<vmem>>, vector<16xi32>,
    %gather3A_608 = tpu.vector_load_idx %arg9[%get3A_607] : memref<50016xf32, #tpu.memory_space<vmem>>[vector<16xi32>], vector<16xf32>,
    %swap3A_609 = arith.constant 1680 : index
    %swap3A_610 = tpu.vector_load %arg11[%swap3A_609] {strides = array<i32>} : memref<5376xf32, #tpu.memory_space<vmem>>, vector<16xf32>,
    tpu.vector_store %arg11[%swap3A_609], %gather3A_608 {strides = array<i32>} : memref<5376xf32, #tpu.memory_space<vmem>>, vector<16xf32>,
    %get3A_611 = arith.constant 1696 : index
    %get3A_612 = tpu.vector_load %arg10[%get3A_611] {strides = array<i32>} : memref<5376xi32, #tpu.memory_space<vmem>>, vector<16xi32>,
    %gather3A_613 = tpu.vector_load_idx %arg9[%get3A_612] : memref<50016xf32, #tpu.memory_space<vmem>>[vector<16xi32>], vector<16xf32>,
    %swap3A_614 = arith.constant 1696 : index
    %swap3A_615 = tpu.vector_load %arg11[%swap3A_614] {strides = array<i32>} : memref<5376xf32, #tpu.memory_space<vmem>>, vector<16xf32>,
    tpu.vector_store %arg11[%swap3A_614], %gather3A_613 {strides = array<i32>} : memref<5376xf32, #tpu.memory_space<vmem>>, vector<16xf32>,
    %get3A_616 = arith.constant 1712 : index
    %get3A_617 = tpu.vector_load %arg10[%get3A_616] {strides = array<i32>} : memref<5376xi32, #tpu.memory_space<vmem>>, vector<16xi32>,
    %gather3A_618 = tpu.vector_load_idx %arg9[%get3A_617] : memref<50016xf32, #tpu.memory_space<vmem>>[vector<16xi32>], vector<16xf32>,
    %swap3A_619 = arith.constant 1712 : index
    %swap3A_620 = tpu.vector_load %arg11[%swap3A_619] {strides = array<i32>} : memref<5376xf32, #tpu.memory_space<vmem>>, vector<16xf32>,
    tpu.vector_store %arg11[%swap3A_619], %gather3A_618 {strides = array<i32>} : memref<5376xf32, #tpu.memory_space<vmem>>, vector<16xf32>,
    %get3A_621 = arith.constant 1728 : index
    %get3A_622 = tpu.vector_load %arg10[%get3A_621] {strides = array<i32>} : memref<5376xi32, #tpu.memory_space<vmem>>, vector<16xi32>,
    %gather3A_623 = tpu.vector_load_idx %arg9[%get3A_622] : memref<50016xf32, #tpu.memory_space<vmem>>[vector<16xi32>], vector<16xf32>,
    %swap3A_624 = arith.constant 1728 : index
    %swap3A_625 = tpu.vector_load %arg11[%swap3A_624] {strides = array<i32>} : memref<5376xf32, #tpu.memory_space<vmem>>, vector<16xf32>,
    tpu.vector_store %arg11[%swap3A_624], %gather3A_623 {strides = array<i32>} : memref<5376xf32, #tpu.memory_space<vmem>>, vector<16xf32>,
    %get3A_626 = arith.constant 1744 : index
    %get3A_627 = tpu.vector_load %arg10[%get3A_626] {strides = array<i32>} : memref<5376xi32, #tpu.memory_space<vmem>>, vector<16xi32>,
    %gather3A_628 = tpu.vector_load_idx %arg9[%get3A_627] : memref<50016xf32, #tpu.memory_space<vmem>>[vector<16xi32>], vector<16xf32>,
    %swap3A_629 = arith.constant 1744 : index
    %swap3A_630 = tpu.vector_load %arg11[%swap3A_629] {strides = array<i32>} : memref<5376xf32, #tpu.memory_space<vmem>>, vector<16xf32>,
    tpu.vector_store %arg11[%swap3A_629], %gather3A_628 {strides = array<i32>} : memref<5376xf32, #tpu.memory_space<vmem>>, vector<16xf32>,
    %get3A_631 = arith.constant 1760 : index
    %get3A_632 = tpu.vector_load %arg10[%get3A_631] {strides = array<i32>} : memref<5376xi32, #tpu.memory_space<vmem>>, vector<16xi32>,
    %gather3A_633 = tpu.vector_load_idx %arg9[%get3A_632] : memref<50016xf32, #tpu.memory_space<vmem>>[vector<16xi32>], vector<16xf32>,
    %swap3A_634 = arith.constant 1760 : index
    %swap3A_635 = tpu.vector_load %arg11[%swap3A_634] {strides = array<i32>} : memref<5376xf32, #tpu.memory_space<vmem>>, vector<16xf32>,
    tpu.vector_store %arg11[%swap3A_634], %gather3A_633 {strides = array<i32>} : memref<5376xf32, #tpu.memory_space<vmem>>, vector<16xf32>,
    %get3A_636 = arith.constant 1776 : index
    %get3A_637 = tpu.vector_load %arg10[%get3A_636] {strides = array<i32>} : memref<5376xi32, #tpu.memory_space<vmem>>, vector<16xi32>,
    %gather3A_638 = tpu.vector_load_idx %arg9[%get3A_637] : memref<50016xf32, #tpu.memory_space<vmem>>[vector<16xi32>], vector<16xf32>,
    %swap3A_639 = arith.constant 1776 : index
    %swap3A_640 = tpu.vector_load %arg11[%swap3A_639] {strides = array<i32>} : memref<5376xf32, #tpu.memory_space<vmem>>, vector<16xf32>,
    tpu.vector_store %arg11[%swap3A_639], %gather3A_638 {strides = array<i32>} : memref<5376xf32, #tpu.memory_space<vmem>>, vector<16xf32>,
    %get3A_641 = arith.constant 1792 : index
    %get3A_642 = tpu.vector_load %arg10[%get3A_641] {strides = array<i32>} : memref<5376xi32, #tpu.memory_space<vmem>>, vector<16xi32>,
    %gather3A_643 = tpu.vector_load_idx %arg9[%get3A_642] : memref<50016xf32, #tpu.memory_space<vmem>>[vector<16xi32>], vector<16xf32>,
    %swap3A_644 = arith.constant 1792 : index
    %swap3A_645 = tpu.vector_load %arg11[%swap3A_644] {strides = array<i32>} : memref<5376xf32, #tpu.memory_space<vmem>>, vector<16xf32>,
    tpu.vector_store %arg11[%swap3A_644], %gather3A_643 {strides = array<i32>} : memref<5376xf32, #tpu.memory_space<vmem>>, vector<16xf32>,
    %get3A_646 = arith.constant 1808 : index
    %get3A_647 = tpu.vector_load %arg10[%get3A_646] {strides = array<i32>} : memref<5376xi32, #tpu.memory_space<vmem>>, vector<16xi32>,
    %gather3A_648 = tpu.vector_load_idx %arg9[%get3A_647] : memref<50016xf32, #tpu.memory_space<vmem>>[vector<16xi32>], vector<16xf32>,
    %swap3A_649 = arith.constant 1808 : index
    %swap3A_650 = tpu.vector_load %arg11[%swap3A_649] {strides = array<i32>} : memref<5376xf32, #tpu.memory_space<vmem>>, vector<16xf32>,
    tpu.vector_store %arg11[%swap3A_649], %gather3A_648 {strides = array<i32>} : memref<5376xf32, #tpu.memory_space<vmem>>, vector<16xf32>,
    %get3A_651 = arith.constant 1824 : index
    %get3A_652 = tpu.vector_load %arg10[%get3A_651] {strides = array<i32>} : memref<5376xi32, #tpu.memory_space<vmem>>, vector<16xi32>,
    %gather3A_653 = tpu.vector_load_idx %arg9[%get3A_652] : memref<50016xf32, #tpu.memory_space<vmem>>[vector<16xi32>], vector<16xf32>,
    %swap3A_654 = arith.constant 1824 : index
    %swap3A_655 = tpu.vector_load %arg11[%swap3A_654] {strides = array<i32>} : memref<5376xf32, #tpu.memory_space<vmem>>, vector<16xf32>,
    tpu.vector_store %arg11[%swap3A_654], %gather3A_653 {strides = array<i32>} : memref<5376xf32, #tpu.memory_space<vmem>>, vector<16xf32>,
    %get3A_656 = arith.constant 1840 : index
    %get3A_657 = tpu.vector_load %arg10[%get3A_656] {strides = array<i32>} : memref<5376xi32, #tpu.memory_space<vmem>>, vector<16xi32>,
    %gather3A_658 = tpu.vector_load_idx %arg9[%get3A_657] : memref<50016xf32, #tpu.memory_space<vmem>>[vector<16xi32>], vector<16xf32>,
    %swap3A_659 = arith.constant 1840 : index
    %swap3A_660 = tpu.vector_load %arg11[%swap3A_659] {strides = array<i32>} : memref<5376xf32, #tpu.memory_space<vmem>>, vector<16xf32>,
    tpu.vector_store %arg11[%swap3A_659], %gather3A_658 {strides = array<i32>} : memref<5376xf32, #tpu.memory_space<vmem>>, vector<16xf32>,
    %get3A_661 = arith.constant 1856 : index
    %get3A_662 = tpu.vector_load %arg10[%get3A_661] {strides = array<i32>} : memref<5376xi32, #tpu.memory_space<vmem>>, vector<16xi32>,
    %gather3A_663 = tpu.vector_load_idx %arg9[%get3A_662] : memref<50016xf32, #tpu.memory_space<vmem>>[vector<16xi32>], vector<16xf32>,
    %swap3A_664 = arith.constant 1856 : index
    %swap3A_665 = tpu.vector_load %arg11[%swap3A_664] {strides = array<i32>} : memref<5376xf32, #tpu.memory_space<vmem>>, vector<16xf32>,
    tpu.vector_store %arg11[%swap3A_664], %gather3A_663 {strides = array<i32>} : memref<5376xf32, #tpu.memory_space<vmem>>, vector<16xf32>,
    %get3A_666 = arith.constant 1872 : index
    %get3A_667 = tpu.vector_load %arg10[%get3A_666] {strides = array<i32>} : memref<5376xi32, #tpu.memory_space<vmem>>, vector<16xi32>,
    %gather3A_668 = tpu.vector_load_idx %arg9[%get3A_667] : memref<50016xf32, #tpu.memory_space<vmem>>[vector<16xi32>], vector<16xf32>,
    %swap3A_669 = arith.constant 1872 : index
    %swap3A_670 = tpu.vector_load %arg11[%swap3A_669] {strides = array<i32>} : memref<5376xf32, #tpu.memory_space<vmem>>, vector<16xf32>,
    tpu.vector_store %arg11[%swap3A_669], %gather3A_668 {strides = array<i32>} : memref<5376xf32, #tpu.memory_space<vmem>>, vector<16xf32>,
    %get3A_671 = arith.constant 1888 : index
    %get3A_672 = tpu.vector_load %arg10[%get3A_671] {strides = array<i32>} : memref<5376xi32, #tpu.memory_space<vmem>>, vector<16xi32>,
    %gather3A_673 = tpu.vector_load_idx %arg9[%get3A_672] : memref<50016xf32, #tpu.memory_space<vmem>>[vector<16xi32>], vector<16xf32>,
    %swap3A_674 = arith.constant 1888 : index
    %swap3A_675 = tpu.vector_load %arg11[%swap3A_674] {strides = array<i32>} : memref<5376xf32, #tpu.memory_space<vmem>>, vector<16xf32>,
    tpu.vector_store %arg11[%swap3A_674], %gather3A_673 {strides = array<i32>} : memref<5376xf32, #tpu.memory_space<vmem>>, vector<16xf32>,
    %get3A_676 = arith.constant 1904 : index
    %get3A_677 = tpu.vector_load %arg10[%get3A_676] {strides = array<i32>} : memref<5376xi32, #tpu.memory_space<vmem>>, vector<16xi32>,
    %gather3A_678 = tpu.vector_load_idx %arg9[%get3A_677] : memref<50016xf32, #tpu.memory_space<vmem>>[vector<16xi32>], vector<16xf32>,
    %swap3A_679 = arith.constant 1904 : index
    %swap3A_680 = tpu.vector_load %arg11[%swap3A_679] {strides = array<i32>} : memref<5376xf32, #tpu.memory_space<vmem>>, vector<16xf32>,
    tpu.vector_store %arg11[%swap3A_679], %gather3A_678 {strides = array<i32>} : memref<5376xf32, #tpu.memory_space<vmem>>, vector<16xf32>,
    %get3A_681 = arith.constant 1920 : index
    %get3A_682 = tpu.vector_load %arg10[%get3A_681] {strides = array<i32>} : memref<5376xi32, #tpu.memory_space<vmem>>, vector<16xi32>,
    %gather3A_683 = tpu.vector_load_idx %arg9[%get3A_682] : memref<50016xf32, #tpu.memory_space<vmem>>[vector<16xi32>], vector<16xf32>,
    %swap3A_684 = arith.constant 1920 : index
    %swap3A_685 = tpu.vector_load %arg11[%swap3A_684] {strides = array<i32>} : memref<5376xf32, #tpu.memory_space<vmem>>, vector<16xf32>,
    tpu.vector_store %arg11[%swap3A_684], %gather3A_683 {strides = array<i32>} : memref<5376xf32, #tpu.memory_space<vmem>>, vector<16xf32>,
    %get3A_686 = arith.constant 1936 : index
    %get3A_687 = tpu.vector_load %arg10[%get3A_686] {strides = array<i32>} : memref<5376xi32, #tpu.memory_space<vmem>>, vector<16xi32>,
    %gather3A_688 = tpu.vector_load_idx %arg9[%get3A_687] : memref<50016xf32, #tpu.memory_space<vmem>>[vector<16xi32>], vector<16xf32>,
    %swap3A_689 = arith.constant 1936 : index
    %swap3A_690 = tpu.vector_load %arg11[%swap3A_689] {strides = array<i32>} : memref<5376xf32, #tpu.memory_space<vmem>>, vector<16xf32>,
    tpu.vector_store %arg11[%swap3A_689], %gather3A_688 {strides = array<i32>} : memref<5376xf32, #tpu.memory_space<vmem>>, vector<16xf32>,
    %get3A_691 = arith.constant 1952 : index
    %get3A_692 = tpu.vector_load %arg10[%get3A_691] {strides = array<i32>} : memref<5376xi32, #tpu.memory_space<vmem>>, vector<16xi32>,
    %gather3A_693 = tpu.vector_load_idx %arg9[%get3A_692] : memref<50016xf32, #tpu.memory_space<vmem>>[vector<16xi32>], vector<16xf32>,
    %swap3A_694 = arith.constant 1952 : index
    %swap3A_695 = tpu.vector_load %arg11[%swap3A_694] {strides = array<i32>} : memref<5376xf32, #tpu.memory_space<vmem>>, vector<16xf32>,
    tpu.vector_store %arg11[%swap3A_694], %gather3A_693 {strides = array<i32>} : memref<5376xf32, #tpu.memory_space<vmem>>, vector<16xf32>,
    %get3A_696 = arith.constant 1968 : index
    %get3A_697 = tpu.vector_load %arg10[%get3A_696] {strides = array<i32>} : memref<5376xi32, #tpu.memory_space<vmem>>, vector<16xi32>,
    %gather3A_698 = tpu.vector_load_idx %arg9[%get3A_697] : memref<50016xf32, #tpu.memory_space<vmem>>[vector<16xi32>], vector<16xf32>,
    %swap3A_699 = arith.constant 1968 : index
    %swap3A_700 = tpu.vector_load %arg11[%swap3A_699] {strides = array<i32>} : memref<5376xf32, #tpu.memory_space<vmem>>, vector<16xf32>,
    tpu.vector_store %arg11[%swap3A_699], %gather3A_698 {strides = array<i32>} : memref<5376xf32, #tpu.memory_space<vmem>>, vector<16xf32>,
    %get3A_701 = arith.constant 1984 : index
    %get3A_702 = tpu.vector_load %arg10[%get3A_701] {strides = array<i32>} : memref<5376xi32, #tpu.memory_space<vmem>>, vector<16xi32>,
    %gather3A_703 = tpu.vector_load_idx %arg9[%get3A_702] : memref<50016xf32, #tpu.memory_space<vmem>>[vector<16xi32>], vector<16xf32>,
    %swap3A_704 = arith.constant 1984 : index
    %swap3A_705 = tpu.vector_load %arg11[%swap3A_704] {strides = array<i32>} : memref<5376xf32, #tpu.memory_space<vmem>>, vector<16xf32>,
    tpu.vector_store %arg11[%swap3A_704], %gather3A_703 {strides = array<i32>} : memref<5376xf32, #tpu.memory_space<vmem>>, vector<16xf32>,
    %get3A_706 = arith.constant 2000 : index
    %get3A_707 = tpu.vector_load %arg10[%get3A_706] {strides = array<i32>} : memref<5376xi32, #tpu.memory_space<vmem>>, vector<16xi32>,
    %gather3A_708 = tpu.vector_load_idx %arg9[%get3A_707] : memref<50016xf32, #tpu.memory_space<vmem>>[vector<16xi32>], vector<16xf32>,
    %swap3A_709 = arith.constant 2000 : index
    %swap3A_710 = tpu.vector_load %arg11[%swap3A_709] {strides = array<i32>} : memref<5376xf32, #tpu.memory_space<vmem>>, vector<16xf32>,
    tpu.vector_store %arg11[%swap3A_709], %gather3A_708 {strides = array<i32>} : memref<5376xf32, #tpu.memory_space<vmem>>, vector<16xf32>,
    %get3A_711 = arith.constant 2016 : index
    %get3A_712 = tpu.vector_load %arg10[%get3A_711] {strides = array<i32>} : memref<5376xi32, #tpu.memory_space<vmem>>, vector<16xi32>,
    %gather3A_713 = tpu.vector_load_idx %arg9[%get3A_712] : memref<50016xf32, #tpu.memory_space<vmem>>[vector<16xi32>], vector<16xf32>,
    %swap3A_714 = arith.constant 2016 : index
    %swap3A_715 = tpu.vector_load %arg11[%swap3A_714] {strides = array<i32>} : memref<5376xf32, #tpu.memory_space<vmem>>, vector<16xf32>,
    tpu.vector_store %arg11[%swap3A_714], %gather3A_713 {strides = array<i32>} : memref<5376xf32, #tpu.memory_space<vmem>>, vector<16xf32>,
    %get3A_716 = arith.constant 2032 : index
    %get3A_717 = tpu.vector_load %arg10[%get3A_716] {strides = array<i32>} : memref<5376xi32, #tpu.memory_space<vmem>>, vector<16xi32>,
    %gather3A_718 = tpu.vector_load_idx %arg9[%get3A_717] : memref<50016xf32, #tpu.memory_space<vmem>>[vector<16xi32>], vector<16xf32>,
    %swap3A_719 = arith.constant 2032 : index
    %swap3A_720 = tpu.vector_load %arg11[%swap3A_719] {strides = array<i32>} : memref<5376xf32, #tpu.memory_space<vmem>>, vector<16xf32>,
    tpu.vector_store %arg11[%swap3A_719], %gather3A_718 {strides = array<i32>} : memref<5376xf32, #tpu.memory_space<vmem>>, vector<16xf32>,
    %get3A_721 = arith.constant 2048 : index
    %get3A_722 = tpu.vector_load %arg10[%get3A_721] {strides = array<i32>} : memref<5376xi32, #tpu.memory_space<vmem>>, vector<16xi32>,
    %gather3A_723 = tpu.vector_load_idx %arg9[%get3A_722] : memref<50016xf32, #tpu.memory_space<vmem>>[vector<16xi32>], vector<16xf32>,
    %swap3A_724 = arith.constant 2048 : index
    %swap3A_725 = tpu.vector_load %arg11[%swap3A_724] {strides = array<i32>} : memref<5376xf32, #tpu.memory_space<vmem>>, vector<16xf32>,
    tpu.vector_store %arg11[%swap3A_724], %gather3A_723 {strides = array<i32>} : memref<5376xf32, #tpu.memory_space<vmem>>, vector<16xf32>,
    %get3A_726 = arith.constant 2064 : index
    %get3A_727 = tpu.vector_load %arg10[%get3A_726] {strides = array<i32>} : memref<5376xi32, #tpu.memory_space<vmem>>, vector<16xi32>,
    %gather3A_728 = tpu.vector_load_idx %arg9[%get3A_727] : memref<50016xf32, #tpu.memory_space<vmem>>[vector<16xi32>], vector<16xf32>,
    %swap3A_729 = arith.constant 2064 : index
    %swap3A_730 = tpu.vector_load %arg11[%swap3A_729] {strides = array<i32>} : memref<5376xf32, #tpu.memory_space<vmem>>, vector<16xf32>,
    tpu.vector_store %arg11[%swap3A_729], %gather3A_728 {strides = array<i32>} : memref<5376xf32, #tpu.memory_space<vmem>>, vector<16xf32>,
    %get3A_731 = arith.constant 2080 : index
    %get3A_732 = tpu.vector_load %arg10[%get3A_731] {strides = array<i32>} : memref<5376xi32, #tpu.memory_space<vmem>>, vector<16xi32>,
    %gather3A_733 = tpu.vector_load_idx %arg9[%get3A_732] : memref<50016xf32, #tpu.memory_space<vmem>>[vector<16xi32>], vector<16xf32>,
    %swap3A_734 = arith.constant 2080 : index
    %swap3A_735 = tpu.vector_load %arg11[%swap3A_734] {strides = array<i32>} : memref<5376xf32, #tpu.memory_space<vmem>>, vector<16xf32>,
    tpu.vector_store %arg11[%swap3A_734], %gather3A_733 {strides = array<i32>} : memref<5376xf32, #tpu.memory_space<vmem>>, vector<16xf32>,
    %get3A_736 = arith.constant 2096 : index
    %get3A_737 = tpu.vector_load %arg10[%get3A_736] {strides = array<i32>} : memref<5376xi32, #tpu.memory_space<vmem>>, vector<16xi32>,
    %gather3A_738 = tpu.vector_load_idx %arg9[%get3A_737] : memref<50016xf32, #tpu.memory_space<vmem>>[vector<16xi32>], vector<16xf32>,
    %swap3A_739 = arith.constant 2096 : index
    %swap3A_740 = tpu.vector_load %arg11[%swap3A_739] {strides = array<i32>} : memref<5376xf32, #tpu.memory_space<vmem>>, vector<16xf32>,
    tpu.vector_store %arg11[%swap3A_739], %gather3A_738 {strides = array<i32>} : memref<5376xf32, #tpu.memory_space<vmem>>, vector<16xf32>,
    %get3A_741 = arith.constant 2112 : index
    %get3A_742 = tpu.vector_load %arg10[%get3A_741] {strides = array<i32>} : memref<5376xi32, #tpu.memory_space<vmem>>, vector<16xi32>,
    %gather3A_743 = tpu.vector_load_idx %arg9[%get3A_742] : memref<50016xf32, #tpu.memory_space<vmem>>[vector<16xi32>], vector<16xf32>,
    %swap3A_744 = arith.constant 2112 : index
    %swap3A_745 = tpu.vector_load %arg11[%swap3A_744] {strides = array<i32>} : memref<5376xf32, #tpu.memory_space<vmem>>, vector<16xf32>,
    tpu.vector_store %arg11[%swap3A_744], %gather3A_743 {strides = array<i32>} : memref<5376xf32, #tpu.memory_space<vmem>>, vector<16xf32>,
    %get3A_746 = arith.constant 2128 : index
    %get3A_747 = tpu.vector_load %arg10[%get3A_746] {strides = array<i32>} : memref<5376xi32, #tpu.memory_space<vmem>>, vector<16xi32>,
    %gather3A_748 = tpu.vector_load_idx %arg9[%get3A_747] : memref<50016xf32, #tpu.memory_space<vmem>>[vector<16xi32>], vector<16xf32>,
    %swap3A_749 = arith.constant 2128 : index
    %swap3A_750 = tpu.vector_load %arg11[%swap3A_749] {strides = array<i32>} : memref<5376xf32, #tpu.memory_space<vmem>>, vector<16xf32>,
    tpu.vector_store %arg11[%swap3A_749], %gather3A_748 {strides = array<i32>} : memref<5376xf32, #tpu.memory_space<vmem>>, vector<16xf32>,
    %get3A_751 = arith.constant 2144 : index
    %get3A_752 = tpu.vector_load %arg10[%get3A_751] {strides = array<i32>} : memref<5376xi32, #tpu.memory_space<vmem>>, vector<16xi32>,
    %gather3A_753 = tpu.vector_load_idx %arg9[%get3A_752] : memref<50016xf32, #tpu.memory_space<vmem>>[vector<16xi32>], vector<16xf32>,
    %swap3A_754 = arith.constant 2144 : index
    %swap3A_755 = tpu.vector_load %arg11[%swap3A_754] {strides = array<i32>} : memref<5376xf32, #tpu.memory_space<vmem>>, vector<16xf32>,
    tpu.vector_store %arg11[%swap3A_754], %gather3A_753 {strides = array<i32>} : memref<5376xf32, #tpu.memory_space<vmem>>, vector<16xf32>,
    %get3A_756 = arith.constant 2160 : index
    %get3A_757 = tpu.vector_load %arg10[%get3A_756] {strides = array<i32>} : memref<5376xi32, #tpu.memory_space<vmem>>, vector<16xi32>,
    %gather3A_758 = tpu.vector_load_idx %arg9[%get3A_757] : memref<50016xf32, #tpu.memory_space<vmem>>[vector<16xi32>], vector<16xf32>,
    %swap3A_759 = arith.constant 2160 : index
    %swap3A_760 = tpu.vector_load %arg11[%swap3A_759] {strides = array<i32>} : memref<5376xf32, #tpu.memory_space<vmem>>, vector<16xf32>,
    tpu.vector_store %arg11[%swap3A_759], %gather3A_758 {strides = array<i32>} : memref<5376xf32, #tpu.memory_space<vmem>>, vector<16xf32>,
    %get3A_761 = arith.constant 2176 : index
    %get3A_762 = tpu.vector_load %arg10[%get3A_761] {strides = array<i32>} : memref<5376xi32, #tpu.memory_space<vmem>>, vector<16xi32>,
    %gather3A_763 = tpu.vector_load_idx %arg9[%get3A_762] : memref<50016xf32, #tpu.memory_space<vmem>>[vector<16xi32>], vector<16xf32>,
    %swap3A_764 = arith.constant 2176 : index
    %swap3A_765 = tpu.vector_load %arg11[%swap3A_764] {strides = array<i32>} : memref<5376xf32, #tpu.memory_space<vmem>>, vector<16xf32>,
    tpu.vector_store %arg11[%swap3A_764], %gather3A_763 {strides = array<i32>} : memref<5376xf32, #tpu.memory_space<vmem>>, vector<16xf32>,
    %get3A_766 = arith.constant 2192 : index
    %get3A_767 = tpu.vector_load %arg10[%get3A_766] {strides = array<i32>} : memref<5376xi32, #tpu.memory_space<vmem>>, vector<16xi32>,
    %gather3A_768 = tpu.vector_load_idx %arg9[%get3A_767] : memref<50016xf32, #tpu.memory_space<vmem>>[vector<16xi32>], vector<16xf32>,
    %swap3A_769 = arith.constant 2192 : index
    %swap3A_770 = tpu.vector_load %arg11[%swap3A_769] {strides = array<i32>} : memref<5376xf32, #tpu.memory_space<vmem>>, vector<16xf32>,
    tpu.vector_store %arg11[%swap3A_769], %gather3A_768 {strides = array<i32>} : memref<5376xf32, #tpu.memory_space<vmem>>, vector<16xf32>,
    %get3A_771 = arith.constant 2208 : index
    %get3A_772 = tpu.vector_load %arg10[%get3A_771] {strides = array<i32>} : memref<5376xi32, #tpu.memory_space<vmem>>, vector<16xi32>,
    %gather3A_773 = tpu.vector_load_idx %arg9[%get3A_772] : memref<50016xf32, #tpu.memory_space<vmem>>[vector<16xi32>], vector<16xf32>,
    %swap3A_774 = arith.constant 2208 : index
    %swap3A_775 = tpu.vector_load %arg11[%swap3A_774] {strides = array<i32>} : memref<5376xf32, #tpu.memory_space<vmem>>, vector<16xf32>,
    tpu.vector_store %arg11[%swap3A_774], %gather3A_773 {strides = array<i32>} : memref<5376xf32, #tpu.memory_space<vmem>>, vector<16xf32>,
    %get3A_776 = arith.constant 2224 : index
    %get3A_777 = tpu.vector_load %arg10[%get3A_776] {strides = array<i32>} : memref<5376xi32, #tpu.memory_space<vmem>>, vector<16xi32>,
    %gather3A_778 = tpu.vector_load_idx %arg9[%get3A_777] : memref<50016xf32, #tpu.memory_space<vmem>>[vector<16xi32>], vector<16xf32>,
    %swap3A_779 = arith.constant 2224 : index
    %swap3A_780 = tpu.vector_load %arg11[%swap3A_779] {strides = array<i32>} : memref<5376xf32, #tpu.memory_space<vmem>>, vector<16xf32>,
    tpu.vector_store %arg11[%swap3A_779], %gather3A_778 {strides = array<i32>} : memref<5376xf32, #tpu.memory_space<vmem>>, vector<16xf32>,
    %get3A_781 = arith.constant 2240 : index
    %get3A_782 = tpu.vector_load %arg10[%get3A_781] {strides = array<i32>} : memref<5376xi32, #tpu.memory_space<vmem>>, vector<16xi32>,
    %gather3A_783 = tpu.vector_load_idx %arg9[%get3A_782] : memref<50016xf32, #tpu.memory_space<vmem>>[vector<16xi32>], vector<16xf32>,
    %swap3A_784 = arith.constant 2240 : index
    %swap3A_785 = tpu.vector_load %arg11[%swap3A_784] {strides = array<i32>} : memref<5376xf32, #tpu.memory_space<vmem>>, vector<16xf32>,
    tpu.vector_store %arg11[%swap3A_784], %gather3A_783 {strides = array<i32>} : memref<5376xf32, #tpu.memory_space<vmem>>, vector<16xf32>,
    %get3A_786 = arith.constant 2256 : index
    %get3A_787 = tpu.vector_load %arg10[%get3A_786] {strides = array<i32>} : memref<5376xi32, #tpu.memory_space<vmem>>, vector<16xi32>,
    %gather3A_788 = tpu.vector_load_idx %arg9[%get3A_787] : memref<50016xf32, #tpu.memory_space<vmem>>[vector<16xi32>], vector<16xf32>,
    %swap3A_789 = arith.constant 2256 : index
    %swap3A_790 = tpu.vector_load %arg11[%swap3A_789] {strides = array<i32>} : memref<5376xf32, #tpu.memory_space<vmem>>, vector<16xf32>,
    tpu.vector_store %arg11[%swap3A_789], %gather3A_788 {strides = array<i32>} : memref<5376xf32, #tpu.memory_space<vmem>>, vector<16xf32>,
    %get3A_791 = arith.constant 2272 : index
    %get3A_792 = tpu.vector_load %arg10[%get3A_791] {strides = array<i32>} : memref<5376xi32, #tpu.memory_space<vmem>>, vector<16xi32>,
    %gather3A_793 = tpu.vector_load_idx %arg9[%get3A_792] : memref<50016xf32, #tpu.memory_space<vmem>>[vector<16xi32>], vector<16xf32>,
    %swap3A_794 = arith.constant 2272 : index
    %swap3A_795 = tpu.vector_load %arg11[%swap3A_794] {strides = array<i32>} : memref<5376xf32, #tpu.memory_space<vmem>>, vector<16xf32>,
    tpu.vector_store %arg11[%swap3A_794], %gather3A_793 {strides = array<i32>} : memref<5376xf32, #tpu.memory_space<vmem>>, vector<16xf32>,
    %get3A_796 = arith.constant 2288 : index
    %get3A_797 = tpu.vector_load %arg10[%get3A_796] {strides = array<i32>} : memref<5376xi32, #tpu.memory_space<vmem>>, vector<16xi32>,
    %gather3A_798 = tpu.vector_load_idx %arg9[%get3A_797] : memref<50016xf32, #tpu.memory_space<vmem>>[vector<16xi32>], vector<16xf32>,
    %swap3A_799 = arith.constant 2288 : index
    %swap3A_800 = tpu.vector_load %arg11[%swap3A_799] {strides = array<i32>} : memref<5376xf32, #tpu.memory_space<vmem>>, vector<16xf32>,
    tpu.vector_store %arg11[%swap3A_799], %gather3A_798 {strides = array<i32>} : memref<5376xf32, #tpu.memory_space<vmem>>, vector<16xf32>,
    %get3A_801 = arith.constant 2304 : index
    %get3A_802 = tpu.vector_load %arg10[%get3A_801] {strides = array<i32>} : memref<5376xi32, #tpu.memory_space<vmem>>, vector<16xi32>,
    %gather3A_803 = tpu.vector_load_idx %arg9[%get3A_802] : memref<50016xf32, #tpu.memory_space<vmem>>[vector<16xi32>], vector<16xf32>,
    %swap3A_804 = arith.constant 2304 : index
    %swap3A_805 = tpu.vector_load %arg11[%swap3A_804] {strides = array<i32>} : memref<5376xf32, #tpu.memory_space<vmem>>, vector<16xf32>,
    tpu.vector_store %arg11[%swap3A_804], %gather3A_803 {strides = array<i32>} : memref<5376xf32, #tpu.memory_space<vmem>>, vector<16xf32>,
    %get3A_806 = arith.constant 2320 : index
    %get3A_807 = tpu.vector_load %arg10[%get3A_806] {strides = array<i32>} : memref<5376xi32, #tpu.memory_space<vmem>>, vector<16xi32>,
    %gather3A_808 = tpu.vector_load_idx %arg9[%get3A_807] : memref<50016xf32, #tpu.memory_space<vmem>>[vector<16xi32>], vector<16xf32>,
    %swap3A_809 = arith.constant 2320 : index
    %swap3A_810 = tpu.vector_load %arg11[%swap3A_809] {strides = array<i32>} : memref<5376xf32, #tpu.memory_space<vmem>>, vector<16xf32>,
    tpu.vector_store %arg11[%swap3A_809], %gather3A_808 {strides = array<i32>} : memref<5376xf32, #tpu.memory_space<vmem>>, vector<16xf32>,
    %get3A_811 = arith.constant 2336 : index
    %get3A_812 = tpu.vector_load %arg10[%get3A_811] {strides = array<i32>} : memref<5376xi32, #tpu.memory_space<vmem>>, vector<16xi32>,
    %gather3A_813 = tpu.vector_load_idx %arg9[%get3A_812] : memref<50016xf32, #tpu.memory_space<vmem>>[vector<16xi32>], vector<16xf32>,
    %swap3A_814 = arith.constant 2336 : index
    %swap3A_815 = tpu.vector_load %arg11[%swap3A_814] {strides = array<i32>} : memref<5376xf32, #tpu.memory_space<vmem>>, vector<16xf32>,
    tpu.vector_store %arg11[%swap3A_814], %gather3A_813 {strides = array<i32>} : memref<5376xf32, #tpu.memory_space<vmem>>, vector<16xf32>,
    %get3A_816 = arith.constant 2352 : index
    %get3A_817 = tpu.vector_load %arg10[%get3A_816] {strides = array<i32>} : memref<5376xi32, #tpu.memory_space<vmem>>, vector<16xi32>,
    %gather3A_818 = tpu.vector_load_idx %arg9[%get3A_817] : memref<50016xf32, #tpu.memory_space<vmem>>[vector<16xi32>], vector<16xf32>,
    %swap3A_819 = arith.constant 2352 : index
    %swap3A_820 = tpu.vector_load %arg11[%swap3A_819] {strides = array<i32>} : memref<5376xf32, #tpu.memory_space<vmem>>, vector<16xf32>,
    tpu.vector_store %arg11[%swap3A_819], %gather3A_818 {strides = array<i32>} : memref<5376xf32, #tpu.memory_space<vmem>>, vector<16xf32>,
    %get3A_821 = arith.constant 2368 : index
    %get3A_822 = tpu.vector_load %arg10[%get3A_821] {strides = array<i32>} : memref<5376xi32, #tpu.memory_space<vmem>>, vector<16xi32>,
    %gather3A_823 = tpu.vector_load_idx %arg9[%get3A_822] : memref<50016xf32, #tpu.memory_space<vmem>>[vector<16xi32>], vector<16xf32>,
    %swap3A_824 = arith.constant 2368 : index
    %swap3A_825 = tpu.vector_load %arg11[%swap3A_824] {strides = array<i32>} : memref<5376xf32, #tpu.memory_space<vmem>>, vector<16xf32>,
    tpu.vector_store %arg11[%swap3A_824], %gather3A_823 {strides = array<i32>} : memref<5376xf32, #tpu.memory_space<vmem>>, vector<16xf32>,
    %get3A_826 = arith.constant 2384 : index
    %get3A_827 = tpu.vector_load %arg10[%get3A_826] {strides = array<i32>} : memref<5376xi32, #tpu.memory_space<vmem>>, vector<16xi32>,
    %gather3A_828 = tpu.vector_load_idx %arg9[%get3A_827] : memref<50016xf32, #tpu.memory_space<vmem>>[vector<16xi32>], vector<16xf32>,
    %swap3A_829 = arith.constant 2384 : index
    %swap3A_830 = tpu.vector_load %arg11[%swap3A_829] {strides = array<i32>} : memref<5376xf32, #tpu.memory_space<vmem>>, vector<16xf32>,
    tpu.vector_store %arg11[%swap3A_829], %gather3A_828 {strides = array<i32>} : memref<5376xf32, #tpu.memory_space<vmem>>, vector<16xf32>,
    %get3A_831 = arith.constant 2400 : index
    %get3A_832 = tpu.vector_load %arg10[%get3A_831] {strides = array<i32>} : memref<5376xi32, #tpu.memory_space<vmem>>, vector<16xi32>,
    %gather3A_833 = tpu.vector_load_idx %arg9[%get3A_832] : memref<50016xf32, #tpu.memory_space<vmem>>[vector<16xi32>], vector<16xf32>,
    %swap3A_834 = arith.constant 2400 : index
    %swap3A_835 = tpu.vector_load %arg11[%swap3A_834] {strides = array<i32>} : memref<5376xf32, #tpu.memory_space<vmem>>, vector<16xf32>,
    tpu.vector_store %arg11[%swap3A_834], %gather3A_833 {strides = array<i32>} : memref<5376xf32, #tpu.memory_space<vmem>>, vector<16xf32>,
    %get3A_836 = arith.constant 2416 : index
    %get3A_837 = tpu.vector_load %arg10[%get3A_836] {strides = array<i32>} : memref<5376xi32, #tpu.memory_space<vmem>>, vector<16xi32>,
    %gather3A_838 = tpu.vector_load_idx %arg9[%get3A_837] : memref<50016xf32, #tpu.memory_space<vmem>>[vector<16xi32>], vector<16xf32>,
    %swap3A_839 = arith.constant 2416 : index
    %swap3A_840 = tpu.vector_load %arg11[%swap3A_839] {strides = array<i32>} : memref<5376xf32, #tpu.memory_space<vmem>>, vector<16xf32>,
    tpu.vector_store %arg11[%swap3A_839], %gather3A_838 {strides = array<i32>} : memref<5376xf32, #tpu.memory_space<vmem>>, vector<16xf32>,
    %get3A_841 = arith.constant 2432 : index
    %get3A_842 = tpu.vector_load %arg10[%get3A_841] {strides = array<i32>} : memref<5376xi32, #tpu.memory_space<vmem>>, vector<16xi32>,
    %gather3A_843 = tpu.vector_load_idx %arg9[%get3A_842] : memref<50016xf32, #tpu.memory_space<vmem>>[vector<16xi32>], vector<16xf32>,
    %swap3A_844 = arith.constant 2432 : index
    %swap3A_845 = tpu.vector_load %arg11[%swap3A_844] {strides = array<i32>} : memref<5376xf32, #tpu.memory_space<vmem>>, vector<16xf32>,
    tpu.vector_store %arg11[%swap3A_844], %gather3A_843 {strides = array<i32>} : memref<5376xf32, #tpu.memory_space<vmem>>, vector<16xf32>,
    %get3A_846 = arith.constant 2448 : index
    %get3A_847 = tpu.vector_load %arg10[%get3A_846] {strides = array<i32>} : memref<5376xi32, #tpu.memory_space<vmem>>, vector<16xi32>,
    %gather3A_848 = tpu.vector_load_idx %arg9[%get3A_847] : memref<50016xf32, #tpu.memory_space<vmem>>[vector<16xi32>], vector<16xf32>,
    %swap3A_849 = arith.constant 2448 : index
    %swap3A_850 = tpu.vector_load %arg11[%swap3A_849] {strides = array<i32>} : memref<5376xf32, #tpu.memory_space<vmem>>, vector<16xf32>,
    tpu.vector_store %arg11[%swap3A_849], %gather3A_848 {strides = array<i32>} : memref<5376xf32, #tpu.memory_space<vmem>>, vector<16xf32>,
    %get3A_851 = arith.constant 2464 : index
    %get3A_852 = tpu.vector_load %arg10[%get3A_851] {strides = array<i32>} : memref<5376xi32, #tpu.memory_space<vmem>>, vector<16xi32>,
    %gather3A_853 = tpu.vector_load_idx %arg9[%get3A_852] : memref<50016xf32, #tpu.memory_space<vmem>>[vector<16xi32>], vector<16xf32>,
    %swap3A_854 = arith.constant 2464 : index
    %swap3A_855 = tpu.vector_load %arg11[%swap3A_854] {strides = array<i32>} : memref<5376xf32, #tpu.memory_space<vmem>>, vector<16xf32>,
    tpu.vector_store %arg11[%swap3A_854], %gather3A_853 {strides = array<i32>} : memref<5376xf32, #tpu.memory_space<vmem>>, vector<16xf32>,
    %get3A_856 = arith.constant 2480 : index
    %get3A_857 = tpu.vector_load %arg10[%get3A_856] {strides = array<i32>} : memref<5376xi32, #tpu.memory_space<vmem>>, vector<16xi32>,
    %gather3A_858 = tpu.vector_load_idx %arg9[%get3A_857] : memref<50016xf32, #tpu.memory_space<vmem>>[vector<16xi32>], vector<16xf32>,
    %swap3A_859 = arith.constant 2480 : index
    %swap3A_860 = tpu.vector_load %arg11[%swap3A_859] {strides = array<i32>} : memref<5376xf32, #tpu.memory_space<vmem>>, vector<16xf32>,
    tpu.vector_store %arg11[%swap3A_859], %gather3A_858 {strides = array<i32>} : memref<5376xf32, #tpu.memory_space<vmem>>, vector<16xf32>,
    %get3A_861 = arith.constant 2496 : index
    %get3A_862 = tpu.vector_load %arg10[%get3A_861] {strides = array<i32>} : memref<5376xi32, #tpu.memory_space<vmem>>, vector<16xi32>,
    %gather3A_863 = tpu.vector_load_idx %arg9[%get3A_862] : memref<50016xf32, #tpu.memory_space<vmem>>[vector<16xi32>], vector<16xf32>,
    %swap3A_864 = arith.constant 2496 : index
    %swap3A_865 = tpu.vector_load %arg11[%swap3A_864] {strides = array<i32>} : memref<5376xf32, #tpu.memory_space<vmem>>, vector<16xf32>,
    tpu.vector_store %arg11[%swap3A_864], %gather3A_863 {strides = array<i32>} : memref<5376xf32, #tpu.memory_space<vmem>>, vector<16xf32>,
    %get3A_866 = arith.constant 2512 : index
    %get3A_867 = tpu.vector_load %arg10[%get3A_866] {strides = array<i32>} : memref<5376xi32, #tpu.memory_space<vmem>>, vector<16xi32>,
    %gather3A_868 = tpu.vector_load_idx %arg9[%get3A_867] : memref<50016xf32, #tpu.memory_space<vmem>>[vector<16xi32>], vector<16xf32>,
    %swap3A_869 = arith.constant 2512 : index
    %swap3A_870 = tpu.vector_load %arg11[%swap3A_869] {strides = array<i32>} : memref<5376xf32, #tpu.memory_space<vmem>>, vector<16xf32>,
    tpu.vector_store %arg11[%swap3A_869], %gather3A_868 {strides = array<i32>} : memref<5376xf32, #tpu.memory_space<vmem>>, vector<16xf32>,
    %get3A_871 = arith.constant 2528 : index
    %get3A_872 = tpu.vector_load %arg10[%get3A_871] {strides = array<i32>} : memref<5376xi32, #tpu.memory_space<vmem>>, vector<16xi32>,
    %gather3A_873 = tpu.vector_load_idx %arg9[%get3A_872] : memref<50016xf32, #tpu.memory_space<vmem>>[vector<16xi32>], vector<16xf32>,
    %swap3A_874 = arith.constant 2528 : index
    %swap3A_875 = tpu.vector_load %arg11[%swap3A_874] {strides = array<i32>} : memref<5376xf32, #tpu.memory_space<vmem>>, vector<16xf32>,
    tpu.vector_store %arg11[%swap3A_874], %gather3A_873 {strides = array<i32>} : memref<5376xf32, #tpu.memory_space<vmem>>, vector<16xf32>,
    %get3A_876 = arith.constant 2544 : index
    %get3A_877 = tpu.vector_load %arg10[%get3A_876] {strides = array<i32>} : memref<5376xi32, #tpu.memory_space<vmem>>, vector<16xi32>,
    %gather3A_878 = tpu.vector_load_idx %arg9[%get3A_877] : memref<50016xf32, #tpu.memory_space<vmem>>[vector<16xi32>], vector<16xf32>,
    %swap3A_879 = arith.constant 2544 : index
    %swap3A_880 = tpu.vector_load %arg11[%swap3A_879] {strides = array<i32>} : memref<5376xf32, #tpu.memory_space<vmem>>, vector<16xf32>,
    tpu.vector_store %arg11[%swap3A_879], %gather3A_878 {strides = array<i32>} : memref<5376xf32, #tpu.memory_space<vmem>>, vector<16xf32>,
    %get3A_881 = arith.constant 2560 : index
    %get3A_882 = tpu.vector_load %arg10[%get3A_881] {strides = array<i32>} : memref<5376xi32, #tpu.memory_space<vmem>>, vector<16xi32>,
    %gather3A_883 = tpu.vector_load_idx %arg9[%get3A_882] : memref<50016xf32, #tpu.memory_space<vmem>>[vector<16xi32>], vector<16xf32>,
    %swap3A_884 = arith.constant 2560 : index
    %swap3A_885 = tpu.vector_load %arg11[%swap3A_884] {strides = array<i32>} : memref<5376xf32, #tpu.memory_space<vmem>>, vector<16xf32>,
    tpu.vector_store %arg11[%swap3A_884], %gather3A_883 {strides = array<i32>} : memref<5376xf32, #tpu.memory_space<vmem>>, vector<16xf32>,
    %get3A_886 = arith.constant 2576 : index
    %get3A_887 = tpu.vector_load %arg10[%get3A_886] {strides = array<i32>} : memref<5376xi32, #tpu.memory_space<vmem>>, vector<16xi32>,
    %gather3A_888 = tpu.vector_load_idx %arg9[%get3A_887] : memref<50016xf32, #tpu.memory_space<vmem>>[vector<16xi32>], vector<16xf32>,
    %swap3A_889 = arith.constant 2576 : index
    %swap3A_890 = tpu.vector_load %arg11[%swap3A_889] {strides = array<i32>} : memref<5376xf32, #tpu.memory_space<vmem>>, vector<16xf32>,
    tpu.vector_store %arg11[%swap3A_889], %gather3A_888 {strides = array<i32>} : memref<5376xf32, #tpu.memory_space<vmem>>, vector<16xf32>,
    %get3A_891 = arith.constant 2592 : index
    %get3A_892 = tpu.vector_load %arg10[%get3A_891] {strides = array<i32>} : memref<5376xi32, #tpu.memory_space<vmem>>, vector<16xi32>,
    %gather3A_893 = tpu.vector_load_idx %arg9[%get3A_892] : memref<50016xf32, #tpu.memory_space<vmem>>[vector<16xi32>], vector<16xf32>,
    %swap3A_894 = arith.constant 2592 : index
    %swap3A_895 = tpu.vector_load %arg11[%swap3A_894] {strides = array<i32>} : memref<5376xf32, #tpu.memory_space<vmem>>, vector<16xf32>,
    tpu.vector_store %arg11[%swap3A_894], %gather3A_893 {strides = array<i32>} : memref<5376xf32, #tpu.memory_space<vmem>>, vector<16xf32>,
    %get3A_896 = arith.constant 2608 : index
    %get3A_897 = tpu.vector_load %arg10[%get3A_896] {strides = array<i32>} : memref<5376xi32, #tpu.memory_space<vmem>>, vector<16xi32>,
    %gather3A_898 = tpu.vector_load_idx %arg9[%get3A_897] : memref<50016xf32, #tpu.memory_space<vmem>>[vector<16xi32>], vector<16xf32>,
    %swap3A_899 = arith.constant 2608 : index
    %swap3A_900 = tpu.vector_load %arg11[%swap3A_899] {strides = array<i32>} : memref<5376xf32, #tpu.memory_space<vmem>>, vector<16xf32>,
    tpu.vector_store %arg11[%swap3A_899], %gather3A_898 {strides = array<i32>} : memref<5376xf32, #tpu.memory_space<vmem>>, vector<16xf32>,
    %get3A_901 = arith.constant 2624 : index
    %get3A_902 = tpu.vector_load %arg10[%get3A_901] {strides = array<i32>} : memref<5376xi32, #tpu.memory_space<vmem>>, vector<16xi32>,
    %gather3A_903 = tpu.vector_load_idx %arg9[%get3A_902] : memref<50016xf32, #tpu.memory_space<vmem>>[vector<16xi32>], vector<16xf32>,
    %swap3A_904 = arith.constant 2624 : index
    %swap3A_905 = tpu.vector_load %arg11[%swap3A_904] {strides = array<i32>} : memref<5376xf32, #tpu.memory_space<vmem>>, vector<16xf32>,
    tpu.vector_store %arg11[%swap3A_904], %gather3A_903 {strides = array<i32>} : memref<5376xf32, #tpu.memory_space<vmem>>, vector<16xf32>,
    %get3A_906 = arith.constant 2640 : index
    %get3A_907 = tpu.vector_load %arg10[%get3A_906] {strides = array<i32>} : memref<5376xi32, #tpu.memory_space<vmem>>, vector<16xi32>,
    %gather3A_908 = tpu.vector_load_idx %arg9[%get3A_907] : memref<50016xf32, #tpu.memory_space<vmem>>[vector<16xi32>], vector<16xf32>,
    %swap3A_909 = arith.constant 2640 : index
    %swap3A_910 = tpu.vector_load %arg11[%swap3A_909] {strides = array<i32>} : memref<5376xf32, #tpu.memory_space<vmem>>, vector<16xf32>,
    tpu.vector_store %arg11[%swap3A_909], %gather3A_908 {strides = array<i32>} : memref<5376xf32, #tpu.memory_space<vmem>>, vector<16xf32>,
    %get3A_911 = arith.constant 2656 : index
    %get3A_912 = tpu.vector_load %arg10[%get3A_911] {strides = array<i32>} : memref<5376xi32, #tpu.memory_space<vmem>>, vector<16xi32>,
    %gather3A_913 = tpu.vector_load_idx %arg9[%get3A_912] : memref<50016xf32, #tpu.memory_space<vmem>>[vector<16xi32>], vector<16xf32>,
    %swap3A_914 = arith.constant 2656 : index
    %swap3A_915 = tpu.vector_load %arg11[%swap3A_914] {strides = array<i32>} : memref<5376xf32, #tpu.memory_space<vmem>>, vector<16xf32>,
    tpu.vector_store %arg11[%swap3A_914], %gather3A_913 {strides = array<i32>} : memref<5376xf32, #tpu.memory_space<vmem>>, vector<16xf32>,
    %get3A_916 = arith.constant 2672 : index
    %get3A_917 = tpu.vector_load %arg10[%get3A_916] {strides = array<i32>} : memref<5376xi32, #tpu.memory_space<vmem>>, vector<16xi32>,
    %gather3A_918 = tpu.vector_load_idx %arg9[%get3A_917] : memref<50016xf32, #tpu.memory_space<vmem>>[vector<16xi32>], vector<16xf32>,
    %swap3A_919 = arith.constant 2672 : index
    %swap3A_920 = tpu.vector_load %arg11[%swap3A_919] {strides = array<i32>} : memref<5376xf32, #tpu.memory_space<vmem>>, vector<16xf32>,
    tpu.vector_store %arg11[%swap3A_919], %gather3A_918 {strides = array<i32>} : memref<5376xf32, #tpu.memory_space<vmem>>, vector<16xf32>,
    %get3A_921 = arith.constant 2688 : index
    %get3A_922 = tpu.vector_load %arg10[%get3A_921] {strides = array<i32>} : memref<5376xi32, #tpu.memory_space<vmem>>, vector<16xi32>,
    %gather3A_923 = tpu.vector_load_idx %arg9[%get3A_922] : memref<50016xf32, #tpu.memory_space<vmem>>[vector<16xi32>], vector<16xf32>,
    %swap3A_924 = arith.constant 2688 : index
    %swap3A_925 = tpu.vector_load %arg11[%swap3A_924] {strides = array<i32>} : memref<5376xf32, #tpu.memory_space<vmem>>, vector<16xf32>,
    tpu.vector_store %arg11[%swap3A_924], %gather3A_923 {strides = array<i32>} : memref<5376xf32, #tpu.memory_space<vmem>>, vector<16xf32>,
    %get3A_926 = arith.constant 2704 : index
    %get3A_927 = tpu.vector_load %arg10[%get3A_926] {strides = array<i32>} : memref<5376xi32, #tpu.memory_space<vmem>>, vector<16xi32>,
    %gather3A_928 = tpu.vector_load_idx %arg9[%get3A_927] : memref<50016xf32, #tpu.memory_space<vmem>>[vector<16xi32>], vector<16xf32>,
    %swap3A_929 = arith.constant 2704 : index
    %swap3A_930 = tpu.vector_load %arg11[%swap3A_929] {strides = array<i32>} : memref<5376xf32, #tpu.memory_space<vmem>>, vector<16xf32>,
    tpu.vector_store %arg11[%swap3A_929], %gather3A_928 {strides = array<i32>} : memref<5376xf32, #tpu.memory_space<vmem>>, vector<16xf32>,
    %get3A_931 = arith.constant 2720 : index
    %get3A_932 = tpu.vector_load %arg10[%get3A_931] {strides = array<i32>} : memref<5376xi32, #tpu.memory_space<vmem>>, vector<16xi32>,
    %gather3A_933 = tpu.vector_load_idx %arg9[%get3A_932] : memref<50016xf32, #tpu.memory_space<vmem>>[vector<16xi32>], vector<16xf32>,
    %swap3A_934 = arith.constant 2720 : index
    %swap3A_935 = tpu.vector_load %arg11[%swap3A_934] {strides = array<i32>} : memref<5376xf32, #tpu.memory_space<vmem>>, vector<16xf32>,
    tpu.vector_store %arg11[%swap3A_934], %gather3A_933 {strides = array<i32>} : memref<5376xf32, #tpu.memory_space<vmem>>, vector<16xf32>,
    %get3A_936 = arith.constant 2736 : index
    %get3A_937 = tpu.vector_load %arg10[%get3A_936] {strides = array<i32>} : memref<5376xi32, #tpu.memory_space<vmem>>, vector<16xi32>,
    %gather3A_938 = tpu.vector_load_idx %arg9[%get3A_937] : memref<50016xf32, #tpu.memory_space<vmem>>[vector<16xi32>], vector<16xf32>,
    %swap3A_939 = arith.constant 2736 : index
    %swap3A_940 = tpu.vector_load %arg11[%swap3A_939] {strides = array<i32>} : memref<5376xf32, #tpu.memory_space<vmem>>, vector<16xf32>,
    tpu.vector_store %arg11[%swap3A_939], %gather3A_938 {strides = array<i32>} : memref<5376xf32, #tpu.memory_space<vmem>>, vector<16xf32>,
    %get3A_941 = arith.constant 2752 : index
    %get3A_942 = tpu.vector_load %arg10[%get3A_941] {strides = array<i32>} : memref<5376xi32, #tpu.memory_space<vmem>>, vector<16xi32>,
    %gather3A_943 = tpu.vector_load_idx %arg9[%get3A_942] : memref<50016xf32, #tpu.memory_space<vmem>>[vector<16xi32>], vector<16xf32>,
    %swap3A_944 = arith.constant 2752 : index
    %swap3A_945 = tpu.vector_load %arg11[%swap3A_944] {strides = array<i32>} : memref<5376xf32, #tpu.memory_space<vmem>>, vector<16xf32>,
    tpu.vector_store %arg11[%swap3A_944], %gather3A_943 {strides = array<i32>} : memref<5376xf32, #tpu.memory_space<vmem>>, vector<16xf32>,
    %get3A_946 = arith.constant 2768 : index
    %get3A_947 = tpu.vector_load %arg10[%get3A_946] {strides = array<i32>} : memref<5376xi32, #tpu.memory_space<vmem>>, vector<16xi32>,
    %gather3A_948 = tpu.vector_load_idx %arg9[%get3A_947] : memref<50016xf32, #tpu.memory_space<vmem>>[vector<16xi32>], vector<16xf32>,
    %swap3A_949 = arith.constant 2768 : index
    %swap3A_950 = tpu.vector_load %arg11[%swap3A_949] {strides = array<i32>} : memref<5376xf32, #tpu.memory_space<vmem>>, vector<16xf32>,
    tpu.vector_store %arg11[%swap3A_949], %gather3A_948 {strides = array<i32>} : memref<5376xf32, #tpu.memory_space<vmem>>, vector<16xf32>,
    %get3A_951 = arith.constant 2784 : index
    %get3A_952 = tpu.vector_load %arg10[%get3A_951] {strides = array<i32>} : memref<5376xi32, #tpu.memory_space<vmem>>, vector<16xi32>,
    %gather3A_953 = tpu.vector_load_idx %arg9[%get3A_952] : memref<50016xf32, #tpu.memory_space<vmem>>[vector<16xi32>], vector<16xf32>,
    %swap3A_954 = arith.constant 2784 : index
    %swap3A_955 = tpu.vector_load %arg11[%swap3A_954] {strides = array<i32>} : memref<5376xf32, #tpu.memory_space<vmem>>, vector<16xf32>,
    tpu.vector_store %arg11[%swap3A_954], %gather3A_953 {strides = array<i32>} : memref<5376xf32, #tpu.memory_space<vmem>>, vector<16xf32>,
    %get3A_956 = arith.constant 2800 : index
    %get3A_957 = tpu.vector_load %arg10[%get3A_956] {strides = array<i32>} : memref<5376xi32, #tpu.memory_space<vmem>>, vector<16xi32>,
    %gather3A_958 = tpu.vector_load_idx %arg9[%get3A_957] : memref<50016xf32, #tpu.memory_space<vmem>>[vector<16xi32>], vector<16xf32>,
    %swap3A_959 = arith.constant 2800 : index
    %swap3A_960 = tpu.vector_load %arg11[%swap3A_959] {strides = array<i32>} : memref<5376xf32, #tpu.memory_space<vmem>>, vector<16xf32>,
    tpu.vector_store %arg11[%swap3A_959], %gather3A_958 {strides = array<i32>} : memref<5376xf32, #tpu.memory_space<vmem>>, vector<16xf32>,
    %get3A_961 = arith.constant 2816 : index
    %get3A_962 = tpu.vector_load %arg10[%get3A_961] {strides = array<i32>} : memref<5376xi32, #tpu.memory_space<vmem>>, vector<16xi32>,
    %gather3A_963 = tpu.vector_load_idx %arg9[%get3A_962] : memref<50016xf32, #tpu.memory_space<vmem>>[vector<16xi32>], vector<16xf32>,
    %swap3A_964 = arith.constant 2816 : index
    %swap3A_965 = tpu.vector_load %arg11[%swap3A_964] {strides = array<i32>} : memref<5376xf32, #tpu.memory_space<vmem>>, vector<16xf32>,
    tpu.vector_store %arg11[%swap3A_964], %gather3A_963 {strides = array<i32>} : memref<5376xf32, #tpu.memory_space<vmem>>, vector<16xf32>,
    %get3A_966 = arith.constant 2832 : index
    %get3A_967 = tpu.vector_load %arg10[%get3A_966] {strides = array<i32>} : memref<5376xi32, #tpu.memory_space<vmem>>, vector<16xi32>,
    %gather3A_968 = tpu.vector_load_idx %arg9[%get3A_967] : memref<50016xf32, #tpu.memory_space<vmem>>[vector<16xi32>], vector<16xf32>,
    %swap3A_969 = arith.constant 2832 : index
    %swap3A_970 = tpu.vector_load %arg11[%swap3A_969] {strides = array<i32>} : memref<5376xf32, #tpu.memory_space<vmem>>, vector<16xf32>,
    tpu.vector_store %arg11[%swap3A_969], %gather3A_968 {strides = array<i32>} : memref<5376xf32, #tpu.memory_space<vmem>>, vector<16xf32>,
    %get3A_971 = arith.constant 2848 : index
    %get3A_972 = tpu.vector_load %arg10[%get3A_971] {strides = array<i32>} : memref<5376xi32, #tpu.memory_space<vmem>>, vector<16xi32>,
    %gather3A_973 = tpu.vector_load_idx %arg9[%get3A_972] : memref<50016xf32, #tpu.memory_space<vmem>>[vector<16xi32>], vector<16xf32>,
    %swap3A_974 = arith.constant 2848 : index
    %swap3A_975 = tpu.vector_load %arg11[%swap3A_974] {strides = array<i32>} : memref<5376xf32, #tpu.memory_space<vmem>>, vector<16xf32>,
    tpu.vector_store %arg11[%swap3A_974], %gather3A_973 {strides = array<i32>} : memref<5376xf32, #tpu.memory_space<vmem>>, vector<16xf32>,
    %get3A_976 = arith.constant 2864 : index
    %get3A_977 = tpu.vector_load %arg10[%get3A_976] {strides = array<i32>} : memref<5376xi32, #tpu.memory_space<vmem>>, vector<16xi32>,
    %gather3A_978 = tpu.vector_load_idx %arg9[%get3A_977] : memref<50016xf32, #tpu.memory_space<vmem>>[vector<16xi32>], vector<16xf32>,
    %swap3A_979 = arith.constant 2864 : index
    %swap3A_980 = tpu.vector_load %arg11[%swap3A_979] {strides = array<i32>} : memref<5376xf32, #tpu.memory_space<vmem>>, vector<16xf32>,
    tpu.vector_store %arg11[%swap3A_979], %gather3A_978 {strides = array<i32>} : memref<5376xf32, #tpu.memory_space<vmem>>, vector<16xf32>,
    %get3A_981 = arith.constant 2880 : index
    %get3A_982 = tpu.vector_load %arg10[%get3A_981] {strides = array<i32>} : memref<5376xi32, #tpu.memory_space<vmem>>, vector<16xi32>,
    %gather3A_983 = tpu.vector_load_idx %arg9[%get3A_982] : memref<50016xf32, #tpu.memory_space<vmem>>[vector<16xi32>], vector<16xf32>,
    %swap3A_984 = arith.constant 2880 : index
    %swap3A_985 = tpu.vector_load %arg11[%swap3A_984] {strides = array<i32>} : memref<5376xf32, #tpu.memory_space<vmem>>, vector<16xf32>,
    tpu.vector_store %arg11[%swap3A_984], %gather3A_983 {strides = array<i32>} : memref<5376xf32, #tpu.memory_space<vmem>>, vector<16xf32>,
    %get3A_986 = arith.constant 2896 : index
    %get3A_987 = tpu.vector_load %arg10[%get3A_986] {strides = array<i32>} : memref<5376xi32, #tpu.memory_space<vmem>>, vector<16xi32>,
    %gather3A_988 = tpu.vector_load_idx %arg9[%get3A_987] : memref<50016xf32, #tpu.memory_space<vmem>>[vector<16xi32>], vector<16xf32>,
    %swap3A_989 = arith.constant 2896 : index
    %swap3A_990 = tpu.vector_load %arg11[%swap3A_989] {strides = array<i32>} : memref<5376xf32, #tpu.memory_space<vmem>>, vector<16xf32>,
    tpu.vector_store %arg11[%swap3A_989], %gather3A_988 {strides = array<i32>} : memref<5376xf32, #tpu.memory_space<vmem>>, vector<16xf32>,
    %get3A_991 = arith.constant 2912 : index
    %get3A_992 = tpu.vector_load %arg10[%get3A_991] {strides = array<i32>} : memref<5376xi32, #tpu.memory_space<vmem>>, vector<16xi32>,
    %gather3A_993 = tpu.vector_load_idx %arg9[%get3A_992] : memref<50016xf32, #tpu.memory_space<vmem>>[vector<16xi32>], vector<16xf32>,
    %swap3A_994 = arith.constant 2912 : index
    %swap3A_995 = tpu.vector_load %arg11[%swap3A_994] {strides = array<i32>} : memref<5376xf32, #tpu.memory_space<vmem>>, vector<16xf32>,
    tpu.vector_store %arg11[%swap3A_994], %gather3A_993 {strides = array<i32>} : memref<5376xf32, #tpu.memory_space<vmem>>, vector<16xf32>,
    %get3A_996 = arith.constant 2928 : index
    %get3A_997 = tpu.vector_load %arg10[%get3A_996] {strides = array<i32>} : memref<5376xi32, #tpu.memory_space<vmem>>, vector<16xi32>,
    %gather3A_998 = tpu.vector_load_idx %arg9[%get3A_997] : memref<50016xf32, #tpu.memory_space<vmem>>[vector<16xi32>], vector<16xf32>,
    %swap3A_999 = arith.constant 2928 : index
    %swap3A_1000 = tpu.vector_load %arg11[%swap3A_999] {strides = array<i32>} : memref<5376xf32, #tpu.memory_space<vmem>>, vector<16xf32>,
    tpu.vector_store %arg11[%swap3A_999], %gather3A_998 {strides = array<i32>} : memref<5376xf32, #tpu.memory_space<vmem>>, vector<16xf32>,
    %get3A_1001 = arith.constant 2944 : index
    %get3A_1002 = tpu.vector_load %arg10[%get3A_1001] {strides = array<i32>} : memref<5376xi32, #tpu.memory_space<vmem>>, vector<16xi32>,
    %gather3A_1003 = tpu.vector_load_idx %arg9[%get3A_1002] : memref<50016xf32, #tpu.memory_space<vmem>>[vector<16xi32>], vector<16xf32>,
    %swap3A_1004 = arith.constant 2944 : index
    %swap3A_1005 = tpu.vector_load %arg11[%swap3A_1004] {strides = array<i32>} : memref<5376xf32, #tpu.memory_space<vmem>>, vector<16xf32>,
    tpu.vector_store %arg11[%swap3A_1004], %gather3A_1003 {strides = array<i32>} : memref<5376xf32, #tpu.memory_space<vmem>>, vector<16xf32>,
    %get3A_1006 = arith.constant 2960 : index
    %get3A_1007 = tpu.vector_load %arg10[%get3A_1006] {strides = array<i32>} : memref<5376xi32, #tpu.memory_space<vmem>>, vector<16xi32>,
    %gather3A_1008 = tpu.vector_load_idx %arg9[%get3A_1007] : memref<50016xf32, #tpu.memory_space<vmem>>[vector<16xi32>], vector<16xf32>,
    %swap3A_1009 = arith.constant 2960 : index
    %swap3A_1010 = tpu.vector_load %arg11[%swap3A_1009] {strides = array<i32>} : memref<5376xf32, #tpu.memory_space<vmem>>, vector<16xf32>,
    tpu.vector_store %arg11[%swap3A_1009], %gather3A_1008 {strides = array<i32>} : memref<5376xf32, #tpu.memory_space<vmem>>, vector<16xf32>,
    %get3A_1011 = arith.constant 2976 : index
    %get3A_1012 = tpu.vector_load %arg10[%get3A_1011] {strides = array<i32>} : memref<5376xi32, #tpu.memory_space<vmem>>, vector<16xi32>,
    %gather3A_1013 = tpu.vector_load_idx %arg9[%get3A_1012] : memref<50016xf32, #tpu.memory_space<vmem>>[vector<16xi32>], vector<16xf32>,
    %swap3A_1014 = arith.constant 2976 : index
    %swap3A_1015 = tpu.vector_load %arg11[%swap3A_1014] {strides = array<i32>} : memref<5376xf32, #tpu.memory_space<vmem>>, vector<16xf32>,
    tpu.vector_store %arg11[%swap3A_1014], %gather3A_1013 {strides = array<i32>} : memref<5376xf32, #tpu.memory_space<vmem>>, vector<16xf32>,
    %get3A_1016 = arith.constant 2992 : index
    %get3A_1017 = tpu.vector_load %arg10[%get3A_1016] {strides = array<i32>} : memref<5376xi32, #tpu.memory_space<vmem>>, vector<16xi32>,
    %gather3A_1018 = tpu.vector_load_idx %arg9[%get3A_1017] : memref<50016xf32, #tpu.memory_space<vmem>>[vector<16xi32>], vector<16xf32>,
    %swap3A_1019 = arith.constant 2992 : index
    %swap3A_1020 = tpu.vector_load %arg11[%swap3A_1019] {strides = array<i32>} : memref<5376xf32, #tpu.memory_space<vmem>>, vector<16xf32>,
    tpu.vector_store %arg11[%swap3A_1019], %gather3A_1018 {strides = array<i32>} : memref<5376xf32, #tpu.memory_space<vmem>>, vector<16xf32>,
    %get3A_1021 = arith.constant 3008 : index
    %get3A_1022 = tpu.vector_load %arg10[%get3A_1021] {strides = array<i32>} : memref<5376xi32, #tpu.memory_space<vmem>>, vector<16xi32>,
    %gather3A_1023 = tpu.vector_load_idx %arg9[%get3A_1022] : memref<50016xf32, #tpu.memory_space<vmem>>[vector<16xi32>], vector<16xf32>,
    %swap3A_1024 = arith.constant 3008 : index
    %swap3A_1025 = tpu.vector_load %arg11[%swap3A_1024] {strides = array<i32>} : memref<5376xf32, #tpu.memory_space<vmem>>, vector<16xf32>,
    tpu.vector_store %arg11[%swap3A_1024], %gather3A_1023 {strides = array<i32>} : memref<5376xf32, #tpu.memory_space<vmem>>, vector<16xf32>,
    %get3A_1026 = arith.constant 3024 : index
    %get3A_1027 = tpu.vector_load %arg10[%get3A_1026] {strides = array<i32>} : memref<5376xi32, #tpu.memory_space<vmem>>, vector<16xi32>,
    %gather3A_1028 = tpu.vector_load_idx %arg9[%get3A_1027] : memref<50016xf32, #tpu.memory_space<vmem>>[vector<16xi32>], vector<16xf32>,
    %swap3A_1029 = arith.constant 3024 : index
    %swap3A_1030 = tpu.vector_load %arg11[%swap3A_1029] {strides = array<i32>} : memref<5376xf32, #tpu.memory_space<vmem>>, vector<16xf32>,
    tpu.vector_store %arg11[%swap3A_1029], %gather3A_1028 {strides = array<i32>} : memref<5376xf32, #tpu.memory_space<vmem>>, vector<16xf32>,
    %get3A_1031 = arith.constant 3040 : index
    %get3A_1032 = tpu.vector_load %arg10[%get3A_1031] {strides = array<i32>} : memref<5376xi32, #tpu.memory_space<vmem>>, vector<16xi32>,
    %gather3A_1033 = tpu.vector_load_idx %arg9[%get3A_1032] : memref<50016xf32, #tpu.memory_space<vmem>>[vector<16xi32>], vector<16xf32>,
    %swap3A_1034 = arith.constant 3040 : index
    %swap3A_1035 = tpu.vector_load %arg11[%swap3A_1034] {strides = array<i32>} : memref<5376xf32, #tpu.memory_space<vmem>>, vector<16xf32>,
    tpu.vector_store %arg11[%swap3A_1034], %gather3A_1033 {strides = array<i32>} : memref<5376xf32, #tpu.memory_space<vmem>>, vector<16xf32>,
    %get3A_1036 = arith.constant 3056 : index
    %get3A_1037 = tpu.vector_load %arg10[%get3A_1036] {strides = array<i32>} : memref<5376xi32, #tpu.memory_space<vmem>>, vector<16xi32>,
    %gather3A_1038 = tpu.vector_load_idx %arg9[%get3A_1037] : memref<50016xf32, #tpu.memory_space<vmem>>[vector<16xi32>], vector<16xf32>,
    %swap3A_1039 = arith.constant 3056 : index
    %swap3A_1040 = tpu.vector_load %arg11[%swap3A_1039] {strides = array<i32>} : memref<5376xf32, #tpu.memory_space<vmem>>, vector<16xf32>,
    tpu.vector_store %arg11[%swap3A_1039], %gather3A_1038 {strides = array<i32>} : memref<5376xf32, #tpu.memory_space<vmem>>, vector<16xf32>,
    %get3A_1041 = arith.constant 3072 : index
    %get3A_1042 = tpu.vector_load %arg10[%get3A_1041] {strides = array<i32>} : memref<5376xi32, #tpu.memory_space<vmem>>, vector<16xi32>,
    %gather3A_1043 = tpu.vector_load_idx %arg9[%get3A_1042] : memref<50016xf32, #tpu.memory_space<vmem>>[vector<16xi32>], vector<16xf32>,
    %swap3A_1044 = arith.constant 3072 : index
    %swap3A_1045 = tpu.vector_load %arg11[%swap3A_1044] {strides = array<i32>} : memref<5376xf32, #tpu.memory_space<vmem>>, vector<16xf32>,
    tpu.vector_store %arg11[%swap3A_1044], %gather3A_1043 {strides = array<i32>} : memref<5376xf32, #tpu.memory_space<vmem>>, vector<16xf32>,
    %get3A_1046 = arith.constant 3088 : index
    %get3A_1047 = tpu.vector_load %arg10[%get3A_1046] {strides = array<i32>} : memref<5376xi32, #tpu.memory_space<vmem>>, vector<16xi32>,
    %gather3A_1048 = tpu.vector_load_idx %arg9[%get3A_1047] : memref<50016xf32, #tpu.memory_space<vmem>>[vector<16xi32>], vector<16xf32>,
    %swap3A_1049 = arith.constant 3088 : index
    %swap3A_1050 = tpu.vector_load %arg11[%swap3A_1049] {strides = array<i32>} : memref<5376xf32, #tpu.memory_space<vmem>>, vector<16xf32>,
    tpu.vector_store %arg11[%swap3A_1049], %gather3A_1048 {strides = array<i32>} : memref<5376xf32, #tpu.memory_space<vmem>>, vector<16xf32>,
    %get3A_1051 = arith.constant 3104 : index
    %get3A_1052 = tpu.vector_load %arg10[%get3A_1051] {strides = array<i32>} : memref<5376xi32, #tpu.memory_space<vmem>>, vector<16xi32>,
    %gather3A_1053 = tpu.vector_load_idx %arg9[%get3A_1052] : memref<50016xf32, #tpu.memory_space<vmem>>[vector<16xi32>], vector<16xf32>,
    %swap3A_1054 = arith.constant 3104 : index
    %swap3A_1055 = tpu.vector_load %arg11[%swap3A_1054] {strides = array<i32>} : memref<5376xf32, #tpu.memory_space<vmem>>, vector<16xf32>,
    tpu.vector_store %arg11[%swap3A_1054], %gather3A_1053 {strides = array<i32>} : memref<5376xf32, #tpu.memory_space<vmem>>, vector<16xf32>,
    %get3A_1056 = arith.constant 3120 : index
    %get3A_1057 = tpu.vector_load %arg10[%get3A_1056] {strides = array<i32>} : memref<5376xi32, #tpu.memory_space<vmem>>, vector<16xi32>,
    %gather3A_1058 = tpu.vector_load_idx %arg9[%get3A_1057] : memref<50016xf32, #tpu.memory_space<vmem>>[vector<16xi32>], vector<16xf32>,
    %swap3A_1059 = arith.constant 3120 : index
    %swap3A_1060 = tpu.vector_load %arg11[%swap3A_1059] {strides = array<i32>} : memref<5376xf32, #tpu.memory_space<vmem>>, vector<16xf32>,
    tpu.vector_store %arg11[%swap3A_1059], %gather3A_1058 {strides = array<i32>} : memref<5376xf32, #tpu.memory_space<vmem>>, vector<16xf32>,
    %get3A_1061 = arith.constant 3136 : index
    %get3A_1062 = tpu.vector_load %arg10[%get3A_1061] {strides = array<i32>} : memref<5376xi32, #tpu.memory_space<vmem>>, vector<16xi32>,
    %gather3A_1063 = tpu.vector_load_idx %arg9[%get3A_1062] : memref<50016xf32, #tpu.memory_space<vmem>>[vector<16xi32>], vector<16xf32>,
    %swap3A_1064 = arith.constant 3136 : index
    %swap3A_1065 = tpu.vector_load %arg11[%swap3A_1064] {strides = array<i32>} : memref<5376xf32, #tpu.memory_space<vmem>>, vector<16xf32>,
    tpu.vector_store %arg11[%swap3A_1064], %gather3A_1063 {strides = array<i32>} : memref<5376xf32, #tpu.memory_space<vmem>>, vector<16xf32>,
    %get3A_1066 = arith.constant 3152 : index
    %get3A_1067 = tpu.vector_load %arg10[%get3A_1066] {strides = array<i32>} : memref<5376xi32, #tpu.memory_space<vmem>>, vector<16xi32>,
    %gather3A_1068 = tpu.vector_load_idx %arg9[%get3A_1067] : memref<50016xf32, #tpu.memory_space<vmem>>[vector<16xi32>], vector<16xf32>,
    %swap3A_1069 = arith.constant 3152 : index
    %swap3A_1070 = tpu.vector_load %arg11[%swap3A_1069] {strides = array<i32>} : memref<5376xf32, #tpu.memory_space<vmem>>, vector<16xf32>,
    tpu.vector_store %arg11[%swap3A_1069], %gather3A_1068 {strides = array<i32>} : memref<5376xf32, #tpu.memory_space<vmem>>, vector<16xf32>,
    %get3A_1071 = arith.constant 3168 : index
    %get3A_1072 = tpu.vector_load %arg10[%get3A_1071] {strides = array<i32>} : memref<5376xi32, #tpu.memory_space<vmem>>, vector<16xi32>,
    %gather3A_1073 = tpu.vector_load_idx %arg9[%get3A_1072] : memref<50016xf32, #tpu.memory_space<vmem>>[vector<16xi32>], vector<16xf32>,
    %swap3A_1074 = arith.constant 3168 : index
    %swap3A_1075 = tpu.vector_load %arg11[%swap3A_1074] {strides = array<i32>} : memref<5376xf32, #tpu.memory_space<vmem>>, vector<16xf32>,
    tpu.vector_store %arg11[%swap3A_1074], %gather3A_1073 {strides = array<i32>} : memref<5376xf32, #tpu.memory_space<vmem>>, vector<16xf32>,
    %get3A_1076 = arith.constant 3184 : index
    %get3A_1077 = tpu.vector_load %arg10[%get3A_1076] {strides = array<i32>} : memref<5376xi32, #tpu.memory_space<vmem>>, vector<16xi32>,
    %gather3A_1078 = tpu.vector_load_idx %arg9[%get3A_1077] : memref<50016xf32, #tpu.memory_space<vmem>>[vector<16xi32>], vector<16xf32>,
    %swap3A_1079 = arith.constant 3184 : index
    %swap3A_1080 = tpu.vector_load %arg11[%swap3A_1079] {strides = array<i32>} : memref<5376xf32, #tpu.memory_space<vmem>>, vector<16xf32>,
    tpu.vector_store %arg11[%swap3A_1079], %gather3A_1078 {strides = array<i32>} : memref<5376xf32, #tpu.memory_space<vmem>>, vector<16xf32>,
    %get3A_1081 = arith.constant 3200 : index
    %get3A_1082 = tpu.vector_load %arg10[%get3A_1081] {strides = array<i32>} : memref<5376xi32, #tpu.memory_space<vmem>>, vector<16xi32>,
    %gather3A_1083 = tpu.vector_load_idx %arg9[%get3A_1082] : memref<50016xf32, #tpu.memory_space<vmem>>[vector<16xi32>], vector<16xf32>,
    %swap3A_1084 = arith.constant 3200 : index
    %swap3A_1085 = tpu.vector_load %arg11[%swap3A_1084] {strides = array<i32>} : memref<5376xf32, #tpu.memory_space<vmem>>, vector<16xf32>,
    tpu.vector_store %arg11[%swap3A_1084], %gather3A_1083 {strides = array<i32>} : memref<5376xf32, #tpu.memory_space<vmem>>, vector<16xf32>,
    %get3A_1086 = arith.constant 3216 : index
    %get3A_1087 = tpu.vector_load %arg10[%get3A_1086] {strides = array<i32>} : memref<5376xi32, #tpu.memory_space<vmem>>, vector<16xi32>,
    %gather3A_1088 = tpu.vector_load_idx %arg9[%get3A_1087] : memref<50016xf32, #tpu.memory_space<vmem>>[vector<16xi32>], vector<16xf32>,
    %swap3A_1089 = arith.constant 3216 : index
    %swap3A_1090 = tpu.vector_load %arg11[%swap3A_1089] {strides = array<i32>} : memref<5376xf32, #tpu.memory_space<vmem>>, vector<16xf32>,
    tpu.vector_store %arg11[%swap3A_1089], %gather3A_1088 {strides = array<i32>} : memref<5376xf32, #tpu.memory_space<vmem>>, vector<16xf32>,
    %get3A_1091 = arith.constant 3232 : index
    %get3A_1092 = tpu.vector_load %arg10[%get3A_1091] {strides = array<i32>} : memref<5376xi32, #tpu.memory_space<vmem>>, vector<16xi32>,
    %gather3A_1093 = tpu.vector_load_idx %arg9[%get3A_1092] : memref<50016xf32, #tpu.memory_space<vmem>>[vector<16xi32>], vector<16xf32>,
    %swap3A_1094 = arith.constant 3232 : index
    %swap3A_1095 = tpu.vector_load %arg11[%swap3A_1094] {strides = array<i32>} : memref<5376xf32, #tpu.memory_space<vmem>>, vector<16xf32>,
    tpu.vector_store %arg11[%swap3A_1094], %gather3A_1093 {strides = array<i32>} : memref<5376xf32, #tpu.memory_space<vmem>>, vector<16xf32>,
    %get3A_1096 = arith.constant 3248 : index
    %get3A_1097 = tpu.vector_load %arg10[%get3A_1096] {strides = array<i32>} : memref<5376xi32, #tpu.memory_space<vmem>>, vector<16xi32>,
    %gather3A_1098 = tpu.vector_load_idx %arg9[%get3A_1097] : memref<50016xf32, #tpu.memory_space<vmem>>[vector<16xi32>], vector<16xf32>,
    %swap3A_1099 = arith.constant 3248 : index
    %swap3A_1100 = tpu.vector_load %arg11[%swap3A_1099] {strides = array<i32>} : memref<5376xf32, #tpu.memory_space<vmem>>, vector<16xf32>,
    tpu.vector_store %arg11[%swap3A_1099], %gather3A_1098 {strides = array<i32>} : memref<5376xf32, #tpu.memory_space<vmem>>, vector<16xf32>,
    %get3A_1101 = arith.constant 3264 : index
    %get3A_1102 = tpu.vector_load %arg10[%get3A_1101] {strides = array<i32>} : memref<5376xi32, #tpu.memory_space<vmem>>, vector<16xi32>,
    %gather3A_1103 = tpu.vector_load_idx %arg9[%get3A_1102] : memref<50016xf32, #tpu.memory_space<vmem>>[vector<16xi32>], vector<16xf32>,
    %swap3A_1104 = arith.constant 3264 : index
    %swap3A_1105 = tpu.vector_load %arg11[%swap3A_1104] {strides = array<i32>} : memref<5376xf32, #tpu.memory_space<vmem>>, vector<16xf32>,
    tpu.vector_store %arg11[%swap3A_1104], %gather3A_1103 {strides = array<i32>} : memref<5376xf32, #tpu.memory_space<vmem>>, vector<16xf32>,
    %get3A_1106 = arith.constant 3280 : index
    %get3A_1107 = tpu.vector_load %arg10[%get3A_1106] {strides = array<i32>} : memref<5376xi32, #tpu.memory_space<vmem>>, vector<16xi32>,
    %gather3A_1108 = tpu.vector_load_idx %arg9[%get3A_1107] : memref<50016xf32, #tpu.memory_space<vmem>>[vector<16xi32>], vector<16xf32>,
    %swap3A_1109 = arith.constant 3280 : index
    %swap3A_1110 = tpu.vector_load %arg11[%swap3A_1109] {strides = array<i32>} : memref<5376xf32, #tpu.memory_space<vmem>>, vector<16xf32>,
    tpu.vector_store %arg11[%swap3A_1109], %gather3A_1108 {strides = array<i32>} : memref<5376xf32, #tpu.memory_space<vmem>>, vector<16xf32>,
    %get3A_1111 = arith.constant 3296 : index
    %get3A_1112 = tpu.vector_load %arg10[%get3A_1111] {strides = array<i32>} : memref<5376xi32, #tpu.memory_space<vmem>>, vector<16xi32>,
    %gather3A_1113 = tpu.vector_load_idx %arg9[%get3A_1112] : memref<50016xf32, #tpu.memory_space<vmem>>[vector<16xi32>], vector<16xf32>,
    %swap3A_1114 = arith.constant 3296 : index
    %swap3A_1115 = tpu.vector_load %arg11[%swap3A_1114] {strides = array<i32>} : memref<5376xf32, #tpu.memory_space<vmem>>, vector<16xf32>,
    tpu.vector_store %arg11[%swap3A_1114], %gather3A_1113 {strides = array<i32>} : memref<5376xf32, #tpu.memory_space<vmem>>, vector<16xf32>,
    %get3A_1116 = arith.constant 3312 : index
    %get3A_1117 = tpu.vector_load %arg10[%get3A_1116] {strides = array<i32>} : memref<5376xi32, #tpu.memory_space<vmem>>, vector<16xi32>,
    %gather3A_1118 = tpu.vector_load_idx %arg9[%get3A_1117] : memref<50016xf32, #tpu.memory_space<vmem>>[vector<16xi32>], vector<16xf32>,
    %swap3A_1119 = arith.constant 3312 : index
    %swap3A_1120 = tpu.vector_load %arg11[%swap3A_1119] {strides = array<i32>} : memref<5376xf32, #tpu.memory_space<vmem>>, vector<16xf32>,
    tpu.vector_store %arg11[%swap3A_1119], %gather3A_1118 {strides = array<i32>} : memref<5376xf32, #tpu.memory_space<vmem>>, vector<16xf32>,
    %get3A_1121 = arith.constant 3328 : index
    %get3A_1122 = tpu.vector_load %arg10[%get3A_1121] {strides = array<i32>} : memref<5376xi32, #tpu.memory_space<vmem>>, vector<16xi32>,
    %gather3A_1123 = tpu.vector_load_idx %arg9[%get3A_1122] : memref<50016xf32, #tpu.memory_space<vmem>>[vector<16xi32>], vector<16xf32>,
    %swap3A_1124 = arith.constant 3328 : index
    %swap3A_1125 = tpu.vector_load %arg11[%swap3A_1124] {strides = array<i32>} : memref<5376xf32, #tpu.memory_space<vmem>>, vector<16xf32>,
    tpu.vector_store %arg11[%swap3A_1124], %gather3A_1123 {strides = array<i32>} : memref<5376xf32, #tpu.memory_space<vmem>>, vector<16xf32>,
    %get3A_1126 = arith.constant 3344 : index
    %get3A_1127 = tpu.vector_load %arg10[%get3A_1126] {strides = array<i32>} : memref<5376xi32, #tpu.memory_space<vmem>>, vector<16xi32>,
    %gather3A_1128 = tpu.vector_load_idx %arg9[%get3A_1127] : memref<50016xf32, #tpu.memory_space<vmem>>[vector<16xi32>], vector<16xf32>,
    %swap3A_1129 = arith.constant 3344 : index
    %swap3A_1130 = tpu.vector_load %arg11[%swap3A_1129] {strides = array<i32>} : memref<5376xf32, #tpu.memory_space<vmem>>, vector<16xf32>,
    tpu.vector_store %arg11[%swap3A_1129], %gather3A_1128 {strides = array<i32>} : memref<5376xf32, #tpu.memory_space<vmem>>, vector<16xf32>,
    %get3A_1131 = arith.constant 3360 : index
    %get3A_1132 = tpu.vector_load %arg10[%get3A_1131] {strides = array<i32>} : memref<5376xi32, #tpu.memory_space<vmem>>, vector<16xi32>,
    %gather3A_1133 = tpu.vector_load_idx %arg9[%get3A_1132] : memref<50016xf32, #tpu.memory_space<vmem>>[vector<16xi32>], vector<16xf32>,
    %swap3A_1134 = arith.constant 3360 : index
    %swap3A_1135 = tpu.vector_load %arg11[%swap3A_1134] {strides = array<i32>} : memref<5376xf32, #tpu.memory_space<vmem>>, vector<16xf32>,
    tpu.vector_store %arg11[%swap3A_1134], %gather3A_1133 {strides = array<i32>} : memref<5376xf32, #tpu.memory_space<vmem>>, vector<16xf32>,
    %get3A_1136 = arith.constant 3376 : index
    %get3A_1137 = tpu.vector_load %arg10[%get3A_1136] {strides = array<i32>} : memref<5376xi32, #tpu.memory_space<vmem>>, vector<16xi32>,
    %gather3A_1138 = tpu.vector_load_idx %arg9[%get3A_1137] : memref<50016xf32, #tpu.memory_space<vmem>>[vector<16xi32>], vector<16xf32>,
    %swap3A_1139 = arith.constant 3376 : index
    %swap3A_1140 = tpu.vector_load %arg11[%swap3A_1139] {strides = array<i32>} : memref<5376xf32, #tpu.memory_space<vmem>>, vector<16xf32>,
    tpu.vector_store %arg11[%swap3A_1139], %gather3A_1138 {strides = array<i32>} : memref<5376xf32, #tpu.memory_space<vmem>>, vector<16xf32>,
    %get3A_1141 = arith.constant 3392 : index
    %get3A_1142 = tpu.vector_load %arg10[%get3A_1141] {strides = array<i32>} : memref<5376xi32, #tpu.memory_space<vmem>>, vector<16xi32>,
    %gather3A_1143 = tpu.vector_load_idx %arg9[%get3A_1142] : memref<50016xf32, #tpu.memory_space<vmem>>[vector<16xi32>], vector<16xf32>,
    %swap3A_1144 = arith.constant 3392 : index
    %swap3A_1145 = tpu.vector_load %arg11[%swap3A_1144] {strides = array<i32>} : memref<5376xf32, #tpu.memory_space<vmem>>, vector<16xf32>,
    tpu.vector_store %arg11[%swap3A_1144], %gather3A_1143 {strides = array<i32>} : memref<5376xf32, #tpu.memory_space<vmem>>, vector<16xf32>,
    %get3A_1146 = arith.constant 3408 : index
    %get3A_1147 = tpu.vector_load %arg10[%get3A_1146] {strides = array<i32>} : memref<5376xi32, #tpu.memory_space<vmem>>, vector<16xi32>,
    %gather3A_1148 = tpu.vector_load_idx %arg9[%get3A_1147] : memref<50016xf32, #tpu.memory_space<vmem>>[vector<16xi32>], vector<16xf32>,
    %swap3A_1149 = arith.constant 3408 : index
    %swap3A_1150 = tpu.vector_load %arg11[%swap3A_1149] {strides = array<i32>} : memref<5376xf32, #tpu.memory_space<vmem>>, vector<16xf32>,
    tpu.vector_store %arg11[%swap3A_1149], %gather3A_1148 {strides = array<i32>} : memref<5376xf32, #tpu.memory_space<vmem>>, vector<16xf32>,
    %get3A_1151 = arith.constant 3424 : index
    %get3A_1152 = tpu.vector_load %arg10[%get3A_1151] {strides = array<i32>} : memref<5376xi32, #tpu.memory_space<vmem>>, vector<16xi32>,
    %gather3A_1153 = tpu.vector_load_idx %arg9[%get3A_1152] : memref<50016xf32, #tpu.memory_space<vmem>>[vector<16xi32>], vector<16xf32>,
    %swap3A_1154 = arith.constant 3424 : index
    %swap3A_1155 = tpu.vector_load %arg11[%swap3A_1154] {strides = array<i32>} : memref<5376xf32, #tpu.memory_space<vmem>>, vector<16xf32>,
    tpu.vector_store %arg11[%swap3A_1154], %gather3A_1153 {strides = array<i32>} : memref<5376xf32, #tpu.memory_space<vmem>>, vector<16xf32>,
    %get3A_1156 = arith.constant 3440 : index
    %get3A_1157 = tpu.vector_load %arg10[%get3A_1156] {strides = array<i32>} : memref<5376xi32, #tpu.memory_space<vmem>>, vector<16xi32>,
    %gather3A_1158 = tpu.vector_load_idx %arg9[%get3A_1157] : memref<50016xf32, #tpu.memory_space<vmem>>[vector<16xi32>], vector<16xf32>,
    %swap3A_1159 = arith.constant 3440 : index
    %swap3A_1160 = tpu.vector_load %arg11[%swap3A_1159] {strides = array<i32>} : memref<5376xf32, #tpu.memory_space<vmem>>, vector<16xf32>,
    tpu.vector_store %arg11[%swap3A_1159], %gather3A_1158 {strides = array<i32>} : memref<5376xf32, #tpu.memory_space<vmem>>, vector<16xf32>,
    %get3A_1161 = arith.constant 3456 : index
    %get3A_1162 = tpu.vector_load %arg10[%get3A_1161] {strides = array<i32>} : memref<5376xi32, #tpu.memory_space<vmem>>, vector<16xi32>,
    %gather3A_1163 = tpu.vector_load_idx %arg9[%get3A_1162] : memref<50016xf32, #tpu.memory_space<vmem>>[vector<16xi32>], vector<16xf32>,
    %swap3A_1164 = arith.constant 3456 : index
    %swap3A_1165 = tpu.vector_load %arg11[%swap3A_1164] {strides = array<i32>} : memref<5376xf32, #tpu.memory_space<vmem>>, vector<16xf32>,
    tpu.vector_store %arg11[%swap3A_1164], %gather3A_1163 {strides = array<i32>} : memref<5376xf32, #tpu.memory_space<vmem>>, vector<16xf32>,
    %get3A_1166 = arith.constant 3472 : index
    %get3A_1167 = tpu.vector_load %arg10[%get3A_1166] {strides = array<i32>} : memref<5376xi32, #tpu.memory_space<vmem>>, vector<16xi32>,
    %gather3A_1168 = tpu.vector_load_idx %arg9[%get3A_1167] : memref<50016xf32, #tpu.memory_space<vmem>>[vector<16xi32>], vector<16xf32>,
    %swap3A_1169 = arith.constant 3472 : index
    %swap3A_1170 = tpu.vector_load %arg11[%swap3A_1169] {strides = array<i32>} : memref<5376xf32, #tpu.memory_space<vmem>>, vector<16xf32>,
    tpu.vector_store %arg11[%swap3A_1169], %gather3A_1168 {strides = array<i32>} : memref<5376xf32, #tpu.memory_space<vmem>>, vector<16xf32>,
    %get3A_1171 = arith.constant 3488 : index
    %get3A_1172 = tpu.vector_load %arg10[%get3A_1171] {strides = array<i32>} : memref<5376xi32, #tpu.memory_space<vmem>>, vector<16xi32>,
    %gather3A_1173 = tpu.vector_load_idx %arg9[%get3A_1172] : memref<50016xf32, #tpu.memory_space<vmem>>[vector<16xi32>], vector<16xf32>,
    %swap3A_1174 = arith.constant 3488 : index
    %swap3A_1175 = tpu.vector_load %arg11[%swap3A_1174] {strides = array<i32>} : memref<5376xf32, #tpu.memory_space<vmem>>, vector<16xf32>,
    tpu.vector_store %arg11[%swap3A_1174], %gather3A_1173 {strides = array<i32>} : memref<5376xf32, #tpu.memory_space<vmem>>, vector<16xf32>,
    %get3A_1176 = arith.constant 3504 : index
    %get3A_1177 = tpu.vector_load %arg10[%get3A_1176] {strides = array<i32>} : memref<5376xi32, #tpu.memory_space<vmem>>, vector<16xi32>,
    %gather3A_1178 = tpu.vector_load_idx %arg9[%get3A_1177] : memref<50016xf32, #tpu.memory_space<vmem>>[vector<16xi32>], vector<16xf32>,
    %swap3A_1179 = arith.constant 3504 : index
    %swap3A_1180 = tpu.vector_load %arg11[%swap3A_1179] {strides = array<i32>} : memref<5376xf32, #tpu.memory_space<vmem>>, vector<16xf32>,
    tpu.vector_store %arg11[%swap3A_1179], %gather3A_1178 {strides = array<i32>} : memref<5376xf32, #tpu.memory_space<vmem>>, vector<16xf32>,
    %get3A_1181 = arith.constant 3520 : index
    %get3A_1182 = tpu.vector_load %arg10[%get3A_1181] {strides = array<i32>} : memref<5376xi32, #tpu.memory_space<vmem>>, vector<16xi32>,
    %gather3A_1183 = tpu.vector_load_idx %arg9[%get3A_1182] : memref<50016xf32, #tpu.memory_space<vmem>>[vector<16xi32>], vector<16xf32>,
    %swap3A_1184 = arith.constant 3520 : index
    %swap3A_1185 = tpu.vector_load %arg11[%swap3A_1184] {strides = array<i32>} : memref<5376xf32, #tpu.memory_space<vmem>>, vector<16xf32>,
    tpu.vector_store %arg11[%swap3A_1184], %gather3A_1183 {strides = array<i32>} : memref<5376xf32, #tpu.memory_space<vmem>>, vector<16xf32>,
    %get3A_1186 = arith.constant 3536 : index
    %get3A_1187 = tpu.vector_load %arg10[%get3A_1186] {strides = array<i32>} : memref<5376xi32, #tpu.memory_space<vmem>>, vector<16xi32>,
    %gather3A_1188 = tpu.vector_load_idx %arg9[%get3A_1187] : memref<50016xf32, #tpu.memory_space<vmem>>[vector<16xi32>], vector<16xf32>,
    %swap3A_1189 = arith.constant 3536 : index
    %swap3A_1190 = tpu.vector_load %arg11[%swap3A_1189] {strides = array<i32>} : memref<5376xf32, #tpu.memory_space<vmem>>, vector<16xf32>,
    tpu.vector_store %arg11[%swap3A_1189], %gather3A_1188 {strides = array<i32>} : memref<5376xf32, #tpu.memory_space<vmem>>, vector<16xf32>,
    %get3A_1191 = arith.constant 3552 : index
    %get3A_1192 = tpu.vector_load %arg10[%get3A_1191] {strides = array<i32>} : memref<5376xi32, #tpu.memory_space<vmem>>, vector<16xi32>,
    %gather3A_1193 = tpu.vector_load_idx %arg9[%get3A_1192] : memref<50016xf32, #tpu.memory_space<vmem>>[vector<16xi32>], vector<16xf32>,
    %swap3A_1194 = arith.constant 3552 : index
    %swap3A_1195 = tpu.vector_load %arg11[%swap3A_1194] {strides = array<i32>} : memref<5376xf32, #tpu.memory_space<vmem>>, vector<16xf32>,
    tpu.vector_store %arg11[%swap3A_1194], %gather3A_1193 {strides = array<i32>} : memref<5376xf32, #tpu.memory_space<vmem>>, vector<16xf32>,
    %get3A_1196 = arith.constant 3568 : index
    %get3A_1197 = tpu.vector_load %arg10[%get3A_1196] {strides = array<i32>} : memref<5376xi32, #tpu.memory_space<vmem>>, vector<16xi32>,
    %gather3A_1198 = tpu.vector_load_idx %arg9[%get3A_1197] : memref<50016xf32, #tpu.memory_space<vmem>>[vector<16xi32>], vector<16xf32>,
    %swap3A_1199 = arith.constant 3568 : index
    %swap3A_1200 = tpu.vector_load %arg11[%swap3A_1199] {strides = array<i32>} : memref<5376xf32, #tpu.memory_space<vmem>>, vector<16xf32>,
    tpu.vector_store %arg11[%swap3A_1199], %gather3A_1198 {strides = array<i32>} : memref<5376xf32, #tpu.memory_space<vmem>>, vector<16xf32>,
    %get3A_1201 = arith.constant 3584 : index
    %get3A_1202 = tpu.vector_load %arg10[%get3A_1201] {strides = array<i32>} : memref<5376xi32, #tpu.memory_space<vmem>>, vector<16xi32>,
    %gather3A_1203 = tpu.vector_load_idx %arg9[%get3A_1202] : memref<50016xf32, #tpu.memory_space<vmem>>[vector<16xi32>], vector<16xf32>,
    %swap3A_1204 = arith.constant 3584 : index
    %swap3A_1205 = tpu.vector_load %arg11[%swap3A_1204] {strides = array<i32>} : memref<5376xf32, #tpu.memory_space<vmem>>, vector<16xf32>,
    tpu.vector_store %arg11[%swap3A_1204], %gather3A_1203 {strides = array<i32>} : memref<5376xf32, #tpu.memory_space<vmem>>, vector<16xf32>,
    %get3A_1206 = arith.constant 3600 : index
    %get3A_1207 = tpu.vector_load %arg10[%get3A_1206] {strides = array<i32>} : memref<5376xi32, #tpu.memory_space<vmem>>, vector<16xi32>,
    %gather3A_1208 = tpu.vector_load_idx %arg9[%get3A_1207] : memref<50016xf32, #tpu.memory_space<vmem>>[vector<16xi32>], vector<16xf32>,
    %swap3A_1209 = arith.constant 3600 : index
    %swap3A_1210 = tpu.vector_load %arg11[%swap3A_1209] {strides = array<i32>} : memref<5376xf32, #tpu.memory_space<vmem>>, vector<16xf32>,
    tpu.vector_store %arg11[%swap3A_1209], %gather3A_1208 {strides = array<i32>} : memref<5376xf32, #tpu.memory_space<vmem>>, vector<16xf32>,
    %get3A_1211 = arith.constant 3616 : index
    %get3A_1212 = tpu.vector_load %arg10[%get3A_1211] {strides = array<i32>} : memref<5376xi32, #tpu.memory_space<vmem>>, vector<16xi32>,
    %gather3A_1213 = tpu.vector_load_idx %arg9[%get3A_1212] : memref<50016xf32, #tpu.memory_space<vmem>>[vector<16xi32>], vector<16xf32>,
    %swap3A_1214 = arith.constant 3616 : index
    %swap3A_1215 = tpu.vector_load %arg11[%swap3A_1214] {strides = array<i32>} : memref<5376xf32, #tpu.memory_space<vmem>>, vector<16xf32>,
    tpu.vector_store %arg11[%swap3A_1214], %gather3A_1213 {strides = array<i32>} : memref<5376xf32, #tpu.memory_space<vmem>>, vector<16xf32>,
    %get3A_1216 = arith.constant 3632 : index
    %get3A_1217 = tpu.vector_load %arg10[%get3A_1216] {strides = array<i32>} : memref<5376xi32, #tpu.memory_space<vmem>>, vector<16xi32>,
    %gather3A_1218 = tpu.vector_load_idx %arg9[%get3A_1217] : memref<50016xf32, #tpu.memory_space<vmem>>[vector<16xi32>], vector<16xf32>,
    %swap3A_1219 = arith.constant 3632 : index
    %swap3A_1220 = tpu.vector_load %arg11[%swap3A_1219] {strides = array<i32>} : memref<5376xf32, #tpu.memory_space<vmem>>, vector<16xf32>,
    tpu.vector_store %arg11[%swap3A_1219], %gather3A_1218 {strides = array<i32>} : memref<5376xf32, #tpu.memory_space<vmem>>, vector<16xf32>,
    %get3A_1221 = arith.constant 3648 : index
    %get3A_1222 = tpu.vector_load %arg10[%get3A_1221] {strides = array<i32>} : memref<5376xi32, #tpu.memory_space<vmem>>, vector<16xi32>,
    %gather3A_1223 = tpu.vector_load_idx %arg9[%get3A_1222] : memref<50016xf32, #tpu.memory_space<vmem>>[vector<16xi32>], vector<16xf32>,
    %swap3A_1224 = arith.constant 3648 : index
    %swap3A_1225 = tpu.vector_load %arg11[%swap3A_1224] {strides = array<i32>} : memref<5376xf32, #tpu.memory_space<vmem>>, vector<16xf32>,
    tpu.vector_store %arg11[%swap3A_1224], %gather3A_1223 {strides = array<i32>} : memref<5376xf32, #tpu.memory_space<vmem>>, vector<16xf32>,
    %get3A_1226 = arith.constant 3664 : index
    %get3A_1227 = tpu.vector_load %arg10[%get3A_1226] {strides = array<i32>} : memref<5376xi32, #tpu.memory_space<vmem>>, vector<16xi32>,
    %gather3A_1228 = tpu.vector_load_idx %arg9[%get3A_1227] : memref<50016xf32, #tpu.memory_space<vmem>>[vector<16xi32>], vector<16xf32>,
    %swap3A_1229 = arith.constant 3664 : index
    %swap3A_1230 = tpu.vector_load %arg11[%swap3A_1229] {strides = array<i32>} : memref<5376xf32, #tpu.memory_space<vmem>>, vector<16xf32>,
    tpu.vector_store %arg11[%swap3A_1229], %gather3A_1228 {strides = array<i32>} : memref<5376xf32, #tpu.memory_space<vmem>>, vector<16xf32>,
    %get3A_1231 = arith.constant 3680 : index
    %get3A_1232 = tpu.vector_load %arg10[%get3A_1231] {strides = array<i32>} : memref<5376xi32, #tpu.memory_space<vmem>>, vector<16xi32>,
    %gather3A_1233 = tpu.vector_load_idx %arg9[%get3A_1232] : memref<50016xf32, #tpu.memory_space<vmem>>[vector<16xi32>], vector<16xf32>,
    %swap3A_1234 = arith.constant 3680 : index
    %swap3A_1235 = tpu.vector_load %arg11[%swap3A_1234] {strides = array<i32>} : memref<5376xf32, #tpu.memory_space<vmem>>, vector<16xf32>,
    tpu.vector_store %arg11[%swap3A_1234], %gather3A_1233 {strides = array<i32>} : memref<5376xf32, #tpu.memory_space<vmem>>, vector<16xf32>,
    %get3A_1236 = arith.constant 3696 : index
    %get3A_1237 = tpu.vector_load %arg10[%get3A_1236] {strides = array<i32>} : memref<5376xi32, #tpu.memory_space<vmem>>, vector<16xi32>,
    %gather3A_1238 = tpu.vector_load_idx %arg9[%get3A_1237] : memref<50016xf32, #tpu.memory_space<vmem>>[vector<16xi32>], vector<16xf32>,
    %swap3A_1239 = arith.constant 3696 : index
    %swap3A_1240 = tpu.vector_load %arg11[%swap3A_1239] {strides = array<i32>} : memref<5376xf32, #tpu.memory_space<vmem>>, vector<16xf32>,
    tpu.vector_store %arg11[%swap3A_1239], %gather3A_1238 {strides = array<i32>} : memref<5376xf32, #tpu.memory_space<vmem>>, vector<16xf32>,
    %get3A_1241 = arith.constant 3712 : index
    %get3A_1242 = tpu.vector_load %arg10[%get3A_1241] {strides = array<i32>} : memref<5376xi32, #tpu.memory_space<vmem>>, vector<16xi32>,
    %gather3A_1243 = tpu.vector_load_idx %arg9[%get3A_1242] : memref<50016xf32, #tpu.memory_space<vmem>>[vector<16xi32>], vector<16xf32>,
    %swap3A_1244 = arith.constant 3712 : index
    %swap3A_1245 = tpu.vector_load %arg11[%swap3A_1244] {strides = array<i32>} : memref<5376xf32, #tpu.memory_space<vmem>>, vector<16xf32>,
    tpu.vector_store %arg11[%swap3A_1244], %gather3A_1243 {strides = array<i32>} : memref<5376xf32, #tpu.memory_space<vmem>>, vector<16xf32>,
    %get3A_1246 = arith.constant 3728 : index
    %get3A_1247 = tpu.vector_load %arg10[%get3A_1246] {strides = array<i32>} : memref<5376xi32, #tpu.memory_space<vmem>>, vector<16xi32>,
    %gather3A_1248 = tpu.vector_load_idx %arg9[%get3A_1247] : memref<50016xf32, #tpu.memory_space<vmem>>[vector<16xi32>], vector<16xf32>,
    %swap3A_1249 = arith.constant 3728 : index
    %swap3A_1250 = tpu.vector_load %arg11[%swap3A_1249] {strides = array<i32>} : memref<5376xf32, #tpu.memory_space<vmem>>, vector<16xf32>,
    tpu.vector_store %arg11[%swap3A_1249], %gather3A_1248 {strides = array<i32>} : memref<5376xf32, #tpu.memory_space<vmem>>, vector<16xf32>,
    %get3A_1251 = arith.constant 3744 : index
    %get3A_1252 = tpu.vector_load %arg10[%get3A_1251] {strides = array<i32>} : memref<5376xi32, #tpu.memory_space<vmem>>, vector<16xi32>,
    %gather3A_1253 = tpu.vector_load_idx %arg9[%get3A_1252] : memref<50016xf32, #tpu.memory_space<vmem>>[vector<16xi32>], vector<16xf32>,
    %swap3A_1254 = arith.constant 3744 : index
    %swap3A_1255 = tpu.vector_load %arg11[%swap3A_1254] {strides = array<i32>} : memref<5376xf32, #tpu.memory_space<vmem>>, vector<16xf32>,
    tpu.vector_store %arg11[%swap3A_1254], %gather3A_1253 {strides = array<i32>} : memref<5376xf32, #tpu.memory_space<vmem>>, vector<16xf32>,
    %get3A_1256 = arith.constant 3760 : index
    %get3A_1257 = tpu.vector_load %arg10[%get3A_1256] {strides = array<i32>} : memref<5376xi32, #tpu.memory_space<vmem>>, vector<16xi32>,
    %gather3A_1258 = tpu.vector_load_idx %arg9[%get3A_1257] : memref<50016xf32, #tpu.memory_space<vmem>>[vector<16xi32>], vector<16xf32>,
    %swap3A_1259 = arith.constant 3760 : index
    %swap3A_1260 = tpu.vector_load %arg11[%swap3A_1259] {strides = array<i32>} : memref<5376xf32, #tpu.memory_space<vmem>>, vector<16xf32>,
    tpu.vector_store %arg11[%swap3A_1259], %gather3A_1258 {strides = array<i32>} : memref<5376xf32, #tpu.memory_space<vmem>>, vector<16xf32>,
    %get3A_1261 = arith.constant 3776 : index
    %get3A_1262 = tpu.vector_load %arg10[%get3A_1261] {strides = array<i32>} : memref<5376xi32, #tpu.memory_space<vmem>>, vector<16xi32>,
    %gather3A_1263 = tpu.vector_load_idx %arg9[%get3A_1262] : memref<50016xf32, #tpu.memory_space<vmem>>[vector<16xi32>], vector<16xf32>,
    %swap3A_1264 = arith.constant 3776 : index
    %swap3A_1265 = tpu.vector_load %arg11[%swap3A_1264] {strides = array<i32>} : memref<5376xf32, #tpu.memory_space<vmem>>, vector<16xf32>,
    tpu.vector_store %arg11[%swap3A_1264], %gather3A_1263 {strides = array<i32>} : memref<5376xf32, #tpu.memory_space<vmem>>, vector<16xf32>,
    %get3A_1266 = arith.constant 3792 : index
    %get3A_1267 = tpu.vector_load %arg10[%get3A_1266] {strides = array<i32>} : memref<5376xi32, #tpu.memory_space<vmem>>, vector<16xi32>,
    %gather3A_1268 = tpu.vector_load_idx %arg9[%get3A_1267] : memref<50016xf32, #tpu.memory_space<vmem>>[vector<16xi32>], vector<16xf32>,
    %swap3A_1269 = arith.constant 3792 : index
    %swap3A_1270 = tpu.vector_load %arg11[%swap3A_1269] {strides = array<i32>} : memref<5376xf32, #tpu.memory_space<vmem>>, vector<16xf32>,
    tpu.vector_store %arg11[%swap3A_1269], %gather3A_1268 {strides = array<i32>} : memref<5376xf32, #tpu.memory_space<vmem>>, vector<16xf32>,
    %get3A_1271 = arith.constant 3808 : index
    %get3A_1272 = tpu.vector_load %arg10[%get3A_1271] {strides = array<i32>} : memref<5376xi32, #tpu.memory_space<vmem>>, vector<16xi32>,
    %gather3A_1273 = tpu.vector_load_idx %arg9[%get3A_1272] : memref<50016xf32, #tpu.memory_space<vmem>>[vector<16xi32>], vector<16xf32>,
    %swap3A_1274 = arith.constant 3808 : index
    %swap3A_1275 = tpu.vector_load %arg11[%swap3A_1274] {strides = array<i32>} : memref<5376xf32, #tpu.memory_space<vmem>>, vector<16xf32>,
    tpu.vector_store %arg11[%swap3A_1274], %gather3A_1273 {strides = array<i32>} : memref<5376xf32, #tpu.memory_space<vmem>>, vector<16xf32>,
    %get3A_1276 = arith.constant 3824 : index
    %get3A_1277 = tpu.vector_load %arg10[%get3A_1276] {strides = array<i32>} : memref<5376xi32, #tpu.memory_space<vmem>>, vector<16xi32>,
    %gather3A_1278 = tpu.vector_load_idx %arg9[%get3A_1277] : memref<50016xf32, #tpu.memory_space<vmem>>[vector<16xi32>], vector<16xf32>,
    %swap3A_1279 = arith.constant 3824 : index
    %swap3A_1280 = tpu.vector_load %arg11[%swap3A_1279] {strides = array<i32>} : memref<5376xf32, #tpu.memory_space<vmem>>, vector<16xf32>,
    tpu.vector_store %arg11[%swap3A_1279], %gather3A_1278 {strides = array<i32>} : memref<5376xf32, #tpu.memory_space<vmem>>, vector<16xf32>,
    %get3A_1281 = arith.constant 3840 : index
    %get3A_1282 = tpu.vector_load %arg10[%get3A_1281] {strides = array<i32>} : memref<5376xi32, #tpu.memory_space<vmem>>, vector<16xi32>,
    %gather3A_1283 = tpu.vector_load_idx %arg9[%get3A_1282] : memref<50016xf32, #tpu.memory_space<vmem>>[vector<16xi32>], vector<16xf32>,
    %swap3A_1284 = arith.constant 3840 : index
    %swap3A_1285 = tpu.vector_load %arg11[%swap3A_1284] {strides = array<i32>} : memref<5376xf32, #tpu.memory_space<vmem>>, vector<16xf32>,
    tpu.vector_store %arg11[%swap3A_1284], %gather3A_1283 {strides = array<i32>} : memref<5376xf32, #tpu.memory_space<vmem>>, vector<16xf32>,
    %get3A_1286 = arith.constant 3856 : index
    %get3A_1287 = tpu.vector_load %arg10[%get3A_1286] {strides = array<i32>} : memref<5376xi32, #tpu.memory_space<vmem>>, vector<16xi32>,
    %gather3A_1288 = tpu.vector_load_idx %arg9[%get3A_1287] : memref<50016xf32, #tpu.memory_space<vmem>>[vector<16xi32>], vector<16xf32>,
    %swap3A_1289 = arith.constant 3856 : index
    %swap3A_1290 = tpu.vector_load %arg11[%swap3A_1289] {strides = array<i32>} : memref<5376xf32, #tpu.memory_space<vmem>>, vector<16xf32>,
    tpu.vector_store %arg11[%swap3A_1289], %gather3A_1288 {strides = array<i32>} : memref<5376xf32, #tpu.memory_space<vmem>>, vector<16xf32>,
    %get3A_1291 = arith.constant 3872 : index
    %get3A_1292 = tpu.vector_load %arg10[%get3A_1291] {strides = array<i32>} : memref<5376xi32, #tpu.memory_space<vmem>>, vector<16xi32>,
    %gather3A_1293 = tpu.vector_load_idx %arg9[%get3A_1292] : memref<50016xf32, #tpu.memory_space<vmem>>[vector<16xi32>], vector<16xf32>,
    %swap3A_1294 = arith.constant 3872 : index
    %swap3A_1295 = tpu.vector_load %arg11[%swap3A_1294] {strides = array<i32>} : memref<5376xf32, #tpu.memory_space<vmem>>, vector<16xf32>,
    tpu.vector_store %arg11[%swap3A_1294], %gather3A_1293 {strides = array<i32>} : memref<5376xf32, #tpu.memory_space<vmem>>, vector<16xf32>,
    %get3A_1296 = arith.constant 3888 : index
    %get3A_1297 = tpu.vector_load %arg10[%get3A_1296] {strides = array<i32>} : memref<5376xi32, #tpu.memory_space<vmem>>, vector<16xi32>,
    %gather3A_1298 = tpu.vector_load_idx %arg9[%get3A_1297] : memref<50016xf32, #tpu.memory_space<vmem>>[vector<16xi32>], vector<16xf32>,
    %swap3A_1299 = arith.constant 3888 : index
    %swap3A_1300 = tpu.vector_load %arg11[%swap3A_1299] {strides = array<i32>} : memref<5376xf32, #tpu.memory_space<vmem>>, vector<16xf32>,
    tpu.vector_store %arg11[%swap3A_1299], %gather3A_1298 {strides = array<i32>} : memref<5376xf32, #tpu.memory_space<vmem>>, vector<16xf32>,
    %get3A_1301 = arith.constant 3904 : index
    %get3A_1302 = tpu.vector_load %arg10[%get3A_1301] {strides = array<i32>} : memref<5376xi32, #tpu.memory_space<vmem>>, vector<16xi32>,
    %gather3A_1303 = tpu.vector_load_idx %arg9[%get3A_1302] : memref<50016xf32, #tpu.memory_space<vmem>>[vector<16xi32>], vector<16xf32>,
    %swap3A_1304 = arith.constant 3904 : index
    %swap3A_1305 = tpu.vector_load %arg11[%swap3A_1304] {strides = array<i32>} : memref<5376xf32, #tpu.memory_space<vmem>>, vector<16xf32>,
    tpu.vector_store %arg11[%swap3A_1304], %gather3A_1303 {strides = array<i32>} : memref<5376xf32, #tpu.memory_space<vmem>>, vector<16xf32>,
    %get3A_1306 = arith.constant 3920 : index
    %get3A_1307 = tpu.vector_load %arg10[%get3A_1306] {strides = array<i32>} : memref<5376xi32, #tpu.memory_space<vmem>>, vector<16xi32>,
    %gather3A_1308 = tpu.vector_load_idx %arg9[%get3A_1307] : memref<50016xf32, #tpu.memory_space<vmem>>[vector<16xi32>], vector<16xf32>,
    %swap3A_1309 = arith.constant 3920 : index
    %swap3A_1310 = tpu.vector_load %arg11[%swap3A_1309] {strides = array<i32>} : memref<5376xf32, #tpu.memory_space<vmem>>, vector<16xf32>,
    tpu.vector_store %arg11[%swap3A_1309], %gather3A_1308 {strides = array<i32>} : memref<5376xf32, #tpu.memory_space<vmem>>, vector<16xf32>,
    %get3A_1311 = arith.constant 3936 : index
    %get3A_1312 = tpu.vector_load %arg10[%get3A_1311] {strides = array<i32>} : memref<5376xi32, #tpu.memory_space<vmem>>, vector<16xi32>,
    %gather3A_1313 = tpu.vector_load_idx %arg9[%get3A_1312] : memref<50016xf32, #tpu.memory_space<vmem>>[vector<16xi32>], vector<16xf32>,
    %swap3A_1314 = arith.constant 3936 : index
    %swap3A_1315 = tpu.vector_load %arg11[%swap3A_1314] {strides = array<i32>} : memref<5376xf32, #tpu.memory_space<vmem>>, vector<16xf32>,
    tpu.vector_store %arg11[%swap3A_1314], %gather3A_1313 {strides = array<i32>} : memref<5376xf32, #tpu.memory_space<vmem>>, vector<16xf32>,
    %get3A_1316 = arith.constant 3952 : index
    %get3A_1317 = tpu.vector_load %arg10[%get3A_1316] {strides = array<i32>} : memref<5376xi32, #tpu.memory_space<vmem>>, vector<16xi32>,
    %gather3A_1318 = tpu.vector_load_idx %arg9[%get3A_1317] : memref<50016xf32, #tpu.memory_space<vmem>>[vector<16xi32>], vector<16xf32>,
    %swap3A_1319 = arith.constant 3952 : index
    %swap3A_1320 = tpu.vector_load %arg11[%swap3A_1319] {strides = array<i32>} : memref<5376xf32, #tpu.memory_space<vmem>>, vector<16xf32>,
    tpu.vector_store %arg11[%swap3A_1319], %gather3A_1318 {strides = array<i32>} : memref<5376xf32, #tpu.memory_space<vmem>>, vector<16xf32>,
    %get3A_1321 = arith.constant 3968 : index
    %get3A_1322 = tpu.vector_load %arg10[%get3A_1321] {strides = array<i32>} : memref<5376xi32, #tpu.memory_space<vmem>>, vector<16xi32>,
    %gather3A_1323 = tpu.vector_load_idx %arg9[%get3A_1322] : memref<50016xf32, #tpu.memory_space<vmem>>[vector<16xi32>], vector<16xf32>,
    %swap3A_1324 = arith.constant 3968 : index
    %swap3A_1325 = tpu.vector_load %arg11[%swap3A_1324] {strides = array<i32>} : memref<5376xf32, #tpu.memory_space<vmem>>, vector<16xf32>,
    tpu.vector_store %arg11[%swap3A_1324], %gather3A_1323 {strides = array<i32>} : memref<5376xf32, #tpu.memory_space<vmem>>, vector<16xf32>,
    %get3A_1326 = arith.constant 3984 : index
    %get3A_1327 = tpu.vector_load %arg10[%get3A_1326] {strides = array<i32>} : memref<5376xi32, #tpu.memory_space<vmem>>, vector<16xi32>,
    %gather3A_1328 = tpu.vector_load_idx %arg9[%get3A_1327] : memref<50016xf32, #tpu.memory_space<vmem>>[vector<16xi32>], vector<16xf32>,
    %swap3A_1329 = arith.constant 3984 : index
    %swap3A_1330 = tpu.vector_load %arg11[%swap3A_1329] {strides = array<i32>} : memref<5376xf32, #tpu.memory_space<vmem>>, vector<16xf32>,
    tpu.vector_store %arg11[%swap3A_1329], %gather3A_1328 {strides = array<i32>} : memref<5376xf32, #tpu.memory_space<vmem>>, vector<16xf32>,
    %get3A_1331 = arith.constant 4000 : index
    %get3A_1332 = tpu.vector_load %arg10[%get3A_1331] {strides = array<i32>} : memref<5376xi32, #tpu.memory_space<vmem>>, vector<16xi32>,
    %gather3A_1333 = tpu.vector_load_idx %arg9[%get3A_1332] : memref<50016xf32, #tpu.memory_space<vmem>>[vector<16xi32>], vector<16xf32>,
    %swap3A_1334 = arith.constant 4000 : index
    %swap3A_1335 = tpu.vector_load %arg11[%swap3A_1334] {strides = array<i32>} : memref<5376xf32, #tpu.memory_space<vmem>>, vector<16xf32>,
    tpu.vector_store %arg11[%swap3A_1334], %gather3A_1333 {strides = array<i32>} : memref<5376xf32, #tpu.memory_space<vmem>>, vector<16xf32>,
    %get3A_1336 = arith.constant 4016 : index
    %get3A_1337 = tpu.vector_load %arg10[%get3A_1336] {strides = array<i32>} : memref<5376xi32, #tpu.memory_space<vmem>>, vector<16xi32>,
    %gather3A_1338 = tpu.vector_load_idx %arg9[%get3A_1337] : memref<50016xf32, #tpu.memory_space<vmem>>[vector<16xi32>], vector<16xf32>,
    %swap3A_1339 = arith.constant 4016 : index
    %swap3A_1340 = tpu.vector_load %arg11[%swap3A_1339] {strides = array<i32>} : memref<5376xf32, #tpu.memory_space<vmem>>, vector<16xf32>,
    tpu.vector_store %arg11[%swap3A_1339], %gather3A_1338 {strides = array<i32>} : memref<5376xf32, #tpu.memory_space<vmem>>, vector<16xf32>,
    %get3A_1341 = arith.constant 4032 : index
    %get3A_1342 = tpu.vector_load %arg10[%get3A_1341] {strides = array<i32>} : memref<5376xi32, #tpu.memory_space<vmem>>, vector<16xi32>,
    %gather3A_1343 = tpu.vector_load_idx %arg9[%get3A_1342] : memref<50016xf32, #tpu.memory_space<vmem>>[vector<16xi32>], vector<16xf32>,
    %swap3A_1344 = arith.constant 4032 : index
    %swap3A_1345 = tpu.vector_load %arg11[%swap3A_1344] {strides = array<i32>} : memref<5376xf32, #tpu.memory_space<vmem>>, vector<16xf32>,
    tpu.vector_store %arg11[%swap3A_1344], %gather3A_1343 {strides = array<i32>} : memref<5376xf32, #tpu.memory_space<vmem>>, vector<16xf32>,
    %get3A_1346 = arith.constant 4048 : index
    %get3A_1347 = tpu.vector_load %arg10[%get3A_1346] {strides = array<i32>} : memref<5376xi32, #tpu.memory_space<vmem>>, vector<16xi32>,
    %gather3A_1348 = tpu.vector_load_idx %arg9[%get3A_1347] : memref<50016xf32, #tpu.memory_space<vmem>>[vector<16xi32>], vector<16xf32>,
    %swap3A_1349 = arith.constant 4048 : index
    %swap3A_1350 = tpu.vector_load %arg11[%swap3A_1349] {strides = array<i32>} : memref<5376xf32, #tpu.memory_space<vmem>>, vector<16xf32>,
    tpu.vector_store %arg11[%swap3A_1349], %gather3A_1348 {strides = array<i32>} : memref<5376xf32, #tpu.memory_space<vmem>>, vector<16xf32>,
    %get3A_1351 = arith.constant 4064 : index
    %get3A_1352 = tpu.vector_load %arg10[%get3A_1351] {strides = array<i32>} : memref<5376xi32, #tpu.memory_space<vmem>>, vector<16xi32>,
    %gather3A_1353 = tpu.vector_load_idx %arg9[%get3A_1352] : memref<50016xf32, #tpu.memory_space<vmem>>[vector<16xi32>], vector<16xf32>,
    %swap3A_1354 = arith.constant 4064 : index
    %swap3A_1355 = tpu.vector_load %arg11[%swap3A_1354] {strides = array<i32>} : memref<5376xf32, #tpu.memory_space<vmem>>, vector<16xf32>,
    tpu.vector_store %arg11[%swap3A_1354], %gather3A_1353 {strides = array<i32>} : memref<5376xf32, #tpu.memory_space<vmem>>, vector<16xf32>,
    %get3A_1356 = arith.constant 4080 : index
    %get3A_1357 = tpu.vector_load %arg10[%get3A_1356] {strides = array<i32>} : memref<5376xi32, #tpu.memory_space<vmem>>, vector<16xi32>,
    %gather3A_1358 = tpu.vector_load_idx %arg9[%get3A_1357] : memref<50016xf32, #tpu.memory_space<vmem>>[vector<16xi32>], vector<16xf32>,
    %swap3A_1359 = arith.constant 4080 : index
    %swap3A_1360 = tpu.vector_load %arg11[%swap3A_1359] {strides = array<i32>} : memref<5376xf32, #tpu.memory_space<vmem>>, vector<16xf32>,
    tpu.vector_store %arg11[%swap3A_1359], %gather3A_1358 {strides = array<i32>} : memref<5376xf32, #tpu.memory_space<vmem>>, vector<16xf32>,
    %get3A_1361 = arith.constant 4096 : index
    %get3A_1362 = tpu.vector_load %arg10[%get3A_1361] {strides = array<i32>} : memref<5376xi32, #tpu.memory_space<vmem>>, vector<16xi32>,
    %gather3A_1363 = tpu.vector_load_idx %arg9[%get3A_1362] : memref<50016xf32, #tpu.memory_space<vmem>>[vector<16xi32>], vector<16xf32>,
    %swap3A_1364 = arith.constant 4096 : index
    %swap3A_1365 = tpu.vector_load %arg11[%swap3A_1364] {strides = array<i32>} : memref<5376xf32, #tpu.memory_space<vmem>>, vector<16xf32>,
    tpu.vector_store %arg11[%swap3A_1364], %gather3A_1363 {strides = array<i32>} : memref<5376xf32, #tpu.memory_space<vmem>>, vector<16xf32>,
    %get3A_1366 = arith.constant 4112 : index
    %get3A_1367 = tpu.vector_load %arg10[%get3A_1366] {strides = array<i32>} : memref<5376xi32, #tpu.memory_space<vmem>>, vector<16xi32>,
    %gather3A_1368 = tpu.vector_load_idx %arg9[%get3A_1367] : memref<50016xf32, #tpu.memory_space<vmem>>[vector<16xi32>], vector<16xf32>,
    %swap3A_1369 = arith.constant 4112 : index
    %swap3A_1370 = tpu.vector_load %arg11[%swap3A_1369] {strides = array<i32>} : memref<5376xf32, #tpu.memory_space<vmem>>, vector<16xf32>,
    tpu.vector_store %arg11[%swap3A_1369], %gather3A_1368 {strides = array<i32>} : memref<5376xf32, #tpu.memory_space<vmem>>, vector<16xf32>,
    %get3A_1371 = arith.constant 4128 : index
    %get3A_1372 = tpu.vector_load %arg10[%get3A_1371] {strides = array<i32>} : memref<5376xi32, #tpu.memory_space<vmem>>, vector<16xi32>,
    %gather3A_1373 = tpu.vector_load_idx %arg9[%get3A_1372] : memref<50016xf32, #tpu.memory_space<vmem>>[vector<16xi32>], vector<16xf32>,
    %swap3A_1374 = arith.constant 4128 : index
    %swap3A_1375 = tpu.vector_load %arg11[%swap3A_1374] {strides = array<i32>} : memref<5376xf32, #tpu.memory_space<vmem>>, vector<16xf32>,
    tpu.vector_store %arg11[%swap3A_1374], %gather3A_1373 {strides = array<i32>} : memref<5376xf32, #tpu.memory_space<vmem>>, vector<16xf32>,
    %get3A_1376 = arith.constant 4144 : index
    %get3A_1377 = tpu.vector_load %arg10[%get3A_1376] {strides = array<i32>} : memref<5376xi32, #tpu.memory_space<vmem>>, vector<16xi32>,
    %gather3A_1378 = tpu.vector_load_idx %arg9[%get3A_1377] : memref<50016xf32, #tpu.memory_space<vmem>>[vector<16xi32>], vector<16xf32>,
    %swap3A_1379 = arith.constant 4144 : index
    %swap3A_1380 = tpu.vector_load %arg11[%swap3A_1379] {strides = array<i32>} : memref<5376xf32, #tpu.memory_space<vmem>>, vector<16xf32>,
    tpu.vector_store %arg11[%swap3A_1379], %gather3A_1378 {strides = array<i32>} : memref<5376xf32, #tpu.memory_space<vmem>>, vector<16xf32>,
    %get3A_1381 = arith.constant 4160 : index
    %get3A_1382 = tpu.vector_load %arg10[%get3A_1381] {strides = array<i32>} : memref<5376xi32, #tpu.memory_space<vmem>>, vector<16xi32>,
    %gather3A_1383 = tpu.vector_load_idx %arg9[%get3A_1382] : memref<50016xf32, #tpu.memory_space<vmem>>[vector<16xi32>], vector<16xf32>,
    %swap3A_1384 = arith.constant 4160 : index
    %swap3A_1385 = tpu.vector_load %arg11[%swap3A_1384] {strides = array<i32>} : memref<5376xf32, #tpu.memory_space<vmem>>, vector<16xf32>,
    tpu.vector_store %arg11[%swap3A_1384], %gather3A_1383 {strides = array<i32>} : memref<5376xf32, #tpu.memory_space<vmem>>, vector<16xf32>,
    %get3A_1386 = arith.constant 4176 : index
    %get3A_1387 = tpu.vector_load %arg10[%get3A_1386] {strides = array<i32>} : memref<5376xi32, #tpu.memory_space<vmem>>, vector<16xi32>,
    %gather3A_1388 = tpu.vector_load_idx %arg9[%get3A_1387] : memref<50016xf32, #tpu.memory_space<vmem>>[vector<16xi32>], vector<16xf32>,
    %swap3A_1389 = arith.constant 4176 : index
    %swap3A_1390 = tpu.vector_load %arg11[%swap3A_1389] {strides = array<i32>} : memref<5376xf32, #tpu.memory_space<vmem>>, vector<16xf32>,
    tpu.vector_store %arg11[%swap3A_1389], %gather3A_1388 {strides = array<i32>} : memref<5376xf32, #tpu.memory_space<vmem>>, vector<16xf32>,
    %get3A_1391 = arith.constant 4192 : index
    %get3A_1392 = tpu.vector_load %arg10[%get3A_1391] {strides = array<i32>} : memref<5376xi32, #tpu.memory_space<vmem>>, vector<16xi32>,
    %gather3A_1393 = tpu.vector_load_idx %arg9[%get3A_1392] : memref<50016xf32, #tpu.memory_space<vmem>>[vector<16xi32>], vector<16xf32>,
    %swap3A_1394 = arith.constant 4192 : index
    %swap3A_1395 = tpu.vector_load %arg11[%swap3A_1394] {strides = array<i32>} : memref<5376xf32, #tpu.memory_space<vmem>>, vector<16xf32>,
    tpu.vector_store %arg11[%swap3A_1394], %gather3A_1393 {strides = array<i32>} : memref<5376xf32, #tpu.memory_space<vmem>>, vector<16xf32>,
    %get3A_1396 = arith.constant 4208 : index
    %get3A_1397 = tpu.vector_load %arg10[%get3A_1396] {strides = array<i32>} : memref<5376xi32, #tpu.memory_space<vmem>>, vector<16xi32>,
    %gather3A_1398 = tpu.vector_load_idx %arg9[%get3A_1397] : memref<50016xf32, #tpu.memory_space<vmem>>[vector<16xi32>], vector<16xf32>,
    %swap3A_1399 = arith.constant 4208 : index
    %swap3A_1400 = tpu.vector_load %arg11[%swap3A_1399] {strides = array<i32>} : memref<5376xf32, #tpu.memory_space<vmem>>, vector<16xf32>,
    tpu.vector_store %arg11[%swap3A_1399], %gather3A_1398 {strides = array<i32>} : memref<5376xf32, #tpu.memory_space<vmem>>, vector<16xf32>,
    %get3A_1401 = arith.constant 4224 : index
    %get3A_1402 = tpu.vector_load %arg10[%get3A_1401] {strides = array<i32>} : memref<5376xi32, #tpu.memory_space<vmem>>, vector<16xi32>,
    %gather3A_1403 = tpu.vector_load_idx %arg9[%get3A_1402] : memref<50016xf32, #tpu.memory_space<vmem>>[vector<16xi32>], vector<16xf32>,
    %swap3A_1404 = arith.constant 4224 : index
    %swap3A_1405 = tpu.vector_load %arg11[%swap3A_1404] {strides = array<i32>} : memref<5376xf32, #tpu.memory_space<vmem>>, vector<16xf32>,
    tpu.vector_store %arg11[%swap3A_1404], %gather3A_1403 {strides = array<i32>} : memref<5376xf32, #tpu.memory_space<vmem>>, vector<16xf32>,
    %get3A_1406 = arith.constant 4240 : index
    %get3A_1407 = tpu.vector_load %arg10[%get3A_1406] {strides = array<i32>} : memref<5376xi32, #tpu.memory_space<vmem>>, vector<16xi32>,
    %gather3A_1408 = tpu.vector_load_idx %arg9[%get3A_1407] : memref<50016xf32, #tpu.memory_space<vmem>>[vector<16xi32>], vector<16xf32>,
    %swap3A_1409 = arith.constant 4240 : index
    %swap3A_1410 = tpu.vector_load %arg11[%swap3A_1409] {strides = array<i32>} : memref<5376xf32, #tpu.memory_space<vmem>>, vector<16xf32>,
    tpu.vector_store %arg11[%swap3A_1409], %gather3A_1408 {strides = array<i32>} : memref<5376xf32, #tpu.memory_space<vmem>>, vector<16xf32>,
    %get3A_1411 = arith.constant 4256 : index
    %get3A_1412 = tpu.vector_load %arg10[%get3A_1411] {strides = array<i32>} : memref<5376xi32, #tpu.memory_space<vmem>>, vector<16xi32>,
    %gather3A_1413 = tpu.vector_load_idx %arg9[%get3A_1412] : memref<50016xf32, #tpu.memory_space<vmem>>[vector<16xi32>], vector<16xf32>,
    %swap3A_1414 = arith.constant 4256 : index
    %swap3A_1415 = tpu.vector_load %arg11[%swap3A_1414] {strides = array<i32>} : memref<5376xf32, #tpu.memory_space<vmem>>, vector<16xf32>,
    tpu.vector_store %arg11[%swap3A_1414], %gather3A_1413 {strides = array<i32>} : memref<5376xf32, #tpu.memory_space<vmem>>, vector<16xf32>,
    %get3A_1416 = arith.constant 4272 : index
    %get3A_1417 = tpu.vector_load %arg10[%get3A_1416] {strides = array<i32>} : memref<5376xi32, #tpu.memory_space<vmem>>, vector<16xi32>,
    %gather3A_1418 = tpu.vector_load_idx %arg9[%get3A_1417] : memref<50016xf32, #tpu.memory_space<vmem>>[vector<16xi32>], vector<16xf32>,
    %swap3A_1419 = arith.constant 4272 : index
    %swap3A_1420 = tpu.vector_load %arg11[%swap3A_1419] {strides = array<i32>} : memref<5376xf32, #tpu.memory_space<vmem>>, vector<16xf32>,
    tpu.vector_store %arg11[%swap3A_1419], %gather3A_1418 {strides = array<i32>} : memref<5376xf32, #tpu.memory_space<vmem>>, vector<16xf32>,
    %get3A_1421 = arith.constant 4288 : index
    %get3A_1422 = tpu.vector_load %arg10[%get3A_1421] {strides = array<i32>} : memref<5376xi32, #tpu.memory_space<vmem>>, vector<16xi32>,
    %gather3A_1423 = tpu.vector_load_idx %arg9[%get3A_1422] : memref<50016xf32, #tpu.memory_space<vmem>>[vector<16xi32>], vector<16xf32>,
    %swap3A_1424 = arith.constant 4288 : index
    %swap3A_1425 = tpu.vector_load %arg11[%swap3A_1424] {strides = array<i32>} : memref<5376xf32, #tpu.memory_space<vmem>>, vector<16xf32>,
    tpu.vector_store %arg11[%swap3A_1424], %gather3A_1423 {strides = array<i32>} : memref<5376xf32, #tpu.memory_space<vmem>>, vector<16xf32>,
    %get3A_1426 = arith.constant 4304 : index
    %get3A_1427 = tpu.vector_load %arg10[%get3A_1426] {strides = array<i32>} : memref<5376xi32, #tpu.memory_space<vmem>>, vector<16xi32>,
    %gather3A_1428 = tpu.vector_load_idx %arg9[%get3A_1427] : memref<50016xf32, #tpu.memory_space<vmem>>[vector<16xi32>], vector<16xf32>,
    %swap3A_1429 = arith.constant 4304 : index
    %swap3A_1430 = tpu.vector_load %arg11[%swap3A_1429] {strides = array<i32>} : memref<5376xf32, #tpu.memory_space<vmem>>, vector<16xf32>,
    tpu.vector_store %arg11[%swap3A_1429], %gather3A_1428 {strides = array<i32>} : memref<5376xf32, #tpu.memory_space<vmem>>, vector<16xf32>,
    %get3A_1431 = arith.constant 4320 : index
    %get3A_1432 = tpu.vector_load %arg10[%get3A_1431] {strides = array<i32>} : memref<5376xi32, #tpu.memory_space<vmem>>, vector<16xi32>,
    %gather3A_1433 = tpu.vector_load_idx %arg9[%get3A_1432] : memref<50016xf32, #tpu.memory_space<vmem>>[vector<16xi32>], vector<16xf32>,
    %swap3A_1434 = arith.constant 4320 : index
    %swap3A_1435 = tpu.vector_load %arg11[%swap3A_1434] {strides = array<i32>} : memref<5376xf32, #tpu.memory_space<vmem>>, vector<16xf32>,
    tpu.vector_store %arg11[%swap3A_1434], %gather3A_1433 {strides = array<i32>} : memref<5376xf32, #tpu.memory_space<vmem>>, vector<16xf32>,
    %get3A_1436 = arith.constant 4336 : index
    %get3A_1437 = tpu.vector_load %arg10[%get3A_1436] {strides = array<i32>} : memref<5376xi32, #tpu.memory_space<vmem>>, vector<16xi32>,
    %gather3A_1438 = tpu.vector_load_idx %arg9[%get3A_1437] : memref<50016xf32, #tpu.memory_space<vmem>>[vector<16xi32>], vector<16xf32>,
    %swap3A_1439 = arith.constant 4336 : index
    %swap3A_1440 = tpu.vector_load %arg11[%swap3A_1439] {strides = array<i32>} : memref<5376xf32, #tpu.memory_space<vmem>>, vector<16xf32>,
    tpu.vector_store %arg11[%swap3A_1439], %gather3A_1438 {strides = array<i32>} : memref<5376xf32, #tpu.memory_space<vmem>>, vector<16xf32>,
    %get3A_1441 = arith.constant 4352 : index
    %get3A_1442 = tpu.vector_load %arg10[%get3A_1441] {strides = array<i32>} : memref<5376xi32, #tpu.memory_space<vmem>>, vector<16xi32>,
    %gather3A_1443 = tpu.vector_load_idx %arg9[%get3A_1442] : memref<50016xf32, #tpu.memory_space<vmem>>[vector<16xi32>], vector<16xf32>,
    %swap3A_1444 = arith.constant 4352 : index
    %swap3A_1445 = tpu.vector_load %arg11[%swap3A_1444] {strides = array<i32>} : memref<5376xf32, #tpu.memory_space<vmem>>, vector<16xf32>,
    tpu.vector_store %arg11[%swap3A_1444], %gather3A_1443 {strides = array<i32>} : memref<5376xf32, #tpu.memory_space<vmem>>, vector<16xf32>,
    %get3A_1446 = arith.constant 4368 : index
    %get3A_1447 = tpu.vector_load %arg10[%get3A_1446] {strides = array<i32>} : memref<5376xi32, #tpu.memory_space<vmem>>, vector<16xi32>,
    %gather3A_1448 = tpu.vector_load_idx %arg9[%get3A_1447] : memref<50016xf32, #tpu.memory_space<vmem>>[vector<16xi32>], vector<16xf32>,
    %swap3A_1449 = arith.constant 4368 : index
    %swap3A_1450 = tpu.vector_load %arg11[%swap3A_1449] {strides = array<i32>} : memref<5376xf32, #tpu.memory_space<vmem>>, vector<16xf32>,
    tpu.vector_store %arg11[%swap3A_1449], %gather3A_1448 {strides = array<i32>} : memref<5376xf32, #tpu.memory_space<vmem>>, vector<16xf32>,
    %get3A_1451 = arith.constant 4384 : index
    %get3A_1452 = tpu.vector_load %arg10[%get3A_1451] {strides = array<i32>} : memref<5376xi32, #tpu.memory_space<vmem>>, vector<16xi32>,
    %gather3A_1453 = tpu.vector_load_idx %arg9[%get3A_1452] : memref<50016xf32, #tpu.memory_space<vmem>>[vector<16xi32>], vector<16xf32>,
    %swap3A_1454 = arith.constant 4384 : index
    %swap3A_1455 = tpu.vector_load %arg11[%swap3A_1454] {strides = array<i32>} : memref<5376xf32, #tpu.memory_space<vmem>>, vector<16xf32>,
    tpu.vector_store %arg11[%swap3A_1454], %gather3A_1453 {strides = array<i32>} : memref<5376xf32, #tpu.memory_space<vmem>>, vector<16xf32>,
    %get3A_1456 = arith.constant 4400 : index
    %get3A_1457 = tpu.vector_load %arg10[%get3A_1456] {strides = array<i32>} : memref<5376xi32, #tpu.memory_space<vmem>>, vector<16xi32>,
    %gather3A_1458 = tpu.vector_load_idx %arg9[%get3A_1457] : memref<50016xf32, #tpu.memory_space<vmem>>[vector<16xi32>], vector<16xf32>,
    %swap3A_1459 = arith.constant 4400 : index
    %swap3A_1460 = tpu.vector_load %arg11[%swap3A_1459] {strides = array<i32>} : memref<5376xf32, #tpu.memory_space<vmem>>, vector<16xf32>,
    tpu.vector_store %arg11[%swap3A_1459], %gather3A_1458 {strides = array<i32>} : memref<5376xf32, #tpu.memory_space<vmem>>, vector<16xf32>,
    %get3A_1461 = arith.constant 4416 : index
    %get3A_1462 = tpu.vector_load %arg10[%get3A_1461] {strides = array<i32>} : memref<5376xi32, #tpu.memory_space<vmem>>, vector<16xi32>,
    %gather3A_1463 = tpu.vector_load_idx %arg9[%get3A_1462] : memref<50016xf32, #tpu.memory_space<vmem>>[vector<16xi32>], vector<16xf32>,
    %swap3A_1464 = arith.constant 4416 : index
    %swap3A_1465 = tpu.vector_load %arg11[%swap3A_1464] {strides = array<i32>} : memref<5376xf32, #tpu.memory_space<vmem>>, vector<16xf32>,
    tpu.vector_store %arg11[%swap3A_1464], %gather3A_1463 {strides = array<i32>} : memref<5376xf32, #tpu.memory_space<vmem>>, vector<16xf32>,
    %get3A_1466 = arith.constant 4432 : index
    %get3A_1467 = tpu.vector_load %arg10[%get3A_1466] {strides = array<i32>} : memref<5376xi32, #tpu.memory_space<vmem>>, vector<16xi32>,
    %gather3A_1468 = tpu.vector_load_idx %arg9[%get3A_1467] : memref<50016xf32, #tpu.memory_space<vmem>>[vector<16xi32>], vector<16xf32>,
    %swap3A_1469 = arith.constant 4432 : index
    %swap3A_1470 = tpu.vector_load %arg11[%swap3A_1469] {strides = array<i32>} : memref<5376xf32, #tpu.memory_space<vmem>>, vector<16xf32>,
    tpu.vector_store %arg11[%swap3A_1469], %gather3A_1468 {strides = array<i32>} : memref<5376xf32, #tpu.memory_space<vmem>>, vector<16xf32>,
    %get3A_1471 = arith.constant 4448 : index
    %get3A_1472 = tpu.vector_load %arg10[%get3A_1471] {strides = array<i32>} : memref<5376xi32, #tpu.memory_space<vmem>>, vector<16xi32>,
    %gather3A_1473 = tpu.vector_load_idx %arg9[%get3A_1472] : memref<50016xf32, #tpu.memory_space<vmem>>[vector<16xi32>], vector<16xf32>,
    %swap3A_1474 = arith.constant 4448 : index
    %swap3A_1475 = tpu.vector_load %arg11[%swap3A_1474] {strides = array<i32>} : memref<5376xf32, #tpu.memory_space<vmem>>, vector<16xf32>,
    tpu.vector_store %arg11[%swap3A_1474], %gather3A_1473 {strides = array<i32>} : memref<5376xf32, #tpu.memory_space<vmem>>, vector<16xf32>,
    %get3A_1476 = arith.constant 4464 : index
    %get3A_1477 = tpu.vector_load %arg10[%get3A_1476] {strides = array<i32>} : memref<5376xi32, #tpu.memory_space<vmem>>, vector<16xi32>,
    %gather3A_1478 = tpu.vector_load_idx %arg9[%get3A_1477] : memref<50016xf32, #tpu.memory_space<vmem>>[vector<16xi32>], vector<16xf32>,
    %swap3A_1479 = arith.constant 4464 : index
    %swap3A_1480 = tpu.vector_load %arg11[%swap3A_1479] {strides = array<i32>} : memref<5376xf32, #tpu.memory_space<vmem>>, vector<16xf32>,
    tpu.vector_store %arg11[%swap3A_1479], %gather3A_1478 {strides = array<i32>} : memref<5376xf32, #tpu.memory_space<vmem>>, vector<16xf32>,
    %get3A_1481 = arith.constant 4480 : index
    %get3A_1482 = tpu.vector_load %arg10[%get3A_1481] {strides = array<i32>} : memref<5376xi32, #tpu.memory_space<vmem>>, vector<16xi32>,
    %gather3A_1483 = tpu.vector_load_idx %arg9[%get3A_1482] : memref<50016xf32, #tpu.memory_space<vmem>>[vector<16xi32>], vector<16xf32>,
    %swap3A_1484 = arith.constant 4480 : index
    %swap3A_1485 = tpu.vector_load %arg11[%swap3A_1484] {strides = array<i32>} : memref<5376xf32, #tpu.memory_space<vmem>>, vector<16xf32>,
    tpu.vector_store %arg11[%swap3A_1484], %gather3A_1483 {strides = array<i32>} : memref<5376xf32, #tpu.memory_space<vmem>>, vector<16xf32>,
    %get3A_1486 = arith.constant 4496 : index
    %get3A_1487 = tpu.vector_load %arg10[%get3A_1486] {strides = array<i32>} : memref<5376xi32, #tpu.memory_space<vmem>>, vector<16xi32>,
    %gather3A_1488 = tpu.vector_load_idx %arg9[%get3A_1487] : memref<50016xf32, #tpu.memory_space<vmem>>[vector<16xi32>], vector<16xf32>,
    %swap3A_1489 = arith.constant 4496 : index
    %swap3A_1490 = tpu.vector_load %arg11[%swap3A_1489] {strides = array<i32>} : memref<5376xf32, #tpu.memory_space<vmem>>, vector<16xf32>,
    tpu.vector_store %arg11[%swap3A_1489], %gather3A_1488 {strides = array<i32>} : memref<5376xf32, #tpu.memory_space<vmem>>, vector<16xf32>,
    %get3A_1491 = arith.constant 4512 : index
    %get3A_1492 = tpu.vector_load %arg10[%get3A_1491] {strides = array<i32>} : memref<5376xi32, #tpu.memory_space<vmem>>, vector<16xi32>,
    %gather3A_1493 = tpu.vector_load_idx %arg9[%get3A_1492] : memref<50016xf32, #tpu.memory_space<vmem>>[vector<16xi32>], vector<16xf32>,
    %swap3A_1494 = arith.constant 4512 : index
    %swap3A_1495 = tpu.vector_load %arg11[%swap3A_1494] {strides = array<i32>} : memref<5376xf32, #tpu.memory_space<vmem>>, vector<16xf32>,
    tpu.vector_store %arg11[%swap3A_1494], %gather3A_1493 {strides = array<i32>} : memref<5376xf32, #tpu.memory_space<vmem>>, vector<16xf32>,
    %get3A_1496 = arith.constant 4528 : index
    %get3A_1497 = tpu.vector_load %arg10[%get3A_1496] {strides = array<i32>} : memref<5376xi32, #tpu.memory_space<vmem>>, vector<16xi32>,
    %gather3A_1498 = tpu.vector_load_idx %arg9[%get3A_1497] : memref<50016xf32, #tpu.memory_space<vmem>>[vector<16xi32>], vector<16xf32>,
    %swap3A_1499 = arith.constant 4528 : index
    %swap3A_1500 = tpu.vector_load %arg11[%swap3A_1499] {strides = array<i32>} : memref<5376xf32, #tpu.memory_space<vmem>>, vector<16xf32>,
    tpu.vector_store %arg11[%swap3A_1499], %gather3A_1498 {strides = array<i32>} : memref<5376xf32, #tpu.memory_space<vmem>>, vector<16xf32>,
    %get3A_1501 = arith.constant 4544 : index
    %get3A_1502 = tpu.vector_load %arg10[%get3A_1501] {strides = array<i32>} : memref<5376xi32, #tpu.memory_space<vmem>>, vector<16xi32>,
    %gather3A_1503 = tpu.vector_load_idx %arg9[%get3A_1502] : memref<50016xf32, #tpu.memory_space<vmem>>[vector<16xi32>], vector<16xf32>,
    %swap3A_1504 = arith.constant 4544 : index
    %swap3A_1505 = tpu.vector_load %arg11[%swap3A_1504] {strides = array<i32>} : memref<5376xf32, #tpu.memory_space<vmem>>, vector<16xf32>,
    tpu.vector_store %arg11[%swap3A_1504], %gather3A_1503 {strides = array<i32>} : memref<5376xf32, #tpu.memory_space<vmem>>, vector<16xf32>,
    %get3A_1506 = arith.constant 4560 : index
    %get3A_1507 = tpu.vector_load %arg10[%get3A_1506] {strides = array<i32>} : memref<5376xi32, #tpu.memory_space<vmem>>, vector<16xi32>,
    %gather3A_1508 = tpu.vector_load_idx %arg9[%get3A_1507] : memref<50016xf32, #tpu.memory_space<vmem>>[vector<16xi32>], vector<16xf32>,
    %swap3A_1509 = arith.constant 4560 : index
    %swap3A_1510 = tpu.vector_load %arg11[%swap3A_1509] {strides = array<i32>} : memref<5376xf32, #tpu.memory_space<vmem>>, vector<16xf32>,
    tpu.vector_store %arg11[%swap3A_1509], %gather3A_1508 {strides = array<i32>} : memref<5376xf32, #tpu.memory_space<vmem>>, vector<16xf32>,
    %get3A_1511 = arith.constant 4576 : index
    %get3A_1512 = tpu.vector_load %arg10[%get3A_1511] {strides = array<i32>} : memref<5376xi32, #tpu.memory_space<vmem>>, vector<16xi32>,
    %gather3A_1513 = tpu.vector_load_idx %arg9[%get3A_1512] : memref<50016xf32, #tpu.memory_space<vmem>>[vector<16xi32>], vector<16xf32>,
    %swap3A_1514 = arith.constant 4576 : index
    %swap3A_1515 = tpu.vector_load %arg11[%swap3A_1514] {strides = array<i32>} : memref<5376xf32, #tpu.memory_space<vmem>>, vector<16xf32>,
    tpu.vector_store %arg11[%swap3A_1514], %gather3A_1513 {strides = array<i32>} : memref<5376xf32, #tpu.memory_space<vmem>>, vector<16xf32>,
    %get3A_1516 = arith.constant 4592 : index
    %get3A_1517 = tpu.vector_load %arg10[%get3A_1516] {strides = array<i32>} : memref<5376xi32, #tpu.memory_space<vmem>>, vector<16xi32>,
    %gather3A_1518 = tpu.vector_load_idx %arg9[%get3A_1517] : memref<50016xf32, #tpu.memory_space<vmem>>[vector<16xi32>], vector<16xf32>,
    %swap3A_1519 = arith.constant 4592 : index
    %swap3A_1520 = tpu.vector_load %arg11[%swap3A_1519] {strides = array<i32>} : memref<5376xf32, #tpu.memory_space<vmem>>, vector<16xf32>,
    tpu.vector_store %arg11[%swap3A_1519], %gather3A_1518 {strides = array<i32>} : memref<5376xf32, #tpu.memory_space<vmem>>, vector<16xf32>,
    %get3A_1521 = arith.constant 4608 : index
    %get3A_1522 = tpu.vector_load %arg10[%get3A_1521] {strides = array<i32>} : memref<5376xi32, #tpu.memory_space<vmem>>, vector<16xi32>,
    %gather3A_1523 = tpu.vector_load_idx %arg9[%get3A_1522] : memref<50016xf32, #tpu.memory_space<vmem>>[vector<16xi32>], vector<16xf32>,
    %swap3A_1524 = arith.constant 4608 : index
    %swap3A_1525 = tpu.vector_load %arg11[%swap3A_1524] {strides = array<i32>} : memref<5376xf32, #tpu.memory_space<vmem>>, vector<16xf32>,
    tpu.vector_store %arg11[%swap3A_1524], %gather3A_1523 {strides = array<i32>} : memref<5376xf32, #tpu.memory_space<vmem>>, vector<16xf32>,
    %get3A_1526 = arith.constant 4624 : index
    %get3A_1527 = tpu.vector_load %arg10[%get3A_1526] {strides = array<i32>} : memref<5376xi32, #tpu.memory_space<vmem>>, vector<16xi32>,
    %gather3A_1528 = tpu.vector_load_idx %arg9[%get3A_1527] : memref<50016xf32, #tpu.memory_space<vmem>>[vector<16xi32>], vector<16xf32>,
    %swap3A_1529 = arith.constant 4624 : index
    %swap3A_1530 = tpu.vector_load %arg11[%swap3A_1529] {strides = array<i32>} : memref<5376xf32, #tpu.memory_space<vmem>>, vector<16xf32>,
    tpu.vector_store %arg11[%swap3A_1529], %gather3A_1528 {strides = array<i32>} : memref<5376xf32, #tpu.memory_space<vmem>>, vector<16xf32>,
    %get3A_1531 = arith.constant 4640 : index
    %get3A_1532 = tpu.vector_load %arg10[%get3A_1531] {strides = array<i32>} : memref<5376xi32, #tpu.memory_space<vmem>>, vector<16xi32>,
    %gather3A_1533 = tpu.vector_load_idx %arg9[%get3A_1532] : memref<50016xf32, #tpu.memory_space<vmem>>[vector<16xi32>], vector<16xf32>,
    %swap3A_1534 = arith.constant 4640 : index
    %swap3A_1535 = tpu.vector_load %arg11[%swap3A_1534] {strides = array<i32>} : memref<5376xf32, #tpu.memory_space<vmem>>, vector<16xf32>,
    tpu.vector_store %arg11[%swap3A_1534], %gather3A_1533 {strides = array<i32>} : memref<5376xf32, #tpu.memory_space<vmem>>, vector<16xf32>,
    %get3A_1536 = arith.constant 4656 : index
    %get3A_1537 = tpu.vector_load %arg10[%get3A_1536] {strides = array<i32>} : memref<5376xi32, #tpu.memory_space<vmem>>, vector<16xi32>,
    %gather3A_1538 = tpu.vector_load_idx %arg9[%get3A_1537] : memref<50016xf32, #tpu.memory_space<vmem>>[vector<16xi32>], vector<16xf32>,
    %swap3A_1539 = arith.constant 4656 : index
    %swap3A_1540 = tpu.vector_load %arg11[%swap3A_1539] {strides = array<i32>} : memref<5376xf32, #tpu.memory_space<vmem>>, vector<16xf32>,
    tpu.vector_store %arg11[%swap3A_1539], %gather3A_1538 {strides = array<i32>} : memref<5376xf32, #tpu.memory_space<vmem>>, vector<16xf32>,
    %get3A_1541 = arith.constant 4672 : index
    %get3A_1542 = tpu.vector_load %arg10[%get3A_1541] {strides = array<i32>} : memref<5376xi32, #tpu.memory_space<vmem>>, vector<16xi32>,
    %gather3A_1543 = tpu.vector_load_idx %arg9[%get3A_1542] : memref<50016xf32, #tpu.memory_space<vmem>>[vector<16xi32>], vector<16xf32>,
    %swap3A_1544 = arith.constant 4672 : index
    %swap3A_1545 = tpu.vector_load %arg11[%swap3A_1544] {strides = array<i32>} : memref<5376xf32, #tpu.memory_space<vmem>>, vector<16xf32>,
    tpu.vector_store %arg11[%swap3A_1544], %gather3A_1543 {strides = array<i32>} : memref<5376xf32, #tpu.memory_space<vmem>>, vector<16xf32>,
    %get3A_1546 = arith.constant 4688 : index
    %get3A_1547 = tpu.vector_load %arg10[%get3A_1546] {strides = array<i32>} : memref<5376xi32, #tpu.memory_space<vmem>>, vector<16xi32>,
    %gather3A_1548 = tpu.vector_load_idx %arg9[%get3A_1547] : memref<50016xf32, #tpu.memory_space<vmem>>[vector<16xi32>], vector<16xf32>,
    %swap3A_1549 = arith.constant 4688 : index
    %swap3A_1550 = tpu.vector_load %arg11[%swap3A_1549] {strides = array<i32>} : memref<5376xf32, #tpu.memory_space<vmem>>, vector<16xf32>,
    tpu.vector_store %arg11[%swap3A_1549], %gather3A_1548 {strides = array<i32>} : memref<5376xf32, #tpu.memory_space<vmem>>, vector<16xf32>,
    %get3A_1551 = arith.constant 4704 : index
    %get3A_1552 = tpu.vector_load %arg10[%get3A_1551] {strides = array<i32>} : memref<5376xi32, #tpu.memory_space<vmem>>, vector<16xi32>,
    %gather3A_1553 = tpu.vector_load_idx %arg9[%get3A_1552] : memref<50016xf32, #tpu.memory_space<vmem>>[vector<16xi32>], vector<16xf32>,
    %swap3A_1554 = arith.constant 4704 : index
    %swap3A_1555 = tpu.vector_load %arg11[%swap3A_1554] {strides = array<i32>} : memref<5376xf32, #tpu.memory_space<vmem>>, vector<16xf32>,
    tpu.vector_store %arg11[%swap3A_1554], %gather3A_1553 {strides = array<i32>} : memref<5376xf32, #tpu.memory_space<vmem>>, vector<16xf32>,
    %get3A_1556 = arith.constant 4720 : index
    %get3A_1557 = tpu.vector_load %arg10[%get3A_1556] {strides = array<i32>} : memref<5376xi32, #tpu.memory_space<vmem>>, vector<16xi32>,
    %gather3A_1558 = tpu.vector_load_idx %arg9[%get3A_1557] : memref<50016xf32, #tpu.memory_space<vmem>>[vector<16xi32>], vector<16xf32>,
    %swap3A_1559 = arith.constant 4720 : index
    %swap3A_1560 = tpu.vector_load %arg11[%swap3A_1559] {strides = array<i32>} : memref<5376xf32, #tpu.memory_space<vmem>>, vector<16xf32>,
    tpu.vector_store %arg11[%swap3A_1559], %gather3A_1558 {strides = array<i32>} : memref<5376xf32, #tpu.memory_space<vmem>>, vector<16xf32>,
    %get3A_1561 = arith.constant 4736 : index
    %get3A_1562 = tpu.vector_load %arg10[%get3A_1561] {strides = array<i32>} : memref<5376xi32, #tpu.memory_space<vmem>>, vector<16xi32>,
    %gather3A_1563 = tpu.vector_load_idx %arg9[%get3A_1562] : memref<50016xf32, #tpu.memory_space<vmem>>[vector<16xi32>], vector<16xf32>,
    %swap3A_1564 = arith.constant 4736 : index
    %swap3A_1565 = tpu.vector_load %arg11[%swap3A_1564] {strides = array<i32>} : memref<5376xf32, #tpu.memory_space<vmem>>, vector<16xf32>,
    tpu.vector_store %arg11[%swap3A_1564], %gather3A_1563 {strides = array<i32>} : memref<5376xf32, #tpu.memory_space<vmem>>, vector<16xf32>,
    %get3A_1566 = arith.constant 4752 : index
    %get3A_1567 = tpu.vector_load %arg10[%get3A_1566] {strides = array<i32>} : memref<5376xi32, #tpu.memory_space<vmem>>, vector<16xi32>,
    %gather3A_1568 = tpu.vector_load_idx %arg9[%get3A_1567] : memref<50016xf32, #tpu.memory_space<vmem>>[vector<16xi32>], vector<16xf32>,
    %swap3A_1569 = arith.constant 4752 : index
    %swap3A_1570 = tpu.vector_load %arg11[%swap3A_1569] {strides = array<i32>} : memref<5376xf32, #tpu.memory_space<vmem>>, vector<16xf32>,
    tpu.vector_store %arg11[%swap3A_1569], %gather3A_1568 {strides = array<i32>} : memref<5376xf32, #tpu.memory_space<vmem>>, vector<16xf32>,
    %get3A_1571 = arith.constant 4768 : index
    %get3A_1572 = tpu.vector_load %arg10[%get3A_1571] {strides = array<i32>} : memref<5376xi32, #tpu.memory_space<vmem>>, vector<16xi32>,
    %gather3A_1573 = tpu.vector_load_idx %arg9[%get3A_1572] : memref<50016xf32, #tpu.memory_space<vmem>>[vector<16xi32>], vector<16xf32>,
    %swap3A_1574 = arith.constant 4768 : index
    %swap3A_1575 = tpu.vector_load %arg11[%swap3A_1574] {strides = array<i32>} : memref<5376xf32, #tpu.memory_space<vmem>>, vector<16xf32>,
    tpu.vector_store %arg11[%swap3A_1574], %gather3A_1573 {strides = array<i32>} : memref<5376xf32, #tpu.memory_space<vmem>>, vector<16xf32>,
    %get3A_1576 = arith.constant 4784 : index
    %get3A_1577 = tpu.vector_load %arg10[%get3A_1576] {strides = array<i32>} : memref<5376xi32, #tpu.memory_space<vmem>>, vector<16xi32>,
    %gather3A_1578 = tpu.vector_load_idx %arg9[%get3A_1577] : memref<50016xf32, #tpu.memory_space<vmem>>[vector<16xi32>], vector<16xf32>,
    %swap3A_1579 = arith.constant 4784 : index
    %swap3A_1580 = tpu.vector_load %arg11[%swap3A_1579] {strides = array<i32>} : memref<5376xf32, #tpu.memory_space<vmem>>, vector<16xf32>,
    tpu.vector_store %arg11[%swap3A_1579], %gather3A_1578 {strides = array<i32>} : memref<5376xf32, #tpu.memory_space<vmem>>, vector<16xf32>,
    %get3A_1581 = arith.constant 4800 : index
    %get3A_1582 = tpu.vector_load %arg10[%get3A_1581] {strides = array<i32>} : memref<5376xi32, #tpu.memory_space<vmem>>, vector<16xi32>,
    %gather3A_1583 = tpu.vector_load_idx %arg9[%get3A_1582] : memref<50016xf32, #tpu.memory_space<vmem>>[vector<16xi32>], vector<16xf32>,
    %swap3A_1584 = arith.constant 4800 : index
    %swap3A_1585 = tpu.vector_load %arg11[%swap3A_1584] {strides = array<i32>} : memref<5376xf32, #tpu.memory_space<vmem>>, vector<16xf32>,
    tpu.vector_store %arg11[%swap3A_1584], %gather3A_1583 {strides = array<i32>} : memref<5376xf32, #tpu.memory_space<vmem>>, vector<16xf32>,
    %get3A_1586 = arith.constant 4816 : index
    %get3A_1587 = tpu.vector_load %arg10[%get3A_1586] {strides = array<i32>} : memref<5376xi32, #tpu.memory_space<vmem>>, vector<16xi32>,
    %gather3A_1588 = tpu.vector_load_idx %arg9[%get3A_1587] : memref<50016xf32, #tpu.memory_space<vmem>>[vector<16xi32>], vector<16xf32>,
    %swap3A_1589 = arith.constant 4816 : index
    %swap3A_1590 = tpu.vector_load %arg11[%swap3A_1589] {strides = array<i32>} : memref<5376xf32, #tpu.memory_space<vmem>>, vector<16xf32>,
    tpu.vector_store %arg11[%swap3A_1589], %gather3A_1588 {strides = array<i32>} : memref<5376xf32, #tpu.memory_space<vmem>>, vector<16xf32>,
    %get3A_1591 = arith.constant 4832 : index
    %get3A_1592 = tpu.vector_load %arg10[%get3A_1591] {strides = array<i32>} : memref<5376xi32, #tpu.memory_space<vmem>>, vector<16xi32>,
    %gather3A_1593 = tpu.vector_load_idx %arg9[%get3A_1592] : memref<50016xf32, #tpu.memory_space<vmem>>[vector<16xi32>], vector<16xf32>,
    %swap3A_1594 = arith.constant 4832 : index
    %swap3A_1595 = tpu.vector_load %arg11[%swap3A_1594] {strides = array<i32>} : memref<5376xf32, #tpu.memory_space<vmem>>, vector<16xf32>,
    tpu.vector_store %arg11[%swap3A_1594], %gather3A_1593 {strides = array<i32>} : memref<5376xf32, #tpu.memory_space<vmem>>, vector<16xf32>,
    %get3A_1596 = arith.constant 4848 : index
    %get3A_1597 = tpu.vector_load %arg10[%get3A_1596] {strides = array<i32>} : memref<5376xi32, #tpu.memory_space<vmem>>, vector<16xi32>,
    %gather3A_1598 = tpu.vector_load_idx %arg9[%get3A_1597] : memref<50016xf32, #tpu.memory_space<vmem>>[vector<16xi32>], vector<16xf32>,
    %swap3A_1599 = arith.constant 4848 : index
    %swap3A_1600 = tpu.vector_load %arg11[%swap3A_1599] {strides = array<i32>} : memref<5376xf32, #tpu.memory_space<vmem>>, vector<16xf32>,
    tpu.vector_store %arg11[%swap3A_1599], %gather3A_1598 {strides = array<i32>} : memref<5376xf32, #tpu.memory_space<vmem>>, vector<16xf32>,
    %get3A_1601 = arith.constant 4864 : index
    %get3A_1602 = tpu.vector_load %arg10[%get3A_1601] {strides = array<i32>} : memref<5376xi32, #tpu.memory_space<vmem>>, vector<16xi32>,
    %gather3A_1603 = tpu.vector_load_idx %arg9[%get3A_1602] : memref<50016xf32, #tpu.memory_space<vmem>>[vector<16xi32>], vector<16xf32>,
    %swap3A_1604 = arith.constant 4864 : index
    %swap3A_1605 = tpu.vector_load %arg11[%swap3A_1604] {strides = array<i32>} : memref<5376xf32, #tpu.memory_space<vmem>>, vector<16xf32>,
    tpu.vector_store %arg11[%swap3A_1604], %gather3A_1603 {strides = array<i32>} : memref<5376xf32, #tpu.memory_space<vmem>>, vector<16xf32>,
    %get3A_1606 = arith.constant 4880 : index
    %get3A_1607 = tpu.vector_load %arg10[%get3A_1606] {strides = array<i32>} : memref<5376xi32, #tpu.memory_space<vmem>>, vector<16xi32>,
    %gather3A_1608 = tpu.vector_load_idx %arg9[%get3A_1607] : memref<50016xf32, #tpu.memory_space<vmem>>[vector<16xi32>], vector<16xf32>,
    %swap3A_1609 = arith.constant 4880 : index
    %swap3A_1610 = tpu.vector_load %arg11[%swap3A_1609] {strides = array<i32>} : memref<5376xf32, #tpu.memory_space<vmem>>, vector<16xf32>,
    tpu.vector_store %arg11[%swap3A_1609], %gather3A_1608 {strides = array<i32>} : memref<5376xf32, #tpu.memory_space<vmem>>, vector<16xf32>,
    %get3A_1611 = arith.constant 4896 : index
    %get3A_1612 = tpu.vector_load %arg10[%get3A_1611] {strides = array<i32>} : memref<5376xi32, #tpu.memory_space<vmem>>, vector<16xi32>,
    %gather3A_1613 = tpu.vector_load_idx %arg9[%get3A_1612] : memref<50016xf32, #tpu.memory_space<vmem>>[vector<16xi32>], vector<16xf32>,
    %swap3A_1614 = arith.constant 4896 : index
    %swap3A_1615 = tpu.vector_load %arg11[%swap3A_1614] {strides = array<i32>} : memref<5376xf32, #tpu.memory_space<vmem>>, vector<16xf32>,
    tpu.vector_store %arg11[%swap3A_1614], %gather3A_1613 {strides = array<i32>} : memref<5376xf32, #tpu.memory_space<vmem>>, vector<16xf32>,
    %get3A_1616 = arith.constant 4912 : index
    %get3A_1617 = tpu.vector_load %arg10[%get3A_1616] {strides = array<i32>} : memref<5376xi32, #tpu.memory_space<vmem>>, vector<16xi32>,
    %gather3A_1618 = tpu.vector_load_idx %arg9[%get3A_1617] : memref<50016xf32, #tpu.memory_space<vmem>>[vector<16xi32>], vector<16xf32>,
    %swap3A_1619 = arith.constant 4912 : index
    %swap3A_1620 = tpu.vector_load %arg11[%swap3A_1619] {strides = array<i32>} : memref<5376xf32, #tpu.memory_space<vmem>>, vector<16xf32>,
    tpu.vector_store %arg11[%swap3A_1619], %gather3A_1618 {strides = array<i32>} : memref<5376xf32, #tpu.memory_space<vmem>>, vector<16xf32>,
    %get3A_1621 = arith.constant 4928 : index
    %get3A_1622 = tpu.vector_load %arg10[%get3A_1621] {strides = array<i32>} : memref<5376xi32, #tpu.memory_space<vmem>>, vector<16xi32>,
    %gather3A_1623 = tpu.vector_load_idx %arg9[%get3A_1622] : memref<50016xf32, #tpu.memory_space<vmem>>[vector<16xi32>], vector<16xf32>,
    %swap3A_1624 = arith.constant 4928 : index
    %swap3A_1625 = tpu.vector_load %arg11[%swap3A_1624] {strides = array<i32>} : memref<5376xf32, #tpu.memory_space<vmem>>, vector<16xf32>,
    tpu.vector_store %arg11[%swap3A_1624], %gather3A_1623 {strides = array<i32>} : memref<5376xf32, #tpu.memory_space<vmem>>, vector<16xf32>,
    %get3A_1626 = arith.constant 4944 : index
    %get3A_1627 = tpu.vector_load %arg10[%get3A_1626] {strides = array<i32>} : memref<5376xi32, #tpu.memory_space<vmem>>, vector<16xi32>,
    %gather3A_1628 = tpu.vector_load_idx %arg9[%get3A_1627] : memref<50016xf32, #tpu.memory_space<vmem>>[vector<16xi32>], vector<16xf32>,
    %swap3A_1629 = arith.constant 4944 : index
    %swap3A_1630 = tpu.vector_load %arg11[%swap3A_1629] {strides = array<i32>} : memref<5376xf32, #tpu.memory_space<vmem>>, vector<16xf32>,
    tpu.vector_store %arg11[%swap3A_1629], %gather3A_1628 {strides = array<i32>} : memref<5376xf32, #tpu.memory_space<vmem>>, vector<16xf32>,
    %get3A_1631 = arith.constant 4960 : index
    %get3A_1632 = tpu.vector_load %arg10[%get3A_1631] {strides = array<i32>} : memref<5376xi32, #tpu.memory_space<vmem>>, vector<16xi32>,
    %gather3A_1633 = tpu.vector_load_idx %arg9[%get3A_1632] : memref<50016xf32, #tpu.memory_space<vmem>>[vector<16xi32>], vector<16xf32>,
    %swap3A_1634 = arith.constant 4960 : index
    %swap3A_1635 = tpu.vector_load %arg11[%swap3A_1634] {strides = array<i32>} : memref<5376xf32, #tpu.memory_space<vmem>>, vector<16xf32>,
    tpu.vector_store %arg11[%swap3A_1634], %gather3A_1633 {strides = array<i32>} : memref<5376xf32, #tpu.memory_space<vmem>>, vector<16xf32>,
    %get3A_1636 = arith.constant 4976 : index
    %get3A_1637 = tpu.vector_load %arg10[%get3A_1636] {strides = array<i32>} : memref<5376xi32, #tpu.memory_space<vmem>>, vector<16xi32>,
    %gather3A_1638 = tpu.vector_load_idx %arg9[%get3A_1637] : memref<50016xf32, #tpu.memory_space<vmem>>[vector<16xi32>], vector<16xf32>,
    %swap3A_1639 = arith.constant 4976 : index
    %swap3A_1640 = tpu.vector_load %arg11[%swap3A_1639] {strides = array<i32>} : memref<5376xf32, #tpu.memory_space<vmem>>, vector<16xf32>,
    tpu.vector_store %arg11[%swap3A_1639], %gather3A_1638 {strides = array<i32>} : memref<5376xf32, #tpu.memory_space<vmem>>, vector<16xf32>,
    %get3A_1641 = arith.constant 4992 : index
    %get3A_1642 = tpu.vector_load %arg10[%get3A_1641] {strides = array<i32>} : memref<5376xi32, #tpu.memory_space<vmem>>, vector<16xi32>,
    %gather3A_1643 = tpu.vector_load_idx %arg9[%get3A_1642] : memref<50016xf32, #tpu.memory_space<vmem>>[vector<16xi32>], vector<16xf32>,
    %swap3A_1644 = arith.constant 4992 : index
    %swap3A_1645 = tpu.vector_load %arg11[%swap3A_1644] {strides = array<i32>} : memref<5376xf32, #tpu.memory_space<vmem>>, vector<16xf32>,
    tpu.vector_store %arg11[%swap3A_1644], %gather3A_1643 {strides = array<i32>} : memref<5376xf32, #tpu.memory_space<vmem>>, vector<16xf32>,
    %get3A_1646 = arith.constant 5008 : index
    %get3A_1647 = tpu.vector_load %arg10[%get3A_1646] {strides = array<i32>} : memref<5376xi32, #tpu.memory_space<vmem>>, vector<16xi32>,
    %gather3A_1648 = tpu.vector_load_idx %arg9[%get3A_1647] : memref<50016xf32, #tpu.memory_space<vmem>>[vector<16xi32>], vector<16xf32>,
    %swap3A_1649 = arith.constant 5008 : index
    %swap3A_1650 = tpu.vector_load %arg11[%swap3A_1649] {strides = array<i32>} : memref<5376xf32, #tpu.memory_space<vmem>>, vector<16xf32>,
    tpu.vector_store %arg11[%swap3A_1649], %gather3A_1648 {strides = array<i32>} : memref<5376xf32, #tpu.memory_space<vmem>>, vector<16xf32>,
    %get3A_1651 = arith.constant 5024 : index
    %get3A_1652 = tpu.vector_load %arg10[%get3A_1651] {strides = array<i32>} : memref<5376xi32, #tpu.memory_space<vmem>>, vector<16xi32>,
    %gather3A_1653 = tpu.vector_load_idx %arg9[%get3A_1652] : memref<50016xf32, #tpu.memory_space<vmem>>[vector<16xi32>], vector<16xf32>,
    %swap3A_1654 = arith.constant 5024 : index
    %swap3A_1655 = tpu.vector_load %arg11[%swap3A_1654] {strides = array<i32>} : memref<5376xf32, #tpu.memory_space<vmem>>, vector<16xf32>,
    tpu.vector_store %arg11[%swap3A_1654], %gather3A_1653 {strides = array<i32>} : memref<5376xf32, #tpu.memory_space<vmem>>, vector<16xf32>,
    %get3A_1656 = arith.constant 5040 : index
    %get3A_1657 = tpu.vector_load %arg10[%get3A_1656] {strides = array<i32>} : memref<5376xi32, #tpu.memory_space<vmem>>, vector<16xi32>,
    %gather3A_1658 = tpu.vector_load_idx %arg9[%get3A_1657] : memref<50016xf32, #tpu.memory_space<vmem>>[vector<16xi32>], vector<16xf32>,
    %swap3A_1659 = arith.constant 5040 : index
    %swap3A_1660 = tpu.vector_load %arg11[%swap3A_1659] {strides = array<i32>} : memref<5376xf32, #tpu.memory_space<vmem>>, vector<16xf32>,
    tpu.vector_store %arg11[%swap3A_1659], %gather3A_1658 {strides = array<i32>} : memref<5376xf32, #tpu.memory_space<vmem>>, vector<16xf32>,
    %get3A_1661 = arith.constant 5056 : index
    %get3A_1662 = tpu.vector_load %arg10[%get3A_1661] {strides = array<i32>} : memref<5376xi32, #tpu.memory_space<vmem>>, vector<16xi32>,
    %gather3A_1663 = tpu.vector_load_idx %arg9[%get3A_1662] : memref<50016xf32, #tpu.memory_space<vmem>>[vector<16xi32>], vector<16xf32>,
    %swap3A_1664 = arith.constant 5056 : index
    %swap3A_1665 = tpu.vector_load %arg11[%swap3A_1664] {strides = array<i32>} : memref<5376xf32, #tpu.memory_space<vmem>>, vector<16xf32>,
    tpu.vector_store %arg11[%swap3A_1664], %gather3A_1663 {strides = array<i32>} : memref<5376xf32, #tpu.memory_space<vmem>>, vector<16xf32>,
    %get3A_1666 = arith.constant 5072 : index
    %get3A_1667 = tpu.vector_load %arg10[%get3A_1666] {strides = array<i32>} : memref<5376xi32, #tpu.memory_space<vmem>>, vector<16xi32>,
    %gather3A_1668 = tpu.vector_load_idx %arg9[%get3A_1667] : memref<50016xf32, #tpu.memory_space<vmem>>[vector<16xi32>], vector<16xf32>,
    %swap3A_1669 = arith.constant 5072 : index
    %swap3A_1670 = tpu.vector_load %arg11[%swap3A_1669] {strides = array<i32>} : memref<5376xf32, #tpu.memory_space<vmem>>, vector<16xf32>,
    tpu.vector_store %arg11[%swap3A_1669], %gather3A_1668 {strides = array<i32>} : memref<5376xf32, #tpu.memory_space<vmem>>, vector<16xf32>,
    %get3A_1671 = arith.constant 5088 : index
    %get3A_1672 = tpu.vector_load %arg10[%get3A_1671] {strides = array<i32>} : memref<5376xi32, #tpu.memory_space<vmem>>, vector<16xi32>,
    %gather3A_1673 = tpu.vector_load_idx %arg9[%get3A_1672] : memref<50016xf32, #tpu.memory_space<vmem>>[vector<16xi32>], vector<16xf32>,
    %swap3A_1674 = arith.constant 5088 : index
    %swap3A_1675 = tpu.vector_load %arg11[%swap3A_1674] {strides = array<i32>} : memref<5376xf32, #tpu.memory_space<vmem>>, vector<16xf32>,
    tpu.vector_store %arg11[%swap3A_1674], %gather3A_1673 {strides = array<i32>} : memref<5376xf32, #tpu.memory_space<vmem>>, vector<16xf32>,
    %get3A_1676 = arith.constant 5104 : index
    %get3A_1677 = tpu.vector_load %arg10[%get3A_1676] {strides = array<i32>} : memref<5376xi32, #tpu.memory_space<vmem>>, vector<16xi32>,
    %gather3A_1678 = tpu.vector_load_idx %arg9[%get3A_1677] : memref<50016xf32, #tpu.memory_space<vmem>>[vector<16xi32>], vector<16xf32>,
    %swap3A_1679 = arith.constant 5104 : index
    %swap3A_1680 = tpu.vector_load %arg11[%swap3A_1679] {strides = array<i32>} : memref<5376xf32, #tpu.memory_space<vmem>>, vector<16xf32>,
    tpu.vector_store %arg11[%swap3A_1679], %gather3A_1678 {strides = array<i32>} : memref<5376xf32, #tpu.memory_space<vmem>>, vector<16xf32>,
    %get3A_1681 = arith.constant 5120 : index
    %get3A_1682 = tpu.vector_load %arg10[%get3A_1681] {strides = array<i32>} : memref<5376xi32, #tpu.memory_space<vmem>>, vector<16xi32>,
    %gather3A_1683 = tpu.vector_load_idx %arg9[%get3A_1682] : memref<50016xf32, #tpu.memory_space<vmem>>[vector<16xi32>], vector<16xf32>,
    %swap3A_1684 = arith.constant 5120 : index
    %swap3A_1685 = tpu.vector_load %arg11[%swap3A_1684] {strides = array<i32>} : memref<5376xf32, #tpu.memory_space<vmem>>, vector<16xf32>,
    tpu.vector_store %arg11[%swap3A_1684], %gather3A_1683 {strides = array<i32>} : memref<5376xf32, #tpu.memory_space<vmem>>, vector<16xf32>,
    %get3A_1686 = arith.constant 5136 : index
    %get3A_1687 = tpu.vector_load %arg10[%get3A_1686] {strides = array<i32>} : memref<5376xi32, #tpu.memory_space<vmem>>, vector<16xi32>,
    %gather3A_1688 = tpu.vector_load_idx %arg9[%get3A_1687] : memref<50016xf32, #tpu.memory_space<vmem>>[vector<16xi32>], vector<16xf32>,
    %swap3A_1689 = arith.constant 5136 : index
    %swap3A_1690 = tpu.vector_load %arg11[%swap3A_1689] {strides = array<i32>} : memref<5376xf32, #tpu.memory_space<vmem>>, vector<16xf32>,
    tpu.vector_store %arg11[%swap3A_1689], %gather3A_1688 {strides = array<i32>} : memref<5376xf32, #tpu.memory_space<vmem>>, vector<16xf32>,
    %get3A_1691 = arith.constant 5152 : index
    %get3A_1692 = tpu.vector_load %arg10[%get3A_1691] {strides = array<i32>} : memref<5376xi32, #tpu.memory_space<vmem>>, vector<16xi32>,
    %gather3A_1693 = tpu.vector_load_idx %arg9[%get3A_1692] : memref<50016xf32, #tpu.memory_space<vmem>>[vector<16xi32>], vector<16xf32>,
    %swap3A_1694 = arith.constant 5152 : index
    %swap3A_1695 = tpu.vector_load %arg11[%swap3A_1694] {strides = array<i32>} : memref<5376xf32, #tpu.memory_space<vmem>>, vector<16xf32>,
    tpu.vector_store %arg11[%swap3A_1694], %gather3A_1693 {strides = array<i32>} : memref<5376xf32, #tpu.memory_space<vmem>>, vector<16xf32>,
    %get3A_1696 = arith.constant 5168 : index
    %get3A_1697 = tpu.vector_load %arg10[%get3A_1696] {strides = array<i32>} : memref<5376xi32, #tpu.memory_space<vmem>>, vector<16xi32>,
    %gather3A_1698 = tpu.vector_load_idx %arg9[%get3A_1697] : memref<50016xf32, #tpu.memory_space<vmem>>[vector<16xi32>], vector<16xf32>,
    %swap3A_1699 = arith.constant 5168 : index
    %swap3A_1700 = tpu.vector_load %arg11[%swap3A_1699] {strides = array<i32>} : memref<5376xf32, #tpu.memory_space<vmem>>, vector<16xf32>,
    tpu.vector_store %arg11[%swap3A_1699], %gather3A_1698 {strides = array<i32>} : memref<5376xf32, #tpu.memory_space<vmem>>, vector<16xf32>,
    %get3A_1701 = arith.constant 5184 : index
    %get3A_1702 = tpu.vector_load %arg10[%get3A_1701] {strides = array<i32>} : memref<5376xi32, #tpu.memory_space<vmem>>, vector<16xi32>,
    %gather3A_1703 = tpu.vector_load_idx %arg9[%get3A_1702] : memref<50016xf32, #tpu.memory_space<vmem>>[vector<16xi32>], vector<16xf32>,
    %swap3A_1704 = arith.constant 5184 : index
    %swap3A_1705 = tpu.vector_load %arg11[%swap3A_1704] {strides = array<i32>} : memref<5376xf32, #tpu.memory_space<vmem>>, vector<16xf32>,
    tpu.vector_store %arg11[%swap3A_1704], %gather3A_1703 {strides = array<i32>} : memref<5376xf32, #tpu.memory_space<vmem>>, vector<16xf32>,
    %get3A_1706 = arith.constant 5200 : index
    %get3A_1707 = tpu.vector_load %arg10[%get3A_1706] {strides = array<i32>} : memref<5376xi32, #tpu.memory_space<vmem>>, vector<16xi32>,
    %gather3A_1708 = tpu.vector_load_idx %arg9[%get3A_1707] : memref<50016xf32, #tpu.memory_space<vmem>>[vector<16xi32>], vector<16xf32>,
    %swap3A_1709 = arith.constant 5200 : index
    %swap3A_1710 = tpu.vector_load %arg11[%swap3A_1709] {strides = array<i32>} : memref<5376xf32, #tpu.memory_space<vmem>>, vector<16xf32>,
    tpu.vector_store %arg11[%swap3A_1709], %gather3A_1708 {strides = array<i32>} : memref<5376xf32, #tpu.memory_space<vmem>>, vector<16xf32>,
    %get3A_1711 = arith.constant 5216 : index
    %get3A_1712 = tpu.vector_load %arg10[%get3A_1711] {strides = array<i32>} : memref<5376xi32, #tpu.memory_space<vmem>>, vector<16xi32>,
    %gather3A_1713 = tpu.vector_load_idx %arg9[%get3A_1712] : memref<50016xf32, #tpu.memory_space<vmem>>[vector<16xi32>], vector<16xf32>,
    %swap3A_1714 = arith.constant 5216 : index
    %swap3A_1715 = tpu.vector_load %arg11[%swap3A_1714] {strides = array<i32>} : memref<5376xf32, #tpu.memory_space<vmem>>, vector<16xf32>,
    tpu.vector_store %arg11[%swap3A_1714], %gather3A_1713 {strides = array<i32>} : memref<5376xf32, #tpu.memory_space<vmem>>, vector<16xf32>,
    %get3A_1716 = arith.constant 5232 : index
    %get3A_1717 = tpu.vector_load %arg10[%get3A_1716] {strides = array<i32>} : memref<5376xi32, #tpu.memory_space<vmem>>, vector<16xi32>,
    %gather3A_1718 = tpu.vector_load_idx %arg9[%get3A_1717] : memref<50016xf32, #tpu.memory_space<vmem>>[vector<16xi32>], vector<16xf32>,
    %swap3A_1719 = arith.constant 5232 : index
    %swap3A_1720 = tpu.vector_load %arg11[%swap3A_1719] {strides = array<i32>} : memref<5376xf32, #tpu.memory_space<vmem>>, vector<16xf32>,
    tpu.vector_store %arg11[%swap3A_1719], %gather3A_1718 {strides = array<i32>} : memref<5376xf32, #tpu.memory_space<vmem>>, vector<16xf32>,
    %get3A_1721 = arith.constant 5248 : index
    %get3A_1722 = tpu.vector_load %arg10[%get3A_1721] {strides = array<i32>} : memref<5376xi32, #tpu.memory_space<vmem>>, vector<16xi32>,
    %gather3A_1723 = tpu.vector_load_idx %arg9[%get3A_1722] : memref<50016xf32, #tpu.memory_space<vmem>>[vector<16xi32>], vector<16xf32>,
    %swap3A_1724 = arith.constant 5248 : index
    %swap3A_1725 = tpu.vector_load %arg11[%swap3A_1724] {strides = array<i32>} : memref<5376xf32, #tpu.memory_space<vmem>>, vector<16xf32>,
    tpu.vector_store %arg11[%swap3A_1724], %gather3A_1723 {strides = array<i32>} : memref<5376xf32, #tpu.memory_space<vmem>>, vector<16xf32>,
    %get3A_1726 = arith.constant 5264 : index
    %get3A_1727 = tpu.vector_load %arg10[%get3A_1726] {strides = array<i32>} : memref<5376xi32, #tpu.memory_space<vmem>>, vector<16xi32>,
    %gather3A_1728 = tpu.vector_load_idx %arg9[%get3A_1727] : memref<50016xf32, #tpu.memory_space<vmem>>[vector<16xi32>], vector<16xf32>,
    %swap3A_1729 = arith.constant 5264 : index
    %swap3A_1730 = tpu.vector_load %arg11[%swap3A_1729] {strides = array<i32>} : memref<5376xf32, #tpu.memory_space<vmem>>, vector<16xf32>,
    tpu.vector_store %arg11[%swap3A_1729], %gather3A_1728 {strides = array<i32>} : memref<5376xf32, #tpu.memory_space<vmem>>, vector<16xf32>,
    %get3A_1731 = arith.constant 5280 : index
    %get3A_1732 = tpu.vector_load %arg10[%get3A_1731] {strides = array<i32>} : memref<5376xi32, #tpu.memory_space<vmem>>, vector<16xi32>,
    %gather3A_1733 = tpu.vector_load_idx %arg9[%get3A_1732] : memref<50016xf32, #tpu.memory_space<vmem>>[vector<16xi32>], vector<16xf32>,
    %swap3A_1734 = arith.constant 5280 : index
    %swap3A_1735 = tpu.vector_load %arg11[%swap3A_1734] {strides = array<i32>} : memref<5376xf32, #tpu.memory_space<vmem>>, vector<16xf32>,
    tpu.vector_store %arg11[%swap3A_1734], %gather3A_1733 {strides = array<i32>} : memref<5376xf32, #tpu.memory_space<vmem>>, vector<16xf32>,
    %get3A_1736 = arith.constant 5296 : index
    %get3A_1737 = tpu.vector_load %arg10[%get3A_1736] {strides = array<i32>} : memref<5376xi32, #tpu.memory_space<vmem>>, vector<16xi32>,
    %gather3A_1738 = tpu.vector_load_idx %arg9[%get3A_1737] : memref<50016xf32, #tpu.memory_space<vmem>>[vector<16xi32>], vector<16xf32>,
    %swap3A_1739 = arith.constant 5296 : index
    %swap3A_1740 = tpu.vector_load %arg11[%swap3A_1739] {strides = array<i32>} : memref<5376xf32, #tpu.memory_space<vmem>>, vector<16xf32>,
    tpu.vector_store %arg11[%swap3A_1739], %gather3A_1738 {strides = array<i32>} : memref<5376xf32, #tpu.memory_space<vmem>>, vector<16xf32>,
    %get3A_1741 = arith.constant 5312 : index
    %get3A_1742 = tpu.vector_load %arg10[%get3A_1741] {strides = array<i32>} : memref<5376xi32, #tpu.memory_space<vmem>>, vector<16xi32>,
    %gather3A_1743 = tpu.vector_load_idx %arg9[%get3A_1742] : memref<50016xf32, #tpu.memory_space<vmem>>[vector<16xi32>], vector<16xf32>,
    %swap3A_1744 = arith.constant 5312 : index
    %swap3A_1745 = tpu.vector_load %arg11[%swap3A_1744] {strides = array<i32>} : memref<5376xf32, #tpu.memory_space<vmem>>, vector<16xf32>,
    tpu.vector_store %arg11[%swap3A_1744], %gather3A_1743 {strides = array<i32>} : memref<5376xf32, #tpu.memory_space<vmem>>, vector<16xf32>,
    %get3A_1746 = arith.constant 5328 : index
    %get3A_1747 = tpu.vector_load %arg10[%get3A_1746] {strides = array<i32>} : memref<5376xi32, #tpu.memory_space<vmem>>, vector<16xi32>,
    %gather3A_1748 = tpu.vector_load_idx %arg9[%get3A_1747] : memref<50016xf32, #tpu.memory_space<vmem>>[vector<16xi32>], vector<16xf32>,
    %swap3A_1749 = arith.constant 5328 : index
    %swap3A_1750 = tpu.vector_load %arg11[%swap3A_1749] {strides = array<i32>} : memref<5376xf32, #tpu.memory_space<vmem>>, vector<16xf32>,
    tpu.vector_store %arg11[%swap3A_1749], %gather3A_1748 {strides = array<i32>} : memref<5376xf32, #tpu.memory_space<vmem>>, vector<16xf32>,
    %get3A_1751 = arith.constant 5344 : index
    %get3A_1752 = tpu.vector_load %arg10[%get3A_1751] {strides = array<i32>} : memref<5376xi32, #tpu.memory_space<vmem>>, vector<16xi32>,
    %gather3A_1753 = tpu.vector_load_idx %arg9[%get3A_1752] : memref<50016xf32, #tpu.memory_space<vmem>>[vector<16xi32>], vector<16xf32>,
    %swap3A_1754 = arith.constant 5344 : index
    %swap3A_1755 = tpu.vector_load %arg11[%swap3A_1754] {strides = array<i32>} : memref<5376xf32, #tpu.memory_space<vmem>>, vector<16xf32>,
    tpu.vector_store %arg11[%swap3A_1754], %gather3A_1753 {strides = array<i32>} : memref<5376xf32, #tpu.memory_space<vmem>>, vector<16xf32>,
    %get3A_1756 = arith.constant 5360 : index
    %get3A_1757 = tpu.vector_load %arg10[%get3A_1756] {strides = array<i32>} : memref<5376xi32, #tpu.memory_space<vmem>>, vector<16xi32>,
    %gather3A_1758 = tpu.vector_load_idx %arg9[%get3A_1757] : memref<50016xf32, #tpu.memory_space<vmem>>[vector<16xi32>], vector<16xf32>,
    %swap3A_1759 = arith.constant 5360 : index
    %swap3A_1760 = tpu.vector_load %arg11[%swap3A_1759] {strides = array<i32>} : memref<5376xf32, #tpu.memory_space<vmem>>, vector<16xf32>,
    tpu.vector_store %arg11[%swap3A_1759], %gather3A_1758 {strides = array<i32>} : memref<5376xf32, #tpu.memory_space<vmem>>, vector<16xf32>,
    %eq3A_1761 = arith.constant 0 : i32
    %eq3A_1762 = arith.cmpi eq, %select_n3A_9, %eq3A_1761 : i32
    %eq3A_1763 = arith.constant 0 : i32
    %eq3A_1764 = arith.cmpi eq, %select_n3A_46, %eq3A_1763 : i32
    %and3A_1765 = arith.andi %eq3A_1762, %eq3A_1764 : i1
    %convert_element_type3A_1766 = arith.extui %and3A_1765 : i1 to i32
    %cond3A_1767 = arith.constant 0 : i32
    %cond3A_1768 = arith.cmpi ne, %convert_element_type3A_1766, %cond3A_1767 : i32
    scf.if %cond3A_1768 {
      "tpu.region"() ({
        %run_scoped3A = tpu.sem_alloc : memref<!tpu.dma_semaphore, #tpu.memory_space<semaphore_mem>>
        %dma_start3A = tpu.memref_slice %arg5[%mul3A_72] : memref<43008xf32, #tpu.memory_space<hbm>> -> memref<5376xf32, #tpu.memory_space<hbm>>
        %dma_start3A_1793 = tpu.memref_slice %arg5[%mul3A_72] : memref<43008xf32, #tpu.memory_space<hbm>> -> memref<5376xf32, #tpu.memory_space<hbm>>
        tpu.enqueue_dma source(%arg11 : memref<5376xf32, #tpu.memory_space<vmem>>) target(%dma_start3A_1793 : memref<5376xf32, #tpu.memory_space<hbm>>) target_semaphore(%run_scoped3A : memref<!tpu.dma_semaphore, #tpu.memory_space<semaphore_mem>>)
        %dma_wait3A = tpu.memref_slice %arg5[%mul3A_72] : memref<43008xf32, #tpu.memory_space<hbm>> -> memref<5376xf32, #tpu.memory_space<hbm>>
        %dma_wait3A_1794 = tpu.memref_slice %arg5[%mul3A_72] : memref<43008xf32, #tpu.memory_space<hbm>> -> memref<5376xf32, #tpu.memory_space<hbm>>
        tpu.wait_dma2 semaphore(%run_scoped3A : memref<!tpu.dma_semaphore, #tpu.memory_space<semaphore_mem>>) src(%arg11 : memref<5376xf32, #tpu.memory_space<vmem>>) dst(%dma_wait3A_1794 : memref<5376xf32, #tpu.memory_space<hbm>>)
        tpu.yield
      }) : () -> ()
    } else {
    }
    %eq3A_1769 = arith.constant 0 : i32
    %eq3A_1770 = arith.cmpi eq, %select_n3A_9, %eq3A_1769 : i32
    %eq3A_1771 = arith.constant 1 : i32
    %eq3A_1772 = arith.cmpi eq, %select_n3A_46, %eq3A_1771 : i32
    %and3A_1773 = arith.andi %eq3A_1770, %eq3A_1772 : i1
    %convert_element_type3A_1774 = arith.extui %and3A_1773 : i1 to i32
    %cond3A_1775 = arith.constant 0 : i32
    %cond3A_1776 = arith.cmpi ne, %convert_element_type3A_1774, %cond3A_1775 : i32
    scf.if %cond3A_1776 {
      "tpu.region"() ({
        %run_scoped3A = tpu.sem_alloc : memref<!tpu.dma_semaphore, #tpu.memory_space<semaphore_mem>>
        %dma_start3A = tpu.memref_slice %arg6[%mul3A_72] : memref<43008xf32, #tpu.memory_space<hbm>> -> memref<5376xf32, #tpu.memory_space<hbm>>
        %dma_start3A_1793 = tpu.memref_slice %arg6[%mul3A_72] : memref<43008xf32, #tpu.memory_space<hbm>> -> memref<5376xf32, #tpu.memory_space<hbm>>
        tpu.enqueue_dma source(%arg11 : memref<5376xf32, #tpu.memory_space<vmem>>) target(%dma_start3A_1793 : memref<5376xf32, #tpu.memory_space<hbm>>) target_semaphore(%run_scoped3A : memref<!tpu.dma_semaphore, #tpu.memory_space<semaphore_mem>>)
        %dma_wait3A = tpu.memref_slice %arg6[%mul3A_72] : memref<43008xf32, #tpu.memory_space<hbm>> -> memref<5376xf32, #tpu.memory_space<hbm>>
        %dma_wait3A_1794 = tpu.memref_slice %arg6[%mul3A_72] : memref<43008xf32, #tpu.memory_space<hbm>> -> memref<5376xf32, #tpu.memory_space<hbm>>
        tpu.wait_dma2 semaphore(%run_scoped3A : memref<!tpu.dma_semaphore, #tpu.memory_space<semaphore_mem>>) src(%arg11 : memref<5376xf32, #tpu.memory_space<vmem>>) dst(%dma_wait3A_1794 : memref<5376xf32, #tpu.memory_space<hbm>>)
        tpu.yield
      }) : () -> ()
    } else {
    }
    %eq3A_1777 = arith.constant 1 : i32
    %eq3A_1778 = arith.cmpi eq, %select_n3A_9, %eq3A_1777 : i32
    %eq3A_1779 = arith.constant 0 : i32
    %eq3A_1780 = arith.cmpi eq, %select_n3A_46, %eq3A_1779 : i32
    %and3A_1781 = arith.andi %eq3A_1778, %eq3A_1780 : i1
    %convert_element_type3A_1782 = arith.extui %and3A_1781 : i1 to i32
    %cond3A_1783 = arith.constant 0 : i32
    %cond3A_1784 = arith.cmpi ne, %convert_element_type3A_1782, %cond3A_1783 : i32
    scf.if %cond3A_1784 {
      "tpu.region"() ({
        %run_scoped3A = tpu.sem_alloc : memref<!tpu.dma_semaphore, #tpu.memory_space<semaphore_mem>>
        %dma_start3A = tpu.memref_slice %arg7[%mul3A_72] : memref<43008xf32, #tpu.memory_space<hbm>> -> memref<5376xf32, #tpu.memory_space<hbm>>
        %dma_start3A_1793 = tpu.memref_slice %arg7[%mul3A_72] : memref<43008xf32, #tpu.memory_space<hbm>> -> memref<5376xf32, #tpu.memory_space<hbm>>
        tpu.enqueue_dma source(%arg11 : memref<5376xf32, #tpu.memory_space<vmem>>) target(%dma_start3A_1793 : memref<5376xf32, #tpu.memory_space<hbm>>) target_semaphore(%run_scoped3A : memref<!tpu.dma_semaphore, #tpu.memory_space<semaphore_mem>>)
        %dma_wait3A = tpu.memref_slice %arg7[%mul3A_72] : memref<43008xf32, #tpu.memory_space<hbm>> -> memref<5376xf32, #tpu.memory_space<hbm>>
        %dma_wait3A_1794 = tpu.memref_slice %arg7[%mul3A_72] : memref<43008xf32, #tpu.memory_space<hbm>> -> memref<5376xf32, #tpu.memory_space<hbm>>
        tpu.wait_dma2 semaphore(%run_scoped3A : memref<!tpu.dma_semaphore, #tpu.memory_space<semaphore_mem>>) src(%arg11 : memref<5376xf32, #tpu.memory_space<vmem>>) dst(%dma_wait3A_1794 : memref<5376xf32, #tpu.memory_space<hbm>>)
        tpu.yield
      }) : () -> ()
    } else {
    }
    %eq3A_1785 = arith.constant 1 : i32
    %eq3A_1786 = arith.cmpi eq, %select_n3A_9, %eq3A_1785 : i32
    %eq3A_1787 = arith.constant 1 : i32
    %eq3A_1788 = arith.cmpi eq, %select_n3A_46, %eq3A_1787 : i32
    %and3A_1789 = arith.andi %eq3A_1786, %eq3A_1788 : i1
    %convert_element_type3A_1790 = arith.extui %and3A_1789 : i1 to i32
    %cond3A_1791 = arith.constant 0 : i32
    %cond3A_1792 = arith.cmpi ne, %convert_element_type3A_1790, %cond3A_1791 : i32
    scf.if %cond3A_1792 {
      "tpu.region"() ({
        %run_scoped3A = tpu.sem_alloc : memref<!tpu.dma_semaphore, #tpu.memory_space<semaphore_mem>>
        %dma_start3A = tpu.memref_slice %arg8[%mul3A_72] : memref<43008xf32, #tpu.memory_space<hbm>> -> memref<5376xf32, #tpu.memory_space<hbm>>
        %dma_start3A_1793 = tpu.memref_slice %arg8[%mul3A_72] : memref<43008xf32, #tpu.memory_space<hbm>> -> memref<5376xf32, #tpu.memory_space<hbm>>
        tpu.enqueue_dma source(%arg11 : memref<5376xf32, #tpu.memory_space<vmem>>) target(%dma_start3A_1793 : memref<5376xf32, #tpu.memory_space<hbm>>) target_semaphore(%run_scoped3A : memref<!tpu.dma_semaphore, #tpu.memory_space<semaphore_mem>>)
        %dma_wait3A = tpu.memref_slice %arg8[%mul3A_72] : memref<43008xf32, #tpu.memory_space<hbm>> -> memref<5376xf32, #tpu.memory_space<hbm>>
        %dma_wait3A_1794 = tpu.memref_slice %arg8[%mul3A_72] : memref<43008xf32, #tpu.memory_space<hbm>> -> memref<5376xf32, #tpu.memory_space<hbm>>
        tpu.wait_dma2 semaphore(%run_scoped3A : memref<!tpu.dma_semaphore, #tpu.memory_space<semaphore_mem>>) src(%arg11 : memref<5376xf32, #tpu.memory_space<vmem>>) dst(%dma_wait3A_1794 : memref<5376xf32, #tpu.memory_space<hbm>>)
        tpu.yield
      }) : () -> ()
    } else {
    }
    return
  }
}

module attributes {stable_mosaic.version = 14 : i64} {
  func.func @_dots_body(%arg0: memref<2x64xf32, #tpu.memory_space<vmem>>, %arg1: memref<32x100000xf32, #tpu.memory_space<vmem>>, %arg2: memref<100000xf32, #tpu.memory_space<vmem>>, %arg3: memref<100000xf32, #tpu.memory_space<vmem>>) attributes {dimension_semantics = [], scalar_prefetch = 0 : i64, scratch_operands = 0 : i64, tpu.core_type = #tpu.core_type<tc>} {
    %get3A = arith.constant 0 : index
    %get3A_0 = arith.constant 0 : index
    %get3A_1 = vector.load %arg0[%get3A, %get3A_0] : memref<2x64xf32, #tpu.memory_space<vmem>>, vector<2x64xf32>
    %slice3A = vector.extract_strided_slice %get3A_1 {offsets = [0, 0], sizes = [2, 32], strides = [1, 1]} : vector<2x64xf32> to vector<2x32xf32>
    %slice3A_2 = vector.extract_strided_slice %get3A_1 {offsets = [0, 32], sizes = [2, 32], strides = [1, 1]} : vector<2x64xf32> to vector<2x32xf32>
    %add3A = arith.addf %slice3A, %slice3A_2 : vector<2x32xf32>
    %mul3A = arith.constant 5.000000e-01 : f32
    %mul3A_3 = vector.broadcast %mul3A : f32 to vector<2x32xf32>
    %mul3A_4 = arith.mulf %mul3A_3, %add3A : vector<2x32xf32>
    %get3A_5 = arith.constant 0 : index
    %get3A_6 = arith.constant 0 : index
    %get3A_7 = vector.load %arg1[%get3A_5, %get3A_6] : memref<32x100000xf32, #tpu.memory_space<vmem>>, vector<32x100000xf32>
    %dot_general3A = arith.constant dense<0.000000e+00> : vector<2x100000xf32>
    %dot_general3A_8 = tpu.matmul %mul3A_4, %get3A_7, %dot_general3A {dimension_numbers = #tpu.dot_dimension_numbers<[1], [0], [0], [1], [0, 0, 1, 1], [], []>, transpose_lhs_hint = false} : vector<2x32xf32>, vector<32x100000xf32>, vector<2x100000xf32> -> vector<2x100000xf32>
    %slice3A_9 = vector.extract_strided_slice %dot_general3A_8 {offsets = [0, 0], sizes = [1, 100000], strides = [1, 1]} : vector<2x100000xf32> to vector<1x100000xf32>
    %squeeze3A = vector.shape_cast %slice3A_9 : vector<1x100000xf32> to vector<100000xf32>
    %swap3A = arith.constant 0 : index
    %swap3A_10 = vector.load %arg2[%swap3A] : memref<100000xf32, #tpu.memory_space<vmem>>, vector<100000xf32>
    tpu.vector_store %arg2[%swap3A], %squeeze3A {strides = array<i32>} : memref<100000xf32, #tpu.memory_space<vmem>>, vector<100000xf32>,
    %slice3A_11 = vector.extract_strided_slice %dot_general3A_8 {offsets = [1, 0], sizes = [1, 100000], strides = [1, 1]} : vector<2x100000xf32> to vector<1x100000xf32>
    %squeeze3A_12 = vector.shape_cast %slice3A_11 : vector<1x100000xf32> to vector<100000xf32>
    %swap3A_13 = arith.constant 0 : index
    %swap3A_14 = vector.load %arg3[%swap3A_13] : memref<100000xf32, #tpu.memory_space<vmem>>, vector<100000xf32>
    tpu.vector_store %arg3[%swap3A_13], %squeeze3A_12 {strides = array<i32>} : memref<100000xf32, #tpu.memory_space<vmem>>, vector<100000xf32>,
    return
  }
}

module attributes {stable_mosaic.version = 14 : i64} {
  func.func @_final_body(%arg0: memref<2xf32, #tpu.memory_space<smem>>, %arg1: memref<2xf32, #tpu.memory_space<smem>>, %arg2: memref<1024xi32, #tpu.memory_space<vmem>>, %arg3: memref<43008xf32, #tpu.memory_space<vmem>>, %arg4: memref<43008xf32, #tpu.memory_space<vmem>>, %arg5: memref<43008xf32, #tpu.memory_space<vmem>>, %arg6: memref<43008xf32, #tpu.memory_space<vmem>>, %arg7: memref<1024xf32, #tpu.memory_space<vmem>>, %arg8: memref<1x20xf32, #tpu.memory_space<smem>>) attributes {dimension_semantics = [], scalar_prefetch = 0 : i64, scratch_operands = 0 : i64, tpu.core_type = #tpu.core_type<tc>} {
    %get3A = arith.constant 0 : index
    %get3A_0 = vector.load %arg3[%get3A] : memref<43008xf32, #tpu.memory_space<vmem>>, vector<43008xf32>
    %get3A_1 = arith.constant 0 : index
    %get3A_2 = vector.load %arg4[%get3A_1] : memref<43008xf32, #tpu.memory_space<vmem>>, vector<43008xf32>
    %add3A = arith.addf %get3A_0, %get3A_2 : vector<43008xf32>
    %get3A_3 = arith.constant 0 : index
    %get3A_4 = vector.load %arg5[%get3A_3] : memref<43008xf32, #tpu.memory_space<vmem>>, vector<43008xf32>
    %get3A_5 = arith.constant 0 : index
    %get3A_6 = vector.load %arg6[%get3A_5] : memref<43008xf32, #tpu.memory_space<vmem>>, vector<43008xf32>
    %add3A_7 = arith.addf %get3A_4, %get3A_6 : vector<43008xf32>
    %get3A_8 = arith.constant 0 : index
    %get3A_9 = memref.load %arg0[%get3A_8] : memref<2xf32, #tpu.memory_space<smem>>
    %get3A_10 = arith.constant 1 : index
    %get3A_11 = memref.load %arg0[%get3A_10] : memref<2xf32, #tpu.memory_space<smem>>
    %get3A_12 = arith.constant 0 : index
    %get3A_13 = memref.load %arg1[%get3A_12] : memref<2xf32, #tpu.memory_space<smem>>
    %get3A_14 = arith.constant 1 : index
    %get3A_15 = memref.load %arg1[%get3A_14] : memref<2xf32, #tpu.memory_space<smem>>
    %slice3A = vector.extract_strided_slice %add3A {offsets = [0], sizes = [1024], strides = [1]} : vector<43008xf32> to vector<1024xf32>
    %slice3A_16 = vector.extract_strided_slice %add3A_7 {offsets = [0], sizes = [1024], strides = [1]} : vector<43008xf32> to vector<1024xf32>
    %slice3A_17 = vector.extract_strided_slice %add3A {offsets = [1024], sizes = [1024], strides = [1]} : vector<43008xf32> to vector<1024xf32>
    %slice3A_18 = vector.extract_strided_slice %add3A_7 {offsets = [1024], sizes = [1024], strides = [1]} : vector<43008xf32> to vector<1024xf32>
    %get3A_19 = arith.constant 0 : index
    %get3A_20 = vector.load %arg2[%get3A_19] : memref<1024xi32, #tpu.memory_space<vmem>>, vector<1024xi32>
    %add3A_21 = arith.addf %slice3A, %slice3A_17 : vector<1024xf32>
    %add3A_22 = vector.broadcast %get3A_9 : f32 to vector<1024xf32>
    %add3A_23 = arith.addf %add3A_21, %add3A_22 : vector<1024xf32>
    %div3A = vector.broadcast %get3A_13 : f32 to vector<1024xf32>
    %div3A_24 = arith.divf %add3A_23, %div3A : vector<1024xf32>
    %jit3A = arith.constant -7.500000e+01 : f32
    %jit3A_25 = arith.constant 7.500000e+01 : f32
    %max3A = vector.broadcast %jit3A : f32 to vector<1024xf32>
    %max3A_26 = arith.maximumf %max3A, %div3A_24 : vector<1024xf32>
    %min3A = vector.broadcast %jit3A_25 : f32 to vector<1024xf32>
    %min3A_27 = arith.minimumf %min3A, %max3A_26 : vector<1024xf32>
    %exp3A = math.exp %min3A_27 : vector<1024xf32>
    %log1p3A = math.log1p %exp3A : vector<1024xf32>
    %mul3A = vector.broadcast %get3A_13 : f32 to vector<1024xf32>
    %mul3A_28 = arith.mulf %mul3A, %log1p3A : vector<1024xf32>
    %add3A_29 = arith.addf %slice3A_16, %slice3A_18 : vector<1024xf32>
    %add3A_30 = vector.broadcast %get3A_11 : f32 to vector<1024xf32>
    %add3A_31 = arith.addf %add3A_29, %add3A_30 : vector<1024xf32>
    %div3A_32 = vector.broadcast %get3A_15 : f32 to vector<1024xf32>
    %div3A_33 = arith.divf %add3A_31, %div3A_32 : vector<1024xf32>
    %jit3A_34 = arith.constant -7.500000e+01 : f32
    %jit3A_35 = arith.constant 7.500000e+01 : f32
    %max3A_36 = vector.broadcast %jit3A_34 : f32 to vector<1024xf32>
    %max3A_37 = arith.maximumf %max3A_36, %div3A_33 : vector<1024xf32>
    %min3A_38 = vector.broadcast %jit3A_35 : f32 to vector<1024xf32>
    %min3A_39 = arith.minimumf %min3A_38, %max3A_37 : vector<1024xf32>
    %exp3A_40 = math.exp %min3A_39 : vector<1024xf32>
    %log1p3A_41 = math.log1p %exp3A_40 : vector<1024xf32>
    %mul3A_42 = vector.broadcast %get3A_15 : f32 to vector<1024xf32>
    %mul3A_43 = arith.mulf %mul3A_42, %log1p3A_41 : vector<1024xf32>
    %eq3A = arith.constant 0 : i32
    %eq3A_44 = vector.broadcast %eq3A : i32 to vector<1024xi32>
    %eq3A_45 = arith.cmpi eq, %get3A_20, %eq3A_44 : vector<1024xi32>
    %select_n3A = arith.select %eq3A_45, %mul3A_28, %mul3A_43 : vector<1024xi1>, vector<1024xf32>
    %swap3A = arith.constant 0 : index
    %swap3A_46 = vector.load %arg7[%swap3A] : memref<1024xf32, #tpu.memory_space<vmem>>, vector<1024xf32>
    tpu.vector_store %arg7[%swap3A], %select_n3A {strides = array<i32>} : memref<1024xf32, #tpu.memory_space<vmem>>, vector<1024xf32>,
    %slice3A_47 = vector.extract_strided_slice %add3A {offsets = [2048], sizes = [1024], strides = [1]} : vector<43008xf32> to vector<1024xf32>
    %add3A_48 = arith.addf %slice3A, %slice3A_47 : vector<1024xf32>
    %add3A_49 = vector.broadcast %get3A_9 : f32 to vector<1024xf32>
    %add3A_50 = arith.addf %add3A_48, %add3A_49 : vector<1024xf32>
    %div3A_51 = vector.broadcast %get3A_13 : f32 to vector<1024xf32>
    %div3A_52 = arith.divf %add3A_50, %div3A_51 : vector<1024xf32>
    %jit3A_53 = arith.constant -7.500000e+01 : f32
    %jit3A_54 = arith.constant 7.500000e+01 : f32
    %max3A_55 = vector.broadcast %jit3A_53 : f32 to vector<1024xf32>
    %max3A_56 = arith.maximumf %max3A_55, %div3A_52 : vector<1024xf32>
    %min3A_57 = vector.broadcast %jit3A_54 : f32 to vector<1024xf32>
    %min3A_58 = arith.minimumf %min3A_57, %max3A_56 : vector<1024xf32>
    %exp3A_59 = math.exp %min3A_58 : vector<1024xf32>
    %log1p3A_60 = math.log1p %exp3A_59 : vector<1024xf32>
    %mul3A_61 = vector.broadcast %get3A_13 : f32 to vector<1024xf32>
    %mul3A_62 = arith.mulf %mul3A_61, %log1p3A_60 : vector<1024xf32>
    %slice3A_63 = vector.extract_strided_slice %add3A_7 {offsets = [2048], sizes = [1024], strides = [1]} : vector<43008xf32> to vector<1024xf32>
    %add3A_64 = arith.addf %slice3A_16, %slice3A_63 : vector<1024xf32>
    %add3A_65 = vector.broadcast %get3A_11 : f32 to vector<1024xf32>
    %add3A_66 = arith.addf %add3A_64, %add3A_65 : vector<1024xf32>
    %div3A_67 = vector.broadcast %get3A_15 : f32 to vector<1024xf32>
    %div3A_68 = arith.divf %add3A_66, %div3A_67 : vector<1024xf32>
    %jit3A_69 = arith.constant -7.500000e+01 : f32
    %jit3A_70 = arith.constant 7.500000e+01 : f32
    %max3A_71 = vector.broadcast %jit3A_69 : f32 to vector<1024xf32>
    %max3A_72 = arith.maximumf %max3A_71, %div3A_68 : vector<1024xf32>
    %min3A_73 = vector.broadcast %jit3A_70 : f32 to vector<1024xf32>
    %min3A_74 = arith.minimumf %min3A_73, %max3A_72 : vector<1024xf32>
    %exp3A_75 = math.exp %min3A_74 : vector<1024xf32>
    %log1p3A_76 = math.log1p %exp3A_75 : vector<1024xf32>
    %mul3A_77 = vector.broadcast %get3A_15 : f32 to vector<1024xf32>
    %mul3A_78 = arith.mulf %mul3A_77, %log1p3A_76 : vector<1024xf32>
    %add3A_79 = arith.addf %mul3A_62, %mul3A_78 : vector<1024xf32>
    %slice3A_80 = vector.extract_strided_slice %add3A {offsets = [22528], sizes = [1024], strides = [1]} : vector<43008xf32> to vector<1024xf32>
    %add3A_81 = arith.addf %slice3A_17, %slice3A_80 : vector<1024xf32>
    %add3A_82 = vector.broadcast %get3A_9 : f32 to vector<1024xf32>
    %add3A_83 = arith.addf %add3A_81, %add3A_82 : vector<1024xf32>
    %div3A_84 = vector.broadcast %get3A_13 : f32 to vector<1024xf32>
    %div3A_85 = arith.divf %add3A_83, %div3A_84 : vector<1024xf32>
    %jit3A_86 = arith.constant -7.500000e+01 : f32
    %jit3A_87 = arith.constant 7.500000e+01 : f32
    %max3A_88 = vector.broadcast %jit3A_86 : f32 to vector<1024xf32>
    %max3A_89 = arith.maximumf %max3A_88, %div3A_85 : vector<1024xf32>
    %min3A_90 = vector.broadcast %jit3A_87 : f32 to vector<1024xf32>
    %min3A_91 = arith.minimumf %min3A_90, %max3A_89 : vector<1024xf32>
    %exp3A_92 = math.exp %min3A_91 : vector<1024xf32>
    %log1p3A_93 = math.log1p %exp3A_92 : vector<1024xf32>
    %mul3A_94 = vector.broadcast %get3A_13 : f32 to vector<1024xf32>
    %mul3A_95 = arith.mulf %mul3A_94, %log1p3A_93 : vector<1024xf32>
    %add3A_96 = arith.addf %add3A_79, %mul3A_95 : vector<1024xf32>
    %slice3A_97 = vector.extract_strided_slice %add3A_7 {offsets = [22528], sizes = [1024], strides = [1]} : vector<43008xf32> to vector<1024xf32>
    %add3A_98 = arith.addf %slice3A_18, %slice3A_97 : vector<1024xf32>
    %add3A_99 = vector.broadcast %get3A_11 : f32 to vector<1024xf32>
    %add3A_100 = arith.addf %add3A_98, %add3A_99 : vector<1024xf32>
    %div3A_101 = vector.broadcast %get3A_15 : f32 to vector<1024xf32>
    %div3A_102 = arith.divf %add3A_100, %div3A_101 : vector<1024xf32>
    %jit3A_103 = arith.constant -7.500000e+01 : f32
    %jit3A_104 = arith.constant 7.500000e+01 : f32
    %max3A_105 = vector.broadcast %jit3A_103 : f32 to vector<1024xf32>
    %max3A_106 = arith.maximumf %max3A_105, %div3A_102 : vector<1024xf32>
    %min3A_107 = vector.broadcast %jit3A_104 : f32 to vector<1024xf32>
    %min3A_108 = arith.minimumf %min3A_107, %max3A_106 : vector<1024xf32>
    %exp3A_109 = math.exp %min3A_108 : vector<1024xf32>
    %log1p3A_110 = math.log1p %exp3A_109 : vector<1024xf32>
    %mul3A_111 = vector.broadcast %get3A_15 : f32 to vector<1024xf32>
    %mul3A_112 = arith.mulf %mul3A_111, %log1p3A_110 : vector<1024xf32>
    %add3A_113 = arith.addf %add3A_96, %mul3A_112 : vector<1024xf32>
    %reduce_sum3A = vector.shape_cast %add3A_113 : vector<1024xf32> to vector<1x1024xf32>
    %reduce_sum3A_114 = arith.constant dense<0.000000e+00> : vector<1xf32>
    %reduce_sum3A_115 = vector.multi_reduction <add>, %reduce_sum3A, %reduce_sum3A_114 [1] : vector<1x1024xf32> to vector<1xf32>
    %reduce_sum3A_116 = vector.shape_cast %reduce_sum3A_115 : vector<1xf32> to vector<1x1xf32>
    %reduce_sum3A_117 = vector.extract %reduce_sum3A_116[0, 0] : f32 from vector<1x1xf32>
    %mul3A_118 = arith.constant 5.000000e-02 : f32
    %mul3A_119 = arith.mulf %reduce_sum3A_117, %mul3A_118 : f32
    %swap3A_120 = arith.constant 0 : index
    %swap3A_121 = arith.constant 0 : index
    %swap3A_122 = memref.load %arg8[%swap3A_120, %swap3A_121] : memref<1x20xf32, #tpu.memory_space<smem>>
    memref.store %mul3A_119, %arg8[%swap3A_120, %swap3A_121] : memref<1x20xf32, #tpu.memory_space<smem>>
    %slice3A_123 = vector.extract_strided_slice %add3A {offsets = [3072], sizes = [1024], strides = [1]} : vector<43008xf32> to vector<1024xf32>
    %add3A_124 = arith.addf %slice3A, %slice3A_123 : vector<1024xf32>
    %add3A_125 = vector.broadcast %get3A_9 : f32 to vector<1024xf32>
    %add3A_126 = arith.addf %add3A_124, %add3A_125 : vector<1024xf32>
    %div3A_127 = vector.broadcast %get3A_13 : f32 to vector<1024xf32>
    %div3A_128 = arith.divf %add3A_126, %div3A_127 : vector<1024xf32>
    %jit3A_129 = arith.constant -7.500000e+01 : f32
    %jit3A_130 = arith.constant 7.500000e+01 : f32
    %max3A_131 = vector.broadcast %jit3A_129 : f32 to vector<1024xf32>
    %max3A_132 = arith.maximumf %max3A_131, %div3A_128 : vector<1024xf32>
    %min3A_133 = vector.broadcast %jit3A_130 : f32 to vector<1024xf32>
    %min3A_134 = arith.minimumf %min3A_133, %max3A_132 : vector<1024xf32>
    %exp3A_135 = math.exp %min3A_134 : vector<1024xf32>
    %log1p3A_136 = math.log1p %exp3A_135 : vector<1024xf32>
    %mul3A_137 = vector.broadcast %get3A_13 : f32 to vector<1024xf32>
    %mul3A_138 = arith.mulf %mul3A_137, %log1p3A_136 : vector<1024xf32>
    %slice3A_139 = vector.extract_strided_slice %add3A_7 {offsets = [3072], sizes = [1024], strides = [1]} : vector<43008xf32> to vector<1024xf32>
    %add3A_140 = arith.addf %slice3A_16, %slice3A_139 : vector<1024xf32>
    %add3A_141 = vector.broadcast %get3A_11 : f32 to vector<1024xf32>
    %add3A_142 = arith.addf %add3A_140, %add3A_141 : vector<1024xf32>
    %div3A_143 = vector.broadcast %get3A_15 : f32 to vector<1024xf32>
    %div3A_144 = arith.divf %add3A_142, %div3A_143 : vector<1024xf32>
    %jit3A_145 = arith.constant -7.500000e+01 : f32
    %jit3A_146 = arith.constant 7.500000e+01 : f32
    %max3A_147 = vector.broadcast %jit3A_145 : f32 to vector<1024xf32>
    %max3A_148 = arith.maximumf %max3A_147, %div3A_144 : vector<1024xf32>
    %min3A_149 = vector.broadcast %jit3A_146 : f32 to vector<1024xf32>
    %min3A_150 = arith.minimumf %min3A_149, %max3A_148 : vector<1024xf32>
    %exp3A_151 = math.exp %min3A_150 : vector<1024xf32>
    %log1p3A_152 = math.log1p %exp3A_151 : vector<1024xf32>
    %mul3A_153 = vector.broadcast %get3A_15 : f32 to vector<1024xf32>
    %mul3A_154 = arith.mulf %mul3A_153, %log1p3A_152 : vector<1024xf32>
    %add3A_155 = arith.addf %mul3A_138, %mul3A_154 : vector<1024xf32>
    %slice3A_156 = vector.extract_strided_slice %add3A {offsets = [23552], sizes = [1024], strides = [1]} : vector<43008xf32> to vector<1024xf32>
    %add3A_157 = arith.addf %slice3A_17, %slice3A_156 : vector<1024xf32>
    %add3A_158 = vector.broadcast %get3A_9 : f32 to vector<1024xf32>
    %add3A_159 = arith.addf %add3A_157, %add3A_158 : vector<1024xf32>
    %div3A_160 = vector.broadcast %get3A_13 : f32 to vector<1024xf32>
    %div3A_161 = arith.divf %add3A_159, %div3A_160 : vector<1024xf32>
    %jit3A_162 = arith.constant -7.500000e+01 : f32
    %jit3A_163 = arith.constant 7.500000e+01 : f32
    %max3A_164 = vector.broadcast %jit3A_162 : f32 to vector<1024xf32>
    %max3A_165 = arith.maximumf %max3A_164, %div3A_161 : vector<1024xf32>
    %min3A_166 = vector.broadcast %jit3A_163 : f32 to vector<1024xf32>
    %min3A_167 = arith.minimumf %min3A_166, %max3A_165 : vector<1024xf32>
    %exp3A_168 = math.exp %min3A_167 : vector<1024xf32>
    %log1p3A_169 = math.log1p %exp3A_168 : vector<1024xf32>
    %mul3A_170 = vector.broadcast %get3A_13 : f32 to vector<1024xf32>
    %mul3A_171 = arith.mulf %mul3A_170, %log1p3A_169 : vector<1024xf32>
    %add3A_172 = arith.addf %add3A_155, %mul3A_171 : vector<1024xf32>
    %slice3A_173 = vector.extract_strided_slice %add3A_7 {offsets = [23552], sizes = [1024], strides = [1]} : vector<43008xf32> to vector<1024xf32>
    %add3A_174 = arith.addf %slice3A_18, %slice3A_173 : vector<1024xf32>
    %add3A_175 = vector.broadcast %get3A_11 : f32 to vector<1024xf32>
    %add3A_176 = arith.addf %add3A_174, %add3A_175 : vector<1024xf32>
    %div3A_177 = vector.broadcast %get3A_15 : f32 to vector<1024xf32>
    %div3A_178 = arith.divf %add3A_176, %div3A_177 : vector<1024xf32>
    %jit3A_179 = arith.constant -7.500000e+01 : f32
    %jit3A_180 = arith.constant 7.500000e+01 : f32
    %max3A_181 = vector.broadcast %jit3A_179 : f32 to vector<1024xf32>
    %max3A_182 = arith.maximumf %max3A_181, %div3A_178 : vector<1024xf32>
    %min3A_183 = vector.broadcast %jit3A_180 : f32 to vector<1024xf32>
    %min3A_184 = arith.minimumf %min3A_183, %max3A_182 : vector<1024xf32>
    %exp3A_185 = math.exp %min3A_184 : vector<1024xf32>
    %log1p3A_186 = math.log1p %exp3A_185 : vector<1024xf32>
    %mul3A_187 = vector.broadcast %get3A_15 : f32 to vector<1024xf32>
    %mul3A_188 = arith.mulf %mul3A_187, %log1p3A_186 : vector<1024xf32>
    %add3A_189 = arith.addf %add3A_172, %mul3A_188 : vector<1024xf32>
    %reduce_sum3A_190 = vector.shape_cast %add3A_189 : vector<1024xf32> to vector<1x1024xf32>
    %reduce_sum3A_191 = arith.constant dense<0.000000e+00> : vector<1xf32>
    %reduce_sum3A_192 = vector.multi_reduction <add>, %reduce_sum3A_190, %reduce_sum3A_191 [1] : vector<1x1024xf32> to vector<1xf32>
    %reduce_sum3A_193 = vector.shape_cast %reduce_sum3A_192 : vector<1xf32> to vector<1x1xf32>
    %reduce_sum3A_194 = vector.extract %reduce_sum3A_193[0, 0] : f32 from vector<1x1xf32>
    %mul3A_195 = arith.constant 5.000000e-02 : f32
    %mul3A_196 = arith.mulf %reduce_sum3A_194, %mul3A_195 : f32
    %swap3A_197 = arith.constant 0 : index
    %swap3A_198 = arith.constant 1 : index
    %swap3A_199 = memref.load %arg8[%swap3A_197, %swap3A_198] : memref<1x20xf32, #tpu.memory_space<smem>>
    memref.store %mul3A_196, %arg8[%swap3A_197, %swap3A_198] : memref<1x20xf32, #tpu.memory_space<smem>>
    %slice3A_200 = vector.extract_strided_slice %add3A {offsets = [4096], sizes = [1024], strides = [1]} : vector<43008xf32> to vector<1024xf32>
    %add3A_201 = arith.addf %slice3A, %slice3A_200 : vector<1024xf32>
    %add3A_202 = vector.broadcast %get3A_9 : f32 to vector<1024xf32>
    %add3A_203 = arith.addf %add3A_201, %add3A_202 : vector<1024xf32>
    %div3A_204 = vector.broadcast %get3A_13 : f32 to vector<1024xf32>
    %div3A_205 = arith.divf %add3A_203, %div3A_204 : vector<1024xf32>
    %jit3A_206 = arith.constant -7.500000e+01 : f32
    %jit3A_207 = arith.constant 7.500000e+01 : f32
    %max3A_208 = vector.broadcast %jit3A_206 : f32 to vector<1024xf32>
    %max3A_209 = arith.maximumf %max3A_208, %div3A_205 : vector<1024xf32>
    %min3A_210 = vector.broadcast %jit3A_207 : f32 to vector<1024xf32>
    %min3A_211 = arith.minimumf %min3A_210, %max3A_209 : vector<1024xf32>
    %exp3A_212 = math.exp %min3A_211 : vector<1024xf32>
    %log1p3A_213 = math.log1p %exp3A_212 : vector<1024xf32>
    %mul3A_214 = vector.broadcast %get3A_13 : f32 to vector<1024xf32>
    %mul3A_215 = arith.mulf %mul3A_214, %log1p3A_213 : vector<1024xf32>
    %slice3A_216 = vector.extract_strided_slice %add3A_7 {offsets = [4096], sizes = [1024], strides = [1]} : vector<43008xf32> to vector<1024xf32>
    %add3A_217 = arith.addf %slice3A_16, %slice3A_216 : vector<1024xf32>
    %add3A_218 = vector.broadcast %get3A_11 : f32 to vector<1024xf32>
    %add3A_219 = arith.addf %add3A_217, %add3A_218 : vector<1024xf32>
    %div3A_220 = vector.broadcast %get3A_15 : f32 to vector<1024xf32>
    %div3A_221 = arith.divf %add3A_219, %div3A_220 : vector<1024xf32>
    %jit3A_222 = arith.constant -7.500000e+01 : f32
    %jit3A_223 = arith.constant 7.500000e+01 : f32
    %max3A_224 = vector.broadcast %jit3A_222 : f32 to vector<1024xf32>
    %max3A_225 = arith.maximumf %max3A_224, %div3A_221 : vector<1024xf32>
    %min3A_226 = vector.broadcast %jit3A_223 : f32 to vector<1024xf32>
    %min3A_227 = arith.minimumf %min3A_226, %max3A_225 : vector<1024xf32>
    %exp3A_228 = math.exp %min3A_227 : vector<1024xf32>
    %log1p3A_229 = math.log1p %exp3A_228 : vector<1024xf32>
    %mul3A_230 = vector.broadcast %get3A_15 : f32 to vector<1024xf32>
    %mul3A_231 = arith.mulf %mul3A_230, %log1p3A_229 : vector<1024xf32>
    %add3A_232 = arith.addf %mul3A_215, %mul3A_231 : vector<1024xf32>
    %slice3A_233 = vector.extract_strided_slice %add3A {offsets = [24576], sizes = [1024], strides = [1]} : vector<43008xf32> to vector<1024xf32>
    %add3A_234 = arith.addf %slice3A_17, %slice3A_233 : vector<1024xf32>
    %add3A_235 = vector.broadcast %get3A_9 : f32 to vector<1024xf32>
    %add3A_236 = arith.addf %add3A_234, %add3A_235 : vector<1024xf32>
    %div3A_237 = vector.broadcast %get3A_13 : f32 to vector<1024xf32>
    %div3A_238 = arith.divf %add3A_236, %div3A_237 : vector<1024xf32>
    %jit3A_239 = arith.constant -7.500000e+01 : f32
    %jit3A_240 = arith.constant 7.500000e+01 : f32
    %max3A_241 = vector.broadcast %jit3A_239 : f32 to vector<1024xf32>
    %max3A_242 = arith.maximumf %max3A_241, %div3A_238 : vector<1024xf32>
    %min3A_243 = vector.broadcast %jit3A_240 : f32 to vector<1024xf32>
    %min3A_244 = arith.minimumf %min3A_243, %max3A_242 : vector<1024xf32>
    %exp3A_245 = math.exp %min3A_244 : vector<1024xf32>
    %log1p3A_246 = math.log1p %exp3A_245 : vector<1024xf32>
    %mul3A_247 = vector.broadcast %get3A_13 : f32 to vector<1024xf32>
    %mul3A_248 = arith.mulf %mul3A_247, %log1p3A_246 : vector<1024xf32>
    %add3A_249 = arith.addf %add3A_232, %mul3A_248 : vector<1024xf32>
    %slice3A_250 = vector.extract_strided_slice %add3A_7 {offsets = [24576], sizes = [1024], strides = [1]} : vector<43008xf32> to vector<1024xf32>
    %add3A_251 = arith.addf %slice3A_18, %slice3A_250 : vector<1024xf32>
    %add3A_252 = vector.broadcast %get3A_11 : f32 to vector<1024xf32>
    %add3A_253 = arith.addf %add3A_251, %add3A_252 : vector<1024xf32>
    %div3A_254 = vector.broadcast %get3A_15 : f32 to vector<1024xf32>
    %div3A_255 = arith.divf %add3A_253, %div3A_254 : vector<1024xf32>
    %jit3A_256 = arith.constant -7.500000e+01 : f32
    %jit3A_257 = arith.constant 7.500000e+01 : f32
    %max3A_258 = vector.broadcast %jit3A_256 : f32 to vector<1024xf32>
    %max3A_259 = arith.maximumf %max3A_258, %div3A_255 : vector<1024xf32>
    %min3A_260 = vector.broadcast %jit3A_257 : f32 to vector<1024xf32>
    %min3A_261 = arith.minimumf %min3A_260, %max3A_259 : vector<1024xf32>
    %exp3A_262 = math.exp %min3A_261 : vector<1024xf32>
    %log1p3A_263 = math.log1p %exp3A_262 : vector<1024xf32>
    %mul3A_264 = vector.broadcast %get3A_15 : f32 to vector<1024xf32>
    %mul3A_265 = arith.mulf %mul3A_264, %log1p3A_263 : vector<1024xf32>
    %add3A_266 = arith.addf %add3A_249, %mul3A_265 : vector<1024xf32>
    %reduce_sum3A_267 = vector.shape_cast %add3A_266 : vector<1024xf32> to vector<1x1024xf32>
    %reduce_sum3A_268 = arith.constant dense<0.000000e+00> : vector<1xf32>
    %reduce_sum3A_269 = vector.multi_reduction <add>, %reduce_sum3A_267, %reduce_sum3A_268 [1] : vector<1x1024xf32> to vector<1xf32>
    %reduce_sum3A_270 = vector.shape_cast %reduce_sum3A_269 : vector<1xf32> to vector<1x1xf32>
    %reduce_sum3A_271 = vector.extract %reduce_sum3A_270[0, 0] : f32 from vector<1x1xf32>
    %mul3A_272 = arith.constant 5.000000e-02 : f32
    %mul3A_273 = arith.mulf %reduce_sum3A_271, %mul3A_272 : f32
    %swap3A_274 = arith.constant 0 : index
    %swap3A_275 = arith.constant 2 : index
    %swap3A_276 = memref.load %arg8[%swap3A_274, %swap3A_275] : memref<1x20xf32, #tpu.memory_space<smem>>
    memref.store %mul3A_273, %arg8[%swap3A_274, %swap3A_275] : memref<1x20xf32, #tpu.memory_space<smem>>
    %slice3A_277 = vector.extract_strided_slice %add3A {offsets = [5120], sizes = [1024], strides = [1]} : vector<43008xf32> to vector<1024xf32>
    %add3A_278 = arith.addf %slice3A, %slice3A_277 : vector<1024xf32>
    %add3A_279 = vector.broadcast %get3A_9 : f32 to vector<1024xf32>
    %add3A_280 = arith.addf %add3A_278, %add3A_279 : vector<1024xf32>
    %div3A_281 = vector.broadcast %get3A_13 : f32 to vector<1024xf32>
    %div3A_282 = arith.divf %add3A_280, %div3A_281 : vector<1024xf32>
    %jit3A_283 = arith.constant -7.500000e+01 : f32
    %jit3A_284 = arith.constant 7.500000e+01 : f32
    %max3A_285 = vector.broadcast %jit3A_283 : f32 to vector<1024xf32>
    %max3A_286 = arith.maximumf %max3A_285, %div3A_282 : vector<1024xf32>
    %min3A_287 = vector.broadcast %jit3A_284 : f32 to vector<1024xf32>
    %min3A_288 = arith.minimumf %min3A_287, %max3A_286 : vector<1024xf32>
    %exp3A_289 = math.exp %min3A_288 : vector<1024xf32>
    %log1p3A_290 = math.log1p %exp3A_289 : vector<1024xf32>
    %mul3A_291 = vector.broadcast %get3A_13 : f32 to vector<1024xf32>
    %mul3A_292 = arith.mulf %mul3A_291, %log1p3A_290 : vector<1024xf32>
    %slice3A_293 = vector.extract_strided_slice %add3A_7 {offsets = [5120], sizes = [1024], strides = [1]} : vector<43008xf32> to vector<1024xf32>
    %add3A_294 = arith.addf %slice3A_16, %slice3A_293 : vector<1024xf32>
    %add3A_295 = vector.broadcast %get3A_11 : f32 to vector<1024xf32>
    %add3A_296 = arith.addf %add3A_294, %add3A_295 : vector<1024xf32>
    %div3A_297 = vector.broadcast %get3A_15 : f32 to vector<1024xf32>
    %div3A_298 = arith.divf %add3A_296, %div3A_297 : vector<1024xf32>
    %jit3A_299 = arith.constant -7.500000e+01 : f32
    %jit3A_300 = arith.constant 7.500000e+01 : f32
    %max3A_301 = vector.broadcast %jit3A_299 : f32 to vector<1024xf32>
    %max3A_302 = arith.maximumf %max3A_301, %div3A_298 : vector<1024xf32>
    %min3A_303 = vector.broadcast %jit3A_300 : f32 to vector<1024xf32>
    %min3A_304 = arith.minimumf %min3A_303, %max3A_302 : vector<1024xf32>
    %exp3A_305 = math.exp %min3A_304 : vector<1024xf32>
    %log1p3A_306 = math.log1p %exp3A_305 : vector<1024xf32>
    %mul3A_307 = vector.broadcast %get3A_15 : f32 to vector<1024xf32>
    %mul3A_308 = arith.mulf %mul3A_307, %log1p3A_306 : vector<1024xf32>
    %add3A_309 = arith.addf %mul3A_292, %mul3A_308 : vector<1024xf32>
    %slice3A_310 = vector.extract_strided_slice %add3A {offsets = [25600], sizes = [1024], strides = [1]} : vector<43008xf32> to vector<1024xf32>
    %add3A_311 = arith.addf %slice3A_17, %slice3A_310 : vector<1024xf32>
    %add3A_312 = vector.broadcast %get3A_9 : f32 to vector<1024xf32>
    %add3A_313 = arith.addf %add3A_311, %add3A_312 : vector<1024xf32>
    %div3A_314 = vector.broadcast %get3A_13 : f32 to vector<1024xf32>
    %div3A_315 = arith.divf %add3A_313, %div3A_314 : vector<1024xf32>
    %jit3A_316 = arith.constant -7.500000e+01 : f32
    %jit3A_317 = arith.constant 7.500000e+01 : f32
    %max3A_318 = vector.broadcast %jit3A_316 : f32 to vector<1024xf32>
    %max3A_319 = arith.maximumf %max3A_318, %div3A_315 : vector<1024xf32>
    %min3A_320 = vector.broadcast %jit3A_317 : f32 to vector<1024xf32>
    %min3A_321 = arith.minimumf %min3A_320, %max3A_319 : vector<1024xf32>
    %exp3A_322 = math.exp %min3A_321 : vector<1024xf32>
    %log1p3A_323 = math.log1p %exp3A_322 : vector<1024xf32>
    %mul3A_324 = vector.broadcast %get3A_13 : f32 to vector<1024xf32>
    %mul3A_325 = arith.mulf %mul3A_324, %log1p3A_323 : vector<1024xf32>
    %add3A_326 = arith.addf %add3A_309, %mul3A_325 : vector<1024xf32>
    %slice3A_327 = vector.extract_strided_slice %add3A_7 {offsets = [25600], sizes = [1024], strides = [1]} : vector<43008xf32> to vector<1024xf32>
    %add3A_328 = arith.addf %slice3A_18, %slice3A_327 : vector<1024xf32>
    %add3A_329 = vector.broadcast %get3A_11 : f32 to vector<1024xf32>
    %add3A_330 = arith.addf %add3A_328, %add3A_329 : vector<1024xf32>
    %div3A_331 = vector.broadcast %get3A_15 : f32 to vector<1024xf32>
    %div3A_332 = arith.divf %add3A_330, %div3A_331 : vector<1024xf32>
    %jit3A_333 = arith.constant -7.500000e+01 : f32
    %jit3A_334 = arith.constant 7.500000e+01 : f32
    %max3A_335 = vector.broadcast %jit3A_333 : f32 to vector<1024xf32>
    %max3A_336 = arith.maximumf %max3A_335, %div3A_332 : vector<1024xf32>
    %min3A_337 = vector.broadcast %jit3A_334 : f32 to vector<1024xf32>
    %min3A_338 = arith.minimumf %min3A_337, %max3A_336 : vector<1024xf32>
    %exp3A_339 = math.exp %min3A_338 : vector<1024xf32>
    %log1p3A_340 = math.log1p %exp3A_339 : vector<1024xf32>
    %mul3A_341 = vector.broadcast %get3A_15 : f32 to vector<1024xf32>
    %mul3A_342 = arith.mulf %mul3A_341, %log1p3A_340 : vector<1024xf32>
    %add3A_343 = arith.addf %add3A_326, %mul3A_342 : vector<1024xf32>
    %reduce_sum3A_344 = vector.shape_cast %add3A_343 : vector<1024xf32> to vector<1x1024xf32>
    %reduce_sum3A_345 = arith.constant dense<0.000000e+00> : vector<1xf32>
    %reduce_sum3A_346 = vector.multi_reduction <add>, %reduce_sum3A_344, %reduce_sum3A_345 [1] : vector<1x1024xf32> to vector<1xf32>
    %reduce_sum3A_347 = vector.shape_cast %reduce_sum3A_346 : vector<1xf32> to vector<1x1xf32>
    %reduce_sum3A_348 = vector.extract %reduce_sum3A_347[0, 0] : f32 from vector<1x1xf32>
    %mul3A_349 = arith.constant 5.000000e-02 : f32
    %mul3A_350 = arith.mulf %reduce_sum3A_348, %mul3A_349 : f32
    %swap3A_351 = arith.constant 0 : index
    %swap3A_352 = arith.constant 3 : index
    %swap3A_353 = memref.load %arg8[%swap3A_351, %swap3A_352] : memref<1x20xf32, #tpu.memory_space<smem>>
    memref.store %mul3A_350, %arg8[%swap3A_351, %swap3A_352] : memref<1x20xf32, #tpu.memory_space<smem>>
    %slice3A_354 = vector.extract_strided_slice %add3A {offsets = [6144], sizes = [1024], strides = [1]} : vector<43008xf32> to vector<1024xf32>
    %add3A_355 = arith.addf %slice3A, %slice3A_354 : vector<1024xf32>
    %add3A_356 = vector.broadcast %get3A_9 : f32 to vector<1024xf32>
    %add3A_357 = arith.addf %add3A_355, %add3A_356 : vector<1024xf32>
    %div3A_358 = vector.broadcast %get3A_13 : f32 to vector<1024xf32>
    %div3A_359 = arith.divf %add3A_357, %div3A_358 : vector<1024xf32>
    %jit3A_360 = arith.constant -7.500000e+01 : f32
    %jit3A_361 = arith.constant 7.500000e+01 : f32
    %max3A_362 = vector.broadcast %jit3A_360 : f32 to vector<1024xf32>
    %max3A_363 = arith.maximumf %max3A_362, %div3A_359 : vector<1024xf32>
    %min3A_364 = vector.broadcast %jit3A_361 : f32 to vector<1024xf32>
    %min3A_365 = arith.minimumf %min3A_364, %max3A_363 : vector<1024xf32>
    %exp3A_366 = math.exp %min3A_365 : vector<1024xf32>
    %log1p3A_367 = math.log1p %exp3A_366 : vector<1024xf32>
    %mul3A_368 = vector.broadcast %get3A_13 : f32 to vector<1024xf32>
    %mul3A_369 = arith.mulf %mul3A_368, %log1p3A_367 : vector<1024xf32>
    %slice3A_370 = vector.extract_strided_slice %add3A_7 {offsets = [6144], sizes = [1024], strides = [1]} : vector<43008xf32> to vector<1024xf32>
    %add3A_371 = arith.addf %slice3A_16, %slice3A_370 : vector<1024xf32>
    %add3A_372 = vector.broadcast %get3A_11 : f32 to vector<1024xf32>
    %add3A_373 = arith.addf %add3A_371, %add3A_372 : vector<1024xf32>
    %div3A_374 = vector.broadcast %get3A_15 : f32 to vector<1024xf32>
    %div3A_375 = arith.divf %add3A_373, %div3A_374 : vector<1024xf32>
    %jit3A_376 = arith.constant -7.500000e+01 : f32
    %jit3A_377 = arith.constant 7.500000e+01 : f32
    %max3A_378 = vector.broadcast %jit3A_376 : f32 to vector<1024xf32>
    %max3A_379 = arith.maximumf %max3A_378, %div3A_375 : vector<1024xf32>
    %min3A_380 = vector.broadcast %jit3A_377 : f32 to vector<1024xf32>
    %min3A_381 = arith.minimumf %min3A_380, %max3A_379 : vector<1024xf32>
    %exp3A_382 = math.exp %min3A_381 : vector<1024xf32>
    %log1p3A_383 = math.log1p %exp3A_382 : vector<1024xf32>
    %mul3A_384 = vector.broadcast %get3A_15 : f32 to vector<1024xf32>
    %mul3A_385 = arith.mulf %mul3A_384, %log1p3A_383 : vector<1024xf32>
    %add3A_386 = arith.addf %mul3A_369, %mul3A_385 : vector<1024xf32>
    %slice3A_387 = vector.extract_strided_slice %add3A {offsets = [26624], sizes = [1024], strides = [1]} : vector<43008xf32> to vector<1024xf32>
    %add3A_388 = arith.addf %slice3A_17, %slice3A_387 : vector<1024xf32>
    %add3A_389 = vector.broadcast %get3A_9 : f32 to vector<1024xf32>
    %add3A_390 = arith.addf %add3A_388, %add3A_389 : vector<1024xf32>
    %div3A_391 = vector.broadcast %get3A_13 : f32 to vector<1024xf32>
    %div3A_392 = arith.divf %add3A_390, %div3A_391 : vector<1024xf32>
    %jit3A_393 = arith.constant -7.500000e+01 : f32
    %jit3A_394 = arith.constant 7.500000e+01 : f32
    %max3A_395 = vector.broadcast %jit3A_393 : f32 to vector<1024xf32>
    %max3A_396 = arith.maximumf %max3A_395, %div3A_392 : vector<1024xf32>
    %min3A_397 = vector.broadcast %jit3A_394 : f32 to vector<1024xf32>
    %min3A_398 = arith.minimumf %min3A_397, %max3A_396 : vector<1024xf32>
    %exp3A_399 = math.exp %min3A_398 : vector<1024xf32>
    %log1p3A_400 = math.log1p %exp3A_399 : vector<1024xf32>
    %mul3A_401 = vector.broadcast %get3A_13 : f32 to vector<1024xf32>
    %mul3A_402 = arith.mulf %mul3A_401, %log1p3A_400 : vector<1024xf32>
    %add3A_403 = arith.addf %add3A_386, %mul3A_402 : vector<1024xf32>
    %slice3A_404 = vector.extract_strided_slice %add3A_7 {offsets = [26624], sizes = [1024], strides = [1]} : vector<43008xf32> to vector<1024xf32>
    %add3A_405 = arith.addf %slice3A_18, %slice3A_404 : vector<1024xf32>
    %add3A_406 = vector.broadcast %get3A_11 : f32 to vector<1024xf32>
    %add3A_407 = arith.addf %add3A_405, %add3A_406 : vector<1024xf32>
    %div3A_408 = vector.broadcast %get3A_15 : f32 to vector<1024xf32>
    %div3A_409 = arith.divf %add3A_407, %div3A_408 : vector<1024xf32>
    %jit3A_410 = arith.constant -7.500000e+01 : f32
    %jit3A_411 = arith.constant 7.500000e+01 : f32
    %max3A_412 = vector.broadcast %jit3A_410 : f32 to vector<1024xf32>
    %max3A_413 = arith.maximumf %max3A_412, %div3A_409 : vector<1024xf32>
    %min3A_414 = vector.broadcast %jit3A_411 : f32 to vector<1024xf32>
    %min3A_415 = arith.minimumf %min3A_414, %max3A_413 : vector<1024xf32>
    %exp3A_416 = math.exp %min3A_415 : vector<1024xf32>
    %log1p3A_417 = math.log1p %exp3A_416 : vector<1024xf32>
    %mul3A_418 = vector.broadcast %get3A_15 : f32 to vector<1024xf32>
    %mul3A_419 = arith.mulf %mul3A_418, %log1p3A_417 : vector<1024xf32>
    %add3A_420 = arith.addf %add3A_403, %mul3A_419 : vector<1024xf32>
    %reduce_sum3A_421 = vector.shape_cast %add3A_420 : vector<1024xf32> to vector<1x1024xf32>
    %reduce_sum3A_422 = arith.constant dense<0.000000e+00> : vector<1xf32>
    %reduce_sum3A_423 = vector.multi_reduction <add>, %reduce_sum3A_421, %reduce_sum3A_422 [1] : vector<1x1024xf32> to vector<1xf32>
    %reduce_sum3A_424 = vector.shape_cast %reduce_sum3A_423 : vector<1xf32> to vector<1x1xf32>
    %reduce_sum3A_425 = vector.extract %reduce_sum3A_424[0, 0] : f32 from vector<1x1xf32>
    %mul3A_426 = arith.constant 5.000000e-02 : f32
    %mul3A_427 = arith.mulf %reduce_sum3A_425, %mul3A_426 : f32
    %swap3A_428 = arith.constant 0 : index
    %swap3A_429 = arith.constant 4 : index
    %swap3A_430 = memref.load %arg8[%swap3A_428, %swap3A_429] : memref<1x20xf32, #tpu.memory_space<smem>>
    memref.store %mul3A_427, %arg8[%swap3A_428, %swap3A_429] : memref<1x20xf32, #tpu.memory_space<smem>>
    %slice3A_431 = vector.extract_strided_slice %add3A {offsets = [7168], sizes = [1024], strides = [1]} : vector<43008xf32> to vector<1024xf32>
    %add3A_432 = arith.addf %slice3A, %slice3A_431 : vector<1024xf32>
    %add3A_433 = vector.broadcast %get3A_9 : f32 to vector<1024xf32>
    %add3A_434 = arith.addf %add3A_432, %add3A_433 : vector<1024xf32>
    %div3A_435 = vector.broadcast %get3A_13 : f32 to vector<1024xf32>
    %div3A_436 = arith.divf %add3A_434, %div3A_435 : vector<1024xf32>
    %jit3A_437 = arith.constant -7.500000e+01 : f32
    %jit3A_438 = arith.constant 7.500000e+01 : f32
    %max3A_439 = vector.broadcast %jit3A_437 : f32 to vector<1024xf32>
    %max3A_440 = arith.maximumf %max3A_439, %div3A_436 : vector<1024xf32>
    %min3A_441 = vector.broadcast %jit3A_438 : f32 to vector<1024xf32>
    %min3A_442 = arith.minimumf %min3A_441, %max3A_440 : vector<1024xf32>
    %exp3A_443 = math.exp %min3A_442 : vector<1024xf32>
    %log1p3A_444 = math.log1p %exp3A_443 : vector<1024xf32>
    %mul3A_445 = vector.broadcast %get3A_13 : f32 to vector<1024xf32>
    %mul3A_446 = arith.mulf %mul3A_445, %log1p3A_444 : vector<1024xf32>
    %slice3A_447 = vector.extract_strided_slice %add3A_7 {offsets = [7168], sizes = [1024], strides = [1]} : vector<43008xf32> to vector<1024xf32>
    %add3A_448 = arith.addf %slice3A_16, %slice3A_447 : vector<1024xf32>
    %add3A_449 = vector.broadcast %get3A_11 : f32 to vector<1024xf32>
    %add3A_450 = arith.addf %add3A_448, %add3A_449 : vector<1024xf32>
    %div3A_451 = vector.broadcast %get3A_15 : f32 to vector<1024xf32>
    %div3A_452 = arith.divf %add3A_450, %div3A_451 : vector<1024xf32>
    %jit3A_453 = arith.constant -7.500000e+01 : f32
    %jit3A_454 = arith.constant 7.500000e+01 : f32
    %max3A_455 = vector.broadcast %jit3A_453 : f32 to vector<1024xf32>
    %max3A_456 = arith.maximumf %max3A_455, %div3A_452 : vector<1024xf32>
    %min3A_457 = vector.broadcast %jit3A_454 : f32 to vector<1024xf32>
    %min3A_458 = arith.minimumf %min3A_457, %max3A_456 : vector<1024xf32>
    %exp3A_459 = math.exp %min3A_458 : vector<1024xf32>
    %log1p3A_460 = math.log1p %exp3A_459 : vector<1024xf32>
    %mul3A_461 = vector.broadcast %get3A_15 : f32 to vector<1024xf32>
    %mul3A_462 = arith.mulf %mul3A_461, %log1p3A_460 : vector<1024xf32>
    %add3A_463 = arith.addf %mul3A_446, %mul3A_462 : vector<1024xf32>
    %slice3A_464 = vector.extract_strided_slice %add3A {offsets = [27648], sizes = [1024], strides = [1]} : vector<43008xf32> to vector<1024xf32>
    %add3A_465 = arith.addf %slice3A_17, %slice3A_464 : vector<1024xf32>
    %add3A_466 = vector.broadcast %get3A_9 : f32 to vector<1024xf32>
    %add3A_467 = arith.addf %add3A_465, %add3A_466 : vector<1024xf32>
    %div3A_468 = vector.broadcast %get3A_13 : f32 to vector<1024xf32>
    %div3A_469 = arith.divf %add3A_467, %div3A_468 : vector<1024xf32>
    %jit3A_470 = arith.constant -7.500000e+01 : f32
    %jit3A_471 = arith.constant 7.500000e+01 : f32
    %max3A_472 = vector.broadcast %jit3A_470 : f32 to vector<1024xf32>
    %max3A_473 = arith.maximumf %max3A_472, %div3A_469 : vector<1024xf32>
    %min3A_474 = vector.broadcast %jit3A_471 : f32 to vector<1024xf32>
    %min3A_475 = arith.minimumf %min3A_474, %max3A_473 : vector<1024xf32>
    %exp3A_476 = math.exp %min3A_475 : vector<1024xf32>
    %log1p3A_477 = math.log1p %exp3A_476 : vector<1024xf32>
    %mul3A_478 = vector.broadcast %get3A_13 : f32 to vector<1024xf32>
    %mul3A_479 = arith.mulf %mul3A_478, %log1p3A_477 : vector<1024xf32>
    %add3A_480 = arith.addf %add3A_463, %mul3A_479 : vector<1024xf32>
    %slice3A_481 = vector.extract_strided_slice %add3A_7 {offsets = [27648], sizes = [1024], strides = [1]} : vector<43008xf32> to vector<1024xf32>
    %add3A_482 = arith.addf %slice3A_18, %slice3A_481 : vector<1024xf32>
    %add3A_483 = vector.broadcast %get3A_11 : f32 to vector<1024xf32>
    %add3A_484 = arith.addf %add3A_482, %add3A_483 : vector<1024xf32>
    %div3A_485 = vector.broadcast %get3A_15 : f32 to vector<1024xf32>
    %div3A_486 = arith.divf %add3A_484, %div3A_485 : vector<1024xf32>
    %jit3A_487 = arith.constant -7.500000e+01 : f32
    %jit3A_488 = arith.constant 7.500000e+01 : f32
    %max3A_489 = vector.broadcast %jit3A_487 : f32 to vector<1024xf32>
    %max3A_490 = arith.maximumf %max3A_489, %div3A_486 : vector<1024xf32>
    %min3A_491 = vector.broadcast %jit3A_488 : f32 to vector<1024xf32>
    %min3A_492 = arith.minimumf %min3A_491, %max3A_490 : vector<1024xf32>
    %exp3A_493 = math.exp %min3A_492 : vector<1024xf32>
    %log1p3A_494 = math.log1p %exp3A_493 : vector<1024xf32>
    %mul3A_495 = vector.broadcast %get3A_15 : f32 to vector<1024xf32>
    %mul3A_496 = arith.mulf %mul3A_495, %log1p3A_494 : vector<1024xf32>
    %add3A_497 = arith.addf %add3A_480, %mul3A_496 : vector<1024xf32>
    %reduce_sum3A_498 = vector.shape_cast %add3A_497 : vector<1024xf32> to vector<1x1024xf32>
    %reduce_sum3A_499 = arith.constant dense<0.000000e+00> : vector<1xf32>
    %reduce_sum3A_500 = vector.multi_reduction <add>, %reduce_sum3A_498, %reduce_sum3A_499 [1] : vector<1x1024xf32> to vector<1xf32>
    %reduce_sum3A_501 = vector.shape_cast %reduce_sum3A_500 : vector<1xf32> to vector<1x1xf32>
    %reduce_sum3A_502 = vector.extract %reduce_sum3A_501[0, 0] : f32 from vector<1x1xf32>
    %mul3A_503 = arith.constant 5.000000e-02 : f32
    %mul3A_504 = arith.mulf %reduce_sum3A_502, %mul3A_503 : f32
    %swap3A_505 = arith.constant 0 : index
    %swap3A_506 = arith.constant 5 : index
    %swap3A_507 = memref.load %arg8[%swap3A_505, %swap3A_506] : memref<1x20xf32, #tpu.memory_space<smem>>
    memref.store %mul3A_504, %arg8[%swap3A_505, %swap3A_506] : memref<1x20xf32, #tpu.memory_space<smem>>
    %slice3A_508 = vector.extract_strided_slice %add3A {offsets = [8192], sizes = [1024], strides = [1]} : vector<43008xf32> to vector<1024xf32>
    %add3A_509 = arith.addf %slice3A, %slice3A_508 : vector<1024xf32>
    %add3A_510 = vector.broadcast %get3A_9 : f32 to vector<1024xf32>
    %add3A_511 = arith.addf %add3A_509, %add3A_510 : vector<1024xf32>
    %div3A_512 = vector.broadcast %get3A_13 : f32 to vector<1024xf32>
    %div3A_513 = arith.divf %add3A_511, %div3A_512 : vector<1024xf32>
    %jit3A_514 = arith.constant -7.500000e+01 : f32
    %jit3A_515 = arith.constant 7.500000e+01 : f32
    %max3A_516 = vector.broadcast %jit3A_514 : f32 to vector<1024xf32>
    %max3A_517 = arith.maximumf %max3A_516, %div3A_513 : vector<1024xf32>
    %min3A_518 = vector.broadcast %jit3A_515 : f32 to vector<1024xf32>
    %min3A_519 = arith.minimumf %min3A_518, %max3A_517 : vector<1024xf32>
    %exp3A_520 = math.exp %min3A_519 : vector<1024xf32>
    %log1p3A_521 = math.log1p %exp3A_520 : vector<1024xf32>
    %mul3A_522 = vector.broadcast %get3A_13 : f32 to vector<1024xf32>
    %mul3A_523 = arith.mulf %mul3A_522, %log1p3A_521 : vector<1024xf32>
    %slice3A_524 = vector.extract_strided_slice %add3A_7 {offsets = [8192], sizes = [1024], strides = [1]} : vector<43008xf32> to vector<1024xf32>
    %add3A_525 = arith.addf %slice3A_16, %slice3A_524 : vector<1024xf32>
    %add3A_526 = vector.broadcast %get3A_11 : f32 to vector<1024xf32>
    %add3A_527 = arith.addf %add3A_525, %add3A_526 : vector<1024xf32>
    %div3A_528 = vector.broadcast %get3A_15 : f32 to vector<1024xf32>
    %div3A_529 = arith.divf %add3A_527, %div3A_528 : vector<1024xf32>
    %jit3A_530 = arith.constant -7.500000e+01 : f32
    %jit3A_531 = arith.constant 7.500000e+01 : f32
    %max3A_532 = vector.broadcast %jit3A_530 : f32 to vector<1024xf32>
    %max3A_533 = arith.maximumf %max3A_532, %div3A_529 : vector<1024xf32>
    %min3A_534 = vector.broadcast %jit3A_531 : f32 to vector<1024xf32>
    %min3A_535 = arith.minimumf %min3A_534, %max3A_533 : vector<1024xf32>
    %exp3A_536 = math.exp %min3A_535 : vector<1024xf32>
    %log1p3A_537 = math.log1p %exp3A_536 : vector<1024xf32>
    %mul3A_538 = vector.broadcast %get3A_15 : f32 to vector<1024xf32>
    %mul3A_539 = arith.mulf %mul3A_538, %log1p3A_537 : vector<1024xf32>
    %add3A_540 = arith.addf %mul3A_523, %mul3A_539 : vector<1024xf32>
    %slice3A_541 = vector.extract_strided_slice %add3A {offsets = [28672], sizes = [1024], strides = [1]} : vector<43008xf32> to vector<1024xf32>
    %add3A_542 = arith.addf %slice3A_17, %slice3A_541 : vector<1024xf32>
    %add3A_543 = vector.broadcast %get3A_9 : f32 to vector<1024xf32>
    %add3A_544 = arith.addf %add3A_542, %add3A_543 : vector<1024xf32>
    %div3A_545 = vector.broadcast %get3A_13 : f32 to vector<1024xf32>
    %div3A_546 = arith.divf %add3A_544, %div3A_545 : vector<1024xf32>
    %jit3A_547 = arith.constant -7.500000e+01 : f32
    %jit3A_548 = arith.constant 7.500000e+01 : f32
    %max3A_549 = vector.broadcast %jit3A_547 : f32 to vector<1024xf32>
    %max3A_550 = arith.maximumf %max3A_549, %div3A_546 : vector<1024xf32>
    %min3A_551 = vector.broadcast %jit3A_548 : f32 to vector<1024xf32>
    %min3A_552 = arith.minimumf %min3A_551, %max3A_550 : vector<1024xf32>
    %exp3A_553 = math.exp %min3A_552 : vector<1024xf32>
    %log1p3A_554 = math.log1p %exp3A_553 : vector<1024xf32>
    %mul3A_555 = vector.broadcast %get3A_13 : f32 to vector<1024xf32>
    %mul3A_556 = arith.mulf %mul3A_555, %log1p3A_554 : vector<1024xf32>
    %add3A_557 = arith.addf %add3A_540, %mul3A_556 : vector<1024xf32>
    %slice3A_558 = vector.extract_strided_slice %add3A_7 {offsets = [28672], sizes = [1024], strides = [1]} : vector<43008xf32> to vector<1024xf32>
    %add3A_559 = arith.addf %slice3A_18, %slice3A_558 : vector<1024xf32>
    %add3A_560 = vector.broadcast %get3A_11 : f32 to vector<1024xf32>
    %add3A_561 = arith.addf %add3A_559, %add3A_560 : vector<1024xf32>
    %div3A_562 = vector.broadcast %get3A_15 : f32 to vector<1024xf32>
    %div3A_563 = arith.divf %add3A_561, %div3A_562 : vector<1024xf32>
    %jit3A_564 = arith.constant -7.500000e+01 : f32
    %jit3A_565 = arith.constant 7.500000e+01 : f32
    %max3A_566 = vector.broadcast %jit3A_564 : f32 to vector<1024xf32>
    %max3A_567 = arith.maximumf %max3A_566, %div3A_563 : vector<1024xf32>
    %min3A_568 = vector.broadcast %jit3A_565 : f32 to vector<1024xf32>
    %min3A_569 = arith.minimumf %min3A_568, %max3A_567 : vector<1024xf32>
    %exp3A_570 = math.exp %min3A_569 : vector<1024xf32>
    %log1p3A_571 = math.log1p %exp3A_570 : vector<1024xf32>
    %mul3A_572 = vector.broadcast %get3A_15 : f32 to vector<1024xf32>
    %mul3A_573 = arith.mulf %mul3A_572, %log1p3A_571 : vector<1024xf32>
    %add3A_574 = arith.addf %add3A_557, %mul3A_573 : vector<1024xf32>
    %reduce_sum3A_575 = vector.shape_cast %add3A_574 : vector<1024xf32> to vector<1x1024xf32>
    %reduce_sum3A_576 = arith.constant dense<0.000000e+00> : vector<1xf32>
    %reduce_sum3A_577 = vector.multi_reduction <add>, %reduce_sum3A_575, %reduce_sum3A_576 [1] : vector<1x1024xf32> to vector<1xf32>
    %reduce_sum3A_578 = vector.shape_cast %reduce_sum3A_577 : vector<1xf32> to vector<1x1xf32>
    %reduce_sum3A_579 = vector.extract %reduce_sum3A_578[0, 0] : f32 from vector<1x1xf32>
    %mul3A_580 = arith.constant 5.000000e-02 : f32
    %mul3A_581 = arith.mulf %reduce_sum3A_579, %mul3A_580 : f32
    %swap3A_582 = arith.constant 0 : index
    %swap3A_583 = arith.constant 6 : index
    %swap3A_584 = memref.load %arg8[%swap3A_582, %swap3A_583] : memref<1x20xf32, #tpu.memory_space<smem>>
    memref.store %mul3A_581, %arg8[%swap3A_582, %swap3A_583] : memref<1x20xf32, #tpu.memory_space<smem>>
    %slice3A_585 = vector.extract_strided_slice %add3A {offsets = [9216], sizes = [1024], strides = [1]} : vector<43008xf32> to vector<1024xf32>
    %add3A_586 = arith.addf %slice3A, %slice3A_585 : vector<1024xf32>
    %add3A_587 = vector.broadcast %get3A_9 : f32 to vector<1024xf32>
    %add3A_588 = arith.addf %add3A_586, %add3A_587 : vector<1024xf32>
    %div3A_589 = vector.broadcast %get3A_13 : f32 to vector<1024xf32>
    %div3A_590 = arith.divf %add3A_588, %div3A_589 : vector<1024xf32>
    %jit3A_591 = arith.constant -7.500000e+01 : f32
    %jit3A_592 = arith.constant 7.500000e+01 : f32
    %max3A_593 = vector.broadcast %jit3A_591 : f32 to vector<1024xf32>
    %max3A_594 = arith.maximumf %max3A_593, %div3A_590 : vector<1024xf32>
    %min3A_595 = vector.broadcast %jit3A_592 : f32 to vector<1024xf32>
    %min3A_596 = arith.minimumf %min3A_595, %max3A_594 : vector<1024xf32>
    %exp3A_597 = math.exp %min3A_596 : vector<1024xf32>
    %log1p3A_598 = math.log1p %exp3A_597 : vector<1024xf32>
    %mul3A_599 = vector.broadcast %get3A_13 : f32 to vector<1024xf32>
    %mul3A_600 = arith.mulf %mul3A_599, %log1p3A_598 : vector<1024xf32>
    %slice3A_601 = vector.extract_strided_slice %add3A_7 {offsets = [9216], sizes = [1024], strides = [1]} : vector<43008xf32> to vector<1024xf32>
    %add3A_602 = arith.addf %slice3A_16, %slice3A_601 : vector<1024xf32>
    %add3A_603 = vector.broadcast %get3A_11 : f32 to vector<1024xf32>
    %add3A_604 = arith.addf %add3A_602, %add3A_603 : vector<1024xf32>
    %div3A_605 = vector.broadcast %get3A_15 : f32 to vector<1024xf32>
    %div3A_606 = arith.divf %add3A_604, %div3A_605 : vector<1024xf32>
    %jit3A_607 = arith.constant -7.500000e+01 : f32
    %jit3A_608 = arith.constant 7.500000e+01 : f32
    %max3A_609 = vector.broadcast %jit3A_607 : f32 to vector<1024xf32>
    %max3A_610 = arith.maximumf %max3A_609, %div3A_606 : vector<1024xf32>
    %min3A_611 = vector.broadcast %jit3A_608 : f32 to vector<1024xf32>
    %min3A_612 = arith.minimumf %min3A_611, %max3A_610 : vector<1024xf32>
    %exp3A_613 = math.exp %min3A_612 : vector<1024xf32>
    %log1p3A_614 = math.log1p %exp3A_613 : vector<1024xf32>
    %mul3A_615 = vector.broadcast %get3A_15 : f32 to vector<1024xf32>
    %mul3A_616 = arith.mulf %mul3A_615, %log1p3A_614 : vector<1024xf32>
    %add3A_617 = arith.addf %mul3A_600, %mul3A_616 : vector<1024xf32>
    %slice3A_618 = vector.extract_strided_slice %add3A {offsets = [29696], sizes = [1024], strides = [1]} : vector<43008xf32> to vector<1024xf32>
    %add3A_619 = arith.addf %slice3A_17, %slice3A_618 : vector<1024xf32>
    %add3A_620 = vector.broadcast %get3A_9 : f32 to vector<1024xf32>
    %add3A_621 = arith.addf %add3A_619, %add3A_620 : vector<1024xf32>
    %div3A_622 = vector.broadcast %get3A_13 : f32 to vector<1024xf32>
    %div3A_623 = arith.divf %add3A_621, %div3A_622 : vector<1024xf32>
    %jit3A_624 = arith.constant -7.500000e+01 : f32
    %jit3A_625 = arith.constant 7.500000e+01 : f32
    %max3A_626 = vector.broadcast %jit3A_624 : f32 to vector<1024xf32>
    %max3A_627 = arith.maximumf %max3A_626, %div3A_623 : vector<1024xf32>
    %min3A_628 = vector.broadcast %jit3A_625 : f32 to vector<1024xf32>
    %min3A_629 = arith.minimumf %min3A_628, %max3A_627 : vector<1024xf32>
    %exp3A_630 = math.exp %min3A_629 : vector<1024xf32>
    %log1p3A_631 = math.log1p %exp3A_630 : vector<1024xf32>
    %mul3A_632 = vector.broadcast %get3A_13 : f32 to vector<1024xf32>
    %mul3A_633 = arith.mulf %mul3A_632, %log1p3A_631 : vector<1024xf32>
    %add3A_634 = arith.addf %add3A_617, %mul3A_633 : vector<1024xf32>
    %slice3A_635 = vector.extract_strided_slice %add3A_7 {offsets = [29696], sizes = [1024], strides = [1]} : vector<43008xf32> to vector<1024xf32>
    %add3A_636 = arith.addf %slice3A_18, %slice3A_635 : vector<1024xf32>
    %add3A_637 = vector.broadcast %get3A_11 : f32 to vector<1024xf32>
    %add3A_638 = arith.addf %add3A_636, %add3A_637 : vector<1024xf32>
    %div3A_639 = vector.broadcast %get3A_15 : f32 to vector<1024xf32>
    %div3A_640 = arith.divf %add3A_638, %div3A_639 : vector<1024xf32>
    %jit3A_641 = arith.constant -7.500000e+01 : f32
    %jit3A_642 = arith.constant 7.500000e+01 : f32
    %max3A_643 = vector.broadcast %jit3A_641 : f32 to vector<1024xf32>
    %max3A_644 = arith.maximumf %max3A_643, %div3A_640 : vector<1024xf32>
    %min3A_645 = vector.broadcast %jit3A_642 : f32 to vector<1024xf32>
    %min3A_646 = arith.minimumf %min3A_645, %max3A_644 : vector<1024xf32>
    %exp3A_647 = math.exp %min3A_646 : vector<1024xf32>
    %log1p3A_648 = math.log1p %exp3A_647 : vector<1024xf32>
    %mul3A_649 = vector.broadcast %get3A_15 : f32 to vector<1024xf32>
    %mul3A_650 = arith.mulf %mul3A_649, %log1p3A_648 : vector<1024xf32>
    %add3A_651 = arith.addf %add3A_634, %mul3A_650 : vector<1024xf32>
    %reduce_sum3A_652 = vector.shape_cast %add3A_651 : vector<1024xf32> to vector<1x1024xf32>
    %reduce_sum3A_653 = arith.constant dense<0.000000e+00> : vector<1xf32>
    %reduce_sum3A_654 = vector.multi_reduction <add>, %reduce_sum3A_652, %reduce_sum3A_653 [1] : vector<1x1024xf32> to vector<1xf32>
    %reduce_sum3A_655 = vector.shape_cast %reduce_sum3A_654 : vector<1xf32> to vector<1x1xf32>
    %reduce_sum3A_656 = vector.extract %reduce_sum3A_655[0, 0] : f32 from vector<1x1xf32>
    %mul3A_657 = arith.constant 5.000000e-02 : f32
    %mul3A_658 = arith.mulf %reduce_sum3A_656, %mul3A_657 : f32
    %swap3A_659 = arith.constant 0 : index
    %swap3A_660 = arith.constant 7 : index
    %swap3A_661 = memref.load %arg8[%swap3A_659, %swap3A_660] : memref<1x20xf32, #tpu.memory_space<smem>>
    memref.store %mul3A_658, %arg8[%swap3A_659, %swap3A_660] : memref<1x20xf32, #tpu.memory_space<smem>>
    %slice3A_662 = vector.extract_strided_slice %add3A {offsets = [10240], sizes = [1024], strides = [1]} : vector<43008xf32> to vector<1024xf32>
    %add3A_663 = arith.addf %slice3A, %slice3A_662 : vector<1024xf32>
    %add3A_664 = vector.broadcast %get3A_9 : f32 to vector<1024xf32>
    %add3A_665 = arith.addf %add3A_663, %add3A_664 : vector<1024xf32>
    %div3A_666 = vector.broadcast %get3A_13 : f32 to vector<1024xf32>
    %div3A_667 = arith.divf %add3A_665, %div3A_666 : vector<1024xf32>
    %jit3A_668 = arith.constant -7.500000e+01 : f32
    %jit3A_669 = arith.constant 7.500000e+01 : f32
    %max3A_670 = vector.broadcast %jit3A_668 : f32 to vector<1024xf32>
    %max3A_671 = arith.maximumf %max3A_670, %div3A_667 : vector<1024xf32>
    %min3A_672 = vector.broadcast %jit3A_669 : f32 to vector<1024xf32>
    %min3A_673 = arith.minimumf %min3A_672, %max3A_671 : vector<1024xf32>
    %exp3A_674 = math.exp %min3A_673 : vector<1024xf32>
    %log1p3A_675 = math.log1p %exp3A_674 : vector<1024xf32>
    %mul3A_676 = vector.broadcast %get3A_13 : f32 to vector<1024xf32>
    %mul3A_677 = arith.mulf %mul3A_676, %log1p3A_675 : vector<1024xf32>
    %slice3A_678 = vector.extract_strided_slice %add3A_7 {offsets = [10240], sizes = [1024], strides = [1]} : vector<43008xf32> to vector<1024xf32>
    %add3A_679 = arith.addf %slice3A_16, %slice3A_678 : vector<1024xf32>
    %add3A_680 = vector.broadcast %get3A_11 : f32 to vector<1024xf32>
    %add3A_681 = arith.addf %add3A_679, %add3A_680 : vector<1024xf32>
    %div3A_682 = vector.broadcast %get3A_15 : f32 to vector<1024xf32>
    %div3A_683 = arith.divf %add3A_681, %div3A_682 : vector<1024xf32>
    %jit3A_684 = arith.constant -7.500000e+01 : f32
    %jit3A_685 = arith.constant 7.500000e+01 : f32
    %max3A_686 = vector.broadcast %jit3A_684 : f32 to vector<1024xf32>
    %max3A_687 = arith.maximumf %max3A_686, %div3A_683 : vector<1024xf32>
    %min3A_688 = vector.broadcast %jit3A_685 : f32 to vector<1024xf32>
    %min3A_689 = arith.minimumf %min3A_688, %max3A_687 : vector<1024xf32>
    %exp3A_690 = math.exp %min3A_689 : vector<1024xf32>
    %log1p3A_691 = math.log1p %exp3A_690 : vector<1024xf32>
    %mul3A_692 = vector.broadcast %get3A_15 : f32 to vector<1024xf32>
    %mul3A_693 = arith.mulf %mul3A_692, %log1p3A_691 : vector<1024xf32>
    %add3A_694 = arith.addf %mul3A_677, %mul3A_693 : vector<1024xf32>
    %slice3A_695 = vector.extract_strided_slice %add3A {offsets = [30720], sizes = [1024], strides = [1]} : vector<43008xf32> to vector<1024xf32>
    %add3A_696 = arith.addf %slice3A_17, %slice3A_695 : vector<1024xf32>
    %add3A_697 = vector.broadcast %get3A_9 : f32 to vector<1024xf32>
    %add3A_698 = arith.addf %add3A_696, %add3A_697 : vector<1024xf32>
    %div3A_699 = vector.broadcast %get3A_13 : f32 to vector<1024xf32>
    %div3A_700 = arith.divf %add3A_698, %div3A_699 : vector<1024xf32>
    %jit3A_701 = arith.constant -7.500000e+01 : f32
    %jit3A_702 = arith.constant 7.500000e+01 : f32
    %max3A_703 = vector.broadcast %jit3A_701 : f32 to vector<1024xf32>
    %max3A_704 = arith.maximumf %max3A_703, %div3A_700 : vector<1024xf32>
    %min3A_705 = vector.broadcast %jit3A_702 : f32 to vector<1024xf32>
    %min3A_706 = arith.minimumf %min3A_705, %max3A_704 : vector<1024xf32>
    %exp3A_707 = math.exp %min3A_706 : vector<1024xf32>
    %log1p3A_708 = math.log1p %exp3A_707 : vector<1024xf32>
    %mul3A_709 = vector.broadcast %get3A_13 : f32 to vector<1024xf32>
    %mul3A_710 = arith.mulf %mul3A_709, %log1p3A_708 : vector<1024xf32>
    %add3A_711 = arith.addf %add3A_694, %mul3A_710 : vector<1024xf32>
    %slice3A_712 = vector.extract_strided_slice %add3A_7 {offsets = [30720], sizes = [1024], strides = [1]} : vector<43008xf32> to vector<1024xf32>
    %add3A_713 = arith.addf %slice3A_18, %slice3A_712 : vector<1024xf32>
    %add3A_714 = vector.broadcast %get3A_11 : f32 to vector<1024xf32>
    %add3A_715 = arith.addf %add3A_713, %add3A_714 : vector<1024xf32>
    %div3A_716 = vector.broadcast %get3A_15 : f32 to vector<1024xf32>
    %div3A_717 = arith.divf %add3A_715, %div3A_716 : vector<1024xf32>
    %jit3A_718 = arith.constant -7.500000e+01 : f32
    %jit3A_719 = arith.constant 7.500000e+01 : f32
    %max3A_720 = vector.broadcast %jit3A_718 : f32 to vector<1024xf32>
    %max3A_721 = arith.maximumf %max3A_720, %div3A_717 : vector<1024xf32>
    %min3A_722 = vector.broadcast %jit3A_719 : f32 to vector<1024xf32>
    %min3A_723 = arith.minimumf %min3A_722, %max3A_721 : vector<1024xf32>
    %exp3A_724 = math.exp %min3A_723 : vector<1024xf32>
    %log1p3A_725 = math.log1p %exp3A_724 : vector<1024xf32>
    %mul3A_726 = vector.broadcast %get3A_15 : f32 to vector<1024xf32>
    %mul3A_727 = arith.mulf %mul3A_726, %log1p3A_725 : vector<1024xf32>
    %add3A_728 = arith.addf %add3A_711, %mul3A_727 : vector<1024xf32>
    %reduce_sum3A_729 = vector.shape_cast %add3A_728 : vector<1024xf32> to vector<1x1024xf32>
    %reduce_sum3A_730 = arith.constant dense<0.000000e+00> : vector<1xf32>
    %reduce_sum3A_731 = vector.multi_reduction <add>, %reduce_sum3A_729, %reduce_sum3A_730 [1] : vector<1x1024xf32> to vector<1xf32>
    %reduce_sum3A_732 = vector.shape_cast %reduce_sum3A_731 : vector<1xf32> to vector<1x1xf32>
    %reduce_sum3A_733 = vector.extract %reduce_sum3A_732[0, 0] : f32 from vector<1x1xf32>
    %mul3A_734 = arith.constant 5.000000e-02 : f32
    %mul3A_735 = arith.mulf %reduce_sum3A_733, %mul3A_734 : f32
    %swap3A_736 = arith.constant 0 : index
    %swap3A_737 = arith.constant 8 : index
    %swap3A_738 = memref.load %arg8[%swap3A_736, %swap3A_737] : memref<1x20xf32, #tpu.memory_space<smem>>
    memref.store %mul3A_735, %arg8[%swap3A_736, %swap3A_737] : memref<1x20xf32, #tpu.memory_space<smem>>
    %slice3A_739 = vector.extract_strided_slice %add3A {offsets = [11264], sizes = [1024], strides = [1]} : vector<43008xf32> to vector<1024xf32>
    %add3A_740 = arith.addf %slice3A, %slice3A_739 : vector<1024xf32>
    %add3A_741 = vector.broadcast %get3A_9 : f32 to vector<1024xf32>
    %add3A_742 = arith.addf %add3A_740, %add3A_741 : vector<1024xf32>
    %div3A_743 = vector.broadcast %get3A_13 : f32 to vector<1024xf32>
    %div3A_744 = arith.divf %add3A_742, %div3A_743 : vector<1024xf32>
    %jit3A_745 = arith.constant -7.500000e+01 : f32
    %jit3A_746 = arith.constant 7.500000e+01 : f32
    %max3A_747 = vector.broadcast %jit3A_745 : f32 to vector<1024xf32>
    %max3A_748 = arith.maximumf %max3A_747, %div3A_744 : vector<1024xf32>
    %min3A_749 = vector.broadcast %jit3A_746 : f32 to vector<1024xf32>
    %min3A_750 = arith.minimumf %min3A_749, %max3A_748 : vector<1024xf32>
    %exp3A_751 = math.exp %min3A_750 : vector<1024xf32>
    %log1p3A_752 = math.log1p %exp3A_751 : vector<1024xf32>
    %mul3A_753 = vector.broadcast %get3A_13 : f32 to vector<1024xf32>
    %mul3A_754 = arith.mulf %mul3A_753, %log1p3A_752 : vector<1024xf32>
    %slice3A_755 = vector.extract_strided_slice %add3A_7 {offsets = [11264], sizes = [1024], strides = [1]} : vector<43008xf32> to vector<1024xf32>
    %add3A_756 = arith.addf %slice3A_16, %slice3A_755 : vector<1024xf32>
    %add3A_757 = vector.broadcast %get3A_11 : f32 to vector<1024xf32>
    %add3A_758 = arith.addf %add3A_756, %add3A_757 : vector<1024xf32>
    %div3A_759 = vector.broadcast %get3A_15 : f32 to vector<1024xf32>
    %div3A_760 = arith.divf %add3A_758, %div3A_759 : vector<1024xf32>
    %jit3A_761 = arith.constant -7.500000e+01 : f32
    %jit3A_762 = arith.constant 7.500000e+01 : f32
    %max3A_763 = vector.broadcast %jit3A_761 : f32 to vector<1024xf32>
    %max3A_764 = arith.maximumf %max3A_763, %div3A_760 : vector<1024xf32>
    %min3A_765 = vector.broadcast %jit3A_762 : f32 to vector<1024xf32>
    %min3A_766 = arith.minimumf %min3A_765, %max3A_764 : vector<1024xf32>
    %exp3A_767 = math.exp %min3A_766 : vector<1024xf32>
    %log1p3A_768 = math.log1p %exp3A_767 : vector<1024xf32>
    %mul3A_769 = vector.broadcast %get3A_15 : f32 to vector<1024xf32>
    %mul3A_770 = arith.mulf %mul3A_769, %log1p3A_768 : vector<1024xf32>
    %add3A_771 = arith.addf %mul3A_754, %mul3A_770 : vector<1024xf32>
    %slice3A_772 = vector.extract_strided_slice %add3A {offsets = [31744], sizes = [1024], strides = [1]} : vector<43008xf32> to vector<1024xf32>
    %add3A_773 = arith.addf %slice3A_17, %slice3A_772 : vector<1024xf32>
    %add3A_774 = vector.broadcast %get3A_9 : f32 to vector<1024xf32>
    %add3A_775 = arith.addf %add3A_773, %add3A_774 : vector<1024xf32>
    %div3A_776 = vector.broadcast %get3A_13 : f32 to vector<1024xf32>
    %div3A_777 = arith.divf %add3A_775, %div3A_776 : vector<1024xf32>
    %jit3A_778 = arith.constant -7.500000e+01 : f32
    %jit3A_779 = arith.constant 7.500000e+01 : f32
    %max3A_780 = vector.broadcast %jit3A_778 : f32 to vector<1024xf32>
    %max3A_781 = arith.maximumf %max3A_780, %div3A_777 : vector<1024xf32>
    %min3A_782 = vector.broadcast %jit3A_779 : f32 to vector<1024xf32>
    %min3A_783 = arith.minimumf %min3A_782, %max3A_781 : vector<1024xf32>
    %exp3A_784 = math.exp %min3A_783 : vector<1024xf32>
    %log1p3A_785 = math.log1p %exp3A_784 : vector<1024xf32>
    %mul3A_786 = vector.broadcast %get3A_13 : f32 to vector<1024xf32>
    %mul3A_787 = arith.mulf %mul3A_786, %log1p3A_785 : vector<1024xf32>
    %add3A_788 = arith.addf %add3A_771, %mul3A_787 : vector<1024xf32>
    %slice3A_789 = vector.extract_strided_slice %add3A_7 {offsets = [31744], sizes = [1024], strides = [1]} : vector<43008xf32> to vector<1024xf32>
    %add3A_790 = arith.addf %slice3A_18, %slice3A_789 : vector<1024xf32>
    %add3A_791 = vector.broadcast %get3A_11 : f32 to vector<1024xf32>
    %add3A_792 = arith.addf %add3A_790, %add3A_791 : vector<1024xf32>
    %div3A_793 = vector.broadcast %get3A_15 : f32 to vector<1024xf32>
    %div3A_794 = arith.divf %add3A_792, %div3A_793 : vector<1024xf32>
    %jit3A_795 = arith.constant -7.500000e+01 : f32
    %jit3A_796 = arith.constant 7.500000e+01 : f32
    %max3A_797 = vector.broadcast %jit3A_795 : f32 to vector<1024xf32>
    %max3A_798 = arith.maximumf %max3A_797, %div3A_794 : vector<1024xf32>
    %min3A_799 = vector.broadcast %jit3A_796 : f32 to vector<1024xf32>
    %min3A_800 = arith.minimumf %min3A_799, %max3A_798 : vector<1024xf32>
    %exp3A_801 = math.exp %min3A_800 : vector<1024xf32>
    %log1p3A_802 = math.log1p %exp3A_801 : vector<1024xf32>
    %mul3A_803 = vector.broadcast %get3A_15 : f32 to vector<1024xf32>
    %mul3A_804 = arith.mulf %mul3A_803, %log1p3A_802 : vector<1024xf32>
    %add3A_805 = arith.addf %add3A_788, %mul3A_804 : vector<1024xf32>
    %reduce_sum3A_806 = vector.shape_cast %add3A_805 : vector<1024xf32> to vector<1x1024xf32>
    %reduce_sum3A_807 = arith.constant dense<0.000000e+00> : vector<1xf32>
    %reduce_sum3A_808 = vector.multi_reduction <add>, %reduce_sum3A_806, %reduce_sum3A_807 [1] : vector<1x1024xf32> to vector<1xf32>
    %reduce_sum3A_809 = vector.shape_cast %reduce_sum3A_808 : vector<1xf32> to vector<1x1xf32>
    %reduce_sum3A_810 = vector.extract %reduce_sum3A_809[0, 0] : f32 from vector<1x1xf32>
    %mul3A_811 = arith.constant 5.000000e-02 : f32
    %mul3A_812 = arith.mulf %reduce_sum3A_810, %mul3A_811 : f32
    %swap3A_813 = arith.constant 0 : index
    %swap3A_814 = arith.constant 9 : index
    %swap3A_815 = memref.load %arg8[%swap3A_813, %swap3A_814] : memref<1x20xf32, #tpu.memory_space<smem>>
    memref.store %mul3A_812, %arg8[%swap3A_813, %swap3A_814] : memref<1x20xf32, #tpu.memory_space<smem>>
    %slice3A_816 = vector.extract_strided_slice %add3A {offsets = [12288], sizes = [1024], strides = [1]} : vector<43008xf32> to vector<1024xf32>
    %add3A_817 = arith.addf %slice3A, %slice3A_816 : vector<1024xf32>
    %add3A_818 = vector.broadcast %get3A_9 : f32 to vector<1024xf32>
    %add3A_819 = arith.addf %add3A_817, %add3A_818 : vector<1024xf32>
    %div3A_820 = vector.broadcast %get3A_13 : f32 to vector<1024xf32>
    %div3A_821 = arith.divf %add3A_819, %div3A_820 : vector<1024xf32>
    %jit3A_822 = arith.constant -7.500000e+01 : f32
    %jit3A_823 = arith.constant 7.500000e+01 : f32
    %max3A_824 = vector.broadcast %jit3A_822 : f32 to vector<1024xf32>
    %max3A_825 = arith.maximumf %max3A_824, %div3A_821 : vector<1024xf32>
    %min3A_826 = vector.broadcast %jit3A_823 : f32 to vector<1024xf32>
    %min3A_827 = arith.minimumf %min3A_826, %max3A_825 : vector<1024xf32>
    %exp3A_828 = math.exp %min3A_827 : vector<1024xf32>
    %log1p3A_829 = math.log1p %exp3A_828 : vector<1024xf32>
    %mul3A_830 = vector.broadcast %get3A_13 : f32 to vector<1024xf32>
    %mul3A_831 = arith.mulf %mul3A_830, %log1p3A_829 : vector<1024xf32>
    %slice3A_832 = vector.extract_strided_slice %add3A_7 {offsets = [12288], sizes = [1024], strides = [1]} : vector<43008xf32> to vector<1024xf32>
    %add3A_833 = arith.addf %slice3A_16, %slice3A_832 : vector<1024xf32>
    %add3A_834 = vector.broadcast %get3A_11 : f32 to vector<1024xf32>
    %add3A_835 = arith.addf %add3A_833, %add3A_834 : vector<1024xf32>
    %div3A_836 = vector.broadcast %get3A_15 : f32 to vector<1024xf32>
    %div3A_837 = arith.divf %add3A_835, %div3A_836 : vector<1024xf32>
    %jit3A_838 = arith.constant -7.500000e+01 : f32
    %jit3A_839 = arith.constant 7.500000e+01 : f32
    %max3A_840 = vector.broadcast %jit3A_838 : f32 to vector<1024xf32>
    %max3A_841 = arith.maximumf %max3A_840, %div3A_837 : vector<1024xf32>
    %min3A_842 = vector.broadcast %jit3A_839 : f32 to vector<1024xf32>
    %min3A_843 = arith.minimumf %min3A_842, %max3A_841 : vector<1024xf32>
    %exp3A_844 = math.exp %min3A_843 : vector<1024xf32>
    %log1p3A_845 = math.log1p %exp3A_844 : vector<1024xf32>
    %mul3A_846 = vector.broadcast %get3A_15 : f32 to vector<1024xf32>
    %mul3A_847 = arith.mulf %mul3A_846, %log1p3A_845 : vector<1024xf32>
    %add3A_848 = arith.addf %mul3A_831, %mul3A_847 : vector<1024xf32>
    %slice3A_849 = vector.extract_strided_slice %add3A {offsets = [32768], sizes = [1024], strides = [1]} : vector<43008xf32> to vector<1024xf32>
    %add3A_850 = arith.addf %slice3A_17, %slice3A_849 : vector<1024xf32>
    %add3A_851 = vector.broadcast %get3A_9 : f32 to vector<1024xf32>
    %add3A_852 = arith.addf %add3A_850, %add3A_851 : vector<1024xf32>
    %div3A_853 = vector.broadcast %get3A_13 : f32 to vector<1024xf32>
    %div3A_854 = arith.divf %add3A_852, %div3A_853 : vector<1024xf32>
    %jit3A_855 = arith.constant -7.500000e+01 : f32
    %jit3A_856 = arith.constant 7.500000e+01 : f32
    %max3A_857 = vector.broadcast %jit3A_855 : f32 to vector<1024xf32>
    %max3A_858 = arith.maximumf %max3A_857, %div3A_854 : vector<1024xf32>
    %min3A_859 = vector.broadcast %jit3A_856 : f32 to vector<1024xf32>
    %min3A_860 = arith.minimumf %min3A_859, %max3A_858 : vector<1024xf32>
    %exp3A_861 = math.exp %min3A_860 : vector<1024xf32>
    %log1p3A_862 = math.log1p %exp3A_861 : vector<1024xf32>
    %mul3A_863 = vector.broadcast %get3A_13 : f32 to vector<1024xf32>
    %mul3A_864 = arith.mulf %mul3A_863, %log1p3A_862 : vector<1024xf32>
    %add3A_865 = arith.addf %add3A_848, %mul3A_864 : vector<1024xf32>
    %slice3A_866 = vector.extract_strided_slice %add3A_7 {offsets = [32768], sizes = [1024], strides = [1]} : vector<43008xf32> to vector<1024xf32>
    %add3A_867 = arith.addf %slice3A_18, %slice3A_866 : vector<1024xf32>
    %add3A_868 = vector.broadcast %get3A_11 : f32 to vector<1024xf32>
    %add3A_869 = arith.addf %add3A_867, %add3A_868 : vector<1024xf32>
    %div3A_870 = vector.broadcast %get3A_15 : f32 to vector<1024xf32>
    %div3A_871 = arith.divf %add3A_869, %div3A_870 : vector<1024xf32>
    %jit3A_872 = arith.constant -7.500000e+01 : f32
    %jit3A_873 = arith.constant 7.500000e+01 : f32
    %max3A_874 = vector.broadcast %jit3A_872 : f32 to vector<1024xf32>
    %max3A_875 = arith.maximumf %max3A_874, %div3A_871 : vector<1024xf32>
    %min3A_876 = vector.broadcast %jit3A_873 : f32 to vector<1024xf32>
    %min3A_877 = arith.minimumf %min3A_876, %max3A_875 : vector<1024xf32>
    %exp3A_878 = math.exp %min3A_877 : vector<1024xf32>
    %log1p3A_879 = math.log1p %exp3A_878 : vector<1024xf32>
    %mul3A_880 = vector.broadcast %get3A_15 : f32 to vector<1024xf32>
    %mul3A_881 = arith.mulf %mul3A_880, %log1p3A_879 : vector<1024xf32>
    %add3A_882 = arith.addf %add3A_865, %mul3A_881 : vector<1024xf32>
    %reduce_sum3A_883 = vector.shape_cast %add3A_882 : vector<1024xf32> to vector<1x1024xf32>
    %reduce_sum3A_884 = arith.constant dense<0.000000e+00> : vector<1xf32>
    %reduce_sum3A_885 = vector.multi_reduction <add>, %reduce_sum3A_883, %reduce_sum3A_884 [1] : vector<1x1024xf32> to vector<1xf32>
    %reduce_sum3A_886 = vector.shape_cast %reduce_sum3A_885 : vector<1xf32> to vector<1x1xf32>
    %reduce_sum3A_887 = vector.extract %reduce_sum3A_886[0, 0] : f32 from vector<1x1xf32>
    %mul3A_888 = arith.constant 5.000000e-02 : f32
    %mul3A_889 = arith.mulf %reduce_sum3A_887, %mul3A_888 : f32
    %swap3A_890 = arith.constant 0 : index
    %swap3A_891 = arith.constant 10 : index
    %swap3A_892 = memref.load %arg8[%swap3A_890, %swap3A_891] : memref<1x20xf32, #tpu.memory_space<smem>>
    memref.store %mul3A_889, %arg8[%swap3A_890, %swap3A_891] : memref<1x20xf32, #tpu.memory_space<smem>>
    %slice3A_893 = vector.extract_strided_slice %add3A {offsets = [13312], sizes = [1024], strides = [1]} : vector<43008xf32> to vector<1024xf32>
    %add3A_894 = arith.addf %slice3A, %slice3A_893 : vector<1024xf32>
    %add3A_895 = vector.broadcast %get3A_9 : f32 to vector<1024xf32>
    %add3A_896 = arith.addf %add3A_894, %add3A_895 : vector<1024xf32>
    %div3A_897 = vector.broadcast %get3A_13 : f32 to vector<1024xf32>
    %div3A_898 = arith.divf %add3A_896, %div3A_897 : vector<1024xf32>
    %jit3A_899 = arith.constant -7.500000e+01 : f32
    %jit3A_900 = arith.constant 7.500000e+01 : f32
    %max3A_901 = vector.broadcast %jit3A_899 : f32 to vector<1024xf32>
    %max3A_902 = arith.maximumf %max3A_901, %div3A_898 : vector<1024xf32>
    %min3A_903 = vector.broadcast %jit3A_900 : f32 to vector<1024xf32>
    %min3A_904 = arith.minimumf %min3A_903, %max3A_902 : vector<1024xf32>
    %exp3A_905 = math.exp %min3A_904 : vector<1024xf32>
    %log1p3A_906 = math.log1p %exp3A_905 : vector<1024xf32>
    %mul3A_907 = vector.broadcast %get3A_13 : f32 to vector<1024xf32>
    %mul3A_908 = arith.mulf %mul3A_907, %log1p3A_906 : vector<1024xf32>
    %slice3A_909 = vector.extract_strided_slice %add3A_7 {offsets = [13312], sizes = [1024], strides = [1]} : vector<43008xf32> to vector<1024xf32>
    %add3A_910 = arith.addf %slice3A_16, %slice3A_909 : vector<1024xf32>
    %add3A_911 = vector.broadcast %get3A_11 : f32 to vector<1024xf32>
    %add3A_912 = arith.addf %add3A_910, %add3A_911 : vector<1024xf32>
    %div3A_913 = vector.broadcast %get3A_15 : f32 to vector<1024xf32>
    %div3A_914 = arith.divf %add3A_912, %div3A_913 : vector<1024xf32>
    %jit3A_915 = arith.constant -7.500000e+01 : f32
    %jit3A_916 = arith.constant 7.500000e+01 : f32
    %max3A_917 = vector.broadcast %jit3A_915 : f32 to vector<1024xf32>
    %max3A_918 = arith.maximumf %max3A_917, %div3A_914 : vector<1024xf32>
    %min3A_919 = vector.broadcast %jit3A_916 : f32 to vector<1024xf32>
    %min3A_920 = arith.minimumf %min3A_919, %max3A_918 : vector<1024xf32>
    %exp3A_921 = math.exp %min3A_920 : vector<1024xf32>
    %log1p3A_922 = math.log1p %exp3A_921 : vector<1024xf32>
    %mul3A_923 = vector.broadcast %get3A_15 : f32 to vector<1024xf32>
    %mul3A_924 = arith.mulf %mul3A_923, %log1p3A_922 : vector<1024xf32>
    %add3A_925 = arith.addf %mul3A_908, %mul3A_924 : vector<1024xf32>
    %slice3A_926 = vector.extract_strided_slice %add3A {offsets = [33792], sizes = [1024], strides = [1]} : vector<43008xf32> to vector<1024xf32>
    %add3A_927 = arith.addf %slice3A_17, %slice3A_926 : vector<1024xf32>
    %add3A_928 = vector.broadcast %get3A_9 : f32 to vector<1024xf32>
    %add3A_929 = arith.addf %add3A_927, %add3A_928 : vector<1024xf32>
    %div3A_930 = vector.broadcast %get3A_13 : f32 to vector<1024xf32>
    %div3A_931 = arith.divf %add3A_929, %div3A_930 : vector<1024xf32>
    %jit3A_932 = arith.constant -7.500000e+01 : f32
    %jit3A_933 = arith.constant 7.500000e+01 : f32
    %max3A_934 = vector.broadcast %jit3A_932 : f32 to vector<1024xf32>
    %max3A_935 = arith.maximumf %max3A_934, %div3A_931 : vector<1024xf32>
    %min3A_936 = vector.broadcast %jit3A_933 : f32 to vector<1024xf32>
    %min3A_937 = arith.minimumf %min3A_936, %max3A_935 : vector<1024xf32>
    %exp3A_938 = math.exp %min3A_937 : vector<1024xf32>
    %log1p3A_939 = math.log1p %exp3A_938 : vector<1024xf32>
    %mul3A_940 = vector.broadcast %get3A_13 : f32 to vector<1024xf32>
    %mul3A_941 = arith.mulf %mul3A_940, %log1p3A_939 : vector<1024xf32>
    %add3A_942 = arith.addf %add3A_925, %mul3A_941 : vector<1024xf32>
    %slice3A_943 = vector.extract_strided_slice %add3A_7 {offsets = [33792], sizes = [1024], strides = [1]} : vector<43008xf32> to vector<1024xf32>
    %add3A_944 = arith.addf %slice3A_18, %slice3A_943 : vector<1024xf32>
    %add3A_945 = vector.broadcast %get3A_11 : f32 to vector<1024xf32>
    %add3A_946 = arith.addf %add3A_944, %add3A_945 : vector<1024xf32>
    %div3A_947 = vector.broadcast %get3A_15 : f32 to vector<1024xf32>
    %div3A_948 = arith.divf %add3A_946, %div3A_947 : vector<1024xf32>
    %jit3A_949 = arith.constant -7.500000e+01 : f32
    %jit3A_950 = arith.constant 7.500000e+01 : f32
    %max3A_951 = vector.broadcast %jit3A_949 : f32 to vector<1024xf32>
    %max3A_952 = arith.maximumf %max3A_951, %div3A_948 : vector<1024xf32>
    %min3A_953 = vector.broadcast %jit3A_950 : f32 to vector<1024xf32>
    %min3A_954 = arith.minimumf %min3A_953, %max3A_952 : vector<1024xf32>
    %exp3A_955 = math.exp %min3A_954 : vector<1024xf32>
    %log1p3A_956 = math.log1p %exp3A_955 : vector<1024xf32>
    %mul3A_957 = vector.broadcast %get3A_15 : f32 to vector<1024xf32>
    %mul3A_958 = arith.mulf %mul3A_957, %log1p3A_956 : vector<1024xf32>
    %add3A_959 = arith.addf %add3A_942, %mul3A_958 : vector<1024xf32>
    %reduce_sum3A_960 = vector.shape_cast %add3A_959 : vector<1024xf32> to vector<1x1024xf32>
    %reduce_sum3A_961 = arith.constant dense<0.000000e+00> : vector<1xf32>
    %reduce_sum3A_962 = vector.multi_reduction <add>, %reduce_sum3A_960, %reduce_sum3A_961 [1] : vector<1x1024xf32> to vector<1xf32>
    %reduce_sum3A_963 = vector.shape_cast %reduce_sum3A_962 : vector<1xf32> to vector<1x1xf32>
    %reduce_sum3A_964 = vector.extract %reduce_sum3A_963[0, 0] : f32 from vector<1x1xf32>
    %mul3A_965 = arith.constant 5.000000e-02 : f32
    %mul3A_966 = arith.mulf %reduce_sum3A_964, %mul3A_965 : f32
    %swap3A_967 = arith.constant 0 : index
    %swap3A_968 = arith.constant 11 : index
    %swap3A_969 = memref.load %arg8[%swap3A_967, %swap3A_968] : memref<1x20xf32, #tpu.memory_space<smem>>
    memref.store %mul3A_966, %arg8[%swap3A_967, %swap3A_968] : memref<1x20xf32, #tpu.memory_space<smem>>
    %slice3A_970 = vector.extract_strided_slice %add3A {offsets = [14336], sizes = [1024], strides = [1]} : vector<43008xf32> to vector<1024xf32>
    %add3A_971 = arith.addf %slice3A, %slice3A_970 : vector<1024xf32>
    %add3A_972 = vector.broadcast %get3A_9 : f32 to vector<1024xf32>
    %add3A_973 = arith.addf %add3A_971, %add3A_972 : vector<1024xf32>
    %div3A_974 = vector.broadcast %get3A_13 : f32 to vector<1024xf32>
    %div3A_975 = arith.divf %add3A_973, %div3A_974 : vector<1024xf32>
    %jit3A_976 = arith.constant -7.500000e+01 : f32
    %jit3A_977 = arith.constant 7.500000e+01 : f32
    %max3A_978 = vector.broadcast %jit3A_976 : f32 to vector<1024xf32>
    %max3A_979 = arith.maximumf %max3A_978, %div3A_975 : vector<1024xf32>
    %min3A_980 = vector.broadcast %jit3A_977 : f32 to vector<1024xf32>
    %min3A_981 = arith.minimumf %min3A_980, %max3A_979 : vector<1024xf32>
    %exp3A_982 = math.exp %min3A_981 : vector<1024xf32>
    %log1p3A_983 = math.log1p %exp3A_982 : vector<1024xf32>
    %mul3A_984 = vector.broadcast %get3A_13 : f32 to vector<1024xf32>
    %mul3A_985 = arith.mulf %mul3A_984, %log1p3A_983 : vector<1024xf32>
    %slice3A_986 = vector.extract_strided_slice %add3A_7 {offsets = [14336], sizes = [1024], strides = [1]} : vector<43008xf32> to vector<1024xf32>
    %add3A_987 = arith.addf %slice3A_16, %slice3A_986 : vector<1024xf32>
    %add3A_988 = vector.broadcast %get3A_11 : f32 to vector<1024xf32>
    %add3A_989 = arith.addf %add3A_987, %add3A_988 : vector<1024xf32>
    %div3A_990 = vector.broadcast %get3A_15 : f32 to vector<1024xf32>
    %div3A_991 = arith.divf %add3A_989, %div3A_990 : vector<1024xf32>
    %jit3A_992 = arith.constant -7.500000e+01 : f32
    %jit3A_993 = arith.constant 7.500000e+01 : f32
    %max3A_994 = vector.broadcast %jit3A_992 : f32 to vector<1024xf32>
    %max3A_995 = arith.maximumf %max3A_994, %div3A_991 : vector<1024xf32>
    %min3A_996 = vector.broadcast %jit3A_993 : f32 to vector<1024xf32>
    %min3A_997 = arith.minimumf %min3A_996, %max3A_995 : vector<1024xf32>
    %exp3A_998 = math.exp %min3A_997 : vector<1024xf32>
    %log1p3A_999 = math.log1p %exp3A_998 : vector<1024xf32>
    %mul3A_1000 = vector.broadcast %get3A_15 : f32 to vector<1024xf32>
    %mul3A_1001 = arith.mulf %mul3A_1000, %log1p3A_999 : vector<1024xf32>
    %add3A_1002 = arith.addf %mul3A_985, %mul3A_1001 : vector<1024xf32>
    %slice3A_1003 = vector.extract_strided_slice %add3A {offsets = [34816], sizes = [1024], strides = [1]} : vector<43008xf32> to vector<1024xf32>
    %add3A_1004 = arith.addf %slice3A_17, %slice3A_1003 : vector<1024xf32>
    %add3A_1005 = vector.broadcast %get3A_9 : f32 to vector<1024xf32>
    %add3A_1006 = arith.addf %add3A_1004, %add3A_1005 : vector<1024xf32>
    %div3A_1007 = vector.broadcast %get3A_13 : f32 to vector<1024xf32>
    %div3A_1008 = arith.divf %add3A_1006, %div3A_1007 : vector<1024xf32>
    %jit3A_1009 = arith.constant -7.500000e+01 : f32
    %jit3A_1010 = arith.constant 7.500000e+01 : f32
    %max3A_1011 = vector.broadcast %jit3A_1009 : f32 to vector<1024xf32>
    %max3A_1012 = arith.maximumf %max3A_1011, %div3A_1008 : vector<1024xf32>
    %min3A_1013 = vector.broadcast %jit3A_1010 : f32 to vector<1024xf32>
    %min3A_1014 = arith.minimumf %min3A_1013, %max3A_1012 : vector<1024xf32>
    %exp3A_1015 = math.exp %min3A_1014 : vector<1024xf32>
    %log1p3A_1016 = math.log1p %exp3A_1015 : vector<1024xf32>
    %mul3A_1017 = vector.broadcast %get3A_13 : f32 to vector<1024xf32>
    %mul3A_1018 = arith.mulf %mul3A_1017, %log1p3A_1016 : vector<1024xf32>
    %add3A_1019 = arith.addf %add3A_1002, %mul3A_1018 : vector<1024xf32>
    %slice3A_1020 = vector.extract_strided_slice %add3A_7 {offsets = [34816], sizes = [1024], strides = [1]} : vector<43008xf32> to vector<1024xf32>
    %add3A_1021 = arith.addf %slice3A_18, %slice3A_1020 : vector<1024xf32>
    %add3A_1022 = vector.broadcast %get3A_11 : f32 to vector<1024xf32>
    %add3A_1023 = arith.addf %add3A_1021, %add3A_1022 : vector<1024xf32>
    %div3A_1024 = vector.broadcast %get3A_15 : f32 to vector<1024xf32>
    %div3A_1025 = arith.divf %add3A_1023, %div3A_1024 : vector<1024xf32>
    %jit3A_1026 = arith.constant -7.500000e+01 : f32
    %jit3A_1027 = arith.constant 7.500000e+01 : f32
    %max3A_1028 = vector.broadcast %jit3A_1026 : f32 to vector<1024xf32>
    %max3A_1029 = arith.maximumf %max3A_1028, %div3A_1025 : vector<1024xf32>
    %min3A_1030 = vector.broadcast %jit3A_1027 : f32 to vector<1024xf32>
    %min3A_1031 = arith.minimumf %min3A_1030, %max3A_1029 : vector<1024xf32>
    %exp3A_1032 = math.exp %min3A_1031 : vector<1024xf32>
    %log1p3A_1033 = math.log1p %exp3A_1032 : vector<1024xf32>
    %mul3A_1034 = vector.broadcast %get3A_15 : f32 to vector<1024xf32>
    %mul3A_1035 = arith.mulf %mul3A_1034, %log1p3A_1033 : vector<1024xf32>
    %add3A_1036 = arith.addf %add3A_1019, %mul3A_1035 : vector<1024xf32>
    %reduce_sum3A_1037 = vector.shape_cast %add3A_1036 : vector<1024xf32> to vector<1x1024xf32>
    %reduce_sum3A_1038 = arith.constant dense<0.000000e+00> : vector<1xf32>
    %reduce_sum3A_1039 = vector.multi_reduction <add>, %reduce_sum3A_1037, %reduce_sum3A_1038 [1] : vector<1x1024xf32> to vector<1xf32>
    %reduce_sum3A_1040 = vector.shape_cast %reduce_sum3A_1039 : vector<1xf32> to vector<1x1xf32>
    %reduce_sum3A_1041 = vector.extract %reduce_sum3A_1040[0, 0] : f32 from vector<1x1xf32>
    %mul3A_1042 = arith.constant 5.000000e-02 : f32
    %mul3A_1043 = arith.mulf %reduce_sum3A_1041, %mul3A_1042 : f32
    %swap3A_1044 = arith.constant 0 : index
    %swap3A_1045 = arith.constant 12 : index
    %swap3A_1046 = memref.load %arg8[%swap3A_1044, %swap3A_1045] : memref<1x20xf32, #tpu.memory_space<smem>>
    memref.store %mul3A_1043, %arg8[%swap3A_1044, %swap3A_1045] : memref<1x20xf32, #tpu.memory_space<smem>>
    %slice3A_1047 = vector.extract_strided_slice %add3A {offsets = [15360], sizes = [1024], strides = [1]} : vector<43008xf32> to vector<1024xf32>
    %add3A_1048 = arith.addf %slice3A, %slice3A_1047 : vector<1024xf32>
    %add3A_1049 = vector.broadcast %get3A_9 : f32 to vector<1024xf32>
    %add3A_1050 = arith.addf %add3A_1048, %add3A_1049 : vector<1024xf32>
    %div3A_1051 = vector.broadcast %get3A_13 : f32 to vector<1024xf32>
    %div3A_1052 = arith.divf %add3A_1050, %div3A_1051 : vector<1024xf32>
    %jit3A_1053 = arith.constant -7.500000e+01 : f32
    %jit3A_1054 = arith.constant 7.500000e+01 : f32
    %max3A_1055 = vector.broadcast %jit3A_1053 : f32 to vector<1024xf32>
    %max3A_1056 = arith.maximumf %max3A_1055, %div3A_1052 : vector<1024xf32>
    %min3A_1057 = vector.broadcast %jit3A_1054 : f32 to vector<1024xf32>
    %min3A_1058 = arith.minimumf %min3A_1057, %max3A_1056 : vector<1024xf32>
    %exp3A_1059 = math.exp %min3A_1058 : vector<1024xf32>
    %log1p3A_1060 = math.log1p %exp3A_1059 : vector<1024xf32>
    %mul3A_1061 = vector.broadcast %get3A_13 : f32 to vector<1024xf32>
    %mul3A_1062 = arith.mulf %mul3A_1061, %log1p3A_1060 : vector<1024xf32>
    %slice3A_1063 = vector.extract_strided_slice %add3A_7 {offsets = [15360], sizes = [1024], strides = [1]} : vector<43008xf32> to vector<1024xf32>
    %add3A_1064 = arith.addf %slice3A_16, %slice3A_1063 : vector<1024xf32>
    %add3A_1065 = vector.broadcast %get3A_11 : f32 to vector<1024xf32>
    %add3A_1066 = arith.addf %add3A_1064, %add3A_1065 : vector<1024xf32>
    %div3A_1067 = vector.broadcast %get3A_15 : f32 to vector<1024xf32>
    %div3A_1068 = arith.divf %add3A_1066, %div3A_1067 : vector<1024xf32>
    %jit3A_1069 = arith.constant -7.500000e+01 : f32
    %jit3A_1070 = arith.constant 7.500000e+01 : f32
    %max3A_1071 = vector.broadcast %jit3A_1069 : f32 to vector<1024xf32>
    %max3A_1072 = arith.maximumf %max3A_1071, %div3A_1068 : vector<1024xf32>
    %min3A_1073 = vector.broadcast %jit3A_1070 : f32 to vector<1024xf32>
    %min3A_1074 = arith.minimumf %min3A_1073, %max3A_1072 : vector<1024xf32>
    %exp3A_1075 = math.exp %min3A_1074 : vector<1024xf32>
    %log1p3A_1076 = math.log1p %exp3A_1075 : vector<1024xf32>
    %mul3A_1077 = vector.broadcast %get3A_15 : f32 to vector<1024xf32>
    %mul3A_1078 = arith.mulf %mul3A_1077, %log1p3A_1076 : vector<1024xf32>
    %add3A_1079 = arith.addf %mul3A_1062, %mul3A_1078 : vector<1024xf32>
    %slice3A_1080 = vector.extract_strided_slice %add3A {offsets = [35840], sizes = [1024], strides = [1]} : vector<43008xf32> to vector<1024xf32>
    %add3A_1081 = arith.addf %slice3A_17, %slice3A_1080 : vector<1024xf32>
    %add3A_1082 = vector.broadcast %get3A_9 : f32 to vector<1024xf32>
    %add3A_1083 = arith.addf %add3A_1081, %add3A_1082 : vector<1024xf32>
    %div3A_1084 = vector.broadcast %get3A_13 : f32 to vector<1024xf32>
    %div3A_1085 = arith.divf %add3A_1083, %div3A_1084 : vector<1024xf32>
    %jit3A_1086 = arith.constant -7.500000e+01 : f32
    %jit3A_1087 = arith.constant 7.500000e+01 : f32
    %max3A_1088 = vector.broadcast %jit3A_1086 : f32 to vector<1024xf32>
    %max3A_1089 = arith.maximumf %max3A_1088, %div3A_1085 : vector<1024xf32>
    %min3A_1090 = vector.broadcast %jit3A_1087 : f32 to vector<1024xf32>
    %min3A_1091 = arith.minimumf %min3A_1090, %max3A_1089 : vector<1024xf32>
    %exp3A_1092 = math.exp %min3A_1091 : vector<1024xf32>
    %log1p3A_1093 = math.log1p %exp3A_1092 : vector<1024xf32>
    %mul3A_1094 = vector.broadcast %get3A_13 : f32 to vector<1024xf32>
    %mul3A_1095 = arith.mulf %mul3A_1094, %log1p3A_1093 : vector<1024xf32>
    %add3A_1096 = arith.addf %add3A_1079, %mul3A_1095 : vector<1024xf32>
    %slice3A_1097 = vector.extract_strided_slice %add3A_7 {offsets = [35840], sizes = [1024], strides = [1]} : vector<43008xf32> to vector<1024xf32>
    %add3A_1098 = arith.addf %slice3A_18, %slice3A_1097 : vector<1024xf32>
    %add3A_1099 = vector.broadcast %get3A_11 : f32 to vector<1024xf32>
    %add3A_1100 = arith.addf %add3A_1098, %add3A_1099 : vector<1024xf32>
    %div3A_1101 = vector.broadcast %get3A_15 : f32 to vector<1024xf32>
    %div3A_1102 = arith.divf %add3A_1100, %div3A_1101 : vector<1024xf32>
    %jit3A_1103 = arith.constant -7.500000e+01 : f32
    %jit3A_1104 = arith.constant 7.500000e+01 : f32
    %max3A_1105 = vector.broadcast %jit3A_1103 : f32 to vector<1024xf32>
    %max3A_1106 = arith.maximumf %max3A_1105, %div3A_1102 : vector<1024xf32>
    %min3A_1107 = vector.broadcast %jit3A_1104 : f32 to vector<1024xf32>
    %min3A_1108 = arith.minimumf %min3A_1107, %max3A_1106 : vector<1024xf32>
    %exp3A_1109 = math.exp %min3A_1108 : vector<1024xf32>
    %log1p3A_1110 = math.log1p %exp3A_1109 : vector<1024xf32>
    %mul3A_1111 = vector.broadcast %get3A_15 : f32 to vector<1024xf32>
    %mul3A_1112 = arith.mulf %mul3A_1111, %log1p3A_1110 : vector<1024xf32>
    %add3A_1113 = arith.addf %add3A_1096, %mul3A_1112 : vector<1024xf32>
    %reduce_sum3A_1114 = vector.shape_cast %add3A_1113 : vector<1024xf32> to vector<1x1024xf32>
    %reduce_sum3A_1115 = arith.constant dense<0.000000e+00> : vector<1xf32>
    %reduce_sum3A_1116 = vector.multi_reduction <add>, %reduce_sum3A_1114, %reduce_sum3A_1115 [1] : vector<1x1024xf32> to vector<1xf32>
    %reduce_sum3A_1117 = vector.shape_cast %reduce_sum3A_1116 : vector<1xf32> to vector<1x1xf32>
    %reduce_sum3A_1118 = vector.extract %reduce_sum3A_1117[0, 0] : f32 from vector<1x1xf32>
    %mul3A_1119 = arith.constant 5.000000e-02 : f32
    %mul3A_1120 = arith.mulf %reduce_sum3A_1118, %mul3A_1119 : f32
    %swap3A_1121 = arith.constant 0 : index
    %swap3A_1122 = arith.constant 13 : index
    %swap3A_1123 = memref.load %arg8[%swap3A_1121, %swap3A_1122] : memref<1x20xf32, #tpu.memory_space<smem>>
    memref.store %mul3A_1120, %arg8[%swap3A_1121, %swap3A_1122] : memref<1x20xf32, #tpu.memory_space<smem>>
    %slice3A_1124 = vector.extract_strided_slice %add3A {offsets = [16384], sizes = [1024], strides = [1]} : vector<43008xf32> to vector<1024xf32>
    %add3A_1125 = arith.addf %slice3A, %slice3A_1124 : vector<1024xf32>
    %add3A_1126 = vector.broadcast %get3A_9 : f32 to vector<1024xf32>
    %add3A_1127 = arith.addf %add3A_1125, %add3A_1126 : vector<1024xf32>
    %div3A_1128 = vector.broadcast %get3A_13 : f32 to vector<1024xf32>
    %div3A_1129 = arith.divf %add3A_1127, %div3A_1128 : vector<1024xf32>
    %jit3A_1130 = arith.constant -7.500000e+01 : f32
    %jit3A_1131 = arith.constant 7.500000e+01 : f32
    %max3A_1132 = vector.broadcast %jit3A_1130 : f32 to vector<1024xf32>
    %max3A_1133 = arith.maximumf %max3A_1132, %div3A_1129 : vector<1024xf32>
    %min3A_1134 = vector.broadcast %jit3A_1131 : f32 to vector<1024xf32>
    %min3A_1135 = arith.minimumf %min3A_1134, %max3A_1133 : vector<1024xf32>
    %exp3A_1136 = math.exp %min3A_1135 : vector<1024xf32>
    %log1p3A_1137 = math.log1p %exp3A_1136 : vector<1024xf32>
    %mul3A_1138 = vector.broadcast %get3A_13 : f32 to vector<1024xf32>
    %mul3A_1139 = arith.mulf %mul3A_1138, %log1p3A_1137 : vector<1024xf32>
    %slice3A_1140 = vector.extract_strided_slice %add3A_7 {offsets = [16384], sizes = [1024], strides = [1]} : vector<43008xf32> to vector<1024xf32>
    %add3A_1141 = arith.addf %slice3A_16, %slice3A_1140 : vector<1024xf32>
    %add3A_1142 = vector.broadcast %get3A_11 : f32 to vector<1024xf32>
    %add3A_1143 = arith.addf %add3A_1141, %add3A_1142 : vector<1024xf32>
    %div3A_1144 = vector.broadcast %get3A_15 : f32 to vector<1024xf32>
    %div3A_1145 = arith.divf %add3A_1143, %div3A_1144 : vector<1024xf32>
    %jit3A_1146 = arith.constant -7.500000e+01 : f32
    %jit3A_1147 = arith.constant 7.500000e+01 : f32
    %max3A_1148 = vector.broadcast %jit3A_1146 : f32 to vector<1024xf32>
    %max3A_1149 = arith.maximumf %max3A_1148, %div3A_1145 : vector<1024xf32>
    %min3A_1150 = vector.broadcast %jit3A_1147 : f32 to vector<1024xf32>
    %min3A_1151 = arith.minimumf %min3A_1150, %max3A_1149 : vector<1024xf32>
    %exp3A_1152 = math.exp %min3A_1151 : vector<1024xf32>
    %log1p3A_1153 = math.log1p %exp3A_1152 : vector<1024xf32>
    %mul3A_1154 = vector.broadcast %get3A_15 : f32 to vector<1024xf32>
    %mul3A_1155 = arith.mulf %mul3A_1154, %log1p3A_1153 : vector<1024xf32>
    %add3A_1156 = arith.addf %mul3A_1139, %mul3A_1155 : vector<1024xf32>
    %slice3A_1157 = vector.extract_strided_slice %add3A {offsets = [36864], sizes = [1024], strides = [1]} : vector<43008xf32> to vector<1024xf32>
    %add3A_1158 = arith.addf %slice3A_17, %slice3A_1157 : vector<1024xf32>
    %add3A_1159 = vector.broadcast %get3A_9 : f32 to vector<1024xf32>
    %add3A_1160 = arith.addf %add3A_1158, %add3A_1159 : vector<1024xf32>
    %div3A_1161 = vector.broadcast %get3A_13 : f32 to vector<1024xf32>
    %div3A_1162 = arith.divf %add3A_1160, %div3A_1161 : vector<1024xf32>
    %jit3A_1163 = arith.constant -7.500000e+01 : f32
    %jit3A_1164 = arith.constant 7.500000e+01 : f32
    %max3A_1165 = vector.broadcast %jit3A_1163 : f32 to vector<1024xf32>
    %max3A_1166 = arith.maximumf %max3A_1165, %div3A_1162 : vector<1024xf32>
    %min3A_1167 = vector.broadcast %jit3A_1164 : f32 to vector<1024xf32>
    %min3A_1168 = arith.minimumf %min3A_1167, %max3A_1166 : vector<1024xf32>
    %exp3A_1169 = math.exp %min3A_1168 : vector<1024xf32>
    %log1p3A_1170 = math.log1p %exp3A_1169 : vector<1024xf32>
    %mul3A_1171 = vector.broadcast %get3A_13 : f32 to vector<1024xf32>
    %mul3A_1172 = arith.mulf %mul3A_1171, %log1p3A_1170 : vector<1024xf32>
    %add3A_1173 = arith.addf %add3A_1156, %mul3A_1172 : vector<1024xf32>
    %slice3A_1174 = vector.extract_strided_slice %add3A_7 {offsets = [36864], sizes = [1024], strides = [1]} : vector<43008xf32> to vector<1024xf32>
    %add3A_1175 = arith.addf %slice3A_18, %slice3A_1174 : vector<1024xf32>
    %add3A_1176 = vector.broadcast %get3A_11 : f32 to vector<1024xf32>
    %add3A_1177 = arith.addf %add3A_1175, %add3A_1176 : vector<1024xf32>
    %div3A_1178 = vector.broadcast %get3A_15 : f32 to vector<1024xf32>
    %div3A_1179 = arith.divf %add3A_1177, %div3A_1178 : vector<1024xf32>
    %jit3A_1180 = arith.constant -7.500000e+01 : f32
    %jit3A_1181 = arith.constant 7.500000e+01 : f32
    %max3A_1182 = vector.broadcast %jit3A_1180 : f32 to vector<1024xf32>
    %max3A_1183 = arith.maximumf %max3A_1182, %div3A_1179 : vector<1024xf32>
    %min3A_1184 = vector.broadcast %jit3A_1181 : f32 to vector<1024xf32>
    %min3A_1185 = arith.minimumf %min3A_1184, %max3A_1183 : vector<1024xf32>
    %exp3A_1186 = math.exp %min3A_1185 : vector<1024xf32>
    %log1p3A_1187 = math.log1p %exp3A_1186 : vector<1024xf32>
    %mul3A_1188 = vector.broadcast %get3A_15 : f32 to vector<1024xf32>
    %mul3A_1189 = arith.mulf %mul3A_1188, %log1p3A_1187 : vector<1024xf32>
    %add3A_1190 = arith.addf %add3A_1173, %mul3A_1189 : vector<1024xf32>
    %reduce_sum3A_1191 = vector.shape_cast %add3A_1190 : vector<1024xf32> to vector<1x1024xf32>
    %reduce_sum3A_1192 = arith.constant dense<0.000000e+00> : vector<1xf32>
    %reduce_sum3A_1193 = vector.multi_reduction <add>, %reduce_sum3A_1191, %reduce_sum3A_1192 [1] : vector<1x1024xf32> to vector<1xf32>
    %reduce_sum3A_1194 = vector.shape_cast %reduce_sum3A_1193 : vector<1xf32> to vector<1x1xf32>
    %reduce_sum3A_1195 = vector.extract %reduce_sum3A_1194[0, 0] : f32 from vector<1x1xf32>
    %mul3A_1196 = arith.constant 5.000000e-02 : f32
    %mul3A_1197 = arith.mulf %reduce_sum3A_1195, %mul3A_1196 : f32
    %swap3A_1198 = arith.constant 0 : index
    %swap3A_1199 = arith.constant 14 : index
    %swap3A_1200 = memref.load %arg8[%swap3A_1198, %swap3A_1199] : memref<1x20xf32, #tpu.memory_space<smem>>
    memref.store %mul3A_1197, %arg8[%swap3A_1198, %swap3A_1199] : memref<1x20xf32, #tpu.memory_space<smem>>
    %slice3A_1201 = vector.extract_strided_slice %add3A {offsets = [17408], sizes = [1024], strides = [1]} : vector<43008xf32> to vector<1024xf32>
    %add3A_1202 = arith.addf %slice3A, %slice3A_1201 : vector<1024xf32>
    %add3A_1203 = vector.broadcast %get3A_9 : f32 to vector<1024xf32>
    %add3A_1204 = arith.addf %add3A_1202, %add3A_1203 : vector<1024xf32>
    %div3A_1205 = vector.broadcast %get3A_13 : f32 to vector<1024xf32>
    %div3A_1206 = arith.divf %add3A_1204, %div3A_1205 : vector<1024xf32>
    %jit3A_1207 = arith.constant -7.500000e+01 : f32
    %jit3A_1208 = arith.constant 7.500000e+01 : f32
    %max3A_1209 = vector.broadcast %jit3A_1207 : f32 to vector<1024xf32>
    %max3A_1210 = arith.maximumf %max3A_1209, %div3A_1206 : vector<1024xf32>
    %min3A_1211 = vector.broadcast %jit3A_1208 : f32 to vector<1024xf32>
    %min3A_1212 = arith.minimumf %min3A_1211, %max3A_1210 : vector<1024xf32>
    %exp3A_1213 = math.exp %min3A_1212 : vector<1024xf32>
    %log1p3A_1214 = math.log1p %exp3A_1213 : vector<1024xf32>
    %mul3A_1215 = vector.broadcast %get3A_13 : f32 to vector<1024xf32>
    %mul3A_1216 = arith.mulf %mul3A_1215, %log1p3A_1214 : vector<1024xf32>
    %slice3A_1217 = vector.extract_strided_slice %add3A_7 {offsets = [17408], sizes = [1024], strides = [1]} : vector<43008xf32> to vector<1024xf32>
    %add3A_1218 = arith.addf %slice3A_16, %slice3A_1217 : vector<1024xf32>
    %add3A_1219 = vector.broadcast %get3A_11 : f32 to vector<1024xf32>
    %add3A_1220 = arith.addf %add3A_1218, %add3A_1219 : vector<1024xf32>
    %div3A_1221 = vector.broadcast %get3A_15 : f32 to vector<1024xf32>
    %div3A_1222 = arith.divf %add3A_1220, %div3A_1221 : vector<1024xf32>
    %jit3A_1223 = arith.constant -7.500000e+01 : f32
    %jit3A_1224 = arith.constant 7.500000e+01 : f32
    %max3A_1225 = vector.broadcast %jit3A_1223 : f32 to vector<1024xf32>
    %max3A_1226 = arith.maximumf %max3A_1225, %div3A_1222 : vector<1024xf32>
    %min3A_1227 = vector.broadcast %jit3A_1224 : f32 to vector<1024xf32>
    %min3A_1228 = arith.minimumf %min3A_1227, %max3A_1226 : vector<1024xf32>
    %exp3A_1229 = math.exp %min3A_1228 : vector<1024xf32>
    %log1p3A_1230 = math.log1p %exp3A_1229 : vector<1024xf32>
    %mul3A_1231 = vector.broadcast %get3A_15 : f32 to vector<1024xf32>
    %mul3A_1232 = arith.mulf %mul3A_1231, %log1p3A_1230 : vector<1024xf32>
    %add3A_1233 = arith.addf %mul3A_1216, %mul3A_1232 : vector<1024xf32>
    %slice3A_1234 = vector.extract_strided_slice %add3A {offsets = [37888], sizes = [1024], strides = [1]} : vector<43008xf32> to vector<1024xf32>
    %add3A_1235 = arith.addf %slice3A_17, %slice3A_1234 : vector<1024xf32>
    %add3A_1236 = vector.broadcast %get3A_9 : f32 to vector<1024xf32>
    %add3A_1237 = arith.addf %add3A_1235, %add3A_1236 : vector<1024xf32>
    %div3A_1238 = vector.broadcast %get3A_13 : f32 to vector<1024xf32>
    %div3A_1239 = arith.divf %add3A_1237, %div3A_1238 : vector<1024xf32>
    %jit3A_1240 = arith.constant -7.500000e+01 : f32
    %jit3A_1241 = arith.constant 7.500000e+01 : f32
    %max3A_1242 = vector.broadcast %jit3A_1240 : f32 to vector<1024xf32>
    %max3A_1243 = arith.maximumf %max3A_1242, %div3A_1239 : vector<1024xf32>
    %min3A_1244 = vector.broadcast %jit3A_1241 : f32 to vector<1024xf32>
    %min3A_1245 = arith.minimumf %min3A_1244, %max3A_1243 : vector<1024xf32>
    %exp3A_1246 = math.exp %min3A_1245 : vector<1024xf32>
    %log1p3A_1247 = math.log1p %exp3A_1246 : vector<1024xf32>
    %mul3A_1248 = vector.broadcast %get3A_13 : f32 to vector<1024xf32>
    %mul3A_1249 = arith.mulf %mul3A_1248, %log1p3A_1247 : vector<1024xf32>
    %add3A_1250 = arith.addf %add3A_1233, %mul3A_1249 : vector<1024xf32>
    %slice3A_1251 = vector.extract_strided_slice %add3A_7 {offsets = [37888], sizes = [1024], strides = [1]} : vector<43008xf32> to vector<1024xf32>
    %add3A_1252 = arith.addf %slice3A_18, %slice3A_1251 : vector<1024xf32>
    %add3A_1253 = vector.broadcast %get3A_11 : f32 to vector<1024xf32>
    %add3A_1254 = arith.addf %add3A_1252, %add3A_1253 : vector<1024xf32>
    %div3A_1255 = vector.broadcast %get3A_15 : f32 to vector<1024xf32>
    %div3A_1256 = arith.divf %add3A_1254, %div3A_1255 : vector<1024xf32>
    %jit3A_1257 = arith.constant -7.500000e+01 : f32
    %jit3A_1258 = arith.constant 7.500000e+01 : f32
    %max3A_1259 = vector.broadcast %jit3A_1257 : f32 to vector<1024xf32>
    %max3A_1260 = arith.maximumf %max3A_1259, %div3A_1256 : vector<1024xf32>
    %min3A_1261 = vector.broadcast %jit3A_1258 : f32 to vector<1024xf32>
    %min3A_1262 = arith.minimumf %min3A_1261, %max3A_1260 : vector<1024xf32>
    %exp3A_1263 = math.exp %min3A_1262 : vector<1024xf32>
    %log1p3A_1264 = math.log1p %exp3A_1263 : vector<1024xf32>
    %mul3A_1265 = vector.broadcast %get3A_15 : f32 to vector<1024xf32>
    %mul3A_1266 = arith.mulf %mul3A_1265, %log1p3A_1264 : vector<1024xf32>
    %add3A_1267 = arith.addf %add3A_1250, %mul3A_1266 : vector<1024xf32>
    %reduce_sum3A_1268 = vector.shape_cast %add3A_1267 : vector<1024xf32> to vector<1x1024xf32>
    %reduce_sum3A_1269 = arith.constant dense<0.000000e+00> : vector<1xf32>
    %reduce_sum3A_1270 = vector.multi_reduction <add>, %reduce_sum3A_1268, %reduce_sum3A_1269 [1] : vector<1x1024xf32> to vector<1xf32>
    %reduce_sum3A_1271 = vector.shape_cast %reduce_sum3A_1270 : vector<1xf32> to vector<1x1xf32>
    %reduce_sum3A_1272 = vector.extract %reduce_sum3A_1271[0, 0] : f32 from vector<1x1xf32>
    %mul3A_1273 = arith.constant 5.000000e-02 : f32
    %mul3A_1274 = arith.mulf %reduce_sum3A_1272, %mul3A_1273 : f32
    %swap3A_1275 = arith.constant 0 : index
    %swap3A_1276 = arith.constant 15 : index
    %swap3A_1277 = memref.load %arg8[%swap3A_1275, %swap3A_1276] : memref<1x20xf32, #tpu.memory_space<smem>>
    memref.store %mul3A_1274, %arg8[%swap3A_1275, %swap3A_1276] : memref<1x20xf32, #tpu.memory_space<smem>>
    %slice3A_1278 = vector.extract_strided_slice %add3A {offsets = [18432], sizes = [1024], strides = [1]} : vector<43008xf32> to vector<1024xf32>
    %add3A_1279 = arith.addf %slice3A, %slice3A_1278 : vector<1024xf32>
    %add3A_1280 = vector.broadcast %get3A_9 : f32 to vector<1024xf32>
    %add3A_1281 = arith.addf %add3A_1279, %add3A_1280 : vector<1024xf32>
    %div3A_1282 = vector.broadcast %get3A_13 : f32 to vector<1024xf32>
    %div3A_1283 = arith.divf %add3A_1281, %div3A_1282 : vector<1024xf32>
    %jit3A_1284 = arith.constant -7.500000e+01 : f32
    %jit3A_1285 = arith.constant 7.500000e+01 : f32
    %max3A_1286 = vector.broadcast %jit3A_1284 : f32 to vector<1024xf32>
    %max3A_1287 = arith.maximumf %max3A_1286, %div3A_1283 : vector<1024xf32>
    %min3A_1288 = vector.broadcast %jit3A_1285 : f32 to vector<1024xf32>
    %min3A_1289 = arith.minimumf %min3A_1288, %max3A_1287 : vector<1024xf32>
    %exp3A_1290 = math.exp %min3A_1289 : vector<1024xf32>
    %log1p3A_1291 = math.log1p %exp3A_1290 : vector<1024xf32>
    %mul3A_1292 = vector.broadcast %get3A_13 : f32 to vector<1024xf32>
    %mul3A_1293 = arith.mulf %mul3A_1292, %log1p3A_1291 : vector<1024xf32>
    %slice3A_1294 = vector.extract_strided_slice %add3A_7 {offsets = [18432], sizes = [1024], strides = [1]} : vector<43008xf32> to vector<1024xf32>
    %add3A_1295 = arith.addf %slice3A_16, %slice3A_1294 : vector<1024xf32>
    %add3A_1296 = vector.broadcast %get3A_11 : f32 to vector<1024xf32>
    %add3A_1297 = arith.addf %add3A_1295, %add3A_1296 : vector<1024xf32>
    %div3A_1298 = vector.broadcast %get3A_15 : f32 to vector<1024xf32>
    %div3A_1299 = arith.divf %add3A_1297, %div3A_1298 : vector<1024xf32>
    %jit3A_1300 = arith.constant -7.500000e+01 : f32
    %jit3A_1301 = arith.constant 7.500000e+01 : f32
    %max3A_1302 = vector.broadcast %jit3A_1300 : f32 to vector<1024xf32>
    %max3A_1303 = arith.maximumf %max3A_1302, %div3A_1299 : vector<1024xf32>
    %min3A_1304 = vector.broadcast %jit3A_1301 : f32 to vector<1024xf32>
    %min3A_1305 = arith.minimumf %min3A_1304, %max3A_1303 : vector<1024xf32>
    %exp3A_1306 = math.exp %min3A_1305 : vector<1024xf32>
    %log1p3A_1307 = math.log1p %exp3A_1306 : vector<1024xf32>
    %mul3A_1308 = vector.broadcast %get3A_15 : f32 to vector<1024xf32>
    %mul3A_1309 = arith.mulf %mul3A_1308, %log1p3A_1307 : vector<1024xf32>
    %add3A_1310 = arith.addf %mul3A_1293, %mul3A_1309 : vector<1024xf32>
    %slice3A_1311 = vector.extract_strided_slice %add3A {offsets = [38912], sizes = [1024], strides = [1]} : vector<43008xf32> to vector<1024xf32>
    %add3A_1312 = arith.addf %slice3A_17, %slice3A_1311 : vector<1024xf32>
    %add3A_1313 = vector.broadcast %get3A_9 : f32 to vector<1024xf32>
    %add3A_1314 = arith.addf %add3A_1312, %add3A_1313 : vector<1024xf32>
    %div3A_1315 = vector.broadcast %get3A_13 : f32 to vector<1024xf32>
    %div3A_1316 = arith.divf %add3A_1314, %div3A_1315 : vector<1024xf32>
    %jit3A_1317 = arith.constant -7.500000e+01 : f32
    %jit3A_1318 = arith.constant 7.500000e+01 : f32
    %max3A_1319 = vector.broadcast %jit3A_1317 : f32 to vector<1024xf32>
    %max3A_1320 = arith.maximumf %max3A_1319, %div3A_1316 : vector<1024xf32>
    %min3A_1321 = vector.broadcast %jit3A_1318 : f32 to vector<1024xf32>
    %min3A_1322 = arith.minimumf %min3A_1321, %max3A_1320 : vector<1024xf32>
    %exp3A_1323 = math.exp %min3A_1322 : vector<1024xf32>
    %log1p3A_1324 = math.log1p %exp3A_1323 : vector<1024xf32>
    %mul3A_1325 = vector.broadcast %get3A_13 : f32 to vector<1024xf32>
    %mul3A_1326 = arith.mulf %mul3A_1325, %log1p3A_1324 : vector<1024xf32>
    %add3A_1327 = arith.addf %add3A_1310, %mul3A_1326 : vector<1024xf32>
    %slice3A_1328 = vector.extract_strided_slice %add3A_7 {offsets = [38912], sizes = [1024], strides = [1]} : vector<43008xf32> to vector<1024xf32>
    %add3A_1329 = arith.addf %slice3A_18, %slice3A_1328 : vector<1024xf32>
    %add3A_1330 = vector.broadcast %get3A_11 : f32 to vector<1024xf32>
    %add3A_1331 = arith.addf %add3A_1329, %add3A_1330 : vector<1024xf32>
    %div3A_1332 = vector.broadcast %get3A_15 : f32 to vector<1024xf32>
    %div3A_1333 = arith.divf %add3A_1331, %div3A_1332 : vector<1024xf32>
    %jit3A_1334 = arith.constant -7.500000e+01 : f32
    %jit3A_1335 = arith.constant 7.500000e+01 : f32
    %max3A_1336 = vector.broadcast %jit3A_1334 : f32 to vector<1024xf32>
    %max3A_1337 = arith.maximumf %max3A_1336, %div3A_1333 : vector<1024xf32>
    %min3A_1338 = vector.broadcast %jit3A_1335 : f32 to vector<1024xf32>
    %min3A_1339 = arith.minimumf %min3A_1338, %max3A_1337 : vector<1024xf32>
    %exp3A_1340 = math.exp %min3A_1339 : vector<1024xf32>
    %log1p3A_1341 = math.log1p %exp3A_1340 : vector<1024xf32>
    %mul3A_1342 = vector.broadcast %get3A_15 : f32 to vector<1024xf32>
    %mul3A_1343 = arith.mulf %mul3A_1342, %log1p3A_1341 : vector<1024xf32>
    %add3A_1344 = arith.addf %add3A_1327, %mul3A_1343 : vector<1024xf32>
    %reduce_sum3A_1345 = vector.shape_cast %add3A_1344 : vector<1024xf32> to vector<1x1024xf32>
    %reduce_sum3A_1346 = arith.constant dense<0.000000e+00> : vector<1xf32>
    %reduce_sum3A_1347 = vector.multi_reduction <add>, %reduce_sum3A_1345, %reduce_sum3A_1346 [1] : vector<1x1024xf32> to vector<1xf32>
    %reduce_sum3A_1348 = vector.shape_cast %reduce_sum3A_1347 : vector<1xf32> to vector<1x1xf32>
    %reduce_sum3A_1349 = vector.extract %reduce_sum3A_1348[0, 0] : f32 from vector<1x1xf32>
    %mul3A_1350 = arith.constant 5.000000e-02 : f32
    %mul3A_1351 = arith.mulf %reduce_sum3A_1349, %mul3A_1350 : f32
    %swap3A_1352 = arith.constant 0 : index
    %swap3A_1353 = arith.constant 16 : index
    %swap3A_1354 = memref.load %arg8[%swap3A_1352, %swap3A_1353] : memref<1x20xf32, #tpu.memory_space<smem>>
    memref.store %mul3A_1351, %arg8[%swap3A_1352, %swap3A_1353] : memref<1x20xf32, #tpu.memory_space<smem>>
    %slice3A_1355 = vector.extract_strided_slice %add3A {offsets = [19456], sizes = [1024], strides = [1]} : vector<43008xf32> to vector<1024xf32>
    %add3A_1356 = arith.addf %slice3A, %slice3A_1355 : vector<1024xf32>
    %add3A_1357 = vector.broadcast %get3A_9 : f32 to vector<1024xf32>
    %add3A_1358 = arith.addf %add3A_1356, %add3A_1357 : vector<1024xf32>
    %div3A_1359 = vector.broadcast %get3A_13 : f32 to vector<1024xf32>
    %div3A_1360 = arith.divf %add3A_1358, %div3A_1359 : vector<1024xf32>
    %jit3A_1361 = arith.constant -7.500000e+01 : f32
    %jit3A_1362 = arith.constant 7.500000e+01 : f32
    %max3A_1363 = vector.broadcast %jit3A_1361 : f32 to vector<1024xf32>
    %max3A_1364 = arith.maximumf %max3A_1363, %div3A_1360 : vector<1024xf32>
    %min3A_1365 = vector.broadcast %jit3A_1362 : f32 to vector<1024xf32>
    %min3A_1366 = arith.minimumf %min3A_1365, %max3A_1364 : vector<1024xf32>
    %exp3A_1367 = math.exp %min3A_1366 : vector<1024xf32>
    %log1p3A_1368 = math.log1p %exp3A_1367 : vector<1024xf32>
    %mul3A_1369 = vector.broadcast %get3A_13 : f32 to vector<1024xf32>
    %mul3A_1370 = arith.mulf %mul3A_1369, %log1p3A_1368 : vector<1024xf32>
    %slice3A_1371 = vector.extract_strided_slice %add3A_7 {offsets = [19456], sizes = [1024], strides = [1]} : vector<43008xf32> to vector<1024xf32>
    %add3A_1372 = arith.addf %slice3A_16, %slice3A_1371 : vector<1024xf32>
    %add3A_1373 = vector.broadcast %get3A_11 : f32 to vector<1024xf32>
    %add3A_1374 = arith.addf %add3A_1372, %add3A_1373 : vector<1024xf32>
    %div3A_1375 = vector.broadcast %get3A_15 : f32 to vector<1024xf32>
    %div3A_1376 = arith.divf %add3A_1374, %div3A_1375 : vector<1024xf32>
    %jit3A_1377 = arith.constant -7.500000e+01 : f32
    %jit3A_1378 = arith.constant 7.500000e+01 : f32
    %max3A_1379 = vector.broadcast %jit3A_1377 : f32 to vector<1024xf32>
    %max3A_1380 = arith.maximumf %max3A_1379, %div3A_1376 : vector<1024xf32>
    %min3A_1381 = vector.broadcast %jit3A_1378 : f32 to vector<1024xf32>
    %min3A_1382 = arith.minimumf %min3A_1381, %max3A_1380 : vector<1024xf32>
    %exp3A_1383 = math.exp %min3A_1382 : vector<1024xf32>
    %log1p3A_1384 = math.log1p %exp3A_1383 : vector<1024xf32>
    %mul3A_1385 = vector.broadcast %get3A_15 : f32 to vector<1024xf32>
    %mul3A_1386 = arith.mulf %mul3A_1385, %log1p3A_1384 : vector<1024xf32>
    %add3A_1387 = arith.addf %mul3A_1370, %mul3A_1386 : vector<1024xf32>
    %slice3A_1388 = vector.extract_strided_slice %add3A {offsets = [39936], sizes = [1024], strides = [1]} : vector<43008xf32> to vector<1024xf32>
    %add3A_1389 = arith.addf %slice3A_17, %slice3A_1388 : vector<1024xf32>
    %add3A_1390 = vector.broadcast %get3A_9 : f32 to vector<1024xf32>
    %add3A_1391 = arith.addf %add3A_1389, %add3A_1390 : vector<1024xf32>
    %div3A_1392 = vector.broadcast %get3A_13 : f32 to vector<1024xf32>
    %div3A_1393 = arith.divf %add3A_1391, %div3A_1392 : vector<1024xf32>
    %jit3A_1394 = arith.constant -7.500000e+01 : f32
    %jit3A_1395 = arith.constant 7.500000e+01 : f32
    %max3A_1396 = vector.broadcast %jit3A_1394 : f32 to vector<1024xf32>
    %max3A_1397 = arith.maximumf %max3A_1396, %div3A_1393 : vector<1024xf32>
    %min3A_1398 = vector.broadcast %jit3A_1395 : f32 to vector<1024xf32>
    %min3A_1399 = arith.minimumf %min3A_1398, %max3A_1397 : vector<1024xf32>
    %exp3A_1400 = math.exp %min3A_1399 : vector<1024xf32>
    %log1p3A_1401 = math.log1p %exp3A_1400 : vector<1024xf32>
    %mul3A_1402 = vector.broadcast %get3A_13 : f32 to vector<1024xf32>
    %mul3A_1403 = arith.mulf %mul3A_1402, %log1p3A_1401 : vector<1024xf32>
    %add3A_1404 = arith.addf %add3A_1387, %mul3A_1403 : vector<1024xf32>
    %slice3A_1405 = vector.extract_strided_slice %add3A_7 {offsets = [39936], sizes = [1024], strides = [1]} : vector<43008xf32> to vector<1024xf32>
    %add3A_1406 = arith.addf %slice3A_18, %slice3A_1405 : vector<1024xf32>
    %add3A_1407 = vector.broadcast %get3A_11 : f32 to vector<1024xf32>
    %add3A_1408 = arith.addf %add3A_1406, %add3A_1407 : vector<1024xf32>
    %div3A_1409 = vector.broadcast %get3A_15 : f32 to vector<1024xf32>
    %div3A_1410 = arith.divf %add3A_1408, %div3A_1409 : vector<1024xf32>
    %jit3A_1411 = arith.constant -7.500000e+01 : f32
    %jit3A_1412 = arith.constant 7.500000e+01 : f32
    %max3A_1413 = vector.broadcast %jit3A_1411 : f32 to vector<1024xf32>
    %max3A_1414 = arith.maximumf %max3A_1413, %div3A_1410 : vector<1024xf32>
    %min3A_1415 = vector.broadcast %jit3A_1412 : f32 to vector<1024xf32>
    %min3A_1416 = arith.minimumf %min3A_1415, %max3A_1414 : vector<1024xf32>
    %exp3A_1417 = math.exp %min3A_1416 : vector<1024xf32>
    %log1p3A_1418 = math.log1p %exp3A_1417 : vector<1024xf32>
    %mul3A_1419 = vector.broadcast %get3A_15 : f32 to vector<1024xf32>
    %mul3A_1420 = arith.mulf %mul3A_1419, %log1p3A_1418 : vector<1024xf32>
    %add3A_1421 = arith.addf %add3A_1404, %mul3A_1420 : vector<1024xf32>
    %reduce_sum3A_1422 = vector.shape_cast %add3A_1421 : vector<1024xf32> to vector<1x1024xf32>
    %reduce_sum3A_1423 = arith.constant dense<0.000000e+00> : vector<1xf32>
    %reduce_sum3A_1424 = vector.multi_reduction <add>, %reduce_sum3A_1422, %reduce_sum3A_1423 [1] : vector<1x1024xf32> to vector<1xf32>
    %reduce_sum3A_1425 = vector.shape_cast %reduce_sum3A_1424 : vector<1xf32> to vector<1x1xf32>
    %reduce_sum3A_1426 = vector.extract %reduce_sum3A_1425[0, 0] : f32 from vector<1x1xf32>
    %mul3A_1427 = arith.constant 5.000000e-02 : f32
    %mul3A_1428 = arith.mulf %reduce_sum3A_1426, %mul3A_1427 : f32
    %swap3A_1429 = arith.constant 0 : index
    %swap3A_1430 = arith.constant 17 : index
    %swap3A_1431 = memref.load %arg8[%swap3A_1429, %swap3A_1430] : memref<1x20xf32, #tpu.memory_space<smem>>
    memref.store %mul3A_1428, %arg8[%swap3A_1429, %swap3A_1430] : memref<1x20xf32, #tpu.memory_space<smem>>
    %slice3A_1432 = vector.extract_strided_slice %add3A {offsets = [20480], sizes = [1024], strides = [1]} : vector<43008xf32> to vector<1024xf32>
    %add3A_1433 = arith.addf %slice3A, %slice3A_1432 : vector<1024xf32>
    %add3A_1434 = vector.broadcast %get3A_9 : f32 to vector<1024xf32>
    %add3A_1435 = arith.addf %add3A_1433, %add3A_1434 : vector<1024xf32>
    %div3A_1436 = vector.broadcast %get3A_13 : f32 to vector<1024xf32>
    %div3A_1437 = arith.divf %add3A_1435, %div3A_1436 : vector<1024xf32>
    %jit3A_1438 = arith.constant -7.500000e+01 : f32
    %jit3A_1439 = arith.constant 7.500000e+01 : f32
    %max3A_1440 = vector.broadcast %jit3A_1438 : f32 to vector<1024xf32>
    %max3A_1441 = arith.maximumf %max3A_1440, %div3A_1437 : vector<1024xf32>
    %min3A_1442 = vector.broadcast %jit3A_1439 : f32 to vector<1024xf32>
    %min3A_1443 = arith.minimumf %min3A_1442, %max3A_1441 : vector<1024xf32>
    %exp3A_1444 = math.exp %min3A_1443 : vector<1024xf32>
    %log1p3A_1445 = math.log1p %exp3A_1444 : vector<1024xf32>
    %mul3A_1446 = vector.broadcast %get3A_13 : f32 to vector<1024xf32>
    %mul3A_1447 = arith.mulf %mul3A_1446, %log1p3A_1445 : vector<1024xf32>
    %slice3A_1448 = vector.extract_strided_slice %add3A_7 {offsets = [20480], sizes = [1024], strides = [1]} : vector<43008xf32> to vector<1024xf32>
    %add3A_1449 = arith.addf %slice3A_16, %slice3A_1448 : vector<1024xf32>
    %add3A_1450 = vector.broadcast %get3A_11 : f32 to vector<1024xf32>
    %add3A_1451 = arith.addf %add3A_1449, %add3A_1450 : vector<1024xf32>
    %div3A_1452 = vector.broadcast %get3A_15 : f32 to vector<1024xf32>
    %div3A_1453 = arith.divf %add3A_1451, %div3A_1452 : vector<1024xf32>
    %jit3A_1454 = arith.constant -7.500000e+01 : f32
    %jit3A_1455 = arith.constant 7.500000e+01 : f32
    %max3A_1456 = vector.broadcast %jit3A_1454 : f32 to vector<1024xf32>
    %max3A_1457 = arith.maximumf %max3A_1456, %div3A_1453 : vector<1024xf32>
    %min3A_1458 = vector.broadcast %jit3A_1455 : f32 to vector<1024xf32>
    %min3A_1459 = arith.minimumf %min3A_1458, %max3A_1457 : vector<1024xf32>
    %exp3A_1460 = math.exp %min3A_1459 : vector<1024xf32>
    %log1p3A_1461 = math.log1p %exp3A_1460 : vector<1024xf32>
    %mul3A_1462 = vector.broadcast %get3A_15 : f32 to vector<1024xf32>
    %mul3A_1463 = arith.mulf %mul3A_1462, %log1p3A_1461 : vector<1024xf32>
    %add3A_1464 = arith.addf %mul3A_1447, %mul3A_1463 : vector<1024xf32>
    %slice3A_1465 = vector.extract_strided_slice %add3A {offsets = [40960], sizes = [1024], strides = [1]} : vector<43008xf32> to vector<1024xf32>
    %add3A_1466 = arith.addf %slice3A_17, %slice3A_1465 : vector<1024xf32>
    %add3A_1467 = vector.broadcast %get3A_9 : f32 to vector<1024xf32>
    %add3A_1468 = arith.addf %add3A_1466, %add3A_1467 : vector<1024xf32>
    %div3A_1469 = vector.broadcast %get3A_13 : f32 to vector<1024xf32>
    %div3A_1470 = arith.divf %add3A_1468, %div3A_1469 : vector<1024xf32>
    %jit3A_1471 = arith.constant -7.500000e+01 : f32
    %jit3A_1472 = arith.constant 7.500000e+01 : f32
    %max3A_1473 = vector.broadcast %jit3A_1471 : f32 to vector<1024xf32>
    %max3A_1474 = arith.maximumf %max3A_1473, %div3A_1470 : vector<1024xf32>
    %min3A_1475 = vector.broadcast %jit3A_1472 : f32 to vector<1024xf32>
    %min3A_1476 = arith.minimumf %min3A_1475, %max3A_1474 : vector<1024xf32>
    %exp3A_1477 = math.exp %min3A_1476 : vector<1024xf32>
    %log1p3A_1478 = math.log1p %exp3A_1477 : vector<1024xf32>
    %mul3A_1479 = vector.broadcast %get3A_13 : f32 to vector<1024xf32>
    %mul3A_1480 = arith.mulf %mul3A_1479, %log1p3A_1478 : vector<1024xf32>
    %add3A_1481 = arith.addf %add3A_1464, %mul3A_1480 : vector<1024xf32>
    %slice3A_1482 = vector.extract_strided_slice %add3A_7 {offsets = [40960], sizes = [1024], strides = [1]} : vector<43008xf32> to vector<1024xf32>
    %add3A_1483 = arith.addf %slice3A_18, %slice3A_1482 : vector<1024xf32>
    %add3A_1484 = vector.broadcast %get3A_11 : f32 to vector<1024xf32>
    %add3A_1485 = arith.addf %add3A_1483, %add3A_1484 : vector<1024xf32>
    %div3A_1486 = vector.broadcast %get3A_15 : f32 to vector<1024xf32>
    %div3A_1487 = arith.divf %add3A_1485, %div3A_1486 : vector<1024xf32>
    %jit3A_1488 = arith.constant -7.500000e+01 : f32
    %jit3A_1489 = arith.constant 7.500000e+01 : f32
    %max3A_1490 = vector.broadcast %jit3A_1488 : f32 to vector<1024xf32>
    %max3A_1491 = arith.maximumf %max3A_1490, %div3A_1487 : vector<1024xf32>
    %min3A_1492 = vector.broadcast %jit3A_1489 : f32 to vector<1024xf32>
    %min3A_1493 = arith.minimumf %min3A_1492, %max3A_1491 : vector<1024xf32>
    %exp3A_1494 = math.exp %min3A_1493 : vector<1024xf32>
    %log1p3A_1495 = math.log1p %exp3A_1494 : vector<1024xf32>
    %mul3A_1496 = vector.broadcast %get3A_15 : f32 to vector<1024xf32>
    %mul3A_1497 = arith.mulf %mul3A_1496, %log1p3A_1495 : vector<1024xf32>
    %add3A_1498 = arith.addf %add3A_1481, %mul3A_1497 : vector<1024xf32>
    %reduce_sum3A_1499 = vector.shape_cast %add3A_1498 : vector<1024xf32> to vector<1x1024xf32>
    %reduce_sum3A_1500 = arith.constant dense<0.000000e+00> : vector<1xf32>
    %reduce_sum3A_1501 = vector.multi_reduction <add>, %reduce_sum3A_1499, %reduce_sum3A_1500 [1] : vector<1x1024xf32> to vector<1xf32>
    %reduce_sum3A_1502 = vector.shape_cast %reduce_sum3A_1501 : vector<1xf32> to vector<1x1xf32>
    %reduce_sum3A_1503 = vector.extract %reduce_sum3A_1502[0, 0] : f32 from vector<1x1xf32>
    %mul3A_1504 = arith.constant 5.000000e-02 : f32
    %mul3A_1505 = arith.mulf %reduce_sum3A_1503, %mul3A_1504 : f32
    %swap3A_1506 = arith.constant 0 : index
    %swap3A_1507 = arith.constant 18 : index
    %swap3A_1508 = memref.load %arg8[%swap3A_1506, %swap3A_1507] : memref<1x20xf32, #tpu.memory_space<smem>>
    memref.store %mul3A_1505, %arg8[%swap3A_1506, %swap3A_1507] : memref<1x20xf32, #tpu.memory_space<smem>>
    %slice3A_1509 = vector.extract_strided_slice %add3A {offsets = [21504], sizes = [1024], strides = [1]} : vector<43008xf32> to vector<1024xf32>
    %add3A_1510 = arith.addf %slice3A, %slice3A_1509 : vector<1024xf32>
    %add3A_1511 = vector.broadcast %get3A_9 : f32 to vector<1024xf32>
    %add3A_1512 = arith.addf %add3A_1510, %add3A_1511 : vector<1024xf32>
    %div3A_1513 = vector.broadcast %get3A_13 : f32 to vector<1024xf32>
    %div3A_1514 = arith.divf %add3A_1512, %div3A_1513 : vector<1024xf32>
    %jit3A_1515 = arith.constant -7.500000e+01 : f32
    %jit3A_1516 = arith.constant 7.500000e+01 : f32
    %max3A_1517 = vector.broadcast %jit3A_1515 : f32 to vector<1024xf32>
    %max3A_1518 = arith.maximumf %max3A_1517, %div3A_1514 : vector<1024xf32>
    %min3A_1519 = vector.broadcast %jit3A_1516 : f32 to vector<1024xf32>
    %min3A_1520 = arith.minimumf %min3A_1519, %max3A_1518 : vector<1024xf32>
    %exp3A_1521 = math.exp %min3A_1520 : vector<1024xf32>
    %log1p3A_1522 = math.log1p %exp3A_1521 : vector<1024xf32>
    %mul3A_1523 = vector.broadcast %get3A_13 : f32 to vector<1024xf32>
    %mul3A_1524 = arith.mulf %mul3A_1523, %log1p3A_1522 : vector<1024xf32>
    %slice3A_1525 = vector.extract_strided_slice %add3A_7 {offsets = [21504], sizes = [1024], strides = [1]} : vector<43008xf32> to vector<1024xf32>
    %add3A_1526 = arith.addf %slice3A_16, %slice3A_1525 : vector<1024xf32>
    %add3A_1527 = vector.broadcast %get3A_11 : f32 to vector<1024xf32>
    %add3A_1528 = arith.addf %add3A_1526, %add3A_1527 : vector<1024xf32>
    %div3A_1529 = vector.broadcast %get3A_15 : f32 to vector<1024xf32>
    %div3A_1530 = arith.divf %add3A_1528, %div3A_1529 : vector<1024xf32>
    %jit3A_1531 = arith.constant -7.500000e+01 : f32
    %jit3A_1532 = arith.constant 7.500000e+01 : f32
    %max3A_1533 = vector.broadcast %jit3A_1531 : f32 to vector<1024xf32>
    %max3A_1534 = arith.maximumf %max3A_1533, %div3A_1530 : vector<1024xf32>
    %min3A_1535 = vector.broadcast %jit3A_1532 : f32 to vector<1024xf32>
    %min3A_1536 = arith.minimumf %min3A_1535, %max3A_1534 : vector<1024xf32>
    %exp3A_1537 = math.exp %min3A_1536 : vector<1024xf32>
    %log1p3A_1538 = math.log1p %exp3A_1537 : vector<1024xf32>
    %mul3A_1539 = vector.broadcast %get3A_15 : f32 to vector<1024xf32>
    %mul3A_1540 = arith.mulf %mul3A_1539, %log1p3A_1538 : vector<1024xf32>
    %add3A_1541 = arith.addf %mul3A_1524, %mul3A_1540 : vector<1024xf32>
    %slice3A_1542 = vector.extract_strided_slice %add3A {offsets = [41984], sizes = [1024], strides = [1]} : vector<43008xf32> to vector<1024xf32>
    %add3A_1543 = arith.addf %slice3A_17, %slice3A_1542 : vector<1024xf32>
    %add3A_1544 = vector.broadcast %get3A_9 : f32 to vector<1024xf32>
    %add3A_1545 = arith.addf %add3A_1543, %add3A_1544 : vector<1024xf32>
    %div3A_1546 = vector.broadcast %get3A_13 : f32 to vector<1024xf32>
    %div3A_1547 = arith.divf %add3A_1545, %div3A_1546 : vector<1024xf32>
    %jit3A_1548 = arith.constant -7.500000e+01 : f32
    %jit3A_1549 = arith.constant 7.500000e+01 : f32
    %max3A_1550 = vector.broadcast %jit3A_1548 : f32 to vector<1024xf32>
    %max3A_1551 = arith.maximumf %max3A_1550, %div3A_1547 : vector<1024xf32>
    %min3A_1552 = vector.broadcast %jit3A_1549 : f32 to vector<1024xf32>
    %min3A_1553 = arith.minimumf %min3A_1552, %max3A_1551 : vector<1024xf32>
    %exp3A_1554 = math.exp %min3A_1553 : vector<1024xf32>
    %log1p3A_1555 = math.log1p %exp3A_1554 : vector<1024xf32>
    %mul3A_1556 = vector.broadcast %get3A_13 : f32 to vector<1024xf32>
    %mul3A_1557 = arith.mulf %mul3A_1556, %log1p3A_1555 : vector<1024xf32>
    %add3A_1558 = arith.addf %add3A_1541, %mul3A_1557 : vector<1024xf32>
    %slice3A_1559 = vector.extract_strided_slice %add3A_7 {offsets = [41984], sizes = [1024], strides = [1]} : vector<43008xf32> to vector<1024xf32>
    %add3A_1560 = arith.addf %slice3A_18, %slice3A_1559 : vector<1024xf32>
    %add3A_1561 = vector.broadcast %get3A_11 : f32 to vector<1024xf32>
    %add3A_1562 = arith.addf %add3A_1560, %add3A_1561 : vector<1024xf32>
    %div3A_1563 = vector.broadcast %get3A_15 : f32 to vector<1024xf32>
    %div3A_1564 = arith.divf %add3A_1562, %div3A_1563 : vector<1024xf32>
    %jit3A_1565 = arith.constant -7.500000e+01 : f32
    %jit3A_1566 = arith.constant 7.500000e+01 : f32
    %max3A_1567 = vector.broadcast %jit3A_1565 : f32 to vector<1024xf32>
    %max3A_1568 = arith.maximumf %max3A_1567, %div3A_1564 : vector<1024xf32>
    %min3A_1569 = vector.broadcast %jit3A_1566 : f32 to vector<1024xf32>
    %min3A_1570 = arith.minimumf %min3A_1569, %max3A_1568 : vector<1024xf32>
    %exp3A_1571 = math.exp %min3A_1570 : vector<1024xf32>
    %log1p3A_1572 = math.log1p %exp3A_1571 : vector<1024xf32>
    %mul3A_1573 = vector.broadcast %get3A_15 : f32 to vector<1024xf32>
    %mul3A_1574 = arith.mulf %mul3A_1573, %log1p3A_1572 : vector<1024xf32>
    %add3A_1575 = arith.addf %add3A_1558, %mul3A_1574 : vector<1024xf32>
    %reduce_sum3A_1576 = vector.shape_cast %add3A_1575 : vector<1024xf32> to vector<1x1024xf32>
    %reduce_sum3A_1577 = arith.constant dense<0.000000e+00> : vector<1xf32>
    %reduce_sum3A_1578 = vector.multi_reduction <add>, %reduce_sum3A_1576, %reduce_sum3A_1577 [1] : vector<1x1024xf32> to vector<1xf32>
    %reduce_sum3A_1579 = vector.shape_cast %reduce_sum3A_1578 : vector<1xf32> to vector<1x1xf32>
    %reduce_sum3A_1580 = vector.extract %reduce_sum3A_1579[0, 0] : f32 from vector<1x1xf32>
    %mul3A_1581 = arith.constant 5.000000e-02 : f32
    %mul3A_1582 = arith.mulf %reduce_sum3A_1580, %mul3A_1581 : f32
    %swap3A_1583 = arith.constant 0 : index
    %swap3A_1584 = arith.constant 19 : index
    %swap3A_1585 = memref.load %arg8[%swap3A_1583, %swap3A_1584] : memref<1x20xf32, #tpu.memory_space<smem>>
    memref.store %mul3A_1582, %arg8[%swap3A_1583, %swap3A_1584] : memref<1x20xf32, #tpu.memory_space<smem>>
    return
  }
}

</mosaic_0001>

<sc_bundles>
// kernel: kernel.5.cloned.1.call-start
scs
__scs_entry_jumppad:
0x0: {  	(pc) =	sbr.rel $0x88, $3  }
0x1: {  	(tag) =	ssettag $0x0;
	lr =	simm.s32 $0x1  }
0x2: {  	[smem:$0x3F98] =	sst lr;
	_ =	strace $0xD0000000  }
0x3: {  	_ = 	snop  }
0x4: {  	_ = 	snop  }
0x5: {  	_ = 	snop  }
0x6: {  	_ = 	snop  }
0x7: {  	_ = 	snop  }
__scs_overlays_trampoline_lowered:
0x8: {  	[smem:$0x3FA7] =	sst s0  }
0x9: {  	[smem:$0x3FA8] =	sst s1  }
0xa: {  	[smem:$0x3FA9] =	sst s2  }
0xb: {  	[smem:$0x3FAA] =	sst s3  }
0xc: {  	[smem:$0x3FAB] =	sst s4  }
0xd: {  	[smem:$0x3FAC] =	sst s5  }
0xe: {  	[smem:$0x3FAD] =	sst s6  }
0xf: {  	[smem:$0x3FAE] =	sst s7  }
0x10: {  	[smem:$0x3FAF] =	sst s8  }
0x11: {  	[smem:$0x3FB0] =	sst s9;
	s0 =	simm.s32 @!p0 $0x0  }
0x12: {  	s1 =	sld [smem:$0x3F96];
	s0 =	simm.s32 @p0 $0x1  }
0x13: {  	[smem:$0x3FB1] =	sst s0;
	s0 =	simm.s32 @!p1 $0x0  }
0x14: {  	s2 =	sld [smem:$0x3F95];
	s0 =	simm.s32 @p1 $0x1  }
0x15: {  	[smem:$0x3FB2] =	sst s0;
	s0 =	simm.s32 @!p2 $0x0  }
0x16: {  	s3 =	sld [smem:$0x3FDB];
	s0 =	simm.s32 @p2 $0x1  }
0x17: {  	s4 =	simm.s32 $0x1BF5;
	[smem:$0x3FB4] =	sst s0  }
0x18: {  	s0 =	sld [smem:$0x3F97];
	_ =	swait.ge [sflag:s4], $0x0  }
0x19: {  	s7 =	sld [smem:$0x3F98]  }
0x1a: {  	s8 =	sadd.s32 $0xFFFFE003, lr  }
0x1b: {  	s9 =	sadd.s32 $0xFFFFFEF7, lr;
	s5 =	simm.s32 $0xFFFFFFFF;
	p2 =	slt.u32 s8, $0xFFFFF086  }
0x1c: {  	p1 =	slt.u32 s9, $0xF7A;
	s5 =	simm.s32 @!p2 $0x0  }
0x1d: {  	s5 =	simm.s32 @p1 $0x1;
	p0 =	seq.s32 s7, s2  }
0x1e: {  	s7 =	smul.u32 @!p0 $0xF7A, s2;
	p2 =	seq.s32 @!p0 s5, $0x0  }
0x1f: {  	s9 =	smul.u32 $0xF7A, s1;
	s8 =	simm.s32 @!p0 $0x1BF5;
	p2 =	por !p2, p0  }
0x20: {  	[sflag:s8] =	ssyncset.s32 @!p0 $0xFFFFF086;
	s6 =	sadd.s32 @!p0 s3, s7;
	s7 =	simm.s32 @!p0 $0x108  }
0x21: {  	s3 =	sadd.s32 s3, s9;
	s6 =	sadd.s32 @!p0 $0x88, s6;
	s7 =	simm.s32 @p2 $0x1082  }
0x22: {  	[simem:s7], [sflag:s8] =	dma.local @!p0 [hbm:s6], $0xF7A  }
0x23: {  	s9 =	sor.u32 $0xD0000000, s2;
	s6 =	simm.s32 $0x108;
	_ =	swait.ge @!p0 [sflag:s8], $0x0  }
0x24: {  	s3 =	sadd.s32 $0x88, s3;
	s6 =	simm.s32 @!p1 $0x1082;
	[sflag:s4] =	ssyncset.s32 $0xFFFFF086  }
0x25: {  	[simem:s6], [sflag:s4] =	dma.local [hbm:s3], $0xF7A  }
0x26: {  	[smem:$0x3F98] =	sst s1;
	(tag) =	ssettag s2;
	_ =	strace s9  }
0x27: {  	s1 =	sld [smem:$0x3FA8]  }
0x28: {  	s2 =	sld [smem:$0x3FA9]  }
0x29: {  	s4 =	sld [smem:$0x3FAB]  }
0x2a: {  	p0 =	seq.s32 s5, $0x0;
	s5 =	sld [smem:$0x3FAC]  }
0x2b: {  	s6 =	sld [smem:$0x3FAD]  }
0x2c: {  	s7 =	sld [smem:$0x3FAE]  }
0x2d: {  	s3 =	simm.s32 $0x108;
	s8 =	sld [smem:$0x3FAF]  }
0x2e: {  	s3 =	simm.s32 @!p0 $0x1082;
	s9 =	sld [smem:$0x3FB0]  }
0x2f: {  	lr =	sadd.s32 s0, s3;
	s0 =	sld [smem:$0x3FA7]  }
0x30: {  	s3 =	sld [smem:$0x3FAA]  }
0x31: {  	[smem:$0x3FB3] =	sst s10  }
0x32: {  	s10 =	sld [smem:$0x3FB1];
	_ =	sdelay $0x3  }
0x33: {  	p0 =	seq.s32 s10, $0x1;
	s10 =	sld [smem:$0x3FB3];
	_ =	sdelay $0x3  }
0x34: {  	[smem:$0x3FB3] =	sst s10  }
0x35: {  	s10 =	sld [smem:$0x3FB2];
	_ =	sdelay $0x3  }
0x36: {  	p1 =	seq.s32 s10, $0x1;
	s10 =	sld [smem:$0x3FB3];
	_ =	sdelay $0x3  }
0x37: {  	[smem:$0x3FB3] =	sst s10  }
0x38: {  	s10 =	sld [smem:$0x3FB4]  }
0x39: {  	_ = 	snop;
	(pc) =	sbr.ind lr, $3  }
0x3a: {  	_ = 	snop  }
0x3b: {  	_ = 	snop  }
0x3c: {  	p2 =	seq.s32 s10, $0x1;
	s10 =	sld [smem:$0x3FB3]  }
0x3d: {  	_ =	shalt  }
0x3e: {  	_ =	shalt  }
0x3f: {  	_ =	shalt  }
0x40: {  	_ =	shalt  }
0x41: {  	_ =	shalt  }
0x42: {  	_ =	shalt  }
0x43: {  	_ =	shalt  }
0x44: {  	_ =	shalt  }
0x45: {  	_ =	shalt  }
0x46: {  	_ =	shalt  }
0x47: {  	_ =	shalt  }
0x48: {  	_ =	shalt  }
0x49: {  	_ =	shalt  }
0x4a: {  	_ =	shalt  }
0x4b: {  	_ =	shalt  }
0x4c: {  	_ =	shalt  }
0x4d: {  	_ =	shalt  }
0x4e: {  	_ =	shalt  }
0x4f: {  	_ =	shalt  }
0x50: {  	_ =	shalt  }
0x51: {  	_ =	shalt  }
0x52: {  	_ =	shalt  }
0x53: {  	_ =	shalt  }
0x54: {  	_ =	shalt  }
0x55: {  	_ =	shalt  }
0x56: {  	_ =	shalt  }
0x57: {  	_ =	shalt  }
0x58: {  	_ =	shalt  }
0x59: {  	_ =	shalt  }
0x5a: {  	_ =	shalt  }
0x5b: {  	_ =	shalt  }
0x5c: {  	_ =	shalt  }
0x5d: {  	_ =	shalt  }
0x5e: {  	_ =	shalt  }
0x5f: {  	_ =	shalt  }
0x60: {  	_ =	shalt  }
0x61: {  	_ =	shalt  }
0x62: {  	_ =	shalt  }
0x63: {  	_ =	shalt  }
0x64: {  	_ =	shalt  }
0x65: {  	_ =	shalt  }
0x66: {  	_ =	shalt  }
0x67: {  	_ =	shalt  }
0x68: {  	_ =	shalt  }
0x69: {  	_ =	shalt  }
0x6a: {  	_ =	shalt  }
0x6b: {  	_ =	shalt  }
0x6c: {  	_ =	shalt  }
0x6d: {  	_ =	shalt  }
0x6e: {  	_ =	shalt  }
0x6f: {  	_ =	shalt  }
0x70: {  	_ =	shalt  }
0x71: {  	_ =	shalt  }
0x72: {  	_ =	shalt  }
0x73: {  	_ =	shalt  }
0x74: {  	_ =	shalt  }
0x75: {  	_ =	shalt  }
0x76: {  	_ =	shalt  }
0x77: {  	_ =	shalt  }
0x78: {  	_ =	shalt  }
0x79: {  	_ =	shalt  }
0x7a: {  	_ =	shalt  }
0x7b: {  	_ =	shalt  }
0x7c: {  	_ =	shalt  }
0x7d: {  	_ =	shalt  }
0x7e: {  	_ =	shalt  }
0x7f: {  	_ =	shalt  }
0x80: {  	_ =	shalt  }
0x81: {  	_ =	shalt  }
0x82: {  	_ =	shalt  }
0x83: {  	_ =	shalt  }
0x84: {  	_ =	shalt  }
0x85: {  	_ =	shalt  }
0x86: {  	_ =	shalt  }
0x87: {  	_ =	shalt  }
.Lfunc_end0:
.L_simem_size_0:
called_computation_lowered:
.L_overlay_start_0:
0x88: {  	s2 =	sld [smem:$0x3FD9]  }
0x89: {  	s3 =	sld [smem:$0x3FFE];
	_ =	sdelay $0x1  }
0x8a: {  	s1 =	srdreg.scid  }
0x8b: {  	s0 =	sand.u32 $0x1, s1  }
0x8c: {  	s16 =	sshll.u32 s0, $0xA;
	s2 =	sadd.s32 s3, s2  }
0x8d: {  	s2 =	sadd.s32 s2, s16  }
0x8e: {  	[smem:$0x3FBF] =	sst s2  }
0x8f: {  	_ = 	snop  }
0x90: {  	(tm) =	ssettm $0x1  }
0x91: {  	s17 =	sld [smem:$0x3FFB];
	_ =	sdelay $0x3  }
0x92: {  	_ =	strace s17  }
0x93: {  	s2 =	sld [smem:$0x3FFC];
	_ =	sdelay $0x3  }
0x94: {  	_ =	strace s2  }
0x95: {  	s2 =	sld [smem:$0x3FFD];
	_ =	sdelay $0x3  }
0x96: {  	_ =	strace s2  }
0x97: {  	_ =	strace $0x8FFFFFFF  }
0x98: {  	s18 =	sld [smem:$0x3FDB];
	_ =	sdelay $0x1  }
0x99: {  	s19 =	simm.s32 $_scs_section_size  }
0x9a: {  	s4 =	simm.s32 $_size__tile_overlayer_lowered;
	s5 =	simm.s32 $_tile_overlayer_lowered  }
0x9b: {  	s22 =	simm.s32 $0x1BFF;
	s21 =	sshll.u32 s5, $0x1;
	s2 =	sadd.s32 s19, s18  }
0x9c: {  	s6 =	simm.s32 $0x0;
	s20 =	sshll.u32 s4, $0x1;
	s4 =	sadd.s32 s21, s2  }
0x9d: {  	[timem:s6], [sflag:s22] =	dma.local [hbm:s4], s20  }
0x9e: {  	_ =	swait.ge [sflag:s22], s20  }
0x9f: {  	s3 =	ssub.s32 $0x0, s20;
	[sflag:s22] =	ssyncset.done $0x0  }
0xa0: {  	[sflag:s22] =	ssyncadd.s32 s3;
	_ =	sdelay $0x1  }
0xa1: {  	s23 =	simm.s32 $0x1B8B  }
0xa2: {  	_ =	swait.ge [sflag:s23], $0x1  }
0xa3: {  	[sflag:s23] =	ssyncset.done $0x0  }
0xa4: {  	s25 =	simm.s32 $0x1B8E;
	s24 =	sld [smem:$0x3FFE];
	[sflag:s23] =	ssyncadd.s32 $0xFFFFFFFF  }
0xa5: {  	s26 =	simm.s32 $execute0_lowered;
	[smem:$0x3FD2] =	sst s25  }
0xa6: {  	s4 =	sshll.u32 s26, $0x1;
	_ =	strace $0x80000046;
	[dreg:$0x1] =	wrdreg $0xFFFFFFFF  }
0xa7: {  	s28 =	simm.s32 $_size_execute0_lowered;
	s2 =	sadd.s32 s2, s4;
	[dreg:$0x0] =	wrdreg $0x0  }
0xa8: {  	s4 =	sshll.u32 s28, $0x1;
	[dreg:$0x2] =	wrdreg s2  }
0xa9: {  	[dreg:$0x3] =	wrdreg s4  }
0xaa: {  	[dreg:$0x4] =	wrdreg $0xC0  }
0xab: {  	_ =	task [dreg:s6], $0x5FFFF  }
0xac: {  	[dreg:$0x1] =	wrdreg $0xFFFFFFFF  }
0xad: {  	[dreg:$0x0] =	wrdreg $0x60  }
0xae: {  	[dreg:$0x2] =	wrdreg s24  }
0xaf: {  	[dreg:$0x3] =	wrdreg $0x9  }
0xb0: {  	_ =	task.clear_ibuf [dreg:s6], $0x4FFFF;
	_ =	strace $0x90000046  }
0xb1: {  	s29 =	simm.s32 $0x9;
	_ =	strace $0x80000048  }
0xb2: {  	_ =	swait.ge [sflag:s29], $0x1  }
0xb3: {  	[sflag:s29] =	ssyncadd.s32 $0xFFFFFFFF  }
0xb4: {  	_ =	strace $0x90000048  }
0xb5: {  	_ =	sfence  }
0xb6: {  	s30 =	sld [smem:$0x0];
	_ =	sdelay $0x2  }
0xb7: {  	s31 =	sshll.u32 s1, $0xD;
	s1 =	sshrl.u32 s1, $0x2  }
0xb8: {  	s3 =	sand.u32 $0x4000, s31;
	s1 =	sadd.s32 s1, s30  }
0xb9: {  	s0 =	sor.u32 s3, s0;
	s1 =	sshll.u32 s1, $0x11  }
0xba: {  	s0 =	sor.u32 s1, s0  }
0xbb: {  	s0 =	sadd.s32 $0x8F2B, s0  }
0xbc: {  	[sflag:s0] =	ssyncadd.remote.s32 $0x1  }
0xbd: {  	_ =	sfence.sel $0xFFFF  }
0xbe: {  	[dreg:$0x0] =	wrdreg $0xFFFFFFFF;
	(pc) =	sbr.abs _section_cstart, $3  }
0xbf: {  	[dreg:$0x1] =	wrdreg $0xFFFFFFFF  }
0xc0: {  	_ =	task.clear_ibuf [dreg:s6], $0x2FFFF;
	_ =	strace $0x9FFFFFFF  }
0xc1: {  	(tm) =	ssettm $0x7FFFFFFF  }
tec
execute0_lowered:
.L_overlay_start_1:
0x0: {  	(tag) =	ssettag $0x1  }
0x1: {  	s1 =	srdreg.scid;
	s0 =	stileid.u32  }
0x2: {  	s3 =	rddreg [dreg:$0x0];
	s5 =	simm.s32 $0x186A;
	s6 =	simm.s32 $0xA800  }
0x3: {  	s12 =	simm.s32 $0x1;
	s11 =	sand.u32 $0x1, s1;
	s2 =	sand.u32 $0x1, s0  }
0x4: {  	s4 =	sshrl.u32 s0, $0x1;
	s1 =	sor.u32 s11, s0;
	p0 =	seq.s32 s11, $0x1  }
0x5: {  	p2 =	seq.s32 s2, $0x1;
	s2 =	simm.s32 $0x0;
	s4 =	smul.u32 $0x1500, s4  }
0x6: {  	s7 =	ssub.s32 $0x2, s11;
	p5 =	seq.s32 s11, $0x0;
	p1 =	seq.s32 s1, $0x0  }
0x7: {  	s1 =	rddreg [dreg:$0x1];
	p4 =	por !p2, !p2;
	p1 =	por !p1, !p0  }
0x8: {  	[smem:$0x7FF] =	sst s2;
	s8 =	sshrl.u32 s7, $0x1;
	p1 =	por !p1, !p1  }
0x9: {  	_ =	strace $0x80000047;
	s10 =	ssub.s32 s7, s8;
	p4 =	por @!p1 p2, p2  }
0xa: {  	s10 =	smax.u32 s10, $0x1;
	s5 =	simm.s32 @!p4 $0x0;
	s6 =	simm.s32 @!p4 $0x0  }
0xb: {  	p3 =	por !p4, !p4;
	p2 =	por !p5, !p4;
	p4 =	por !p4, !p0  }
0xc: {  	s5 =	sadd.s32 s5, s3;
	s6 =	sadd.s32 s4, s6;
	s4 =	sshrl.u32 s4, $0x3  }
0xd: {  	p6 =	por !p5, !p3;
	p2 =	por !p2, !p2;
	p3 =	por !p0, !p3  }
0xe: {  	p4 =	por !p4, !p4;
	p5 =	sne.s32 s11, $0x0;
	s11 =	simm.s32 $0xC360  }
0xf: {  	s6 =	sshrl.u32 s6, $0x3;
	s9 =	sadd.s32 s4, s3;
	s4 =	sadd.s32 $0x4E00, s5  }
0x10: {  	s5 =	sadd.s32 $0x8000, s5;
	p1 =	por !p6, !p6;
	p3 =	por !p3, !p3  }
0x11: {  	s6 =	sadd.s32 s6, s3;
	s7 =	sadd.s32 $0xC800, s9;
	s8 =	sadd.s32 $0xDE00, s9  }
0x12: {  	v0 =	vimm.f32 $0.0e+00;
	s3 =	sadd.s32 $0x2400, s6;
	s6 =	sadd.s32 $0xB200, s9;
	s9 =	sadd.s32 $0xF400, s9  }
.LBB2_1:
0x13: {  	[tilespmem:s11], [sflag:$0x1] =	stream.linear.gather [hbm4b:s3+s2], $0x1500, $0x38;
	[tilespmem:$0xED60] =	vst v63  }
0x14: {  	_ =	swait.ge [sflag:s12], $0x1500  }
0x15: {  	[sflag:s12] =	ssyncset.done $0x0  }
0x16: {  	s13 =	simm.s32 @!p5 $0x0;
	[sflag:s12] =	ssyncadd.s32 $0xFFFFEB00  }
0x17: {  	[tilespmem:s13], [sflag:$0x1] =	stream.linear.gather @!p5 [hbm4b:s4+s13], $0xC350, $0x38;
	[tilespmem:$0xED60] =	vst v63  }
0x18: {  	s13 =	simm.s32 @!p5 $0x1  }
0x19: {  	_ =	swait.ge @!p5 [sflag:s13], $0xC350  }
0x1a: {  	[sflag:s13] =	ssyncset.done @!p5 $0x0  }
0x1b: {  	[sflag:s13] =	ssyncadd.s32 @!p5 $0xFFFF3CB0;
	s13 =	simm.s32 @p0 $0x0  }
0x1c: {  	[tilespmem:s13], [sflag:$0x1] =	stream.linear.gather @p0 [hbm4b:s5+s13], $0xC350, $0x38;
	[tilespmem:$0xED60] =	vst v63  }
0x1d: {  	s13 =	simm.s32 @p0 $0x1  }
0x1e: {  	_ =	swait.ge @p0 [sflag:s13], $0xC350  }
0x1f: {  	[sflag:s13] =	ssyncset.done @p0 $0x0  }
0x20: {  	[sflag:s13] =	ssyncadd.s32 @p0 $0xFFFF3CB0  }
0x21: {  	v1 =	vld [tilespmem:$0xC360];
	_ =	sdelay $0x5  }
0x22: {  	v2 =	vld [tilespmem:$0xC370]  }
0x23: {  	[tilespmem:$0xC350] =	vst v0  }
0x24: {  	v1 =	vld.idx.msk [tilespmem:v1+s2+$0x0], $0xffff;
	_ =	sdelay $0x3  }
0x25: {  	v3 =	vld [tilespmem:$0xC380]  }
0x26: {  	[tilespmem:$0xD860] =	vst v1  }
0x27: {  	v1 =	vld.idx.msk [tilespmem:v2+s2+$0x0], $0xffff;
	_ =	sdelay $0x3  }
0x28: {  	v2 =	vld [tilespmem:$0xC390]  }
0x29: {  	[tilespmem:$0xD870] =	vst v1  }
0x2a: {  	v1 =	vld.idx.msk [tilespmem:v3+s2+$0x0], $0xffff;
	_ =	sdelay $0x3  }
0x2b: {  	v3 =	vld [tilespmem:$0xC3A0]  }
0x2c: {  	[tilespmem:$0xD880] =	vst v1  }
0x2d: {  	v1 =	vld.idx.msk [tilespmem:v2+s2+$0x0], $0xffff;
	_ =	sdelay $0x3  }
0x2e: {  	v2 =	vld [tilespmem:$0xC3B0]  }
0x2f: {  	[tilespmem:$0xD890] =	vst v1  }
0x30: {  	v1 =	vld.idx.msk [tilespmem:v3+s2+$0x0], $0xffff;
	_ =	sdelay $0x3  }
0x31: {  	v3 =	vld [tilespmem:$0xC3C0]  }
0x32: {  	[tilespmem:$0xD8A0] =	vst v1  }
0x33: {  	v1 =	vld.idx.msk [tilespmem:v2+s2+$0x0], $0xffff;
	_ =	sdelay $0x4  }
0x34: {  	[tilespmem:$0xD8B0] =	vst v1  }
0x35: {  	v1 =	vld.idx.msk [tilespmem:v3+s2+$0x0], $0xffff;
	_ =	sdelay $0x4  }
0x36: {  	[tilespmem:$0xD8C0] =	vst v1  }
0x37: {  	v1 =	vld [tilespmem:$0xC3D0];
	_ =	sdelay $0x5  }
0x38: {  	v2 =	vld [tilespmem:$0xC3E0];
	_ =	sdelay $0x1  }
0x39: {  	v1 =	vld.idx.msk [tilespmem:v1+s2+$0x0], $0xffff;
	_ =	sdelay $0x3  }
0x3a: {  	v3 =	vld [tilespmem:$0xC3F0]  }
0x3b: {  	[tilespmem:$0xD8D0] =	vst v1  }
0x3c: {  	v1 =	vld.idx.msk [tilespmem:v2+s2+$0x0], $0xffff;
	_ =	sdelay $0x3  }
0x3d: {  	v2 =	vld [tilespmem:$0xC400]  }
0x3e: {  	[tilespmem:$0xD8E0] =	vst v1  }
0x3f: {  	v1 =	vld.idx.msk [tilespmem:v3+s2+$0x0], $0xffff;
	_ =	sdelay $0x3  }
0x40: {  	v3 =	vld [tilespmem:$0xC410]  }
0x41: {  	[tilespmem:$0xD8F0] =	vst v1  }
0x42: {  	v1 =	vld.idx.msk [tilespmem:v2+s2+$0x0], $0xffff;
	_ =	sdelay $0x3  }
0x43: {  	v2 =	vld [tilespmem:$0xC420]  }
0x44: {  	[tilespmem:$0xD900] =	vst v1  }
0x45: {  	v1 =	vld.idx.msk [tilespmem:v3+s2+$0x0], $0xffff;
	_ =	sdelay $0x3  }
0x46: {  	v3 =	vld [tilespmem:$0xC430]  }
0x47: {  	[tilespmem:$0xD910] =	vst v1  }
0x48: {  	v1 =	vld.idx.msk [tilespmem:v2+s2+$0x0], $0xffff;
	_ =	sdelay $0x3  }
0x49: {  	v2 =	vld [tilespmem:$0xC440]  }
0x4a: {  	[tilespmem:$0xD920] =	vst v1  }
0x4b: {  	v1 =	vld.idx.msk [tilespmem:v3+s2+$0x0], $0xffff;
	_ =	sdelay $0x3  }
0x4c: {  	v3 =	vld [tilespmem:$0xC450]  }
0x4d: {  	[tilespmem:$0xD930] =	vst v1  }
0x4e: {  	v1 =	vld.idx.msk [tilespmem:v2+s2+$0x0], $0xffff;
	_ =	sdelay $0x3  }
0x4f: {  	v2 =	vld [tilespmem:$0xC460]  }
0x50: {  	[tilespmem:$0xD940] =	vst v1  }
0x51: {  	v1 =	vld.idx.msk [tilespmem:v3+s2+$0x0], $0xffff;
	_ =	sdelay $0x3  }
0x52: {  	v3 =	vld [tilespmem:$0xC470]  }
0x53: {  	[tilespmem:$0xD950] =	vst v1  }
0x54: {  	v1 =	vld.idx.msk [tilespmem:v2+s2+$0x0], $0xffff;
	_ =	sdelay $0x3  }
0x55: {  	v2 =	vld [tilespmem:$0xC480]  }
0x56: {  	[tilespmem:$0xD960] =	vst v1  }
0x57: {  	v1 =	vld.idx.msk [tilespmem:v3+s2+$0x0], $0xffff;
	_ =	sdelay $0x3  }
0x58: {  	v3 =	vld [tilespmem:$0xC490]  }
0x59: {  	[tilespmem:$0xD970] =	vst v1  }
0x5a: {  	v1 =	vld.idx.msk [tilespmem:v2+s2+$0x0], $0xffff;
	_ =	sdelay $0x3  }
0x5b: {  	v2 =	vld [tilespmem:$0xC4A0]  }
0x5c: {  	[tilespmem:$0xD980] =	vst v1  }
0x5d: {  	v1 =	vld.idx.msk [tilespmem:v3+s2+$0x0], $0xffff;
	_ =	sdelay $0x3  }
0x5e: {  	v3 =	vld [tilespmem:$0xC4B0]  }
0x5f: {  	[tilespmem:$0xD990] =	vst v1  }
0x60: {  	v1 =	vld.idx.msk [tilespmem:v2+s2+$0x0], $0xffff;
	_ =	sdelay $0x3  }
0x61: {  	v2 =	vld [tilespmem:$0xC4C0]  }
0x62: {  	[tilespmem:$0xD9A0] =	vst v1  }
0x63: {  	v1 =	vld.idx.msk [tilespmem:v3+s2+$0x0], $0xffff;
	_ =	sdelay $0x3  }
0x64: {  	v3 =	vld [tilespmem:$0xC4D0]  }
0x65: {  	[tilespmem:$0xD9B0] =	vst v1  }
0x66: {  	v1 =	vld.idx.msk [tilespmem:v2+s2+$0x0], $0xffff;
	_ =	sdelay $0x3  }
0x67: {  	v2 =	vld [tilespmem:$0xC4E0]  }
0x68: {  	[tilespmem:$0xD9C0] =	vst v1  }
0x69: {  	v1 =	vld.idx.msk [tilespmem:v3+s2+$0x0], $0xffff;
	_ =	sdelay $0x3  }
0x6a: {  	v3 =	vld [tilespmem:$0xC4F0]  }
0x6b: {  	[tilespmem:$0xD9D0] =	vst v1  }
0x6c: {  	v1 =	vld.idx.msk [tilespmem:v2+s2+$0x0], $0xffff;
	_ =	sdelay $0x3  }
0x6d: {  	v2 =	vld [tilespmem:$0xC500]  }
0x6e: {  	[tilespmem:$0xD9E0] =	vst v1  }
0x6f: {  	v1 =	vld.idx.msk [tilespmem:v3+s2+$0x0], $0xffff;
	_ =	sdelay $0x3  }
0x70: {  	v3 =	vld [tilespmem:$0xC510]  }
0x71: {  	[tilespmem:$0xD9F0] =	vst v1  }
0x72: {  	v1 =	vld.idx.msk [tilespmem:v2+s2+$0x0], $0xffff;
	_ =	sdelay $0x3  }
0x73: {  	v2 =	vld [tilespmem:$0xC520]  }
0x74: {  	[tilespmem:$0xDA00] =	vst v1  }
0x75: {  	v1 =	vld.idx.msk [tilespmem:v3+s2+$0x0], $0xffff;
	_ =	sdelay $0x3  }
0x76: {  	v3 =	vld [tilespmem:$0xC530]  }
0x77: {  	[tilespmem:$0xDA10] =	vst v1  }
0x78: {  	v1 =	vld.idx.msk [tilespmem:v2+s2+$0x0], $0xffff;
	_ =	sdelay $0x3  }
0x79: {  	v2 =	vld [tilespmem:$0xC540]  }
0x7a: {  	[tilespmem:$0xDA20] =	vst v1  }
0x7b: {  	v1 =	vld.idx.msk [tilespmem:v3+s2+$0x0], $0xffff;
	_ =	sdelay $0x3  }
0x7c: {  	v3 =	vld [tilespmem:$0xC550]  }
0x7d: {  	[tilespmem:$0xDA30] =	vst v1  }
0x7e: {  	v1 =	vld.idx.msk [tilespmem:v2+s2+$0x0], $0xffff;
	_ =	sdelay $0x3  }
0x7f: {  	v2 =	vld [tilespmem:$0xC560]  }
0x80: {  	[tilespmem:$0xDA40] =	vst v1  }
0x81: {  	v1 =	vld.idx.msk [tilespmem:v3+s2+$0x0], $0xffff;
	_ =	sdelay $0x3  }
0x82: {  	v3 =	vld [tilespmem:$0xC570]  }
0x83: {  	[tilespmem:$0xDA50] =	vst v1  }
0x84: {  	v1 =	vld.idx.msk [tilespmem:v2+s2+$0x0], $0xffff;
	_ =	sdelay $0x3  }
0x85: {  	v2 =	vld [tilespmem:$0xC580]  }
0x86: {  	[tilespmem:$0xDA60] =	vst v1  }
0x87: {  	v1 =	vld.idx.msk [tilespmem:v3+s2+$0x0], $0xffff;
	_ =	sdelay $0x3  }
0x88: {  	v3 =	vld [tilespmem:$0xC590]  }
0x89: {  	[tilespmem:$0xDA70] =	vst v1  }
0x8a: {  	v1 =	vld.idx.msk [tilespmem:v2+s2+$0x0], $0xffff;
	_ =	sdelay $0x3  }
0x8b: {  	v2 =	vld [tilespmem:$0xC5A0]  }
0x8c: {  	[tilespmem:$0xDA80] =	vst v1  }
0x8d: {  	v1 =	vld.idx.msk [tilespmem:v3+s2+$0x0], $0xffff;
	_ =	sdelay $0x3  }
0x8e: {  	v3 =	vld [tilespmem:$0xC5B0]  }
0x8f: {  	[tilespmem:$0xDA90] =	vst v1  }
0x90: {  	v1 =	vld.idx.msk [tilespmem:v2+s2+$0x0], $0xffff;
	_ =	sdelay $0x3  }
0x91: {  	v2 =	vld [tilespmem:$0xC5C0]  }
0x92: {  	[tilespmem:$0xDAA0] =	vst v1  }
0x93: {  	v1 =	vld.idx.msk [tilespmem:v3+s2+$0x0], $0xffff;
	_ =	sdelay $0x3  }
0x94: {  	v3 =	vld [tilespmem:$0xC5D0]  }
0x95: {  	[tilespmem:$0xDAB0] =	vst v1  }
0x96: {  	v1 =	vld.idx.msk [tilespmem:v2+s2+$0x0], $0xffff;
	_ =	sdelay $0x3  }
0x97: {  	v2 =	vld [tilespmem:$0xC5E0]  }
0x98: {  	[tilespmem:$0xDAC0] =	vst v1  }
0x99: {  	v1 =	vld.idx.msk [tilespmem:v3+s2+$0x0], $0xffff;
	_ =	sdelay $0x3  }
0x9a: {  	v3 =	vld [tilespmem:$0xC5F0]  }
0x9b: {  	[tilespmem:$0xDAD0] =	vst v1  }
0x9c: {  	v1 =	vld.idx.msk [tilespmem:v2+s2+$0x0], $0xffff;
	_ =	sdelay $0x3  }
0x9d: {  	v2 =	vld [tilespmem:$0xC600]  }
0x9e: {  	[tilespmem:$0xDAE0] =	vst v1  }
0x9f: {  	v1 =	vld.idx.msk [tilespmem:v3+s2+$0x0], $0xffff;
	_ =	sdelay $0x3  }
0xa0: {  	v3 =	vld [tilespmem:$0xC610]  }
0xa1: {  	[tilespmem:$0xDAF0] =	vst v1  }
0xa2: {  	v1 =	vld.idx.msk [tilespmem:v2+s2+$0x0], $0xffff;
	_ =	sdelay $0x3  }
0xa3: {  	v2 =	vld [tilespmem:$0xC620]  }
0xa4: {  	[tilespmem:$0xDB00] =	vst v1  }
0xa5: {  	v1 =	vld.idx.msk [tilespmem:v3+s2+$0x0], $0xffff;
	_ =	sdelay $0x3  }
0xa6: {  	v3 =	vld [tilespmem:$0xC630]  }
0xa7: {  	[tilespmem:$0xDB10] =	vst v1  }
0xa8: {  	v1 =	vld.idx.msk [tilespmem:v2+s2+$0x0], $0xffff;
	_ =	sdelay $0x3  }
0xa9: {  	v2 =	vld [tilespmem:$0xC640]  }
0xaa: {  	[tilespmem:$0xDB20] =	vst v1  }
0xab: {  	v1 =	vld.idx.msk [tilespmem:v3+s2+$0x0], $0xffff;
	_ =	sdelay $0x3  }
0xac: {  	v3 =	vld [tilespmem:$0xC650]  }
0xad: {  	[tilespmem:$0xDB30] =	vst v1  }
0xae: {  	v1 =	vld.idx.msk [tilespmem:v2+s2+$0x0], $0xffff;
	_ =	sdelay $0x3  }
0xaf: {  	v2 =	vld [tilespmem:$0xC660]  }
0xb0: {  	[tilespmem:$0xDB40] =	vst v1  }
0xb1: {  	v1 =	vld.idx.msk [tilespmem:v3+s2+$0x0], $0xffff;
	_ =	sdelay $0x3  }
0xb2: {  	v3 =	vld [tilespmem:$0xC670]  }
0xb3: {  	[tilespmem:$0xDB50] =	vst v1  }
0xb4: {  	v1 =	vld.idx.msk [tilespmem:v2+s2+$0x0], $0xffff;
	_ =	sdelay $0x3  }
0xb5: {  	v2 =	vld [tilespmem:$0xC680]  }
0xb6: {  	[tilespmem:$0xDB60] =	vst v1  }
0xb7: {  	v1 =	vld.idx.msk [tilespmem:v3+s2+$0x0], $0xffff;
	_ =	sdelay $0x3  }
0xb8: {  	v3 =	vld [tilespmem:$0xC690]  }
0xb9: {  	[tilespmem:$0xDB70] =	vst v1  }
0xba: {  	v1 =	vld.idx.msk [tilespmem:v2+s2+$0x0], $0xffff;
	_ =	sdelay $0x3  }
0xbb: {  	v2 =	vld [tilespmem:$0xC6A0]  }
0xbc: {  	[tilespmem:$0xDB80] =	vst v1  }
0xbd: {  	v1 =	vld.idx.msk [tilespmem:v3+s2+$0x0], $0xffff;
	_ =	sdelay $0x3  }
0xbe: {  	v3 =	vld [tilespmem:$0xC6B0]  }
0xbf: {  	[tilespmem:$0xDB90] =	vst v1  }
0xc0: {  	v1 =	vld.idx.msk [tilespmem:v2+s2+$0x0], $0xffff;
	_ =	sdelay $0x3  }
0xc1: {  	v2 =	vld [tilespmem:$0xC6C0]  }
0xc2: {  	[tilespmem:$0xDBA0] =	vst v1  }
0xc3: {  	v1 =	vld.idx.msk [tilespmem:v3+s2+$0x0], $0xffff;
	_ =	sdelay $0x3  }
0xc4: {  	v3 =	vld [tilespmem:$0xC6D0]  }
0xc5: {  	[tilespmem:$0xDBB0] =	vst v1  }
0xc6: {  	v1 =	vld.idx.msk [tilespmem:v2+s2+$0x0], $0xffff;
	_ =	sdelay $0x3  }
0xc7: {  	v2 =	vld [tilespmem:$0xC6E0]  }
0xc8: {  	[tilespmem:$0xDBC0] =	vst v1  }
0xc9: {  	v1 =	vld.idx.msk [tilespmem:v3+s2+$0x0], $0xffff;
	_ =	sdelay $0x3  }
0xca: {  	v3 =	vld [tilespmem:$0xC6F0]  }
0xcb: {  	[tilespmem:$0xDBD0] =	vst v1  }
0xcc: {  	v1 =	vld.idx.msk [tilespmem:v2+s2+$0x0], $0xffff;
	_ =	sdelay $0x3  }
0xcd: {  	v2 =	vld [tilespmem:$0xC700]  }
0xce: {  	[tilespmem:$0xDBE0] =	vst v1  }
0xcf: {  	v1 =	vld.idx.msk [tilespmem:v3+s2+$0x0], $0xffff;
	_ =	sdelay $0x3  }
0xd0: {  	v3 =	vld [tilespmem:$0xC710]  }
0xd1: {  	[tilespmem:$0xDBF0] =	vst v1  }
0xd2: {  	v1 =	vld.idx.msk [tilespmem:v2+s2+$0x0], $0xffff;
	_ =	sdelay $0x3  }
0xd3: {  	v2 =	vld [tilespmem:$0xC720]  }
0xd4: {  	[tilespmem:$0xDC00] =	vst v1  }
0xd5: {  	v1 =	vld.idx.msk [tilespmem:v3+s2+$0x0], $0xffff;
	_ =	sdelay $0x3  }
0xd6: {  	v3 =	vld [tilespmem:$0xC730]  }
0xd7: {  	[tilespmem:$0xDC10] =	vst v1  }
0xd8: {  	v1 =	vld.idx.msk [tilespmem:v2+s2+$0x0], $0xffff;
	_ =	sdelay $0x3  }
0xd9: {  	v2 =	vld [tilespmem:$0xC740]  }
0xda: {  	[tilespmem:$0xDC20] =	vst v1  }
0xdb: {  	v1 =	vld.idx.msk [tilespmem:v3+s2+$0x0], $0xffff;
	_ =	sdelay $0x3  }
0xdc: {  	v3 =	vld [tilespmem:$0xC750]  }
0xdd: {  	[tilespmem:$0xDC30] =	vst v1  }
0xde: {  	v1 =	vld.idx.msk [tilespmem:v2+s2+$0x0], $0xffff;
	_ =	sdelay $0x3  }
0xdf: {  	v2 =	vld [tilespmem:$0xC760]  }
0xe0: {  	[tilespmem:$0xDC40] =	vst v1  }
0xe1: {  	v1 =	vld.idx.msk [tilespmem:v3+s2+$0x0], $0xffff;
	_ =	sdelay $0x3  }
0xe2: {  	v3 =	vld [tilespmem:$0xC770]  }
0xe3: {  	[tilespmem:$0xDC50] =	vst v1  }
0xe4: {  	v1 =	vld.idx.msk [tilespmem:v2+s2+$0x0], $0xffff;
	_ =	sdelay $0x3  }
0xe5: {  	v2 =	vld [tilespmem:$0xC780]  }
0xe6: {  	[tilespmem:$0xDC60] =	vst v1  }
0xe7: {  	v1 =	vld.idx.msk [tilespmem:v3+s2+$0x0], $0xffff;
	_ =	sdelay $0x3  }
0xe8: {  	v3 =	vld [tilespmem:$0xC790]  }
0xe9: {  	[tilespmem:$0xDC70] =	vst v1  }
0xea: {  	v1 =	vld.idx.msk [tilespmem:v2+s2+$0x0], $0xffff;
	_ =	sdelay $0x3  }
0xeb: {  	v2 =	vld [tilespmem:$0xC7A0]  }
0xec: {  	[tilespmem:$0xDC80] =	vst v1  }
0xed: {  	v1 =	vld.idx.msk [tilespmem:v3+s2+$0x0], $0xffff;
	_ =	sdelay $0x3  }
0xee: {  	v3 =	vld [tilespmem:$0xC7B0]  }
0xef: {  	[tilespmem:$0xDC90] =	vst v1  }
0xf0: {  	v1 =	vld.idx.msk [tilespmem:v2+s2+$0x0], $0xffff;
	_ =	sdelay $0x3  }
0xf1: {  	v2 =	vld [tilespmem:$0xC7C0]  }
0xf2: {  	[tilespmem:$0xDCA0] =	vst v1  }
0xf3: {  	v1 =	vld.idx.msk [tilespmem:v3+s2+$0x0], $0xffff;
	_ =	sdelay $0x3  }
0xf4: {  	v3 =	vld [tilespmem:$0xC7D0]  }
0xf5: {  	[tilespmem:$0xDCB0] =	vst v1  }
0xf6: {  	v1 =	vld.idx.msk [tilespmem:v2+s2+$0x0], $0xffff;
	_ =	sdelay $0x3  }
0xf7: {  	v2 =	vld [tilespmem:$0xC7E0]  }
0xf8: {  	[tilespmem:$0xDCC0] =	vst v1  }
0xf9: {  	v1 =	vld.idx.msk [tilespmem:v3+s2+$0x0], $0xffff;
	_ =	sdelay $0x3  }
0xfa: {  	v3 =	vld [tilespmem:$0xC7F0]  }
0xfb: {  	[tilespmem:$0xDCD0] =	vst v1  }
0xfc: {  	v1 =	vld.idx.msk [tilespmem:v2+s2+$0x0], $0xffff;
	_ =	sdelay $0x3  }
0xfd: {  	v2 =	vld [tilespmem:$0xC800]  }
0xfe: {  	[tilespmem:$0xDCE0] =	vst v1  }
0xff: {  	v1 =	vld.idx.msk [tilespmem:v3+s2+$0x0], $0xffff;
	_ =	sdelay $0x3  }
0x100: {  	v3 =	vld [tilespmem:$0xC810]  }
0x101: {  	[tilespmem:$0xDCF0] =	vst v1  }
0x102: {  	v1 =	vld.idx.msk [tilespmem:v2+s2+$0x0], $0xffff;
	_ =	sdelay $0x3  }
0x103: {  	v2 =	vld [tilespmem:$0xC820]  }
0x104: {  	[tilespmem:$0xDD00] =	vst v1  }
0x105: {  	v1 =	vld.idx.msk [tilespmem:v3+s2+$0x0], $0xffff;
	_ =	sdelay $0x3  }
0x106: {  	v3 =	vld [tilespmem:$0xC830]  }
0x107: {  	[tilespmem:$0xDD10] =	vst v1  }
0x108: {  	v1 =	vld.idx.msk [tilespmem:v2+s2+$0x0], $0xffff;
	_ =	sdelay $0x3  }
0x109: {  	v2 =	vld [tilespmem:$0xC840]  }
0x10a: {  	[tilespmem:$0xDD20] =	vst v1  }
0x10b: {  	v1 =	vld.idx.msk [tilespmem:v3+s2+$0x0], $0xffff;
	_ =	sdelay $0x3  }
0x10c: {  	v3 =	vld [tilespmem:$0xC850]  }
0x10d: {  	[tilespmem:$0xDD30] =	vst v1  }
0x10e: {  	v1 =	vld.idx.msk [tilespmem:v2+s2+$0x0], $0xffff;
	_ =	sdelay $0x3  }
0x10f: {  	v2 =	vld [tilespmem:$0xC860]  }
0x110: {  	[tilespmem:$0xDD40] =	vst v1  }
0x111: {  	v1 =	vld.idx.msk [tilespmem:v3+s2+$0x0], $0xffff;
	_ =	sdelay $0x3  }
0x112: {  	v3 =	vld [tilespmem:$0xC870]  }
0x113: {  	[tilespmem:$0xDD50] =	vst v1  }
0x114: {  	v1 =	vld.idx.msk [tilespmem:v2+s2+$0x0], $0xffff;
	_ =	sdelay $0x3  }
0x115: {  	v2 =	vld [tilespmem:$0xC880]  }
0x116: {  	[tilespmem:$0xDD60] =	vst v1  }
0x117: {  	v1 =	vld.idx.msk [tilespmem:v3+s2+$0x0], $0xffff;
	_ =	sdelay $0x3  }
0x118: {  	v3 =	vld [tilespmem:$0xC890]  }
0x119: {  	[tilespmem:$0xDD70] =	vst v1  }
0x11a: {  	v1 =	vld.idx.msk [tilespmem:v2+s2+$0x0], $0xffff;
	_ =	sdelay $0x3  }
0x11b: {  	v2 =	vld [tilespmem:$0xC8A0]  }
0x11c: {  	[tilespmem:$0xDD80] =	vst v1  }
0x11d: {  	v1 =	vld.idx.msk [tilespmem:v3+s2+$0x0], $0xffff;
	_ =	sdelay $0x3  }
0x11e: {  	v3 =	vld [tilespmem:$0xC8B0]  }
0x11f: {  	[tilespmem:$0xDD90] =	vst v1  }
0x120: {  	v1 =	vld.idx.msk [tilespmem:v2+s2+$0x0], $0xffff;
	_ =	sdelay $0x3  }
0x121: {  	v2 =	vld [tilespmem:$0xC8C0]  }
0x122: {  	[tilespmem:$0xDDA0] =	vst v1  }
0x123: {  	v1 =	vld.idx.msk [tilespmem:v3+s2+$0x0], $0xffff;
	_ =	sdelay $0x3  }
0x124: {  	v3 =	vld [tilespmem:$0xC8D0]  }
0x125: {  	[tilespmem:$0xDDB0] =	vst v1  }
0x126: {  	v1 =	vld.idx.msk [tilespmem:v2+s2+$0x0], $0xffff;
	_ =	sdelay $0x3  }
0x127: {  	v2 =	vld [tilespmem:$0xC8E0]  }
0x128: {  	[tilespmem:$0xDDC0] =	vst v1  }
0x129: {  	v1 =	vld.idx.msk [tilespmem:v3+s2+$0x0], $0xffff;
	_ =	sdelay $0x3  }
0x12a: {  	v3 =	vld [tilespmem:$0xC8F0]  }
0x12b: {  	[tilespmem:$0xDDD0] =	vst v1  }
0x12c: {  	v1 =	vld.idx.msk [tilespmem:v2+s2+$0x0], $0xffff;
	_ =	sdelay $0x3  }
0x12d: {  	v2 =	vld [tilespmem:$0xC900]  }
0x12e: {  	[tilespmem:$0xDDE0] =	vst v1  }
0x12f: {  	v1 =	vld.idx.msk [tilespmem:v3+s2+$0x0], $0xffff;
	_ =	sdelay $0x3  }
0x130: {  	v3 =	vld [tilespmem:$0xC910]  }
0x131: {  	[tilespmem:$0xDDF0] =	vst v1  }
0x132: {  	v1 =	vld.idx.msk [tilespmem:v2+s2+$0x0], $0xffff;
	_ =	sdelay $0x3  }
0x133: {  	v2 =	vld [tilespmem:$0xC920]  }
0x134: {  	[tilespmem:$0xDE00] =	vst v1  }
0x135: {  	v1 =	vld.idx.msk [tilespmem:v3+s2+$0x0], $0xffff;
	_ =	sdelay $0x3  }
0x136: {  	v3 =	vld [tilespmem:$0xC930]  }
0x137: {  	[tilespmem:$0xDE10] =	vst v1  }
0x138: {  	v1 =	vld.idx.msk [tilespmem:v2+s2+$0x0], $0xffff;
	_ =	sdelay $0x3  }
0x139: {  	v2 =	vld [tilespmem:$0xC940]  }
0x13a: {  	[tilespmem:$0xDE20] =	vst v1  }
0x13b: {  	v1 =	vld.idx.msk [tilespmem:v3+s2+$0x0], $0xffff;
	_ =	sdelay $0x3  }
0x13c: {  	v3 =	vld [tilespmem:$0xC950]  }
0x13d: {  	[tilespmem:$0xDE30] =	vst v1  }
0x13e: {  	v1 =	vld.idx.msk [tilespmem:v2+s2+$0x0], $0xffff;
	_ =	sdelay $0x3  }
0x13f: {  	v2 =	vld [tilespmem:$0xC960]  }
0x140: {  	[tilespmem:$0xDE40] =	vst v1  }
0x141: {  	v1 =	vld.idx.msk [tilespmem:v3+s2+$0x0], $0xffff;
	_ =	sdelay $0x3  }
0x142: {  	v3 =	vld [tilespmem:$0xC970]  }
0x143: {  	[tilespmem:$0xDE50] =	vst v1  }
0x144: {  	v1 =	vld.idx.msk [tilespmem:v2+s2+$0x0], $0xffff;
	_ =	sdelay $0x3  }
0x145: {  	v2 =	vld [tilespmem:$0xC980]  }
0x146: {  	[tilespmem:$0xDE60] =	vst v1  }
0x147: {  	v1 =	vld.idx.msk [tilespmem:v3+s2+$0x0], $0xffff;
	_ =	sdelay $0x3  }
0x148: {  	v3 =	vld [tilespmem:$0xC990]  }
0x149: {  	[tilespmem:$0xDE70] =	vst v1  }
0x14a: {  	v1 =	vld.idx.msk [tilespmem:v2+s2+$0x0], $0xffff;
	_ =	sdelay $0x3  }
0x14b: {  	v2 =	vld [tilespmem:$0xC9A0]  }
0x14c: {  	[tilespmem:$0xDE80] =	vst v1  }
0x14d: {  	v1 =	vld.idx.msk [tilespmem:v3+s2+$0x0], $0xffff;
	_ =	sdelay $0x3  }
0x14e: {  	v3 =	vld [tilespmem:$0xC9B0]  }
0x14f: {  	[tilespmem:$0xDE90] =	vst v1  }
0x150: {  	v1 =	vld.idx.msk [tilespmem:v2+s2+$0x0], $0xffff;
	_ =	sdelay $0x3  }
0x151: {  	v2 =	vld [tilespmem:$0xC9C0]  }
0x152: {  	[tilespmem:$0xDEA0] =	vst v1  }
0x153: {  	v1 =	vld.idx.msk [tilespmem:v3+s2+$0x0], $0xffff;
	_ =	sdelay $0x3  }
0x154: {  	v3 =	vld [tilespmem:$0xC9D0]  }
0x155: {  	[tilespmem:$0xDEB0] =	vst v1  }
0x156: {  	v1 =	vld.idx.msk [tilespmem:v2+s2+$0x0], $0xffff;
	_ =	sdelay $0x3  }
0x157: {  	v2 =	vld [tilespmem:$0xC9E0]  }
0x158: {  	[tilespmem:$0xDEC0] =	vst v1  }
0x159: {  	v1 =	vld.idx.msk [tilespmem:v3+s2+$0x0], $0xffff;
	_ =	sdelay $0x3  }
0x15a: {  	v3 =	vld [tilespmem:$0xC9F0]  }
0x15b: {  	[tilespmem:$0xDED0] =	vst v1  }
0x15c: {  	v1 =	vld.idx.msk [tilespmem:v2+s2+$0x0], $0xffff;
	_ =	sdelay $0x3  }
0x15d: {  	v2 =	vld [tilespmem:$0xCA00]  }
0x15e: {  	[tilespmem:$0xDEE0] =	vst v1  }
0x15f: {  	v1 =	vld.idx.msk [tilespmem:v3+s2+$0x0], $0xffff;
	_ =	sdelay $0x3  }
0x160: {  	v3 =	vld [tilespmem:$0xCA10]  }
0x161: {  	[tilespmem:$0xDEF0] =	vst v1  }
0x162: {  	v1 =	vld.idx.msk [tilespmem:v2+s2+$0x0], $0xffff;
	_ =	sdelay $0x3  }
0x163: {  	v2 =	vld [tilespmem:$0xCA20]  }
0x164: {  	[tilespmem:$0xDF00] =	vst v1  }
0x165: {  	v1 =	vld.idx.msk [tilespmem:v3+s2+$0x0], $0xffff;
	_ =	sdelay $0x3  }
0x166: {  	v3 =	vld [tilespmem:$0xCA30]  }
0x167: {  	[tilespmem:$0xDF10] =	vst v1  }
0x168: {  	v1 =	vld.idx.msk [tilespmem:v2+s2+$0x0], $0xffff;
	_ =	sdelay $0x3  }
0x169: {  	v2 =	vld [tilespmem:$0xCA40]  }
0x16a: {  	[tilespmem:$0xDF20] =	vst v1  }
0x16b: {  	v1 =	vld.idx.msk [tilespmem:v3+s2+$0x0], $0xffff;
	_ =	sdelay $0x3  }
0x16c: {  	v3 =	vld [tilespmem:$0xCA50]  }
0x16d: {  	[tilespmem:$0xDF30] =	vst v1  }
0x16e: {  	v1 =	vld.idx.msk [tilespmem:v2+s2+$0x0], $0xffff;
	_ =	sdelay $0x3  }
0x16f: {  	v2 =	vld [tilespmem:$0xCA60]  }
0x170: {  	[tilespmem:$0xDF40] =	vst v1  }
0x171: {  	v1 =	vld.idx.msk [tilespmem:v3+s2+$0x0], $0xffff;
	_ =	sdelay $0x3  }
0x172: {  	v3 =	vld [tilespmem:$0xCA70]  }
0x173: {  	[tilespmem:$0xDF50] =	vst v1  }
0x174: {  	v1 =	vld.idx.msk [tilespmem:v2+s2+$0x0], $0xffff;
	_ =	sdelay $0x3  }
0x175: {  	v2 =	vld [tilespmem:$0xCA80]  }
0x176: {  	[tilespmem:$0xDF60] =	vst v1  }
0x177: {  	v1 =	vld.idx.msk [tilespmem:v3+s2+$0x0], $0xffff;
	_ =	sdelay $0x3  }
0x178: {  	v3 =	vld [tilespmem:$0xCA90]  }
0x179: {  	[tilespmem:$0xDF70] =	vst v1  }
0x17a: {  	v1 =	vld.idx.msk [tilespmem:v2+s2+$0x0], $0xffff;
	_ =	sdelay $0x3  }
0x17b: {  	v2 =	vld [tilespmem:$0xCAA0]  }
0x17c: {  	[tilespmem:$0xDF80] =	vst v1  }
0x17d: {  	v1 =	vld.idx.msk [tilespmem:v3+s2+$0x0], $0xffff;
	_ =	sdelay $0x3  }
0x17e: {  	v3 =	vld [tilespmem:$0xCAB0]  }
0x17f: {  	[tilespmem:$0xDF90] =	vst v1  }
0x180: {  	v1 =	vld.idx.msk [tilespmem:v2+s2+$0x0], $0xffff;
	_ =	sdelay $0x3  }
0x181: {  	v2 =	vld [tilespmem:$0xCAC0]  }
0x182: {  	[tilespmem:$0xDFA0] =	vst v1  }
0x183: {  	v1 =	vld.idx.msk [tilespmem:v3+s2+$0x0], $0xffff;
	_ =	sdelay $0x3  }
0x184: {  	v3 =	vld [tilespmem:$0xCAD0]  }
0x185: {  	[tilespmem:$0xDFB0] =	vst v1  }
0x186: {  	v1 =	vld.idx.msk [tilespmem:v2+s2+$0x0], $0xffff;
	_ =	sdelay $0x3  }
0x187: {  	v2 =	vld [tilespmem:$0xCAE0]  }
0x188: {  	[tilespmem:$0xDFC0] =	vst v1  }
0x189: {  	v1 =	vld.idx.msk [tilespmem:v3+s2+$0x0], $0xffff;
	_ =	sdelay $0x3  }
0x18a: {  	v3 =	vld [tilespmem:$0xCAF0]  }
0x18b: {  	[tilespmem:$0xDFD0] =	vst v1  }
0x18c: {  	v1 =	vld.idx.msk [tilespmem:v2+s2+$0x0], $0xffff;
	_ =	sdelay $0x3  }
0x18d: {  	v2 =	vld [tilespmem:$0xCB00]  }
0x18e: {  	[tilespmem:$0xDFE0] =	vst v1  }
0x18f: {  	v1 =	vld.idx.msk [tilespmem:v3+s2+$0x0], $0xffff;
	_ =	sdelay $0x3  }
0x190: {  	v3 =	vld [tilespmem:$0xCB10]  }
0x191: {  	[tilespmem:$0xDFF0] =	vst v1  }
0x192: {  	v1 =	vld.idx.msk [tilespmem:v2+s2+$0x0], $0xffff;
	_ =	sdelay $0x3  }
0x193: {  	v2 =	vld [tilespmem:$0xCB20]  }
0x194: {  	[tilespmem:$0xE000] =	vst v1  }
0x195: {  	v1 =	vld.idx.msk [tilespmem:v3+s2+$0x0], $0xffff;
	_ =	sdelay $0x3  }
0x196: {  	v3 =	vld [tilespmem:$0xCB30]  }
0x197: {  	[tilespmem:$0xE010] =	vst v1  }
0x198: {  	v1 =	vld.idx.msk [tilespmem:v2+s2+$0x0], $0xffff;
	_ =	sdelay $0x3  }
0x199: {  	v2 =	vld [tilespmem:$0xCB40]  }
0x19a: {  	[tilespmem:$0xE020] =	vst v1  }
0x19b: {  	v1 =	vld.idx.msk [tilespmem:v3+s2+$0x0], $0xffff;
	_ =	sdelay $0x3  }
0x19c: {  	v3 =	vld [tilespmem:$0xCB50]  }
0x19d: {  	[tilespmem:$0xE030] =	vst v1  }
0x19e: {  	v1 =	vld.idx.msk [tilespmem:v2+s2+$0x0], $0xffff;
	_ =	sdelay $0x3  }
0x19f: {  	v2 =	vld [tilespmem:$0xCB60]  }
0x1a0: {  	[tilespmem:$0xE040] =	vst v1  }
0x1a1: {  	v1 =	vld.idx.msk [tilespmem:v3+s2+$0x0], $0xffff;
	_ =	sdelay $0x3  }
0x1a2: {  	v3 =	vld [tilespmem:$0xCB70]  }
0x1a3: {  	[tilespmem:$0xE050] =	vst v1  }
0x1a4: {  	v1 =	vld.idx.msk [tilespmem:v2+s2+$0x0], $0xffff;
	_ =	sdelay $0x3  }
0x1a5: {  	v2 =	vld [tilespmem:$0xCB80]  }
0x1a6: {  	[tilespmem:$0xE060] =	vst v1  }
0x1a7: {  	v1 =	vld.idx.msk [tilespmem:v3+s2+$0x0], $0xffff;
	_ =	sdelay $0x3  }
0x1a8: {  	v3 =	vld [tilespmem:$0xCB90]  }
0x1a9: {  	[tilespmem:$0xE070] =	vst v1  }
0x1aa: {  	v1 =	vld.idx.msk [tilespmem:v2+s2+$0x0], $0xffff;
	_ =	sdelay $0x3  }
0x1ab: {  	v2 =	vld [tilespmem:$0xCBA0]  }
0x1ac: {  	[tilespmem:$0xE080] =	vst v1  }
0x1ad: {  	v1 =	vld.idx.msk [tilespmem:v3+s2+$0x0], $0xffff;
	_ =	sdelay $0x3  }
0x1ae: {  	v3 =	vld [tilespmem:$0xCBB0]  }
0x1af: {  	[tilespmem:$0xE090] =	vst v1  }
0x1b0: {  	v1 =	vld.idx.msk [tilespmem:v2+s2+$0x0], $0xffff;
	_ =	sdelay $0x3  }
0x1b1: {  	v2 =	vld [tilespmem:$0xCBC0]  }
0x1b2: {  	[tilespmem:$0xE0A0] =	vst v1  }
0x1b3: {  	v1 =	vld.idx.msk [tilespmem:v3+s2+$0x0], $0xffff;
	_ =	sdelay $0x3  }
0x1b4: {  	v3 =	vld [tilespmem:$0xCBD0]  }
0x1b5: {  	[tilespmem:$0xE0B0] =	vst v1  }
0x1b6: {  	v1 =	vld.idx.msk [tilespmem:v2+s2+$0x0], $0xffff;
	_ =	sdelay $0x3  }
0x1b7: {  	v2 =	vld [tilespmem:$0xCBE0]  }
0x1b8: {  	[tilespmem:$0xE0C0] =	vst v1  }
0x1b9: {  	v1 =	vld.idx.msk [tilespmem:v3+s2+$0x0], $0xffff;
	_ =	sdelay $0x3  }
0x1ba: {  	v3 =	vld [tilespmem:$0xCBF0]  }
0x1bb: {  	[tilespmem:$0xE0D0] =	vst v1  }
0x1bc: {  	v1 =	vld.idx.msk [tilespmem:v2+s2+$0x0], $0xffff;
	_ =	sdelay $0x3  }
0x1bd: {  	v2 =	vld [tilespmem:$0xCC00]  }
0x1be: {  	[tilespmem:$0xE0E0] =	vst v1  }
0x1bf: {  	v1 =	vld.idx.msk [tilespmem:v3+s2+$0x0], $0xffff;
	_ =	sdelay $0x3  }
0x1c0: {  	v3 =	vld [tilespmem:$0xCC10]  }
0x1c1: {  	[tilespmem:$0xE0F0] =	vst v1  }
0x1c2: {  	v1 =	vld.idx.msk [tilespmem:v2+s2+$0x0], $0xffff;
	_ =	sdelay $0x3  }
0x1c3: {  	v2 =	vld [tilespmem:$0xCC20]  }
0x1c4: {  	[tilespmem:$0xE100] =	vst v1  }
0x1c5: {  	v1 =	vld.idx.msk [tilespmem:v3+s2+$0x0], $0xffff;
	_ =	sdelay $0x3  }
0x1c6: {  	v3 =	vld [tilespmem:$0xCC30]  }
0x1c7: {  	[tilespmem:$0xE110] =	vst v1  }
0x1c8: {  	v1 =	vld.idx.msk [tilespmem:v2+s2+$0x0], $0xffff;
	_ =	sdelay $0x3  }
0x1c9: {  	v2 =	vld [tilespmem:$0xCC40]  }
0x1ca: {  	[tilespmem:$0xE120] =	vst v1  }
0x1cb: {  	v1 =	vld.idx.msk [tilespmem:v3+s2+$0x0], $0xffff;
	_ =	sdelay $0x3  }
0x1cc: {  	v3 =	vld [tilespmem:$0xCC50]  }
0x1cd: {  	[tilespmem:$0xE130] =	vst v1  }
0x1ce: {  	v1 =	vld.idx.msk [tilespmem:v2+s2+$0x0], $0xffff;
	_ =	sdelay $0x3  }
0x1cf: {  	v2 =	vld [tilespmem:$0xCC60]  }
0x1d0: {  	[tilespmem:$0xE140] =	vst v1  }
0x1d1: {  	v1 =	vld.idx.msk [tilespmem:v3+s2+$0x0], $0xffff;
	_ =	sdelay $0x3  }
0x1d2: {  	v3 =	vld [tilespmem:$0xCC70]  }
0x1d3: {  	[tilespmem:$0xE150] =	vst v1  }
0x1d4: {  	v1 =	vld.idx.msk [tilespmem:v2+s2+$0x0], $0xffff;
	_ =	sdelay $0x3  }
0x1d5: {  	v2 =	vld [tilespmem:$0xCC80]  }
0x1d6: {  	[tilespmem:$0xE160] =	vst v1  }
0x1d7: {  	v1 =	vld.idx.msk [tilespmem:v3+s2+$0x0], $0xffff;
	_ =	sdelay $0x3  }
0x1d8: {  	v3 =	vld [tilespmem:$0xCC90]  }
0x1d9: {  	[tilespmem:$0xE170] =	vst v1  }
0x1da: {  	v1 =	vld.idx.msk [tilespmem:v2+s2+$0x0], $0xffff;
	_ =	sdelay $0x3  }
0x1db: {  	v2 =	vld [tilespmem:$0xCCA0]  }
0x1dc: {  	[tilespmem:$0xE180] =	vst v1  }
0x1dd: {  	v1 =	vld.idx.msk [tilespmem:v3+s2+$0x0], $0xffff;
	_ =	sdelay $0x3  }
0x1de: {  	v3 =	vld [tilespmem:$0xCCB0]  }
0x1df: {  	[tilespmem:$0xE190] =	vst v1  }
0x1e0: {  	v1 =	vld.idx.msk [tilespmem:v2+s2+$0x0], $0xffff;
	_ =	sdelay $0x3  }
0x1e1: {  	v2 =	vld [tilespmem:$0xCCC0]  }
0x1e2: {  	[tilespmem:$0xE1A0] =	vst v1  }
0x1e3: {  	v1 =	vld.idx.msk [tilespmem:v3+s2+$0x0], $0xffff;
	_ =	sdelay $0x3  }
0x1e4: {  	v3 =	vld [tilespmem:$0xCCD0]  }
0x1e5: {  	[tilespmem:$0xE1B0] =	vst v1  }
0x1e6: {  	v1 =	vld.idx.msk [tilespmem:v2+s2+$0x0], $0xffff;
	_ =	sdelay $0x3  }
0x1e7: {  	v2 =	vld [tilespmem:$0xCCE0]  }
0x1e8: {  	[tilespmem:$0xE1C0] =	vst v1  }
0x1e9: {  	v1 =	vld.idx.msk [tilespmem:v3+s2+$0x0], $0xffff;
	_ =	sdelay $0x3  }
0x1ea: {  	v3 =	vld [tilespmem:$0xCCF0]  }
0x1eb: {  	[tilespmem:$0xE1D0] =	vst v1  }
0x1ec: {  	v1 =	vld.idx.msk [tilespmem:v2+s2+$0x0], $0xffff;
	_ =	sdelay $0x3  }
0x1ed: {  	v2 =	vld [tilespmem:$0xCD00]  }
0x1ee: {  	[tilespmem:$0xE1E0] =	vst v1  }
0x1ef: {  	v1 =	vld.idx.msk [tilespmem:v3+s2+$0x0], $0xffff;
	_ =	sdelay $0x3  }
0x1f0: {  	v3 =	vld [tilespmem:$0xCD10]  }
0x1f1: {  	[tilespmem:$0xE1F0] =	vst v1  }
0x1f2: {  	v1 =	vld.idx.msk [tilespmem:v2+s2+$0x0], $0xffff;
	_ =	sdelay $0x3  }
0x1f3: {  	v2 =	vld [tilespmem:$0xCD20]  }
0x1f4: {  	[tilespmem:$0xE200] =	vst v1  }
0x1f5: {  	v1 =	vld.idx.msk [tilespmem:v3+s2+$0x0], $0xffff;
	_ =	sdelay $0x3  }
0x1f6: {  	v3 =	vld [tilespmem:$0xCD30]  }
0x1f7: {  	[tilespmem:$0xE210] =	vst v1  }
0x1f8: {  	v1 =	vld.idx.msk [tilespmem:v2+s2+$0x0], $0xffff;
	_ =	sdelay $0x3  }
0x1f9: {  	v2 =	vld [tilespmem:$0xCD40]  }
0x1fa: {  	[tilespmem:$0xE220] =	vst v1  }
0x1fb: {  	v1 =	vld.idx.msk [tilespmem:v3+s2+$0x0], $0xffff;
	_ =	sdelay $0x3  }
0x1fc: {  	v3 =	vld [tilespmem:$0xCD50]  }
0x1fd: {  	[tilespmem:$0xE230] =	vst v1  }
0x1fe: {  	v1 =	vld.idx.msk [tilespmem:v2+s2+$0x0], $0xffff;
	_ =	sdelay $0x3  }
0x1ff: {  	v2 =	vld [tilespmem:$0xCD60]  }
0x200: {  	[tilespmem:$0xE240] =	vst v1  }
0x201: {  	v1 =	vld.idx.msk [tilespmem:v3+s2+$0x0], $0xffff;
	_ =	sdelay $0x3  }
0x202: {  	v3 =	vld [tilespmem:$0xCD70]  }
0x203: {  	[tilespmem:$0xE250] =	vst v1  }
0x204: {  	v1 =	vld.idx.msk [tilespmem:v2+s2+$0x0], $0xffff;
	_ =	sdelay $0x3  }
0x205: {  	v2 =	vld [tilespmem:$0xCD80]  }
0x206: {  	[tilespmem:$0xE260] =	vst v1  }
0x207: {  	v1 =	vld.idx.msk [tilespmem:v3+s2+$0x0], $0xffff;
	_ =	sdelay $0x3  }
0x208: {  	v3 =	vld [tilespmem:$0xCD90]  }
0x209: {  	[tilespmem:$0xE270] =	vst v1  }
0x20a: {  	v1 =	vld.idx.msk [tilespmem:v2+s2+$0x0], $0xffff;
	_ =	sdelay $0x3  }
0x20b: {  	v2 =	vld [tilespmem:$0xCDA0]  }
0x20c: {  	[tilespmem:$0xE280] =	vst v1  }
0x20d: {  	v1 =	vld.idx.msk [tilespmem:v3+s2+$0x0], $0xffff;
	_ =	sdelay $0x3  }
0x20e: {  	v3 =	vld [tilespmem:$0xCDB0]  }
0x20f: {  	[tilespmem:$0xE290] =	vst v1  }
0x210: {  	v1 =	vld.idx.msk [tilespmem:v2+s2+$0x0], $0xffff;
	_ =	sdelay $0x3  }
0x211: {  	v2 =	vld [tilespmem:$0xCDC0]  }
0x212: {  	[tilespmem:$0xE2A0] =	vst v1  }
0x213: {  	v1 =	vld.idx.msk [tilespmem:v3+s2+$0x0], $0xffff;
	_ =	sdelay $0x3  }
0x214: {  	v3 =	vld [tilespmem:$0xCDD0]  }
0x215: {  	[tilespmem:$0xE2B0] =	vst v1  }
0x216: {  	v1 =	vld.idx.msk [tilespmem:v2+s2+$0x0], $0xffff;
	_ =	sdelay $0x3  }
0x217: {  	v2 =	vld [tilespmem:$0xCDE0]  }
0x218: {  	[tilespmem:$0xE2C0] =	vst v1  }
0x219: {  	v1 =	vld.idx.msk [tilespmem:v3+s2+$0x0], $0xffff;
	_ =	sdelay $0x3  }
0x21a: {  	v3 =	vld [tilespmem:$0xCDF0]  }
0x21b: {  	[tilespmem:$0xE2D0] =	vst v1  }
0x21c: {  	v1 =	vld.idx.msk [tilespmem:v2+s2+$0x0], $0xffff;
	_ =	sdelay $0x3  }
0x21d: {  	v2 =	vld [tilespmem:$0xCE00]  }
0x21e: {  	[tilespmem:$0xE2E0] =	vst v1  }
0x21f: {  	v1 =	vld.idx.msk [tilespmem:v3+s2+$0x0], $0xffff;
	_ =	sdelay $0x3  }
0x220: {  	v3 =	vld [tilespmem:$0xCE10]  }
0x221: {  	[tilespmem:$0xE2F0] =	vst v1  }
0x222: {  	v1 =	vld.idx.msk [tilespmem:v2+s2+$0x0], $0xffff;
	_ =	sdelay $0x3  }
0x223: {  	v2 =	vld [tilespmem:$0xCE20]  }
0x224: {  	[tilespmem:$0xE300] =	vst v1  }
0x225: {  	v1 =	vld.idx.msk [tilespmem:v3+s2+$0x0], $0xffff;
	_ =	sdelay $0x3  }
0x226: {  	v3 =	vld [tilespmem:$0xCE30]  }
0x227: {  	[tilespmem:$0xE310] =	vst v1  }
0x228: {  	v1 =	vld.idx.msk [tilespmem:v2+s2+$0x0], $0xffff;
	_ =	sdelay $0x4  }
0x229: {  	[tilespmem:$0xE320] =	vst v1  }
0x22a: {  	v1 =	vld.idx.msk [tilespmem:v3+s2+$0x0], $0xffff  }
0x22b: {  	v2 =	vld [tilespmem:$0xCE40];
	_ =	sdelay $0x5  }
0x22c: {  	v3 =	vld [tilespmem:$0xCE50]  }
0x22d: {  	[tilespmem:$0xE330] =	vst v1  }
0x22e: {  	v1 =	vld.idx.msk [tilespmem:v2+s2+$0x0], $0xffff;
	_ =	sdelay $0x3  }
0x22f: {  	v2 =	vld [tilespmem:$0xCE60]  }
0x230: {  	[tilespmem:$0xE340] =	vst v1  }
0x231: {  	v1 =	vld.idx.msk [tilespmem:v3+s2+$0x0], $0xffff;
	_ =	sdelay $0x3  }
0x232: {  	v3 =	vld [tilespmem:$0xCE70]  }
0x233: {  	[tilespmem:$0xE350] =	vst v1  }
0x234: {  	v1 =	vld.idx.msk [tilespmem:v2+s2+$0x0], $0xffff;
	_ =	sdelay $0x3  }
0x235: {  	v2 =	vld [tilespmem:$0xCE80]  }
0x236: {  	[tilespmem:$0xE360] =	vst v1  }
0x237: {  	v1 =	vld.idx.msk [tilespmem:v3+s2+$0x0], $0xffff;
	_ =	sdelay $0x3  }
0x238: {  	v3 =	vld [tilespmem:$0xCE90]  }
0x239: {  	[tilespmem:$0xE370] =	vst v1  }
0x23a: {  	v1 =	vld.idx.msk [tilespmem:v2+s2+$0x0], $0xffff;
	_ =	sdelay $0x3  }
0x23b: {  	v2 =	vld [tilespmem:$0xCEA0]  }
0x23c: {  	[tilespmem:$0xE380] =	vst v1  }
0x23d: {  	v1 =	vld.idx.msk [tilespmem:v3+s2+$0x0], $0xffff;
	_ =	sdelay $0x3  }
0x23e: {  	v3 =	vld [tilespmem:$0xCEB0]  }
0x23f: {  	[tilespmem:$0xE390] =	vst v1  }
0x240: {  	v1 =	vld.idx.msk [tilespmem:v2+s2+$0x0], $0xffff;
	_ =	sdelay $0x3  }
0x241: {  	v2 =	vld [tilespmem:$0xCEC0]  }
0x242: {  	[tilespmem:$0xE3A0] =	vst v1  }
0x243: {  	v1 =	vld.idx.msk [tilespmem:v3+s2+$0x0], $0xffff;
	_ =	sdelay $0x3  }
0x244: {  	v3 =	vld [tilespmem:$0xCED0]  }
0x245: {  	[tilespmem:$0xE3B0] =	vst v1  }
0x246: {  	v1 =	vld.idx.msk [tilespmem:v2+s2+$0x0], $0xffff;
	_ =	sdelay $0x3  }
0x247: {  	v2 =	vld [tilespmem:$0xCEE0]  }
0x248: {  	[tilespmem:$0xE3C0] =	vst v1  }
0x249: {  	v1 =	vld.idx.msk [tilespmem:v3+s2+$0x0], $0xffff;
	_ =	sdelay $0x3  }
0x24a: {  	v3 =	vld [tilespmem:$0xCEF0]  }
0x24b: {  	[tilespmem:$0xE3D0] =	vst v1  }
0x24c: {  	v1 =	vld.idx.msk [tilespmem:v2+s2+$0x0], $0xffff;
	_ =	sdelay $0x3  }
0x24d: {  	v2 =	vld [tilespmem:$0xCF00]  }
0x24e: {  	[tilespmem:$0xE3E0] =	vst v1  }
0x24f: {  	v1 =	vld.idx.msk [tilespmem:v3+s2+$0x0], $0xffff;
	_ =	sdelay $0x3  }
0x250: {  	v3 =	vld [tilespmem:$0xCF10]  }
0x251: {  	[tilespmem:$0xE3F0] =	vst v1  }
0x252: {  	v1 =	vld.idx.msk [tilespmem:v2+s2+$0x0], $0xffff;
	_ =	sdelay $0x3  }
0x253: {  	v2 =	vld [tilespmem:$0xCF20]  }
0x254: {  	[tilespmem:$0xE400] =	vst v1  }
0x255: {  	v1 =	vld.idx.msk [tilespmem:v3+s2+$0x0], $0xffff;
	_ =	sdelay $0x3  }
0x256: {  	v3 =	vld [tilespmem:$0xCF30]  }
0x257: {  	[tilespmem:$0xE410] =	vst v1  }
0x258: {  	v1 =	vld.idx.msk [tilespmem:v2+s2+$0x0], $0xffff;
	_ =	sdelay $0x3  }
0x259: {  	v2 =	vld [tilespmem:$0xCF40]  }
0x25a: {  	[tilespmem:$0xE420] =	vst v1  }
0x25b: {  	v1 =	vld.idx.msk [tilespmem:v3+s2+$0x0], $0xffff;
	_ =	sdelay $0x3  }
0x25c: {  	v3 =	vld [tilespmem:$0xCF50]  }
0x25d: {  	[tilespmem:$0xE430] =	vst v1  }
0x25e: {  	v1 =	vld.idx.msk [tilespmem:v2+s2+$0x0], $0xffff;
	_ =	sdelay $0x3  }
0x25f: {  	v2 =	vld [tilespmem:$0xCF60]  }
0x260: {  	[tilespmem:$0xE440] =	vst v1  }
0x261: {  	v1 =	vld.idx.msk [tilespmem:v3+s2+$0x0], $0xffff;
	_ =	sdelay $0x3  }
0x262: {  	v3 =	vld [tilespmem:$0xCF70]  }
0x263: {  	[tilespmem:$0xE450] =	vst v1  }
0x264: {  	v1 =	vld.idx.msk [tilespmem:v2+s2+$0x0], $0xffff;
	_ =	sdelay $0x3  }
0x265: {  	v2 =	vld [tilespmem:$0xCF80]  }
0x266: {  	[tilespmem:$0xE460] =	vst v1  }
0x267: {  	v1 =	vld.idx.msk [tilespmem:v3+s2+$0x0], $0xffff;
	_ =	sdelay $0x3  }
0x268: {  	v3 =	vld [tilespmem:$0xCF90]  }
0x269: {  	[tilespmem:$0xE470] =	vst v1  }
0x26a: {  	v1 =	vld.idx.msk [tilespmem:v2+s2+$0x0], $0xffff;
	_ =	sdelay $0x3  }
0x26b: {  	v2 =	vld [tilespmem:$0xCFA0]  }
0x26c: {  	[tilespmem:$0xE480] =	vst v1  }
0x26d: {  	v1 =	vld.idx.msk [tilespmem:v3+s2+$0x0], $0xffff;
	_ =	sdelay $0x3  }
0x26e: {  	v3 =	vld [tilespmem:$0xCFB0]  }
0x26f: {  	[tilespmem:$0xE490] =	vst v1  }
0x270: {  	v1 =	vld.idx.msk [tilespmem:v2+s2+$0x0], $0xffff;
	_ =	sdelay $0x3  }
0x271: {  	v2 =	vld [tilespmem:$0xCFC0]  }
0x272: {  	[tilespmem:$0xE4A0] =	vst v1  }
0x273: {  	v1 =	vld.idx.msk [tilespmem:v3+s2+$0x0], $0xffff;
	_ =	sdelay $0x3  }
0x274: {  	v3 =	vld [tilespmem:$0xCFD0]  }
0x275: {  	[tilespmem:$0xE4B0] =	vst v1  }
0x276: {  	v1 =	vld.idx.msk [tilespmem:v2+s2+$0x0], $0xffff;
	_ =	sdelay $0x3  }
0x277: {  	v2 =	vld [tilespmem:$0xCFE0]  }
0x278: {  	[tilespmem:$0xE4C0] =	vst v1  }
0x279: {  	v1 =	vld.idx.msk [tilespmem:v3+s2+$0x0], $0xffff;
	_ =	sdelay $0x3  }
0x27a: {  	v3 =	vld [tilespmem:$0xCFF0]  }
0x27b: {  	[tilespmem:$0xE4D0] =	vst v1  }
0x27c: {  	v1 =	vld.idx.msk [tilespmem:v2+s2+$0x0], $0xffff;
	_ =	sdelay $0x3  }
0x27d: {  	v2 =	vld [tilespmem:$0xD000]  }
0x27e: {  	[tilespmem:$0xE4E0] =	vst v1  }
0x27f: {  	v1 =	vld.idx.msk [tilespmem:v3+s2+$0x0], $0xffff;
	_ =	sdelay $0x3  }
0x280: {  	v3 =	vld [tilespmem:$0xD010]  }
0x281: {  	[tilespmem:$0xE4F0] =	vst v1  }
0x282: {  	v1 =	vld.idx.msk [tilespmem:v2+s2+$0x0], $0xffff;
	_ =	sdelay $0x3  }
0x283: {  	v2 =	vld [tilespmem:$0xD020]  }
0x284: {  	[tilespmem:$0xE500] =	vst v1  }
0x285: {  	v1 =	vld.idx.msk [tilespmem:v3+s2+$0x0], $0xffff;
	_ =	sdelay $0x3  }
0x286: {  	v3 =	vld [tilespmem:$0xD030]  }
0x287: {  	[tilespmem:$0xE510] =	vst v1  }
0x288: {  	v1 =	vld.idx.msk [tilespmem:v2+s2+$0x0], $0xffff;
	_ =	sdelay $0x3  }
0x289: {  	v2 =	vld [tilespmem:$0xD040]  }
0x28a: {  	[tilespmem:$0xE520] =	vst v1  }
0x28b: {  	v1 =	vld.idx.msk [tilespmem:v3+s2+$0x0], $0xffff;
	_ =	sdelay $0x3  }
0x28c: {  	v3 =	vld [tilespmem:$0xD050]  }
0x28d: {  	[tilespmem:$0xE530] =	vst v1  }
0x28e: {  	v1 =	vld.idx.msk [tilespmem:v2+s2+$0x0], $0xffff;
	_ =	sdelay $0x3  }
0x28f: {  	v2 =	vld [tilespmem:$0xD060]  }
0x290: {  	[tilespmem:$0xE540] =	vst v1  }
0x291: {  	v1 =	vld.idx.msk [tilespmem:v3+s2+$0x0], $0xffff;
	_ =	sdelay $0x3  }
0x292: {  	v3 =	vld [tilespmem:$0xD070]  }
0x293: {  	[tilespmem:$0xE550] =	vst v1  }
0x294: {  	v1 =	vld.idx.msk [tilespmem:v2+s2+$0x0], $0xffff;
	_ =	sdelay $0x3  }
0x295: {  	v2 =	vld [tilespmem:$0xD080]  }
0x296: {  	[tilespmem:$0xE560] =	vst v1  }
0x297: {  	v1 =	vld.idx.msk [tilespmem:v3+s2+$0x0], $0xffff;
	_ =	sdelay $0x3  }
0x298: {  	v3 =	vld [tilespmem:$0xD090]  }
0x299: {  	[tilespmem:$0xE570] =	vst v1  }
0x29a: {  	v1 =	vld.idx.msk [tilespmem:v2+s2+$0x0], $0xffff;
	_ =	sdelay $0x3  }
0x29b: {  	v2 =	vld [tilespmem:$0xD0A0]  }
0x29c: {  	[tilespmem:$0xE580] =	vst v1  }
0x29d: {  	v1 =	vld.idx.msk [tilespmem:v3+s2+$0x0], $0xffff;
	_ =	sdelay $0x3  }
0x29e: {  	v3 =	vld [tilespmem:$0xD0B0]  }
0x29f: {  	[tilespmem:$0xE590] =	vst v1  }
0x2a0: {  	v1 =	vld.idx.msk [tilespmem:v2+s2+$0x0], $0xffff;
	_ =	sdelay $0x3  }
0x2a1: {  	v2 =	vld [tilespmem:$0xD0C0]  }
0x2a2: {  	[tilespmem:$0xE5A0] =	vst v1  }
0x2a3: {  	v1 =	vld.idx.msk [tilespmem:v3+s2+$0x0], $0xffff;
	_ =	sdelay $0x3  }
0x2a4: {  	v3 =	vld [tilespmem:$0xD0D0]  }
0x2a5: {  	[tilespmem:$0xE5B0] =	vst v1  }
0x2a6: {  	v1 =	vld.idx.msk [tilespmem:v2+s2+$0x0], $0xffff;
	_ =	sdelay $0x3  }
0x2a7: {  	v2 =	vld [tilespmem:$0xD0E0]  }
0x2a8: {  	[tilespmem:$0xE5C0] =	vst v1  }
0x2a9: {  	v1 =	vld.idx.msk [tilespmem:v3+s2+$0x0], $0xffff;
	_ =	sdelay $0x3  }
0x2aa: {  	v3 =	vld [tilespmem:$0xD0F0]  }
0x2ab: {  	[tilespmem:$0xE5D0] =	vst v1  }
0x2ac: {  	v1 =	vld.idx.msk [tilespmem:v2+s2+$0x0], $0xffff;
	_ =	sdelay $0x3  }
0x2ad: {  	v2 =	vld [tilespmem:$0xD100]  }
0x2ae: {  	[tilespmem:$0xE5E0] =	vst v1  }
0x2af: {  	v1 =	vld.idx.msk [tilespmem:v3+s2+$0x0], $0xffff;
	_ =	sdelay $0x3  }
0x2b0: {  	v3 =	vld [tilespmem:$0xD110]  }
0x2b1: {  	[tilespmem:$0xE5F0] =	vst v1  }
0x2b2: {  	v1 =	vld.idx.msk [tilespmem:v2+s2+$0x0], $0xffff;
	_ =	sdelay $0x3  }
0x2b3: {  	v2 =	vld [tilespmem:$0xD120]  }
0x2b4: {  	[tilespmem:$0xE600] =	vst v1  }
0x2b5: {  	v1 =	vld.idx.msk [tilespmem:v3+s2+$0x0], $0xffff;
	_ =	sdelay $0x3  }
0x2b6: {  	v3 =	vld [tilespmem:$0xD130]  }
0x2b7: {  	[tilespmem:$0xE610] =	vst v1  }
0x2b8: {  	v1 =	vld.idx.msk [tilespmem:v2+s2+$0x0], $0xffff;
	_ =	sdelay $0x3  }
0x2b9: {  	v2 =	vld [tilespmem:$0xD140]  }
0x2ba: {  	[tilespmem:$0xE620] =	vst v1  }
0x2bb: {  	v1 =	vld.idx.msk [tilespmem:v3+s2+$0x0], $0xffff;
	_ =	sdelay $0x3  }
0x2bc: {  	v3 =	vld [tilespmem:$0xD150]  }
0x2bd: {  	[tilespmem:$0xE630] =	vst v1  }
0x2be: {  	v1 =	vld.idx.msk [tilespmem:v2+s2+$0x0], $0xffff;
	_ =	sdelay $0x3  }
0x2bf: {  	v2 =	vld [tilespmem:$0xD160]  }
0x2c0: {  	[tilespmem:$0xE640] =	vst v1  }
0x2c1: {  	v1 =	vld.idx.msk [tilespmem:v3+s2+$0x0], $0xffff;
	_ =	sdelay $0x3  }
0x2c2: {  	v3 =	vld [tilespmem:$0xD170]  }
0x2c3: {  	[tilespmem:$0xE650] =	vst v1  }
0x2c4: {  	v1 =	vld.idx.msk [tilespmem:v2+s2+$0x0], $0xffff;
	_ =	sdelay $0x3  }
0x2c5: {  	v2 =	vld [tilespmem:$0xD180]  }
0x2c6: {  	[tilespmem:$0xE660] =	vst v1  }
0x2c7: {  	v1 =	vld.idx.msk [tilespmem:v3+s2+$0x0], $0xffff;
	_ =	sdelay $0x3  }
0x2c8: {  	v3 =	vld [tilespmem:$0xD190]  }
0x2c9: {  	[tilespmem:$0xE670] =	vst v1  }
0x2ca: {  	v1 =	vld.idx.msk [tilespmem:v2+s2+$0x0], $0xffff;
	_ =	sdelay $0x3  }
0x2cb: {  	v2 =	vld [tilespmem:$0xD1A0]  }
0x2cc: {  	[tilespmem:$0xE680] =	vst v1  }
0x2cd: {  	v1 =	vld.idx.msk [tilespmem:v3+s2+$0x0], $0xffff;
	_ =	sdelay $0x3  }
0x2ce: {  	v3 =	vld [tilespmem:$0xD1B0]  }
0x2cf: {  	[tilespmem:$0xE690] =	vst v1  }
0x2d0: {  	v1 =	vld.idx.msk [tilespmem:v2+s2+$0x0], $0xffff;
	_ =	sdelay $0x3  }
0x2d1: {  	v2 =	vld [tilespmem:$0xD1C0]  }
0x2d2: {  	[tilespmem:$0xE6A0] =	vst v1  }
0x2d3: {  	v1 =	vld.idx.msk [tilespmem:v3+s2+$0x0], $0xffff;
	_ =	sdelay $0x3  }
0x2d4: {  	v3 =	vld [tilespmem:$0xD1D0]  }
0x2d5: {  	[tilespmem:$0xE6B0] =	vst v1  }
0x2d6: {  	v1 =	vld.idx.msk [tilespmem:v2+s2+$0x0], $0xffff;
	_ =	sdelay $0x3  }
0x2d7: {  	v2 =	vld [tilespmem:$0xD1E0]  }
0x2d8: {  	[tilespmem:$0xE6C0] =	vst v1  }
0x2d9: {  	v1 =	vld.idx.msk [tilespmem:v3+s2+$0x0], $0xffff;
	_ =	sdelay $0x3  }
0x2da: {  	v3 =	vld [tilespmem:$0xD1F0]  }
0x2db: {  	[tilespmem:$0xE6D0] =	vst v1  }
0x2dc: {  	v1 =	vld.idx.msk [tilespmem:v2+s2+$0x0], $0xffff;
	_ =	sdelay $0x3  }
0x2dd: {  	v2 =	vld [tilespmem:$0xD200]  }
0x2de: {  	[tilespmem:$0xE6E0] =	vst v1  }
0x2df: {  	v1 =	vld.idx.msk [tilespmem:v3+s2+$0x0], $0xffff;
	_ =	sdelay $0x3  }
0x2e0: {  	v3 =	vld [tilespmem:$0xD210]  }
0x2e1: {  	[tilespmem:$0xE6F0] =	vst v1  }
0x2e2: {  	v1 =	vld.idx.msk [tilespmem:v2+s2+$0x0], $0xffff;
	_ =	sdelay $0x3  }
0x2e3: {  	v2 =	vld [tilespmem:$0xD220]  }
0x2e4: {  	[tilespmem:$0xE700] =	vst v1  }
0x2e5: {  	v1 =	vld.idx.msk [tilespmem:v3+s2+$0x0], $0xffff;
	_ =	sdelay $0x3  }
0x2e6: {  	v3 =	vld [tilespmem:$0xD230]  }
0x2e7: {  	[tilespmem:$0xE710] =	vst v1  }
0x2e8: {  	v1 =	vld.idx.msk [tilespmem:v2+s2+$0x0], $0xffff;
	_ =	sdelay $0x3  }
0x2e9: {  	v2 =	vld [tilespmem:$0xD240]  }
0x2ea: {  	[tilespmem:$0xE720] =	vst v1  }
0x2eb: {  	v1 =	vld.idx.msk [tilespmem:v3+s2+$0x0], $0xffff;
	_ =	sdelay $0x3  }
0x2ec: {  	v3 =	vld [tilespmem:$0xD250]  }
0x2ed: {  	[tilespmem:$0xE730] =	vst v1  }
0x2ee: {  	v1 =	vld.idx.msk [tilespmem:v2+s2+$0x0], $0xffff;
	_ =	sdelay $0x3  }
0x2ef: {  	v2 =	vld [tilespmem:$0xD260]  }
0x2f0: {  	[tilespmem:$0xE740] =	vst v1  }
0x2f1: {  	v1 =	vld.idx.msk [tilespmem:v3+s2+$0x0], $0xffff;
	_ =	sdelay $0x3  }
0x2f2: {  	v3 =	vld [tilespmem:$0xD270]  }
0x2f3: {  	[tilespmem:$0xE750] =	vst v1  }
0x2f4: {  	v1 =	vld.idx.msk [tilespmem:v2+s2+$0x0], $0xffff;
	_ =	sdelay $0x3  }
0x2f5: {  	v2 =	vld [tilespmem:$0xD280]  }
0x2f6: {  	[tilespmem:$0xE760] =	vst v1  }
0x2f7: {  	v1 =	vld.idx.msk [tilespmem:v3+s2+$0x0], $0xffff;
	_ =	sdelay $0x3  }
0x2f8: {  	v3 =	vld [tilespmem:$0xD290]  }
0x2f9: {  	[tilespmem:$0xE770] =	vst v1  }
0x2fa: {  	v1 =	vld.idx.msk [tilespmem:v2+s2+$0x0], $0xffff;
	_ =	sdelay $0x3  }
0x2fb: {  	v2 =	vld [tilespmem:$0xD2A0]  }
0x2fc: {  	[tilespmem:$0xE780] =	vst v1  }
0x2fd: {  	v1 =	vld.idx.msk [tilespmem:v3+s2+$0x0], $0xffff;
	_ =	sdelay $0x3  }
0x2fe: {  	v3 =	vld [tilespmem:$0xD2B0]  }
0x2ff: {  	[tilespmem:$0xE790] =	vst v1  }
0x300: {  	v1 =	vld.idx.msk [tilespmem:v2+s2+$0x0], $0xffff;
	_ =	sdelay $0x3  }
0x301: {  	v2 =	vld [tilespmem:$0xD2C0]  }
0x302: {  	[tilespmem:$0xE7A0] =	vst v1  }
0x303: {  	v1 =	vld.idx.msk [tilespmem:v3+s2+$0x0], $0xffff;
	_ =	sdelay $0x3  }
0x304: {  	v3 =	vld [tilespmem:$0xD2D0]  }
0x305: {  	[tilespmem:$0xE7B0] =	vst v1  }
0x306: {  	v1 =	vld.idx.msk [tilespmem:v2+s2+$0x0], $0xffff;
	_ =	sdelay $0x3  }
0x307: {  	v2 =	vld [tilespmem:$0xD2E0]  }
0x308: {  	[tilespmem:$0xE7C0] =	vst v1  }
0x309: {  	v1 =	vld.idx.msk [tilespmem:v3+s2+$0x0], $0xffff;
	_ =	sdelay $0x3  }
0x30a: {  	v3 =	vld [tilespmem:$0xD2F0]  }
0x30b: {  	[tilespmem:$0xE7D0] =	vst v1  }
0x30c: {  	v1 =	vld.idx.msk [tilespmem:v2+s2+$0x0], $0xffff;
	_ =	sdelay $0x3  }
0x30d: {  	v2 =	vld [tilespmem:$0xD300]  }
0x30e: {  	[tilespmem:$0xE7E0] =	vst v1  }
0x30f: {  	v1 =	vld.idx.msk [tilespmem:v3+s2+$0x0], $0xffff;
	_ =	sdelay $0x3  }
0x310: {  	v3 =	vld [tilespmem:$0xD310]  }
0x311: {  	[tilespmem:$0xE7F0] =	vst v1  }
0x312: {  	v1 =	vld.idx.msk [tilespmem:v2+s2+$0x0], $0xffff;
	_ =	sdelay $0x3  }
0x313: {  	v2 =	vld [tilespmem:$0xD320]  }
0x314: {  	[tilespmem:$0xE800] =	vst v1  }
0x315: {  	v1 =	vld.idx.msk [tilespmem:v3+s2+$0x0], $0xffff;
	_ =	sdelay $0x3  }
0x316: {  	v3 =	vld [tilespmem:$0xD330]  }
0x317: {  	[tilespmem:$0xE810] =	vst v1  }
0x318: {  	v1 =	vld.idx.msk [tilespmem:v2+s2+$0x0], $0xffff;
	_ =	sdelay $0x3  }
0x319: {  	v2 =	vld [tilespmem:$0xD340]  }
0x31a: {  	[tilespmem:$0xE820] =	vst v1  }
0x31b: {  	v1 =	vld.idx.msk [tilespmem:v3+s2+$0x0], $0xffff;
	_ =	sdelay $0x3  }
0x31c: {  	v3 =	vld [tilespmem:$0xD350]  }
0x31d: {  	[tilespmem:$0xE830] =	vst v1  }
0x31e: {  	v1 =	vld.idx.msk [tilespmem:v2+s2+$0x0], $0xffff;
	_ =	sdelay $0x3  }
0x31f: {  	v2 =	vld [tilespmem:$0xD360]  }
0x320: {  	[tilespmem:$0xE840] =	vst v1  }
0x321: {  	v1 =	vld.idx.msk [tilespmem:v3+s2+$0x0], $0xffff;
	_ =	sdelay $0x3  }
0x322: {  	v3 =	vld [tilespmem:$0xD370]  }
0x323: {  	[tilespmem:$0xE850] =	vst v1  }
0x324: {  	v1 =	vld.idx.msk [tilespmem:v2+s2+$0x0], $0xffff;
	_ =	sdelay $0x3  }
0x325: {  	v2 =	vld [tilespmem:$0xD380]  }
0x326: {  	[tilespmem:$0xE860] =	vst v1  }
0x327: {  	v1 =	vld.idx.msk [tilespmem:v3+s2+$0x0], $0xffff;
	_ =	sdelay $0x3  }
0x328: {  	v3 =	vld [tilespmem:$0xD390]  }
0x329: {  	[tilespmem:$0xE870] =	vst v1  }
0x32a: {  	v1 =	vld.idx.msk [tilespmem:v2+s2+$0x0], $0xffff;
	_ =	sdelay $0x3  }
0x32b: {  	v2 =	vld [tilespmem:$0xD3A0]  }
0x32c: {  	[tilespmem:$0xE880] =	vst v1  }
0x32d: {  	v1 =	vld.idx.msk [tilespmem:v3+s2+$0x0], $0xffff;
	_ =	sdelay $0x3  }
0x32e: {  	v3 =	vld [tilespmem:$0xD3B0]  }
0x32f: {  	[tilespmem:$0xE890] =	vst v1  }
0x330: {  	v1 =	vld.idx.msk [tilespmem:v2+s2+$0x0], $0xffff;
	_ =	sdelay $0x3  }
0x331: {  	v2 =	vld [tilespmem:$0xD3C0]  }
0x332: {  	[tilespmem:$0xE8A0] =	vst v1  }
0x333: {  	v1 =	vld.idx.msk [tilespmem:v3+s2+$0x0], $0xffff;
	_ =	sdelay $0x3  }
0x334: {  	v3 =	vld [tilespmem:$0xD3D0]  }
0x335: {  	[tilespmem:$0xE8B0] =	vst v1  }
0x336: {  	v1 =	vld.idx.msk [tilespmem:v2+s2+$0x0], $0xffff;
	_ =	sdelay $0x3  }
0x337: {  	v2 =	vld [tilespmem:$0xD3E0]  }
0x338: {  	[tilespmem:$0xE8C0] =	vst v1  }
0x339: {  	v1 =	vld.idx.msk [tilespmem:v3+s2+$0x0], $0xffff;
	_ =	sdelay $0x3  }
0x33a: {  	v3 =	vld [tilespmem:$0xD3F0]  }
0x33b: {  	[tilespmem:$0xE8D0] =	vst v1  }
0x33c: {  	v1 =	vld.idx.msk [tilespmem:v2+s2+$0x0], $0xffff;
	_ =	sdelay $0x3  }
0x33d: {  	v2 =	vld [tilespmem:$0xD400]  }
0x33e: {  	[tilespmem:$0xE8E0] =	vst v1  }
0x33f: {  	v1 =	vld.idx.msk [tilespmem:v3+s2+$0x0], $0xffff;
	_ =	sdelay $0x3  }
0x340: {  	v3 =	vld [tilespmem:$0xD410]  }
0x341: {  	[tilespmem:$0xE8F0] =	vst v1  }
0x342: {  	v1 =	vld.idx.msk [tilespmem:v2+s2+$0x0], $0xffff;
	_ =	sdelay $0x3  }
0x343: {  	v2 =	vld [tilespmem:$0xD420]  }
0x344: {  	[tilespmem:$0xE900] =	vst v1  }
0x345: {  	v1 =	vld.idx.msk [tilespmem:v3+s2+$0x0], $0xffff;
	_ =	sdelay $0x3  }
0x346: {  	v3 =	vld [tilespmem:$0xD430]  }
0x347: {  	[tilespmem:$0xE910] =	vst v1  }
0x348: {  	v1 =	vld.idx.msk [tilespmem:v2+s2+$0x0], $0xffff;
	_ =	sdelay $0x3  }
0x349: {  	v2 =	vld [tilespmem:$0xD440]  }
0x34a: {  	[tilespmem:$0xE920] =	vst v1  }
0x34b: {  	v1 =	vld.idx.msk [tilespmem:v3+s2+$0x0], $0xffff;
	_ =	sdelay $0x3  }
0x34c: {  	v3 =	vld [tilespmem:$0xD450]  }
0x34d: {  	[tilespmem:$0xE930] =	vst v1  }
0x34e: {  	v1 =	vld.idx.msk [tilespmem:v2+s2+$0x0], $0xffff;
	_ =	sdelay $0x3  }
0x34f: {  	v2 =	vld [tilespmem:$0xD460]  }
0x350: {  	[tilespmem:$0xE940] =	vst v1  }
0x351: {  	v1 =	vld.idx.msk [tilespmem:v3+s2+$0x0], $0xffff;
	_ =	sdelay $0x3  }
0x352: {  	v3 =	vld [tilespmem:$0xD470]  }
0x353: {  	[tilespmem:$0xE950] =	vst v1  }
0x354: {  	v1 =	vld.idx.msk [tilespmem:v2+s2+$0x0], $0xffff;
	_ =	sdelay $0x3  }
0x355: {  	v2 =	vld [tilespmem:$0xD480]  }
0x356: {  	[tilespmem:$0xE960] =	vst v1  }
0x357: {  	v1 =	vld.idx.msk [tilespmem:v3+s2+$0x0], $0xffff;
	_ =	sdelay $0x3  }
0x358: {  	v3 =	vld [tilespmem:$0xD490]  }
0x359: {  	[tilespmem:$0xE970] =	vst v1  }
0x35a: {  	v1 =	vld.idx.msk [tilespmem:v2+s2+$0x0], $0xffff;
	_ =	sdelay $0x3  }
0x35b: {  	v2 =	vld [tilespmem:$0xD4A0]  }
0x35c: {  	[tilespmem:$0xE980] =	vst v1  }
0x35d: {  	v1 =	vld.idx.msk [tilespmem:v3+s2+$0x0], $0xffff;
	_ =	sdelay $0x3  }
0x35e: {  	v3 =	vld [tilespmem:$0xD4B0]  }
0x35f: {  	[tilespmem:$0xE990] =	vst v1  }
0x360: {  	v1 =	vld.idx.msk [tilespmem:v2+s2+$0x0], $0xffff;
	_ =	sdelay $0x3  }
0x361: {  	v2 =	vld [tilespmem:$0xD4C0]  }
0x362: {  	[tilespmem:$0xE9A0] =	vst v1  }
0x363: {  	v1 =	vld.idx.msk [tilespmem:v3+s2+$0x0], $0xffff;
	_ =	sdelay $0x3  }
0x364: {  	v3 =	vld [tilespmem:$0xD4D0]  }
0x365: {  	[tilespmem:$0xE9B0] =	vst v1  }
0x366: {  	v1 =	vld.idx.msk [tilespmem:v2+s2+$0x0], $0xffff;
	_ =	sdelay $0x3  }
0x367: {  	v2 =	vld [tilespmem:$0xD4E0]  }
0x368: {  	[tilespmem:$0xE9C0] =	vst v1  }
0x369: {  	v1 =	vld.idx.msk [tilespmem:v3+s2+$0x0], $0xffff;
	_ =	sdelay $0x3  }
0x36a: {  	v3 =	vld [tilespmem:$0xD4F0]  }
0x36b: {  	[tilespmem:$0xE9D0] =	vst v1  }
0x36c: {  	v1 =	vld.idx.msk [tilespmem:v2+s2+$0x0], $0xffff;
	_ =	sdelay $0x3  }
0x36d: {  	v2 =	vld [tilespmem:$0xD500]  }
0x36e: {  	[tilespmem:$0xE9E0] =	vst v1  }
0x36f: {  	v1 =	vld.idx.msk [tilespmem:v3+s2+$0x0], $0xffff;
	_ =	sdelay $0x3  }
0x370: {  	v3 =	vld [tilespmem:$0xD510]  }
0x371: {  	[tilespmem:$0xE9F0] =	vst v1  }
0x372: {  	v1 =	vld.idx.msk [tilespmem:v2+s2+$0x0], $0xffff;
	_ =	sdelay $0x3  }
0x373: {  	v2 =	vld [tilespmem:$0xD520]  }
0x374: {  	[tilespmem:$0xEA00] =	vst v1  }
0x375: {  	v1 =	vld.idx.msk [tilespmem:v3+s2+$0x0], $0xffff;
	_ =	sdelay $0x3  }
0x376: {  	v3 =	vld [tilespmem:$0xD530]  }
0x377: {  	[tilespmem:$0xEA10] =	vst v1  }
0x378: {  	v1 =	vld.idx.msk [tilespmem:v2+s2+$0x0], $0xffff;
	_ =	sdelay $0x3  }
0x379: {  	v2 =	vld [tilespmem:$0xD540]  }
0x37a: {  	[tilespmem:$0xEA20] =	vst v1  }
0x37b: {  	v1 =	vld.idx.msk [tilespmem:v3+s2+$0x0], $0xffff;
	_ =	sdelay $0x3  }
0x37c: {  	v3 =	vld [tilespmem:$0xD550]  }
0x37d: {  	[tilespmem:$0xEA30] =	vst v1  }
0x37e: {  	v1 =	vld.idx.msk [tilespmem:v2+s2+$0x0], $0xffff;
	_ =	sdelay $0x3  }
0x37f: {  	v2 =	vld [tilespmem:$0xD560]  }
0x380: {  	[tilespmem:$0xEA40] =	vst v1  }
0x381: {  	v1 =	vld.idx.msk [tilespmem:v3+s2+$0x0], $0xffff;
	_ =	sdelay $0x3  }
0x382: {  	v3 =	vld [tilespmem:$0xD570]  }
0x383: {  	[tilespmem:$0xEA50] =	vst v1  }
0x384: {  	v1 =	vld.idx.msk [tilespmem:v2+s2+$0x0], $0xffff;
	_ =	sdelay $0x3  }
0x385: {  	v2 =	vld [tilespmem:$0xD580]  }
0x386: {  	[tilespmem:$0xEA60] =	vst v1  }
0x387: {  	v1 =	vld.idx.msk [tilespmem:v3+s2+$0x0], $0xffff;
	_ =	sdelay $0x3  }
0x388: {  	v3 =	vld [tilespmem:$0xD590]  }
0x389: {  	[tilespmem:$0xEA70] =	vst v1  }
0x38a: {  	v1 =	vld.idx.msk [tilespmem:v2+s2+$0x0], $0xffff;
	_ =	sdelay $0x3  }
0x38b: {  	v2 =	vld [tilespmem:$0xD5A0]  }
0x38c: {  	[tilespmem:$0xEA80] =	vst v1  }
0x38d: {  	v1 =	vld.idx.msk [tilespmem:v3+s2+$0x0], $0xffff;
	_ =	sdelay $0x3  }
0x38e: {  	v3 =	vld [tilespmem:$0xD5B0]  }
0x38f: {  	[tilespmem:$0xEA90] =	vst v1  }
0x390: {  	v1 =	vld.idx.msk [tilespmem:v2+s2+$0x0], $0xffff;
	_ =	sdelay $0x3  }
0x391: {  	v2 =	vld [tilespmem:$0xD5C0]  }
0x392: {  	[tilespmem:$0xEAA0] =	vst v1  }
0x393: {  	v1 =	vld.idx.msk [tilespmem:v3+s2+$0x0], $0xffff;
	_ =	sdelay $0x3  }
0x394: {  	v3 =	vld [tilespmem:$0xD5D0]  }
0x395: {  	[tilespmem:$0xEAB0] =	vst v1  }
0x396: {  	v1 =	vld.idx.msk [tilespmem:v2+s2+$0x0], $0xffff;
	_ =	sdelay $0x3  }
0x397: {  	v2 =	vld [tilespmem:$0xD5E0]  }
0x398: {  	[tilespmem:$0xEAC0] =	vst v1  }
0x399: {  	v1 =	vld.idx.msk [tilespmem:v3+s2+$0x0], $0xffff;
	_ =	sdelay $0x3  }
0x39a: {  	v3 =	vld [tilespmem:$0xD5F0]  }
0x39b: {  	[tilespmem:$0xEAD0] =	vst v1  }
0x39c: {  	v1 =	vld.idx.msk [tilespmem:v2+s2+$0x0], $0xffff;
	_ =	sdelay $0x3  }
0x39d: {  	v2 =	vld [tilespmem:$0xD600]  }
0x39e: {  	[tilespmem:$0xEAE0] =	vst v1  }
0x39f: {  	v1 =	vld.idx.msk [tilespmem:v3+s2+$0x0], $0xffff;
	_ =	sdelay $0x3  }
0x3a0: {  	v3 =	vld [tilespmem:$0xD610]  }
0x3a1: {  	[tilespmem:$0xEAF0] =	vst v1  }
0x3a2: {  	v1 =	vld.idx.msk [tilespmem:v2+s2+$0x0], $0xffff;
	_ =	sdelay $0x3  }
0x3a3: {  	v2 =	vld [tilespmem:$0xD620]  }
0x3a4: {  	[tilespmem:$0xEB00] =	vst v1  }
0x3a5: {  	v1 =	vld.idx.msk [tilespmem:v3+s2+$0x0], $0xffff;
	_ =	sdelay $0x3  }
0x3a6: {  	v3 =	vld [tilespmem:$0xD630]  }
0x3a7: {  	[tilespmem:$0xEB10] =	vst v1  }
0x3a8: {  	v1 =	vld.idx.msk [tilespmem:v2+s2+$0x0], $0xffff;
	_ =	sdelay $0x3  }
0x3a9: {  	v2 =	vld [tilespmem:$0xD640]  }
0x3aa: {  	[tilespmem:$0xEB20] =	vst v1  }
0x3ab: {  	v1 =	vld.idx.msk [tilespmem:v3+s2+$0x0], $0xffff;
	_ =	sdelay $0x3  }
0x3ac: {  	v3 =	vld [tilespmem:$0xD650]  }
0x3ad: {  	[tilespmem:$0xEB30] =	vst v1  }
0x3ae: {  	v1 =	vld.idx.msk [tilespmem:v2+s2+$0x0], $0xffff;
	_ =	sdelay $0x3  }
0x3af: {  	v2 =	vld [tilespmem:$0xD660]  }
0x3b0: {  	[tilespmem:$0xEB40] =	vst v1  }
0x3b1: {  	v1 =	vld.idx.msk [tilespmem:v3+s2+$0x0], $0xffff;
	_ =	sdelay $0x3  }
0x3b2: {  	v3 =	vld [tilespmem:$0xD670]  }
0x3b3: {  	[tilespmem:$0xEB50] =	vst v1  }
0x3b4: {  	v1 =	vld.idx.msk [tilespmem:v2+s2+$0x0], $0xffff;
	_ =	sdelay $0x3  }
0x3b5: {  	v2 =	vld [tilespmem:$0xD680]  }
0x3b6: {  	[tilespmem:$0xEB60] =	vst v1  }
0x3b7: {  	v1 =	vld.idx.msk [tilespmem:v3+s2+$0x0], $0xffff;
	_ =	sdelay $0x3  }
0x3b8: {  	v3 =	vld [tilespmem:$0xD690]  }
0x3b9: {  	[tilespmem:$0xEB70] =	vst v1  }
0x3ba: {  	v1 =	vld.idx.msk [tilespmem:v2+s2+$0x0], $0xffff;
	_ =	sdelay $0x3  }
0x3bb: {  	v2 =	vld [tilespmem:$0xD6A0]  }
0x3bc: {  	[tilespmem:$0xEB80] =	vst v1  }
0x3bd: {  	v1 =	vld.idx.msk [tilespmem:v3+s2+$0x0], $0xffff;
	_ =	sdelay $0x3  }
0x3be: {  	v3 =	vld [tilespmem:$0xD6B0]  }
0x3bf: {  	[tilespmem:$0xEB90] =	vst v1  }
0x3c0: {  	v1 =	vld.idx.msk [tilespmem:v2+s2+$0x0], $0xffff;
	_ =	sdelay $0x3  }
0x3c1: {  	v2 =	vld [tilespmem:$0xD6C0]  }
0x3c2: {  	[tilespmem:$0xEBA0] =	vst v1  }
0x3c3: {  	v1 =	vld.idx.msk [tilespmem:v3+s2+$0x0], $0xffff;
	_ =	sdelay $0x3  }
0x3c4: {  	v3 =	vld [tilespmem:$0xD6D0]  }
0x3c5: {  	[tilespmem:$0xEBB0] =	vst v1  }
0x3c6: {  	v1 =	vld.idx.msk [tilespmem:v2+s2+$0x0], $0xffff;
	_ =	sdelay $0x3  }
0x3c7: {  	v2 =	vld [tilespmem:$0xD6E0]  }
0x3c8: {  	[tilespmem:$0xEBC0] =	vst v1  }
0x3c9: {  	v1 =	vld.idx.msk [tilespmem:v3+s2+$0x0], $0xffff;
	_ =	sdelay $0x3  }
0x3ca: {  	v3 =	vld [tilespmem:$0xD6F0]  }
0x3cb: {  	[tilespmem:$0xEBD0] =	vst v1  }
0x3cc: {  	v1 =	vld.idx.msk [tilespmem:v2+s2+$0x0], $0xffff;
	_ =	sdelay $0x3  }
0x3cd: {  	v2 =	vld [tilespmem:$0xD700]  }
0x3ce: {  	[tilespmem:$0xEBE0] =	vst v1  }
0x3cf: {  	v1 =	vld.idx.msk [tilespmem:v3+s2+$0x0], $0xffff;
	_ =	sdelay $0x3  }
0x3d0: {  	v3 =	vld [tilespmem:$0xD710]  }
0x3d1: {  	[tilespmem:$0xEBF0] =	vst v1  }
0x3d2: {  	v1 =	vld.idx.msk [tilespmem:v2+s2+$0x0], $0xffff;
	_ =	sdelay $0x3  }
0x3d3: {  	v2 =	vld [tilespmem:$0xD720]  }
0x3d4: {  	[tilespmem:$0xEC00] =	vst v1  }
0x3d5: {  	v1 =	vld.idx.msk [tilespmem:v3+s2+$0x0], $0xffff;
	_ =	sdelay $0x3  }
0x3d6: {  	v3 =	vld [tilespmem:$0xD730]  }
0x3d7: {  	[tilespmem:$0xEC10] =	vst v1  }
0x3d8: {  	v1 =	vld.idx.msk [tilespmem:v2+s2+$0x0], $0xffff;
	_ =	sdelay $0x3  }
0x3d9: {  	v2 =	vld [tilespmem:$0xD740]  }
0x3da: {  	[tilespmem:$0xEC20] =	vst v1  }
0x3db: {  	v1 =	vld.idx.msk [tilespmem:v3+s2+$0x0], $0xffff;
	_ =	sdelay $0x3  }
0x3dc: {  	v3 =	vld [tilespmem:$0xD750]  }
0x3dd: {  	[tilespmem:$0xEC30] =	vst v1  }
0x3de: {  	v1 =	vld.idx.msk [tilespmem:v2+s2+$0x0], $0xffff;
	_ =	sdelay $0x3  }
0x3df: {  	v2 =	vld [tilespmem:$0xD760]  }
0x3e0: {  	[tilespmem:$0xEC40] =	vst v1  }
0x3e1: {  	v1 =	vld.idx.msk [tilespmem:v3+s2+$0x0], $0xffff;
	_ =	sdelay $0x3  }
0x3e2: {  	v3 =	vld [tilespmem:$0xD770]  }
0x3e3: {  	[tilespmem:$0xEC50] =	vst v1  }
0x3e4: {  	v1 =	vld.idx.msk [tilespmem:v2+s2+$0x0], $0xffff;
	_ =	sdelay $0x3  }
0x3e5: {  	v2 =	vld [tilespmem:$0xD780]  }
0x3e6: {  	[tilespmem:$0xEC60] =	vst v1  }
0x3e7: {  	v1 =	vld.idx.msk [tilespmem:v3+s2+$0x0], $0xffff;
	_ =	sdelay $0x3  }
0x3e8: {  	v3 =	vld [tilespmem:$0xD790]  }
0x3e9: {  	[tilespmem:$0xEC70] =	vst v1  }
0x3ea: {  	v1 =	vld.idx.msk [tilespmem:v2+s2+$0x0], $0xffff;
	_ =	sdelay $0x3  }
0x3eb: {  	v2 =	vld [tilespmem:$0xD7A0]  }
0x3ec: {  	[tilespmem:$0xEC80] =	vst v1  }
0x3ed: {  	v1 =	vld.idx.msk [tilespmem:v3+s2+$0x0], $0xffff;
	_ =	sdelay $0x3  }
0x3ee: {  	v3 =	vld [tilespmem:$0xD7B0]  }
0x3ef: {  	[tilespmem:$0xEC90] =	vst v1  }
0x3f0: {  	v1 =	vld.idx.msk [tilespmem:v2+s2+$0x0], $0xffff;
	_ =	sdelay $0x3  }
0x3f1: {  	v2 =	vld [tilespmem:$0xD7C0]  }
0x3f2: {  	[tilespmem:$0xECA0] =	vst v1  }
0x3f3: {  	v1 =	vld.idx.msk [tilespmem:v3+s2+$0x0], $0xffff;
	_ =	sdelay $0x3  }
0x3f4: {  	v3 =	vld [tilespmem:$0xD7D0]  }
0x3f5: {  	[tilespmem:$0xECB0] =	vst v1  }
0x3f6: {  	v1 =	vld.idx.msk [tilespmem:v2+s2+$0x0], $0xffff;
	_ =	sdelay $0x3  }
0x3f7: {  	v2 =	vld [tilespmem:$0xD7E0]  }
0x3f8: {  	[tilespmem:$0xECC0] =	vst v1  }
0x3f9: {  	v1 =	vld.idx.msk [tilespmem:v3+s2+$0x0], $0xffff;
	_ =	sdelay $0x3  }
0x3fa: {  	v3 =	vld [tilespmem:$0xD7F0]  }
0x3fb: {  	[tilespmem:$0xECD0] =	vst v1  }
0x3fc: {  	v1 =	vld.idx.msk [tilespmem:v2+s2+$0x0], $0xffff;
	_ =	sdelay $0x3  }
0x3fd: {  	v2 =	vld [tilespmem:$0xD800]  }
0x3fe: {  	[tilespmem:$0xECE0] =	vst v1  }
0x3ff: {  	v1 =	vld.idx.msk [tilespmem:v3+s2+$0x0], $0xffff;
	_ =	sdelay $0x3  }
0x400: {  	v3 =	vld [tilespmem:$0xD810]  }
0x401: {  	[tilespmem:$0xECF0] =	vst v1  }
0x402: {  	v1 =	vld.idx.msk [tilespmem:v2+s2+$0x0], $0xffff;
	_ =	sdelay $0x3  }
0x403: {  	v2 =	vld [tilespmem:$0xD820]  }
0x404: {  	[tilespmem:$0xED00] =	vst v1  }
0x405: {  	v1 =	vld.idx.msk [tilespmem:v3+s2+$0x0], $0xffff;
	_ =	sdelay $0x3  }
0x406: {  	v3 =	vld [tilespmem:$0xD830]  }
0x407: {  	[tilespmem:$0xED10] =	vst v1  }
0x408: {  	v1 =	vld.idx.msk [tilespmem:v2+s2+$0x0], $0xffff;
	_ =	sdelay $0x3  }
0x409: {  	v2 =	vld [tilespmem:$0xD840]  }
0x40a: {  	[tilespmem:$0xED20] =	vst v1  }
0x40b: {  	v1 =	vld.idx.msk [tilespmem:v3+s2+$0x0], $0xffff;
	_ =	sdelay $0x3  }
0x40c: {  	v3 =	vld [tilespmem:$0xD850]  }
0x40d: {  	[tilespmem:$0xED30] =	vst v1  }
0x40e: {  	v1 =	vld.idx.msk [tilespmem:v2+s2+$0x0], $0xffff;
	_ =	sdelay $0x4  }
0x40f: {  	[tilespmem:$0xED40] =	vst v1  }
0x410: {  	v1 =	vld.idx.msk [tilespmem:v3+s2+$0x0], $0xffff;
	_ =	sdelay $0x4  }
0x411: {  	s14 =	simm.s32 @p1 $0xD860;
	s13 =	simm.s32 @p1 $0x0;
	[tilespmem:$0xED50] =	vst v1  }
0x412: {  	[hbm4b:s6+s13] =	stream.linear.scatter @p1 [tilespmem:s14], [sflag:$0x1], $0x1500, $0x38;
	[tilespmem:$0xED60] =	vst v63  }
0x413: {  	s13 =	simm.s32 @p1 $0x1  }
0x414: {  	_ =	swait.ge @p1 [sflag:s13], $0x1500  }
0x415: {  	[sflag:s13] =	ssyncset.done @p1 $0x0  }
0x416: {  	s14 =	simm.s32 @p2 $0xD860;
	[sflag:s13] =	ssyncadd.s32 @p1 $0xFFFFEB00;
	s13 =	simm.s32 @p2 $0x0  }
0x417: {  	[hbm4b:s7+s13] =	stream.linear.scatter @p2 [tilespmem:s14], [sflag:$0x1], $0x1500, $0x38;
	[tilespmem:$0xED60] =	vst v63  }
0x418: {  	s13 =	simm.s32 @p2 $0x1  }
0x419: {  	_ =	swait.ge @p2 [sflag:s13], $0x1500  }
0x41a: {  	[sflag:s13] =	ssyncset.done @p2 $0x0  }
0x41b: {  	s14 =	simm.s32 @p3 $0xD860;
	[sflag:s13] =	ssyncadd.s32 @p2 $0xFFFFEB00;
	s13 =	simm.s32 @p3 $0x0  }
0x41c: {  	[hbm4b:s8+s13] =	stream.linear.scatter @p3 [tilespmem:s14], [sflag:$0x1], $0x1500, $0x38;
	[tilespmem:$0xED60] =	vst v63  }
0x41d: {  	s13 =	simm.s32 @p3 $0x1  }
0x41e: {  	s10 =	sadd.s32 $0xFFFFFFFF, s10;
	_ =	swait.ge @p3 [sflag:s13], $0x1500  }
0x41f: {  	p6 =	sne.s32 s10, $0x0;
	[sflag:s13] =	ssyncset.done @p3 $0x0  }
0x420: {  	s14 =	simm.s32 @p4 $0xD860;
	[sflag:s13] =	ssyncadd.s32 @p3 $0xFFFFEB00;
	s13 =	simm.s32 @p4 $0x0  }
0x421: {  	[hbm4b:s9+s13] =	stream.linear.scatter @p4 [tilespmem:s14], [sflag:$0x1], $0x1500, $0x38;
	[tilespmem:$0xED60] =	vst v63  }
.Ltmp0:
0x422: {  	_ = 	snop;
	(pc) =	sbr.rel @p6 .LBB2_1-.Ltmp0, $4  }
0x423: {  	s13 =	simm.s32 @p4 $0x1  }
0x424: {  	_ =	swait.ge @p4 [sflag:s13], $0x1500  }
0x425: {  	[sflag:s13] =	ssyncset.done @p4 $0x0  }
0x426: {  	[sflag:s13] =	ssyncadd.s32 @p4 $0xFFFFEB00  }
0x427: {  	_ =	sfence.sel $0x180000  }
0x428: {  	[bflag:$0x0] =	sbarrier.arrive $0xFFFF  }
0x429: {  	p0 =	sne.s32 s0, $0x0;
	_ =	strace $0x90000047  }
0x42a: {  	s0 =	sadd.s32 @!p0 $0x100000, s1;
	[bflag:$0x2] =	sbarrier.arrive $0xFFFF  }
0x42b: {  	[sflag:s0] =	ssyncadd.tile.s32 @!p0 $0x1;
	_ =	shalt  }
.Lfunc_end2:
_tile_overlayer_lowered:
.L_overlay_start_2:
0x42c: {  	(tag) =	ssettag $0x2  }
0x42d: {  	s0 =	rddreg [dreg:$0x0];
	s2 =	stileid.u32  }
0x42e: {  	s1 =	rddreg [dreg:$0x1];
	p0 =	sne.s32 s2, $0x0  }
0x42f: {  	s3 =	rddreg [dreg:$0x2];
	[bflag:$0x3] =	sbarrier.arrive $0xFFFF;
	s2 =	simm.s32 @!p0 $0x1C01  }
0x430: {  	[timem:s3], [sflag:s2] =	dma.local @!p0 [hbm:s0], s1  }
0x431: {  	s0 =	simm.s32 @!p0 $0x1  }
0x432: {  	_ =	swait.ge @!p0 [sflag:s0], s1  }
0x433: {  	s1 =	ssub.s32 @!p0 $0x0, s1;
	[sflag:s0] =	ssyncset.done @!p0 $0x0  }
0x434: {  	[sflag:s0] =	ssyncadd.s32 @!p0 s1  }
0x435: {  	[bflag:$0x3] =	sbarrier.arrive $0xFFFF  }
0x436: {  	_ =	shalt  }

</sc_bundles>
